<compile_context>
chip_gen: v7x
topology: tpu7x:2x2x1
jax: 0.10.2.dev20260603
libtpu: 0.0.44.dev20260713+nightly
codegen_flags: <defaults>
</compile_context>

<pallas_src>
import functools

import jax
import jax.numpy as jnp
from jax import lax
from jax.experimental import pallas as pl
from jax.experimental.pallas import tpu as pltpu
from jax.experimental.pallas import tpu_sc as plsc

NUM_TOKENS = 65536
D = 1024
B = 128
HW = 1024
NC = 2
NS = 16
NW = NC * NS
PW = HW // NW
LANES = 16
NBUF = 3
JPC = 4
CHUNK = JPC * PW
NTAIL = 17
POSV = PW * D - NTAIL * LANES

_mesh = plsc.VectorSubcoreMesh(core_axis_name="c", subcore_axis_name="s")


@functools.partial(
    pl.kernel,
    mesh=_mesh,
    out_type=jax.ShapeDtypeStruct((B, HW, D), jnp.float32),
    scratch_types=[
        pltpu.VMEM((2, CHUNK), jnp.int32),
        pltpu.VMEM((POSV,), jnp.float32),
        pltpu.VMEM((PW, D), jnp.float32),
        pltpu.VMEM((PW, D), jnp.float32),
        pltpu.VMEM((PW, D), jnp.float32),
        pltpu.SemaphoreType.DMA,
        pltpu.SemaphoreType.DMA,
        pltpu.SemaphoreType.DMA,
        pltpu.SemaphoreType.DMA,
        pltpu.SemaphoreType.DMA,
        pltpu.SemaphoreType.DMA,
        pltpu.SemaphoreType.DMA,
    ],
)
def _embed(idx_hbm, table_hbm, pos_hbm, pos2d_hbm, out_hbm, idxring, posv,
           r0, r1, r2, g0, g1, g2, s0, s1, s2, sidx):
    wid = lax.axis_index("s") * NC + lax.axis_index("c")
    bufs = (r0, r1, r2)
    gsems = (g0, g1, g2)
    ssems = (s0, s1, s2)

    pltpu.sync_copy(
        pos2d_hbm.at[pl.ds(wid * PW + PW - 8, 8), :],
        r0.at[pl.ds(0, 8), :],
    )
    tail_c0 = D // LANES - NTAIL
    tail = tuple(
        r0[7, pl.ds((tail_c0 + i) * LANES, LANES)] for i in range(NTAIL)
    )

    pltpu.sync_copy(pos_hbm.at[pl.ds(wid * PW * D, POSV)], posv)
    pltpu.sync_copy(idx_hbm.at[wid, pl.ds(0, CHUNK)], idxring.at[0])

    def issue_idx(c):
        pltpu.make_async_copy(
            idx_hbm.at[wid, pl.ds(c * CHUNK, CHUNK)],
            idxring.at[c % 2], sidx,
        ).start()

    def wait_idx():
        pltpu.make_async_copy(
            idx_hbm.at[wid, pl.ds(0, CHUNK)], idxring.at[0], sidx,
        ).wait()

    def start_gather(j, k):
        chunk_slot = (j // JPC) % 2
        off = (j % JPC) * PW
        pltpu.make_async_copy(
            table_hbm.at[idxring.at[chunk_slot, pl.ds(off, PW)]],
            bufs[k], gsems[k],
        ).start()

    def wait_gather(k):
        pltpu.make_async_copy(
            table_hbm.at[idxring.at[0, pl.ds(0, PW)]], bufs[k], gsems[k],
        ).wait()

    def start_scatter(b, k):
        pltpu.make_async_copy(
            bufs[k], out_hbm.at[b, pl.ds(wid * PW, PW), :], ssems[k]
        ).start()

    def wait_scatter(k):
        pltpu.make_async_copy(
            bufs[k], out_hbm.at[0, pl.ds(wid * PW, PW), :], ssems[k]
        ).wait()

    def add_pos(k):
        def add_row(r, carry):
            base = pl.multiple_of(r * D, D)

            @plsc.parallel_loop(0, D // LANES, unroll=8)
            def add_col(c):
                plsc.addupdate(
                    bufs[k].at[r, pl.ds(c * LANES, LANES)],
                    posv[pl.ds(base + c * LANES, LANES)],
                )
            return carry
        lax.fori_loop(0, PW - 1, add_row, 0)

        r31 = (PW - 1) * D

        @plsc.parallel_loop(0, D // LANES - NTAIL)
        def add_col31(c):
            plsc.addupdate(
                bufs[k].at[PW - 1, pl.ds(c * LANES, LANES)],
                posv[pl.ds(r31 + c * LANES, LANES)],
            )
        for i in range(NTAIL):
            c = D // LANES - NTAIL + i
            plsc.addupdate(bufs[k].at[PW - 1, pl.ds(c * LANES, LANES)], tail[i])

    start_gather(0, 0)
    start_gather(1, 1)
    issue_idx(1)
    wait_gather(0); add_pos(0); start_scatter(0, 0); start_gather(2, 2)
    wait_gather(1); add_pos(1); start_scatter(1, 1)
    wait_scatter(0); start_gather(3, 0)

    def body(m, carry):
        for t in range(NBUF):
            b = 3 * m + 2 + t
            k = (2 + t) % NBUF
            kn = (k + 2) % NBUF
            wait_gather(k)

            @pl.when(jnp.logical_and(b % JPC == 0, b <= B - 2 * JPC))
            def _():
                issue_idx(b // JPC + 1)

            add_pos(k)
            start_scatter(b, k)
            wait_scatter(kn)

            @pl.when(jnp.logical_and(b % JPC == JPC - 2, b <= B - JPC - 2))
            def _():
                wait_idx()

            start_gather(b + 2, kn)
        return carry
    lax.fori_loop(0, 41, body, 0)

    wait_gather(2); add_pos(2); start_scatter(B - 3, 2)
    wait_scatter(1); start_gather(B - 1, 1)
    wait_gather(0); add_pos(0); start_scatter(B - 2, 0)
    wait_gather(1); add_pos(1); start_scatter(B - 1, 1)
    wait_scatter(2)
    wait_scatter(0)
    wait_scatter(1)


def kernel(token_indices, token_embedding, pos_embedding):
    b, h, w = token_indices.shape
    idx_t = (
        token_indices.astype(jnp.int32)
        .reshape(B, NW, PW)
        .transpose(1, 0, 2)
        .reshape(NW, B * PW)
    )
    pos_flat = pos_embedding.reshape(HW * D)
    pos2d = pos_embedding.reshape(HW, D)
    return _embed(idx_t, token_embedding, pos_flat, pos2d)

# --- scband reference (transcript-rebuilt; emitter-appended) ---
"""Pipeline reference for scband-visual-embedder-764504179026 (READ-ONLY COPY).

The authoritative reference and input builder live on the scoring server;
editing this copy changes nothing except your own understanding.
"""

import jax, jax.numpy as jnp
import numpy as np

NUM_TOKENS = 65536
EMBED_DIM = 1024
B, H, W = 128, 32, 32

def setup_inputs(seed: int = 0) -> dict:
    key = jax.random.key(seed)
    k1, k2, k3 = jax.random.split(key, 3)
    token_indices = jax.random.randint(k1, (B, H, W), 0, NUM_TOKENS, dtype=jnp.int64 if jax.config.jax_enable_x64 else jnp.int32)
    token_embedding = jax.random.normal(k2, (NUM_TOKENS, EMBED_DIM), dtype=jnp.float32)
    pos_embedding = jax.random.normal(k3, (1, H * W, EMBED_DIM), dtype=jnp.float32)
    return {"token_indices": token_indices, "token_embedding": token_embedding, "pos_embedding": pos_embedding}

def reference(token_indices, token_embedding, pos_embedding):
    b, h, w = token_indices.shape
    tokens = jnp.take(token_embedding, token_indices, axis=0)  # (B, H, W, D)
    tokens = tokens.reshape(b, h * w, -1)
    tokens = tokens + pos_embedding
    return tokens

if __name__ == "__main__":
    import jax
    _d = setup_inputs()
    print(jax.jit(kernel)(*tuple(_d.values())))

</pallas_src>

<mosaic_0001>
#map = affine_map<(d0, d1) -> (0, 0)>
#map1 = affine_map<(d0, d1) -> (0)>
#map2 = affine_map<(d0, d1) -> (0, 0, 0)>
module attributes {stable_mosaic.version = 14 : i64} {
  func.func @_embed(%arg0: i32, %arg1: i32, %arg2: memref<32x4096xi32, #tpu.memory_space<hbm>>, %arg3: memref<65536x1024xf32, #tpu.memory_space<hbm>>, %arg4: memref<1048576xf32, #tpu.memory_space<hbm>>, %arg5: memref<1024x1024xf32, #tpu.memory_space<hbm>>, %arg6: memref<128x1024x1024xf32, #tpu.memory_space<hbm>>, %arg7: memref<2x128xi32, #tpu.memory_space<vmem>>, %arg8: memref<32496xf32, #tpu.memory_space<vmem>>, %arg9: memref<32x1024xf32, #tpu.memory_space<vmem>>, %arg10: memref<32x1024xf32, #tpu.memory_space<vmem>>, %arg11: memref<32x1024xf32, #tpu.memory_space<vmem>>, %arg12: memref<!tpu.dma_semaphore, #tpu.memory_space<semaphore_mem>>, %arg13: memref<!tpu.dma_semaphore, #tpu.memory_space<semaphore_mem>>, %arg14: memref<!tpu.dma_semaphore, #tpu.memory_space<semaphore_mem>>, %arg15: memref<!tpu.dma_semaphore, #tpu.memory_space<semaphore_mem>>, %arg16: memref<!tpu.dma_semaphore, #tpu.memory_space<semaphore_mem>>, %arg17: memref<!tpu.dma_semaphore, #tpu.memory_space<semaphore_mem>>, %arg18: memref<!tpu.dma_semaphore, #tpu.memory_space<semaphore_mem>>) attributes {dimension_semantics = [#tpu.dimension_semantics<core_parallel>, #tpu.dimension_semantics<subcore_parallel>], iteration_bounds = array<i64: 2, 16>, scalar_prefetch = 0 : i64, scratch_operands = 12 : i64, tpu.core_type = #tpu.core_type<sc_vector_subcore>, window_params = [{transform_indices = #map}, {transform_indices = #map}, {transform_indices = #map1}, {transform_indices = #map}, {transform_indices = #map2}]} {
    %mul3A = arith.constant 2 : i32
    %mul3A_0 = arith.muli %arg1, %mul3A : i32
    %add3A = arith.addi %mul3A_0, %arg0 : i32
    %mul3A_1 = arith.constant 32 : i32
    %mul3A_2 = arith.muli %add3A, %mul3A_1 : i32
    %add3A_3 = arith.constant 32 : i32
    %add3A_4 = arith.addi %mul3A_2, %add3A_3 : i32
    %sub3A = arith.constant 8 : i32
    %sub3A_5 = arith.subi %add3A_4, %sub3A : i32
    "tpu.region"() ({
      %run_scoped3A_823 = tpu.sem_alloc : memref<!tpu.dma_semaphore, #tpu.memory_space<semaphore_mem>>
      %dma_start3A_824 = arith.constant 0 : i32
      %dma_start3A_825 = arith.constant 0 : i32
      %dma_start3A_826 = tpu.memref_slice %arg9[%dma_start3A_824, %dma_start3A_825] : memref<32x1024xf32, #tpu.memory_space<vmem>> -> memref<8x1024xf32, #tpu.memory_space<vmem>>
      %dma_start3A_827 = arith.constant 0 : i32
      %dma_start3A_828 = tpu.memref_slice %arg5[%sub3A_5, %dma_start3A_827] : memref<1024x1024xf32, #tpu.memory_space<hbm>> -> memref<8x1024xf32, #tpu.memory_space<hbm>>
      %dma_start3A_829 = arith.constant 0 : i32
      %dma_start3A_830 = arith.constant 0 : i32
      %dma_start3A_831 = tpu.memref_slice %arg9[%dma_start3A_829, %dma_start3A_830] : memref<32x1024xf32, #tpu.memory_space<vmem>> -> memref<8x1024xf32, #tpu.memory_space<vmem>>
      %dma_start3A_832 = arith.constant 0 : i32
      %dma_start3A_833 = tpu.memref_slice %arg5[%sub3A_5, %dma_start3A_832] : memref<1024x1024xf32, #tpu.memory_space<hbm>> -> memref<8x1024xf32, #tpu.memory_space<hbm>>
      tpu.enqueue_dma source(%dma_start3A_833 : memref<8x1024xf32, #tpu.memory_space<hbm>>) target(%dma_start3A_831 : memref<8x1024xf32, #tpu.memory_space<vmem>>) target_semaphore(%run_scoped3A_823 : memref<!tpu.dma_semaphore, #tpu.memory_space<semaphore_mem>>)
      %dma_wait3A_834 = arith.constant 0 : i32
      %dma_wait3A_835 = arith.constant 0 : i32
      %dma_wait3A_836 = tpu.memref_slice %arg9[%dma_wait3A_834, %dma_wait3A_835] : memref<32x1024xf32, #tpu.memory_space<vmem>> -> memref<8x1024xf32, #tpu.memory_space<vmem>>
      %dma_wait3A_837 = arith.constant 0 : i32
      %dma_wait3A_838 = tpu.memref_slice %arg5[%sub3A_5, %dma_wait3A_837] : memref<1024x1024xf32, #tpu.memory_space<hbm>> -> memref<8x1024xf32, #tpu.memory_space<hbm>>
      %dma_wait3A_839 = arith.constant 0 : i32
      %dma_wait3A_840 = arith.constant 0 : i32
      %dma_wait3A_841 = tpu.memref_slice %arg9[%dma_wait3A_839, %dma_wait3A_840] : memref<32x1024xf32, #tpu.memory_space<vmem>> -> memref<8x1024xf32, #tpu.memory_space<vmem>>
      %dma_wait3A_842 = arith.constant 0 : i32
      %dma_wait3A_843 = tpu.memref_slice %arg5[%sub3A_5, %dma_wait3A_842] : memref<1024x1024xf32, #tpu.memory_space<hbm>> -> memref<8x1024xf32, #tpu.memory_space<hbm>>
      tpu.wait_dma2 semaphore(%run_scoped3A_823 : memref<!tpu.dma_semaphore, #tpu.memory_space<semaphore_mem>>) src(%dma_wait3A_843 : memref<8x1024xf32, #tpu.memory_space<hbm>>) dst(%dma_wait3A_841 : memref<8x1024xf32, #tpu.memory_space<vmem>>)
      tpu.yield
    }) : () -> ()
    %get3A = arith.constant 7 : i32
    %get3A_6 = arith.index_cast %get3A : i32 to index
    %get3A_7 = arith.constant 752 : index
    %get3A_8 = tpu.vector_load %arg9[%get3A_6, %get3A_7] {strides = array<i32>} : memref<32x1024xf32, #tpu.memory_space<vmem>>, vector<1x16xf32>,
    %get3A_9 = vector.shape_cast %get3A_8 : vector<1x16xf32> to vector<16xf32>
    %get3A_10 = arith.constant 7 : i32
    %get3A_11 = arith.index_cast %get3A_10 : i32 to index
    %get3A_12 = arith.constant 768 : index
    %get3A_13 = tpu.vector_load %arg9[%get3A_11, %get3A_12] {strides = array<i32>} : memref<32x1024xf32, #tpu.memory_space<vmem>>, vector<1x16xf32>,
    %get3A_14 = vector.shape_cast %get3A_13 : vector<1x16xf32> to vector<16xf32>
    %get3A_15 = arith.constant 7 : i32
    %get3A_16 = arith.index_cast %get3A_15 : i32 to index
    %get3A_17 = arith.constant 784 : index
    %get3A_18 = tpu.vector_load %arg9[%get3A_16, %get3A_17] {strides = array<i32>} : memref<32x1024xf32, #tpu.memory_space<vmem>>, vector<1x16xf32>,
    %get3A_19 = vector.shape_cast %get3A_18 : vector<1x16xf32> to vector<16xf32>
    %get3A_20 = arith.constant 7 : i32
    %get3A_21 = arith.index_cast %get3A_20 : i32 to index
    %get3A_22 = arith.constant 800 : index
    %get3A_23 = tpu.vector_load %arg9[%get3A_21, %get3A_22] {strides = array<i32>} : memref<32x1024xf32, #tpu.memory_space<vmem>>, vector<1x16xf32>,
    %get3A_24 = vector.shape_cast %get3A_23 : vector<1x16xf32> to vector<16xf32>
    %get3A_25 = arith.constant 7 : i32
    %get3A_26 = arith.index_cast %get3A_25 : i32 to index
    %get3A_27 = arith.constant 816 : index
    %get3A_28 = tpu.vector_load %arg9[%get3A_26, %get3A_27] {strides = array<i32>} : memref<32x1024xf32, #tpu.memory_space<vmem>>, vector<1x16xf32>,
    %get3A_29 = vector.shape_cast %get3A_28 : vector<1x16xf32> to vector<16xf32>
    %get3A_30 = arith.constant 7 : i32
    %get3A_31 = arith.index_cast %get3A_30 : i32 to index
    %get3A_32 = arith.constant 832 : index
    %get3A_33 = tpu.vector_load %arg9[%get3A_31, %get3A_32] {strides = array<i32>} : memref<32x1024xf32, #tpu.memory_space<vmem>>, vector<1x16xf32>,
    %get3A_34 = vector.shape_cast %get3A_33 : vector<1x16xf32> to vector<16xf32>
    %get3A_35 = arith.constant 7 : i32
    %get3A_36 = arith.index_cast %get3A_35 : i32 to index
    %get3A_37 = arith.constant 848 : index
    %get3A_38 = tpu.vector_load %arg9[%get3A_36, %get3A_37] {strides = array<i32>} : memref<32x1024xf32, #tpu.memory_space<vmem>>, vector<1x16xf32>,
    %get3A_39 = vector.shape_cast %get3A_38 : vector<1x16xf32> to vector<16xf32>
    %get3A_40 = arith.constant 7 : i32
    %get3A_41 = arith.index_cast %get3A_40 : i32 to index
    %get3A_42 = arith.constant 864 : index
    %get3A_43 = tpu.vector_load %arg9[%get3A_41, %get3A_42] {strides = array<i32>} : memref<32x1024xf32, #tpu.memory_space<vmem>>, vector<1x16xf32>,
    %get3A_44 = vector.shape_cast %get3A_43 : vector<1x16xf32> to vector<16xf32>
    %get3A_45 = arith.constant 7 : i32
    %get3A_46 = arith.index_cast %get3A_45 : i32 to index
    %get3A_47 = arith.constant 880 : index
    %get3A_48 = tpu.vector_load %arg9[%get3A_46, %get3A_47] {strides = array<i32>} : memref<32x1024xf32, #tpu.memory_space<vmem>>, vector<1x16xf32>,
    %get3A_49 = vector.shape_cast %get3A_48 : vector<1x16xf32> to vector<16xf32>
    %get3A_50 = arith.constant 7 : i32
    %get3A_51 = arith.index_cast %get3A_50 : i32 to index
    %get3A_52 = arith.constant 896 : index
    %get3A_53 = tpu.vector_load %arg9[%get3A_51, %get3A_52] {strides = array<i32>} : memref<32x1024xf32, #tpu.memory_space<vmem>>, vector<1x16xf32>,
    %get3A_54 = vector.shape_cast %get3A_53 : vector<1x16xf32> to vector<16xf32>
    %get3A_55 = arith.constant 7 : i32
    %get3A_56 = arith.index_cast %get3A_55 : i32 to index
    %get3A_57 = arith.constant 912 : index
    %get3A_58 = tpu.vector_load %arg9[%get3A_56, %get3A_57] {strides = array<i32>} : memref<32x1024xf32, #tpu.memory_space<vmem>>, vector<1x16xf32>,
    %get3A_59 = vector.shape_cast %get3A_58 : vector<1x16xf32> to vector<16xf32>
    %get3A_60 = arith.constant 7 : i32
    %get3A_61 = arith.index_cast %get3A_60 : i32 to index
    %get3A_62 = arith.constant 928 : index
    %get3A_63 = tpu.vector_load %arg9[%get3A_61, %get3A_62] {strides = array<i32>} : memref<32x1024xf32, #tpu.memory_space<vmem>>, vector<1x16xf32>,
    %get3A_64 = vector.shape_cast %get3A_63 : vector<1x16xf32> to vector<16xf32>
    %get3A_65 = arith.constant 7 : i32
    %get3A_66 = arith.index_cast %get3A_65 : i32 to index
    %get3A_67 = arith.constant 944 : index
    %get3A_68 = tpu.vector_load %arg9[%get3A_66, %get3A_67] {strides = array<i32>} : memref<32x1024xf32, #tpu.memory_space<vmem>>, vector<1x16xf32>,
    %get3A_69 = vector.shape_cast %get3A_68 : vector<1x16xf32> to vector<16xf32>
    %get3A_70 = arith.constant 7 : i32
    %get3A_71 = arith.index_cast %get3A_70 : i32 to index
    %get3A_72 = arith.constant 960 : index
    %get3A_73 = tpu.vector_load %arg9[%get3A_71, %get3A_72] {strides = array<i32>} : memref<32x1024xf32, #tpu.memory_space<vmem>>, vector<1x16xf32>,
    %get3A_74 = vector.shape_cast %get3A_73 : vector<1x16xf32> to vector<16xf32>
    %get3A_75 = arith.constant 7 : i32
    %get3A_76 = arith.index_cast %get3A_75 : i32 to index
    %get3A_77 = arith.constant 976 : index
    %get3A_78 = tpu.vector_load %arg9[%get3A_76, %get3A_77] {strides = array<i32>} : memref<32x1024xf32, #tpu.memory_space<vmem>>, vector<1x16xf32>,
    %get3A_79 = vector.shape_cast %get3A_78 : vector<1x16xf32> to vector<16xf32>
    %get3A_80 = arith.constant 7 : i32
    %get3A_81 = arith.index_cast %get3A_80 : i32 to index
    %get3A_82 = arith.constant 992 : index
    %get3A_83 = tpu.vector_load %arg9[%get3A_81, %get3A_82] {strides = array<i32>} : memref<32x1024xf32, #tpu.memory_space<vmem>>, vector<1x16xf32>,
    %get3A_84 = vector.shape_cast %get3A_83 : vector<1x16xf32> to vector<16xf32>
    %get3A_85 = arith.constant 7 : i32
    %get3A_86 = arith.index_cast %get3A_85 : i32 to index
    %get3A_87 = arith.constant 1008 : index
    %get3A_88 = tpu.vector_load %arg9[%get3A_86, %get3A_87] {strides = array<i32>} : memref<32x1024xf32, #tpu.memory_space<vmem>>, vector<1x16xf32>,
    %get3A_89 = vector.shape_cast %get3A_88 : vector<1x16xf32> to vector<16xf32>
    %mul3A_90 = arith.constant 32 : i32
    %mul3A_91 = arith.muli %add3A, %mul3A_90 : i32
    %mul3A_92 = arith.constant 1024 : i32
    %mul3A_93 = arith.muli %mul3A_91, %mul3A_92 : i32
    "tpu.region"() ({
      %run_scoped3A_823 = tpu.sem_alloc : memref<!tpu.dma_semaphore, #tpu.memory_space<semaphore_mem>>
      %dma_start3A_824 = tpu.memref_slice %arg4[%mul3A_93] : memref<1048576xf32, #tpu.memory_space<hbm>> -> memref<32496xf32, #tpu.memory_space<hbm>>
      %dma_start3A_825 = tpu.memref_slice %arg4[%mul3A_93] : memref<1048576xf32, #tpu.memory_space<hbm>> -> memref<32496xf32, #tpu.memory_space<hbm>>
      tpu.enqueue_dma source(%dma_start3A_825 : memref<32496xf32, #tpu.memory_space<hbm>>) target(%arg8 : memref<32496xf32, #tpu.memory_space<vmem>>) target_semaphore(%run_scoped3A_823 : memref<!tpu.dma_semaphore, #tpu.memory_space<semaphore_mem>>)
      %dma_wait3A_826 = tpu.memref_slice %arg4[%mul3A_93] : memref<1048576xf32, #tpu.memory_space<hbm>> -> memref<32496xf32, #tpu.memory_space<hbm>>
      %dma_wait3A_827 = tpu.memref_slice %arg4[%mul3A_93] : memref<1048576xf32, #tpu.memory_space<hbm>> -> memref<32496xf32, #tpu.memory_space<hbm>>
      tpu.wait_dma2 semaphore(%run_scoped3A_823 : memref<!tpu.dma_semaphore, #tpu.memory_space<semaphore_mem>>) src(%dma_wait3A_827 : memref<32496xf32, #tpu.memory_space<hbm>>) dst(%arg8 : memref<32496xf32, #tpu.memory_space<vmem>>)
      tpu.yield
    }) : () -> ()
    %run_scoped3A = arith.constant 0 : i32
    "tpu.region"() ({
      %run_scoped3A_823 = tpu.sem_alloc : memref<!tpu.dma_semaphore, #tpu.memory_space<semaphore_mem>>
      %dma_start3A_824 = arith.constant 0 : i32
      %dma_start3A_825 = tpu.memref_slice %arg7[%run_scoped3A, %dma_start3A_824] : memref<2x128xi32, #tpu.memory_space<vmem>> -> memref<1x128xi32, #tpu.memory_space<vmem>>
      %dma_start3A_826 = tpu.memref_squeeze %dma_start3A_825 : memref<1x128xi32, #tpu.memory_space<vmem>> -> memref<128xi32, #tpu.memory_space<vmem>>
      %dma_start3A_827 = arith.constant 0 : i32
      %dma_start3A_828 = tpu.memref_slice %arg2[%add3A, %dma_start3A_827] : memref<32x4096xi32, #tpu.memory_space<hbm>> -> memref<1x128xi32, #tpu.memory_space<hbm>>
      %dma_start3A_829 = tpu.memref_squeeze %dma_start3A_828 : memref<1x128xi32, #tpu.memory_space<hbm>> -> memref<128xi32, #tpu.memory_space<hbm>>
      %dma_start3A_830 = arith.constant 0 : i32
      %dma_start3A_831 = tpu.memref_slice %arg7[%run_scoped3A, %dma_start3A_830] : memref<2x128xi32, #tpu.memory_space<vmem>> -> memref<1x128xi32, #tpu.memory_space<vmem>>
      %dma_start3A_832 = tpu.memref_squeeze %dma_start3A_831 : memref<1x128xi32, #tpu.memory_space<vmem>> -> memref<128xi32, #tpu.memory_space<vmem>>
      %dma_start3A_833 = arith.constant 0 : i32
      %dma_start3A_834 = tpu.memref_slice %arg2[%add3A, %dma_start3A_833] : memref<32x4096xi32, #tpu.memory_space<hbm>> -> memref<1x128xi32, #tpu.memory_space<hbm>>
      %dma_start3A_835 = tpu.memref_squeeze %dma_start3A_834 : memref<1x128xi32, #tpu.memory_space<hbm>> -> memref<128xi32, #tpu.memory_space<hbm>>
      tpu.enqueue_dma source(%dma_start3A_835 : memref<128xi32, #tpu.memory_space<hbm>>) target(%dma_start3A_832 : memref<128xi32, #tpu.memory_space<vmem>>) target_semaphore(%run_scoped3A_823 : memref<!tpu.dma_semaphore, #tpu.memory_space<semaphore_mem>>)
      %dma_wait3A_836 = arith.constant 0 : i32
      %dma_wait3A_837 = tpu.memref_slice %arg7[%run_scoped3A, %dma_wait3A_836] : memref<2x128xi32, #tpu.memory_space<vmem>> -> memref<1x128xi32, #tpu.memory_space<vmem>>
      %dma_wait3A_838 = tpu.memref_squeeze %dma_wait3A_837 : memref<1x128xi32, #tpu.memory_space<vmem>> -> memref<128xi32, #tpu.memory_space<vmem>>
      %dma_wait3A_839 = arith.constant 0 : i32
      %dma_wait3A_840 = tpu.memref_slice %arg2[%add3A, %dma_wait3A_839] : memref<32x4096xi32, #tpu.memory_space<hbm>> -> memref<1x128xi32, #tpu.memory_space<hbm>>
      %dma_wait3A_841 = tpu.memref_squeeze %dma_wait3A_840 : memref<1x128xi32, #tpu.memory_space<hbm>> -> memref<128xi32, #tpu.memory_space<hbm>>
      %dma_wait3A_842 = arith.constant 0 : i32
      %dma_wait3A_843 = tpu.memref_slice %arg7[%run_scoped3A, %dma_wait3A_842] : memref<2x128xi32, #tpu.memory_space<vmem>> -> memref<1x128xi32, #tpu.memory_space<vmem>>
      %dma_wait3A_844 = tpu.memref_squeeze %dma_wait3A_843 : memref<1x128xi32, #tpu.memory_space<vmem>> -> memref<128xi32, #tpu.memory_space<vmem>>
      %dma_wait3A_845 = arith.constant 0 : i32
      %dma_wait3A_846 = tpu.memref_slice %arg2[%add3A, %dma_wait3A_845] : memref<32x4096xi32, #tpu.memory_space<hbm>> -> memref<1x128xi32, #tpu.memory_space<hbm>>
      %dma_wait3A_847 = tpu.memref_squeeze %dma_wait3A_846 : memref<1x128xi32, #tpu.memory_space<hbm>> -> memref<128xi32, #tpu.memory_space<hbm>>
      tpu.wait_dma2 semaphore(%run_scoped3A_823 : memref<!tpu.dma_semaphore, #tpu.memory_space<semaphore_mem>>) src(%dma_wait3A_847 : memref<128xi32, #tpu.memory_space<hbm>>) dst(%dma_wait3A_844 : memref<128xi32, #tpu.memory_space<vmem>>)
      tpu.yield
    }) : () -> ()
    %dma_start3A = arith.constant 0 : i32
    %dma_start3A_94 = arith.constant 0 : i32
    %dma_start3A_95 = tpu.memref_slice %arg7[%dma_start3A, %dma_start3A_94] : memref<2x128xi32, #tpu.memory_space<vmem>> -> memref<1x32xi32, #tpu.memory_space<vmem>>
    %dma_start3A_96 = tpu.memref_squeeze %dma_start3A_95 : memref<1x32xi32, #tpu.memory_space<vmem>> -> memref<32xi32, #tpu.memory_space<vmem>>
    %dma_start3A_97 = arith.constant 0 : i32
    %dma_start3A_98 = arith.constant 0 : i32
    %dma_start3A_99 = tpu.memref_slice %arg3[%dma_start3A_97, %dma_start3A_98] : memref<65536x1024xf32, #tpu.memory_space<hbm>> -> memref<65536x1024xf32, #tpu.memory_space<hbm>>
    tpu.enqueue_indirect_dma source(%dma_start3A_99 : memref<65536x1024xf32, #tpu.memory_space<hbm>>) target(%arg9 : memref<32x1024xf32, #tpu.memory_space<vmem>>) offsets(%dma_start3A_96 : memref<32xi32, #tpu.memory_space<vmem>>) semaphore(%arg12 : memref<!tpu.dma_semaphore, #tpu.memory_space<semaphore_mem>>)
    %dma_start3A_100 = arith.constant 0 : i32
    %dma_start3A_101 = arith.constant 32 : i32
    %dma_start3A_102 = tpu.memref_slice %arg7[%dma_start3A_100, %dma_start3A_101] : memref<2x128xi32, #tpu.memory_space<vmem>> -> memref<1x32xi32, #tpu.memory_space<vmem>>
    %dma_start3A_103 = tpu.memref_squeeze %dma_start3A_102 : memref<1x32xi32, #tpu.memory_space<vmem>> -> memref<32xi32, #tpu.memory_space<vmem>>
    %dma_start3A_104 = arith.constant 0 : i32
    %dma_start3A_105 = arith.constant 0 : i32
    %dma_start3A_106 = tpu.memref_slice %arg3[%dma_start3A_104, %dma_start3A_105] : memref<65536x1024xf32, #tpu.memory_space<hbm>> -> memref<65536x1024xf32, #tpu.memory_space<hbm>>
    tpu.enqueue_indirect_dma source(%dma_start3A_106 : memref<65536x1024xf32, #tpu.memory_space<hbm>>) target(%arg10 : memref<32x1024xf32, #tpu.memory_space<vmem>>) offsets(%dma_start3A_103 : memref<32xi32, #tpu.memory_space<vmem>>) semaphore(%arg13 : memref<!tpu.dma_semaphore, #tpu.memory_space<semaphore_mem>>)
    %dma_start3A_107 = arith.constant 1 : i32
    %dma_start3A_108 = arith.constant 0 : i32
    %dma_start3A_109 = tpu.memref_slice %arg7[%dma_start3A_107, %dma_start3A_108] : memref<2x128xi32, #tpu.memory_space<vmem>> -> memref<1x128xi32, #tpu.memory_space<vmem>>
    %dma_start3A_110 = tpu.memref_squeeze %dma_start3A_109 : memref<1x128xi32, #tpu.memory_space<vmem>> -> memref<128xi32, #tpu.memory_space<vmem>>
    %dma_start3A_111 = arith.constant 128 : i32
    %dma_start3A_112 = tpu.memref_slice %arg2[%add3A, %dma_start3A_111] : memref<32x4096xi32, #tpu.memory_space<hbm>> -> memref<1x128xi32, #tpu.memory_space<hbm>>
    %dma_start3A_113 = tpu.memref_squeeze %dma_start3A_112 : memref<1x128xi32, #tpu.memory_space<hbm>> -> memref<128xi32, #tpu.memory_space<hbm>>
    %dma_start3A_114 = arith.constant 0 : i32
    %dma_start3A_115 = tpu.memref_slice %arg7[%dma_start3A_107, %dma_start3A_114] : memref<2x128xi32, #tpu.memory_space<vmem>> -> memref<1x128xi32, #tpu.memory_space<vmem>>
    %dma_start3A_116 = tpu.memref_squeeze %dma_start3A_115 : memref<1x128xi32, #tpu.memory_space<vmem>> -> memref<128xi32, #tpu.memory_space<vmem>>
    %dma_start3A_117 = arith.constant 128 : i32
    %dma_start3A_118 = tpu.memref_slice %arg2[%add3A, %dma_start3A_117] : memref<32x4096xi32, #tpu.memory_space<hbm>> -> memref<1x128xi32, #tpu.memory_space<hbm>>
    %dma_start3A_119 = tpu.memref_squeeze %dma_start3A_118 : memref<1x128xi32, #tpu.memory_space<hbm>> -> memref<128xi32, #tpu.memory_space<hbm>>
    tpu.enqueue_dma source(%dma_start3A_119 : memref<128xi32, #tpu.memory_space<hbm>>) target(%dma_start3A_116 : memref<128xi32, #tpu.memory_space<vmem>>) target_semaphore(%arg18 : memref<!tpu.dma_semaphore, #tpu.memory_space<semaphore_mem>>)
    %dma_wait3A = arith.constant 0 : i32
    %dma_wait3A_120 = arith.constant 0 : i32
    %dma_wait3A_121 = tpu.memref_slice %arg7[%dma_wait3A, %dma_wait3A_120] : memref<2x128xi32, #tpu.memory_space<vmem>> -> memref<1x32xi32, #tpu.memory_space<vmem>>
    %dma_wait3A_122 = tpu.memref_squeeze %dma_wait3A_121 : memref<1x32xi32, #tpu.memory_space<vmem>> -> memref<32xi32, #tpu.memory_space<vmem>>
    %dma_wait3A_123 = arith.constant 0 : i32
    %dma_wait3A_124 = arith.constant 0 : i32
    %dma_wait3A_125 = tpu.memref_slice %arg3[%dma_wait3A_123, %dma_wait3A_124] : memref<65536x1024xf32, #tpu.memory_space<hbm>> -> memref<65536x1024xf32, #tpu.memory_space<hbm>>
    tpu.wait_indirect_dma semaphore(%arg12 : memref<!tpu.dma_semaphore, #tpu.memory_space<semaphore_mem>>) src(%dma_wait3A_125 : memref<65536x1024xf32, #tpu.memory_space<hbm>>) dst(%arg9 : memref<32x1024xf32, #tpu.memory_space<vmem>>)
    %scan3A = arith.constant 0 : i32
    %scan3A_126 = arith.constant 0 : i32
    %scan3A_127 = arith.constant 31 : i32
    %scan3A_128 = arith.addi %scan3A_126, %scan3A_127 : i32
    %scan3A_129 = arith.constant 1 : i32
    scf.for %scan3A_823 = %scan3A_126 to %scan3A_128 step %scan3A_129  : i32 {
      %mul3A_824 = arith.constant 1024 : i32
      %mul3A_825 = arith.muli %scan3A_823, %mul3A_824 : i32
      %multiple_of3A = tpu.assume_multiple %mul3A_825, 1024 : i32
      %parallel_loop3A_826 = arith.constant 0 : i32
      %parallel_loop3A_827 = arith.constant 64 : i32
      %parallel_loop3A_828 = arith.constant 1 : i32
      scf.for %parallel_loop3A_829 = %parallel_loop3A_826 to %parallel_loop3A_827 step %parallel_loop3A_828  : i32 {
        %parallel_loop3A_830 = arith.constant 16 : i32
        %parallel_loop3A_831 = arith.muli %parallel_loop3A_829, %parallel_loop3A_830 : i32
        %parallel_loop3A_832 = arith.constant 16 : i32
        %parallel_loop3A_833 = arith.muli %parallel_loop3A_829, %parallel_loop3A_832 : i32
        %parallel_loop3A_834 = arith.addi %multiple_of3A, %parallel_loop3A_833 : i32
        %parallel_loop3A_835 = arith.index_cast %parallel_loop3A_834 : i32 to index
        %parallel_loop3A_836 = tpu.vector_load %arg8[%parallel_loop3A_835] {strides = array<i32>} : memref<32496xf32, #tpu.memory_space<vmem>>, vector<16xf32>,
        %parallel_loop3A_837 = vector.shape_cast %parallel_loop3A_836 : vector<16xf32> to vector<16xf32>
        %parallel_loop3A_838 = arith.index_cast %scan3A_823 : i32 to index
        %parallel_loop3A_839 = arith.index_cast %parallel_loop3A_831 : i32 to index
        %parallel_loop3A_840 = tpu.vector_load %arg9[%parallel_loop3A_838, %parallel_loop3A_839] {strides = array<i32>} : memref<32x1024xf32, #tpu.memory_space<vmem>>, vector<1x16xf32>,
        %parallel_loop3A_841 = vector.shape_cast %parallel_loop3A_840 : vector<1x16xf32> to vector<16xf32>
        %parallel_loop3A_842 = vector.shape_cast %parallel_loop3A_837 : vector<16xf32> to vector<1x16xf32>
        tpu.vector_store %arg9[%parallel_loop3A_838, %parallel_loop3A_839], %parallel_loop3A_842 {add = true, strides = array<i32>} : memref<32x1024xf32, #tpu.memory_space<vmem>>, vector<1x16xf32>,
      } {sc.loop_unroll_factor = 8 : i64, sc.parallel_access}
    }
    %scan3A_130 = arith.constant 31 : i32
    %parallel_loop3A = arith.constant 0 : i32
    %parallel_loop3A_131 = arith.constant 47 : i32
    %parallel_loop3A_132 = arith.constant 1 : i32
    scf.for %parallel_loop3A_823 = %parallel_loop3A to %parallel_loop3A_131 step %parallel_loop3A_132  : i32 {
      %parallel_loop3A_824 = arith.constant 16 : i32
      %parallel_loop3A_825 = arith.muli %parallel_loop3A_823, %parallel_loop3A_824 : i32
      %parallel_loop3A_826 = arith.constant 16 : i32
      %parallel_loop3A_827 = arith.muli %parallel_loop3A_823, %parallel_loop3A_826 : i32
      %parallel_loop3A_828 = arith.constant 31744 : i32
      %parallel_loop3A_829 = arith.addi %parallel_loop3A_828, %parallel_loop3A_827 : i32
      %parallel_loop3A_830 = arith.index_cast %parallel_loop3A_829 : i32 to index
      %parallel_loop3A_831 = tpu.vector_load %arg8[%parallel_loop3A_830] {strides = array<i32>} : memref<32496xf32, #tpu.memory_space<vmem>>, vector<16xf32>,
      %parallel_loop3A_832 = vector.shape_cast %parallel_loop3A_831 : vector<16xf32> to vector<16xf32>
      %parallel_loop3A_833 = arith.constant 31 : i32
      %parallel_loop3A_834 = arith.index_cast %parallel_loop3A_833 : i32 to index
      %parallel_loop3A_835 = arith.index_cast %parallel_loop3A_825 : i32 to index
      %parallel_loop3A_836 = tpu.vector_load %arg9[%parallel_loop3A_834, %parallel_loop3A_835] {strides = array<i32>} : memref<32x1024xf32, #tpu.memory_space<vmem>>, vector<1x16xf32>,
      %parallel_loop3A_837 = vector.shape_cast %parallel_loop3A_836 : vector<1x16xf32> to vector<16xf32>
      %parallel_loop3A_838 = vector.shape_cast %parallel_loop3A_832 : vector<16xf32> to vector<1x16xf32>
      tpu.vector_store %arg9[%parallel_loop3A_834, %parallel_loop3A_835], %parallel_loop3A_838 {add = true, strides = array<i32>} : memref<32x1024xf32, #tpu.memory_space<vmem>>, vector<1x16xf32>,
    } {sc.loop_unroll_factor = 1 : i64, sc.parallel_access}
    %swap3A = arith.constant 31 : i32
    %swap3A_133 = arith.index_cast %swap3A : i32 to index
    %swap3A_134 = arith.constant 752 : index
    %swap3A_135 = tpu.vector_load %arg9[%swap3A_133, %swap3A_134] {strides = array<i32>} : memref<32x1024xf32, #tpu.memory_space<vmem>>, vector<1x16xf32>,
    %swap3A_136 = vector.shape_cast %swap3A_135 : vector<1x16xf32> to vector<16xf32>
    %swap3A_137 = vector.shape_cast %get3A_9 : vector<16xf32> to vector<1x16xf32>
    tpu.vector_store %arg9[%swap3A_133, %swap3A_134], %swap3A_137 {add = true, strides = array<i32>} : memref<32x1024xf32, #tpu.memory_space<vmem>>, vector<1x16xf32>,
    %swap3A_138 = arith.constant 31 : i32
    %swap3A_139 = arith.index_cast %swap3A_138 : i32 to index
    %swap3A_140 = arith.constant 768 : index
    %swap3A_141 = tpu.vector_load %arg9[%swap3A_139, %swap3A_140] {strides = array<i32>} : memref<32x1024xf32, #tpu.memory_space<vmem>>, vector<1x16xf32>,
    %swap3A_142 = vector.shape_cast %swap3A_141 : vector<1x16xf32> to vector<16xf32>
    %swap3A_143 = vector.shape_cast %get3A_14 : vector<16xf32> to vector<1x16xf32>
    tpu.vector_store %arg9[%swap3A_139, %swap3A_140], %swap3A_143 {add = true, strides = array<i32>} : memref<32x1024xf32, #tpu.memory_space<vmem>>, vector<1x16xf32>,
    %swap3A_144 = arith.constant 31 : i32
    %swap3A_145 = arith.index_cast %swap3A_144 : i32 to index
    %swap3A_146 = arith.constant 784 : index
    %swap3A_147 = tpu.vector_load %arg9[%swap3A_145, %swap3A_146] {strides = array<i32>} : memref<32x1024xf32, #tpu.memory_space<vmem>>, vector<1x16xf32>,
    %swap3A_148 = vector.shape_cast %swap3A_147 : vector<1x16xf32> to vector<16xf32>
    %swap3A_149 = vector.shape_cast %get3A_19 : vector<16xf32> to vector<1x16xf32>
    tpu.vector_store %arg9[%swap3A_145, %swap3A_146], %swap3A_149 {add = true, strides = array<i32>} : memref<32x1024xf32, #tpu.memory_space<vmem>>, vector<1x16xf32>,
    %swap3A_150 = arith.constant 31 : i32
    %swap3A_151 = arith.index_cast %swap3A_150 : i32 to index
    %swap3A_152 = arith.constant 800 : index
    %swap3A_153 = tpu.vector_load %arg9[%swap3A_151, %swap3A_152] {strides = array<i32>} : memref<32x1024xf32, #tpu.memory_space<vmem>>, vector<1x16xf32>,
    %swap3A_154 = vector.shape_cast %swap3A_153 : vector<1x16xf32> to vector<16xf32>
    %swap3A_155 = vector.shape_cast %get3A_24 : vector<16xf32> to vector<1x16xf32>
    tpu.vector_store %arg9[%swap3A_151, %swap3A_152], %swap3A_155 {add = true, strides = array<i32>} : memref<32x1024xf32, #tpu.memory_space<vmem>>, vector<1x16xf32>,
    %swap3A_156 = arith.constant 31 : i32
    %swap3A_157 = arith.index_cast %swap3A_156 : i32 to index
    %swap3A_158 = arith.constant 816 : index
    %swap3A_159 = tpu.vector_load %arg9[%swap3A_157, %swap3A_158] {strides = array<i32>} : memref<32x1024xf32, #tpu.memory_space<vmem>>, vector<1x16xf32>,
    %swap3A_160 = vector.shape_cast %swap3A_159 : vector<1x16xf32> to vector<16xf32>
    %swap3A_161 = vector.shape_cast %get3A_29 : vector<16xf32> to vector<1x16xf32>
    tpu.vector_store %arg9[%swap3A_157, %swap3A_158], %swap3A_161 {add = true, strides = array<i32>} : memref<32x1024xf32, #tpu.memory_space<vmem>>, vector<1x16xf32>,
    %swap3A_162 = arith.constant 31 : i32
    %swap3A_163 = arith.index_cast %swap3A_162 : i32 to index
    %swap3A_164 = arith.constant 832 : index
    %swap3A_165 = tpu.vector_load %arg9[%swap3A_163, %swap3A_164] {strides = array<i32>} : memref<32x1024xf32, #tpu.memory_space<vmem>>, vector<1x16xf32>,
    %swap3A_166 = vector.shape_cast %swap3A_165 : vector<1x16xf32> to vector<16xf32>
    %swap3A_167 = vector.shape_cast %get3A_34 : vector<16xf32> to vector<1x16xf32>
    tpu.vector_store %arg9[%swap3A_163, %swap3A_164], %swap3A_167 {add = true, strides = array<i32>} : memref<32x1024xf32, #tpu.memory_space<vmem>>, vector<1x16xf32>,
    %swap3A_168 = arith.constant 31 : i32
    %swap3A_169 = arith.index_cast %swap3A_168 : i32 to index
    %swap3A_170 = arith.constant 848 : index
    %swap3A_171 = tpu.vector_load %arg9[%swap3A_169, %swap3A_170] {strides = array<i32>} : memref<32x1024xf32, #tpu.memory_space<vmem>>, vector<1x16xf32>,
    %swap3A_172 = vector.shape_cast %swap3A_171 : vector<1x16xf32> to vector<16xf32>
    %swap3A_173 = vector.shape_cast %get3A_39 : vector<16xf32> to vector<1x16xf32>
    tpu.vector_store %arg9[%swap3A_169, %swap3A_170], %swap3A_173 {add = true, strides = array<i32>} : memref<32x1024xf32, #tpu.memory_space<vmem>>, vector<1x16xf32>,
    %swap3A_174 = arith.constant 31 : i32
    %swap3A_175 = arith.index_cast %swap3A_174 : i32 to index
    %swap3A_176 = arith.constant 864 : index
    %swap3A_177 = tpu.vector_load %arg9[%swap3A_175, %swap3A_176] {strides = array<i32>} : memref<32x1024xf32, #tpu.memory_space<vmem>>, vector<1x16xf32>,
    %swap3A_178 = vector.shape_cast %swap3A_177 : vector<1x16xf32> to vector<16xf32>
    %swap3A_179 = vector.shape_cast %get3A_44 : vector<16xf32> to vector<1x16xf32>
    tpu.vector_store %arg9[%swap3A_175, %swap3A_176], %swap3A_179 {add = true, strides = array<i32>} : memref<32x1024xf32, #tpu.memory_space<vmem>>, vector<1x16xf32>,
    %swap3A_180 = arith.constant 31 : i32
    %swap3A_181 = arith.index_cast %swap3A_180 : i32 to index
    %swap3A_182 = arith.constant 880 : index
    %swap3A_183 = tpu.vector_load %arg9[%swap3A_181, %swap3A_182] {strides = array<i32>} : memref<32x1024xf32, #tpu.memory_space<vmem>>, vector<1x16xf32>,
    %swap3A_184 = vector.shape_cast %swap3A_183 : vector<1x16xf32> to vector<16xf32>
    %swap3A_185 = vector.shape_cast %get3A_49 : vector<16xf32> to vector<1x16xf32>
    tpu.vector_store %arg9[%swap3A_181, %swap3A_182], %swap3A_185 {add = true, strides = array<i32>} : memref<32x1024xf32, #tpu.memory_space<vmem>>, vector<1x16xf32>,
    %swap3A_186 = arith.constant 31 : i32
    %swap3A_187 = arith.index_cast %swap3A_186 : i32 to index
    %swap3A_188 = arith.constant 896 : index
    %swap3A_189 = tpu.vector_load %arg9[%swap3A_187, %swap3A_188] {strides = array<i32>} : memref<32x1024xf32, #tpu.memory_space<vmem>>, vector<1x16xf32>,
    %swap3A_190 = vector.shape_cast %swap3A_189 : vector<1x16xf32> to vector<16xf32>
    %swap3A_191 = vector.shape_cast %get3A_54 : vector<16xf32> to vector<1x16xf32>
    tpu.vector_store %arg9[%swap3A_187, %swap3A_188], %swap3A_191 {add = true, strides = array<i32>} : memref<32x1024xf32, #tpu.memory_space<vmem>>, vector<1x16xf32>,
    %swap3A_192 = arith.constant 31 : i32
    %swap3A_193 = arith.index_cast %swap3A_192 : i32 to index
    %swap3A_194 = arith.constant 912 : index
    %swap3A_195 = tpu.vector_load %arg9[%swap3A_193, %swap3A_194] {strides = array<i32>} : memref<32x1024xf32, #tpu.memory_space<vmem>>, vector<1x16xf32>,
    %swap3A_196 = vector.shape_cast %swap3A_195 : vector<1x16xf32> to vector<16xf32>
    %swap3A_197 = vector.shape_cast %get3A_59 : vector<16xf32> to vector<1x16xf32>
    tpu.vector_store %arg9[%swap3A_193, %swap3A_194], %swap3A_197 {add = true, strides = array<i32>} : memref<32x1024xf32, #tpu.memory_space<vmem>>, vector<1x16xf32>,
    %swap3A_198 = arith.constant 31 : i32
    %swap3A_199 = arith.index_cast %swap3A_198 : i32 to index
    %swap3A_200 = arith.constant 928 : index
    %swap3A_201 = tpu.vector_load %arg9[%swap3A_199, %swap3A_200] {strides = array<i32>} : memref<32x1024xf32, #tpu.memory_space<vmem>>, vector<1x16xf32>,
    %swap3A_202 = vector.shape_cast %swap3A_201 : vector<1x16xf32> to vector<16xf32>
    %swap3A_203 = vector.shape_cast %get3A_64 : vector<16xf32> to vector<1x16xf32>
    tpu.vector_store %arg9[%swap3A_199, %swap3A_200], %swap3A_203 {add = true, strides = array<i32>} : memref<32x1024xf32, #tpu.memory_space<vmem>>, vector<1x16xf32>,
    %swap3A_204 = arith.constant 31 : i32
    %swap3A_205 = arith.index_cast %swap3A_204 : i32 to index
    %swap3A_206 = arith.constant 944 : index
    %swap3A_207 = tpu.vector_load %arg9[%swap3A_205, %swap3A_206] {strides = array<i32>} : memref<32x1024xf32, #tpu.memory_space<vmem>>, vector<1x16xf32>,
    %swap3A_208 = vector.shape_cast %swap3A_207 : vector<1x16xf32> to vector<16xf32>
    %swap3A_209 = vector.shape_cast %get3A_69 : vector<16xf32> to vector<1x16xf32>
    tpu.vector_store %arg9[%swap3A_205, %swap3A_206], %swap3A_209 {add = true, strides = array<i32>} : memref<32x1024xf32, #tpu.memory_space<vmem>>, vector<1x16xf32>,
    %swap3A_210 = arith.constant 31 : i32
    %swap3A_211 = arith.index_cast %swap3A_210 : i32 to index
    %swap3A_212 = arith.constant 960 : index
    %swap3A_213 = tpu.vector_load %arg9[%swap3A_211, %swap3A_212] {strides = array<i32>} : memref<32x1024xf32, #tpu.memory_space<vmem>>, vector<1x16xf32>,
    %swap3A_214 = vector.shape_cast %swap3A_213 : vector<1x16xf32> to vector<16xf32>
    %swap3A_215 = vector.shape_cast %get3A_74 : vector<16xf32> to vector<1x16xf32>
    tpu.vector_store %arg9[%swap3A_211, %swap3A_212], %swap3A_215 {add = true, strides = array<i32>} : memref<32x1024xf32, #tpu.memory_space<vmem>>, vector<1x16xf32>,
    %swap3A_216 = arith.constant 31 : i32
    %swap3A_217 = arith.index_cast %swap3A_216 : i32 to index
    %swap3A_218 = arith.constant 976 : index
    %swap3A_219 = tpu.vector_load %arg9[%swap3A_217, %swap3A_218] {strides = array<i32>} : memref<32x1024xf32, #tpu.memory_space<vmem>>, vector<1x16xf32>,
    %swap3A_220 = vector.shape_cast %swap3A_219 : vector<1x16xf32> to vector<16xf32>
    %swap3A_221 = vector.shape_cast %get3A_79 : vector<16xf32> to vector<1x16xf32>
    tpu.vector_store %arg9[%swap3A_217, %swap3A_218], %swap3A_221 {add = true, strides = array<i32>} : memref<32x1024xf32, #tpu.memory_space<vmem>>, vector<1x16xf32>,
    %swap3A_222 = arith.constant 31 : i32
    %swap3A_223 = arith.index_cast %swap3A_222 : i32 to index
    %swap3A_224 = arith.constant 992 : index
    %swap3A_225 = tpu.vector_load %arg9[%swap3A_223, %swap3A_224] {strides = array<i32>} : memref<32x1024xf32, #tpu.memory_space<vmem>>, vector<1x16xf32>,
    %swap3A_226 = vector.shape_cast %swap3A_225 : vector<1x16xf32> to vector<16xf32>
    %swap3A_227 = vector.shape_cast %get3A_84 : vector<16xf32> to vector<1x16xf32>
    tpu.vector_store %arg9[%swap3A_223, %swap3A_224], %swap3A_227 {add = true, strides = array<i32>} : memref<32x1024xf32, #tpu.memory_space<vmem>>, vector<1x16xf32>,
    %swap3A_228 = arith.constant 31 : i32
    %swap3A_229 = arith.index_cast %swap3A_228 : i32 to index
    %swap3A_230 = arith.constant 1008 : index
    %swap3A_231 = tpu.vector_load %arg9[%swap3A_229, %swap3A_230] {strides = array<i32>} : memref<32x1024xf32, #tpu.memory_space<vmem>>, vector<1x16xf32>,
    %swap3A_232 = vector.shape_cast %swap3A_231 : vector<1x16xf32> to vector<16xf32>
    %swap3A_233 = vector.shape_cast %get3A_89 : vector<16xf32> to vector<1x16xf32>
    tpu.vector_store %arg9[%swap3A_229, %swap3A_230], %swap3A_233 {add = true, strides = array<i32>} : memref<32x1024xf32, #tpu.memory_space<vmem>>, vector<1x16xf32>,
    %mul3A_234 = arith.constant 32 : i32
    %mul3A_235 = arith.muli %add3A, %mul3A_234 : i32
    %dma_start3A_236 = arith.constant 0 : i32
    %dma_start3A_237 = arith.constant 0 : i32
    %dma_start3A_238 = tpu.memref_slice %arg6[%dma_start3A_236, %mul3A_235, %dma_start3A_237] : memref<128x1024x1024xf32, #tpu.memory_space<hbm>> -> memref<1x32x1024xf32, #tpu.memory_space<hbm>>
    %dma_start3A_239 = tpu.memref_squeeze %dma_start3A_238 : memref<1x32x1024xf32, #tpu.memory_space<hbm>> -> memref<32x1024xf32, #tpu.memory_space<hbm>>
    %dma_start3A_240 = arith.constant 0 : i32
    %dma_start3A_241 = tpu.memref_slice %arg6[%dma_start3A_236, %mul3A_235, %dma_start3A_240] : memref<128x1024x1024xf32, #tpu.memory_space<hbm>> -> memref<1x32x1024xf32, #tpu.memory_space<hbm>>
    %dma_start3A_242 = tpu.memref_squeeze %dma_start3A_241 : memref<1x32x1024xf32, #tpu.memory_space<hbm>> -> memref<32x1024xf32, #tpu.memory_space<hbm>>
    tpu.enqueue_dma source(%arg9 : memref<32x1024xf32, #tpu.memory_space<vmem>>) target(%dma_start3A_242 : memref<32x1024xf32, #tpu.memory_space<hbm>>) target_semaphore(%arg15 : memref<!tpu.dma_semaphore, #tpu.memory_space<semaphore_mem>>)
    %dma_start3A_243 = arith.constant 0 : i32
    %dma_start3A_244 = arith.constant 64 : i32
    %dma_start3A_245 = tpu.memref_slice %arg7[%dma_start3A_243, %dma_start3A_244] : memref<2x128xi32, #tpu.memory_space<vmem>> -> memref<1x32xi32, #tpu.memory_space<vmem>>
    %dma_start3A_246 = tpu.memref_squeeze %dma_start3A_245 : memref<1x32xi32, #tpu.memory_space<vmem>> -> memref<32xi32, #tpu.memory_space<vmem>>
    %dma_start3A_247 = arith.constant 0 : i32
    %dma_start3A_248 = arith.constant 0 : i32
    %dma_start3A_249 = tpu.memref_slice %arg3[%dma_start3A_247, %dma_start3A_248] : memref<65536x1024xf32, #tpu.memory_space<hbm>> -> memref<65536x1024xf32, #tpu.memory_space<hbm>>
    tpu.enqueue_indirect_dma source(%dma_start3A_249 : memref<65536x1024xf32, #tpu.memory_space<hbm>>) target(%arg11 : memref<32x1024xf32, #tpu.memory_space<vmem>>) offsets(%dma_start3A_246 : memref<32xi32, #tpu.memory_space<vmem>>) semaphore(%arg14 : memref<!tpu.dma_semaphore, #tpu.memory_space<semaphore_mem>>)
    %dma_wait3A_250 = arith.constant 0 : i32
    %dma_wait3A_251 = arith.constant 0 : i32
    %dma_wait3A_252 = tpu.memref_slice %arg7[%dma_wait3A_250, %dma_wait3A_251] : memref<2x128xi32, #tpu.memory_space<vmem>> -> memref<1x32xi32, #tpu.memory_space<vmem>>
    %dma_wait3A_253 = tpu.memref_squeeze %dma_wait3A_252 : memref<1x32xi32, #tpu.memory_space<vmem>> -> memref<32xi32, #tpu.memory_space<vmem>>
    %dma_wait3A_254 = arith.constant 0 : i32
    %dma_wait3A_255 = arith.constant 0 : i32
    %dma_wait3A_256 = tpu.memref_slice %arg3[%dma_wait3A_254, %dma_wait3A_255] : memref<65536x1024xf32, #tpu.memory_space<hbm>> -> memref<65536x1024xf32, #tpu.memory_space<hbm>>
    tpu.wait_indirect_dma semaphore(%arg13 : memref<!tpu.dma_semaphore, #tpu.memory_space<semaphore_mem>>) src(%dma_wait3A_256 : memref<65536x1024xf32, #tpu.memory_space<hbm>>) dst(%arg10 : memref<32x1024xf32, #tpu.memory_space<vmem>>)
    %scan3A_257 = arith.constant 0 : i32
    %scan3A_258 = arith.constant 0 : i32
    %scan3A_259 = arith.constant 31 : i32
    %scan3A_260 = arith.addi %scan3A_258, %scan3A_259 : i32
    %scan3A_261 = arith.constant 1 : i32
    scf.for %scan3A_823 = %scan3A_258 to %scan3A_260 step %scan3A_261  : i32 {
      %mul3A_824 = arith.constant 1024 : i32
      %mul3A_825 = arith.muli %scan3A_823, %mul3A_824 : i32
      %multiple_of3A = tpu.assume_multiple %mul3A_825, 1024 : i32
      %parallel_loop3A_826 = arith.constant 0 : i32
      %parallel_loop3A_827 = arith.constant 64 : i32
      %parallel_loop3A_828 = arith.constant 1 : i32
      scf.for %parallel_loop3A_829 = %parallel_loop3A_826 to %parallel_loop3A_827 step %parallel_loop3A_828  : i32 {
        %parallel_loop3A_830 = arith.constant 16 : i32
        %parallel_loop3A_831 = arith.muli %parallel_loop3A_829, %parallel_loop3A_830 : i32
        %parallel_loop3A_832 = arith.constant 16 : i32
        %parallel_loop3A_833 = arith.muli %parallel_loop3A_829, %parallel_loop3A_832 : i32
        %parallel_loop3A_834 = arith.addi %multiple_of3A, %parallel_loop3A_833 : i32
        %parallel_loop3A_835 = arith.index_cast %parallel_loop3A_834 : i32 to index
        %parallel_loop3A_836 = tpu.vector_load %arg8[%parallel_loop3A_835] {strides = array<i32>} : memref<32496xf32, #tpu.memory_space<vmem>>, vector<16xf32>,
        %parallel_loop3A_837 = vector.shape_cast %parallel_loop3A_836 : vector<16xf32> to vector<16xf32>
        %parallel_loop3A_838 = arith.index_cast %scan3A_823 : i32 to index
        %parallel_loop3A_839 = arith.index_cast %parallel_loop3A_831 : i32 to index
        %parallel_loop3A_840 = tpu.vector_load %arg10[%parallel_loop3A_838, %parallel_loop3A_839] {strides = array<i32>} : memref<32x1024xf32, #tpu.memory_space<vmem>>, vector<1x16xf32>,
        %parallel_loop3A_841 = vector.shape_cast %parallel_loop3A_840 : vector<1x16xf32> to vector<16xf32>
        %parallel_loop3A_842 = vector.shape_cast %parallel_loop3A_837 : vector<16xf32> to vector<1x16xf32>
        tpu.vector_store %arg10[%parallel_loop3A_838, %parallel_loop3A_839], %parallel_loop3A_842 {add = true, strides = array<i32>} : memref<32x1024xf32, #tpu.memory_space<vmem>>, vector<1x16xf32>,
      } {sc.loop_unroll_factor = 8 : i64, sc.parallel_access}
    }
    %scan3A_262 = arith.constant 31 : i32
    %parallel_loop3A_263 = arith.constant 0 : i32
    %parallel_loop3A_264 = arith.constant 47 : i32
    %parallel_loop3A_265 = arith.constant 1 : i32
    scf.for %parallel_loop3A_823 = %parallel_loop3A_263 to %parallel_loop3A_264 step %parallel_loop3A_265  : i32 {
      %parallel_loop3A_824 = arith.constant 16 : i32
      %parallel_loop3A_825 = arith.muli %parallel_loop3A_823, %parallel_loop3A_824 : i32
      %parallel_loop3A_826 = arith.constant 16 : i32
      %parallel_loop3A_827 = arith.muli %parallel_loop3A_823, %parallel_loop3A_826 : i32
      %parallel_loop3A_828 = arith.constant 31744 : i32
      %parallel_loop3A_829 = arith.addi %parallel_loop3A_828, %parallel_loop3A_827 : i32
      %parallel_loop3A_830 = arith.index_cast %parallel_loop3A_829 : i32 to index
      %parallel_loop3A_831 = tpu.vector_load %arg8[%parallel_loop3A_830] {strides = array<i32>} : memref<32496xf32, #tpu.memory_space<vmem>>, vector<16xf32>,
      %parallel_loop3A_832 = vector.shape_cast %parallel_loop3A_831 : vector<16xf32> to vector<16xf32>
      %parallel_loop3A_833 = arith.constant 31 : i32
      %parallel_loop3A_834 = arith.index_cast %parallel_loop3A_833 : i32 to index
      %parallel_loop3A_835 = arith.index_cast %parallel_loop3A_825 : i32 to index
      %parallel_loop3A_836 = tpu.vector_load %arg10[%parallel_loop3A_834, %parallel_loop3A_835] {strides = array<i32>} : memref<32x1024xf32, #tpu.memory_space<vmem>>, vector<1x16xf32>,
      %parallel_loop3A_837 = vector.shape_cast %parallel_loop3A_836 : vector<1x16xf32> to vector<16xf32>
      %parallel_loop3A_838 = vector.shape_cast %parallel_loop3A_832 : vector<16xf32> to vector<1x16xf32>
      tpu.vector_store %arg10[%parallel_loop3A_834, %parallel_loop3A_835], %parallel_loop3A_838 {add = true, strides = array<i32>} : memref<32x1024xf32, #tpu.memory_space<vmem>>, vector<1x16xf32>,
    } {sc.loop_unroll_factor = 1 : i64, sc.parallel_access}
    %swap3A_266 = arith.constant 31 : i32
    %swap3A_267 = arith.index_cast %swap3A_266 : i32 to index
    %swap3A_268 = arith.constant 752 : index
    %swap3A_269 = tpu.vector_load %arg10[%swap3A_267, %swap3A_268] {strides = array<i32>} : memref<32x1024xf32, #tpu.memory_space<vmem>>, vector<1x16xf32>,
    %swap3A_270 = vector.shape_cast %swap3A_269 : vector<1x16xf32> to vector<16xf32>
    %swap3A_271 = vector.shape_cast %get3A_9 : vector<16xf32> to vector<1x16xf32>
    tpu.vector_store %arg10[%swap3A_267, %swap3A_268], %swap3A_271 {add = true, strides = array<i32>} : memref<32x1024xf32, #tpu.memory_space<vmem>>, vector<1x16xf32>,
    %swap3A_272 = arith.constant 31 : i32
    %swap3A_273 = arith.index_cast %swap3A_272 : i32 to index
    %swap3A_274 = arith.constant 768 : index
    %swap3A_275 = tpu.vector_load %arg10[%swap3A_273, %swap3A_274] {strides = array<i32>} : memref<32x1024xf32, #tpu.memory_space<vmem>>, vector<1x16xf32>,
    %swap3A_276 = vector.shape_cast %swap3A_275 : vector<1x16xf32> to vector<16xf32>
    %swap3A_277 = vector.shape_cast %get3A_14 : vector<16xf32> to vector<1x16xf32>
    tpu.vector_store %arg10[%swap3A_273, %swap3A_274], %swap3A_277 {add = true, strides = array<i32>} : memref<32x1024xf32, #tpu.memory_space<vmem>>, vector<1x16xf32>,
    %swap3A_278 = arith.constant 31 : i32
    %swap3A_279 = arith.index_cast %swap3A_278 : i32 to index
    %swap3A_280 = arith.constant 784 : index
    %swap3A_281 = tpu.vector_load %arg10[%swap3A_279, %swap3A_280] {strides = array<i32>} : memref<32x1024xf32, #tpu.memory_space<vmem>>, vector<1x16xf32>,
    %swap3A_282 = vector.shape_cast %swap3A_281 : vector<1x16xf32> to vector<16xf32>
    %swap3A_283 = vector.shape_cast %get3A_19 : vector<16xf32> to vector<1x16xf32>
    tpu.vector_store %arg10[%swap3A_279, %swap3A_280], %swap3A_283 {add = true, strides = array<i32>} : memref<32x1024xf32, #tpu.memory_space<vmem>>, vector<1x16xf32>,
    %swap3A_284 = arith.constant 31 : i32
    %swap3A_285 = arith.index_cast %swap3A_284 : i32 to index
    %swap3A_286 = arith.constant 800 : index
    %swap3A_287 = tpu.vector_load %arg10[%swap3A_285, %swap3A_286] {strides = array<i32>} : memref<32x1024xf32, #tpu.memory_space<vmem>>, vector<1x16xf32>,
    %swap3A_288 = vector.shape_cast %swap3A_287 : vector<1x16xf32> to vector<16xf32>
    %swap3A_289 = vector.shape_cast %get3A_24 : vector<16xf32> to vector<1x16xf32>
    tpu.vector_store %arg10[%swap3A_285, %swap3A_286], %swap3A_289 {add = true, strides = array<i32>} : memref<32x1024xf32, #tpu.memory_space<vmem>>, vector<1x16xf32>,
    %swap3A_290 = arith.constant 31 : i32
    %swap3A_291 = arith.index_cast %swap3A_290 : i32 to index
    %swap3A_292 = arith.constant 816 : index
    %swap3A_293 = tpu.vector_load %arg10[%swap3A_291, %swap3A_292] {strides = array<i32>} : memref<32x1024xf32, #tpu.memory_space<vmem>>, vector<1x16xf32>,
    %swap3A_294 = vector.shape_cast %swap3A_293 : vector<1x16xf32> to vector<16xf32>
    %swap3A_295 = vector.shape_cast %get3A_29 : vector<16xf32> to vector<1x16xf32>
    tpu.vector_store %arg10[%swap3A_291, %swap3A_292], %swap3A_295 {add = true, strides = array<i32>} : memref<32x1024xf32, #tpu.memory_space<vmem>>, vector<1x16xf32>,
    %swap3A_296 = arith.constant 31 : i32
    %swap3A_297 = arith.index_cast %swap3A_296 : i32 to index
    %swap3A_298 = arith.constant 832 : index
    %swap3A_299 = tpu.vector_load %arg10[%swap3A_297, %swap3A_298] {strides = array<i32>} : memref<32x1024xf32, #tpu.memory_space<vmem>>, vector<1x16xf32>,
    %swap3A_300 = vector.shape_cast %swap3A_299 : vector<1x16xf32> to vector<16xf32>
    %swap3A_301 = vector.shape_cast %get3A_34 : vector<16xf32> to vector<1x16xf32>
    tpu.vector_store %arg10[%swap3A_297, %swap3A_298], %swap3A_301 {add = true, strides = array<i32>} : memref<32x1024xf32, #tpu.memory_space<vmem>>, vector<1x16xf32>,
    %swap3A_302 = arith.constant 31 : i32
    %swap3A_303 = arith.index_cast %swap3A_302 : i32 to index
    %swap3A_304 = arith.constant 848 : index
    %swap3A_305 = tpu.vector_load %arg10[%swap3A_303, %swap3A_304] {strides = array<i32>} : memref<32x1024xf32, #tpu.memory_space<vmem>>, vector<1x16xf32>,
    %swap3A_306 = vector.shape_cast %swap3A_305 : vector<1x16xf32> to vector<16xf32>
    %swap3A_307 = vector.shape_cast %get3A_39 : vector<16xf32> to vector<1x16xf32>
    tpu.vector_store %arg10[%swap3A_303, %swap3A_304], %swap3A_307 {add = true, strides = array<i32>} : memref<32x1024xf32, #tpu.memory_space<vmem>>, vector<1x16xf32>,
    %swap3A_308 = arith.constant 31 : i32
    %swap3A_309 = arith.index_cast %swap3A_308 : i32 to index
    %swap3A_310 = arith.constant 864 : index
    %swap3A_311 = tpu.vector_load %arg10[%swap3A_309, %swap3A_310] {strides = array<i32>} : memref<32x1024xf32, #tpu.memory_space<vmem>>, vector<1x16xf32>,
    %swap3A_312 = vector.shape_cast %swap3A_311 : vector<1x16xf32> to vector<16xf32>
    %swap3A_313 = vector.shape_cast %get3A_44 : vector<16xf32> to vector<1x16xf32>
    tpu.vector_store %arg10[%swap3A_309, %swap3A_310], %swap3A_313 {add = true, strides = array<i32>} : memref<32x1024xf32, #tpu.memory_space<vmem>>, vector<1x16xf32>,
    %swap3A_314 = arith.constant 31 : i32
    %swap3A_315 = arith.index_cast %swap3A_314 : i32 to index
    %swap3A_316 = arith.constant 880 : index
    %swap3A_317 = tpu.vector_load %arg10[%swap3A_315, %swap3A_316] {strides = array<i32>} : memref<32x1024xf32, #tpu.memory_space<vmem>>, vector<1x16xf32>,
    %swap3A_318 = vector.shape_cast %swap3A_317 : vector<1x16xf32> to vector<16xf32>
    %swap3A_319 = vector.shape_cast %get3A_49 : vector<16xf32> to vector<1x16xf32>
    tpu.vector_store %arg10[%swap3A_315, %swap3A_316], %swap3A_319 {add = true, strides = array<i32>} : memref<32x1024xf32, #tpu.memory_space<vmem>>, vector<1x16xf32>,
    %swap3A_320 = arith.constant 31 : i32
    %swap3A_321 = arith.index_cast %swap3A_320 : i32 to index
    %swap3A_322 = arith.constant 896 : index
    %swap3A_323 = tpu.vector_load %arg10[%swap3A_321, %swap3A_322] {strides = array<i32>} : memref<32x1024xf32, #tpu.memory_space<vmem>>, vector<1x16xf32>,
    %swap3A_324 = vector.shape_cast %swap3A_323 : vector<1x16xf32> to vector<16xf32>
    %swap3A_325 = vector.shape_cast %get3A_54 : vector<16xf32> to vector<1x16xf32>
    tpu.vector_store %arg10[%swap3A_321, %swap3A_322], %swap3A_325 {add = true, strides = array<i32>} : memref<32x1024xf32, #tpu.memory_space<vmem>>, vector<1x16xf32>,
    %swap3A_326 = arith.constant 31 : i32
    %swap3A_327 = arith.index_cast %swap3A_326 : i32 to index
    %swap3A_328 = arith.constant 912 : index
    %swap3A_329 = tpu.vector_load %arg10[%swap3A_327, %swap3A_328] {strides = array<i32>} : memref<32x1024xf32, #tpu.memory_space<vmem>>, vector<1x16xf32>,
    %swap3A_330 = vector.shape_cast %swap3A_329 : vector<1x16xf32> to vector<16xf32>
    %swap3A_331 = vector.shape_cast %get3A_59 : vector<16xf32> to vector<1x16xf32>
    tpu.vector_store %arg10[%swap3A_327, %swap3A_328], %swap3A_331 {add = true, strides = array<i32>} : memref<32x1024xf32, #tpu.memory_space<vmem>>, vector<1x16xf32>,
    %swap3A_332 = arith.constant 31 : i32
    %swap3A_333 = arith.index_cast %swap3A_332 : i32 to index
    %swap3A_334 = arith.constant 928 : index
    %swap3A_335 = tpu.vector_load %arg10[%swap3A_333, %swap3A_334] {strides = array<i32>} : memref<32x1024xf32, #tpu.memory_space<vmem>>, vector<1x16xf32>,
    %swap3A_336 = vector.shape_cast %swap3A_335 : vector<1x16xf32> to vector<16xf32>
    %swap3A_337 = vector.shape_cast %get3A_64 : vector<16xf32> to vector<1x16xf32>
    tpu.vector_store %arg10[%swap3A_333, %swap3A_334], %swap3A_337 {add = true, strides = array<i32>} : memref<32x1024xf32, #tpu.memory_space<vmem>>, vector<1x16xf32>,
    %swap3A_338 = arith.constant 31 : i32
    %swap3A_339 = arith.index_cast %swap3A_338 : i32 to index
    %swap3A_340 = arith.constant 944 : index
    %swap3A_341 = tpu.vector_load %arg10[%swap3A_339, %swap3A_340] {strides = array<i32>} : memref<32x1024xf32, #tpu.memory_space<vmem>>, vector<1x16xf32>,
    %swap3A_342 = vector.shape_cast %swap3A_341 : vector<1x16xf32> to vector<16xf32>
    %swap3A_343 = vector.shape_cast %get3A_69 : vector<16xf32> to vector<1x16xf32>
    tpu.vector_store %arg10[%swap3A_339, %swap3A_340], %swap3A_343 {add = true, strides = array<i32>} : memref<32x1024xf32, #tpu.memory_space<vmem>>, vector<1x16xf32>,
    %swap3A_344 = arith.constant 31 : i32
    %swap3A_345 = arith.index_cast %swap3A_344 : i32 to index
    %swap3A_346 = arith.constant 960 : index
    %swap3A_347 = tpu.vector_load %arg10[%swap3A_345, %swap3A_346] {strides = array<i32>} : memref<32x1024xf32, #tpu.memory_space<vmem>>, vector<1x16xf32>,
    %swap3A_348 = vector.shape_cast %swap3A_347 : vector<1x16xf32> to vector<16xf32>
    %swap3A_349 = vector.shape_cast %get3A_74 : vector<16xf32> to vector<1x16xf32>
    tpu.vector_store %arg10[%swap3A_345, %swap3A_346], %swap3A_349 {add = true, strides = array<i32>} : memref<32x1024xf32, #tpu.memory_space<vmem>>, vector<1x16xf32>,
    %swap3A_350 = arith.constant 31 : i32
    %swap3A_351 = arith.index_cast %swap3A_350 : i32 to index
    %swap3A_352 = arith.constant 976 : index
    %swap3A_353 = tpu.vector_load %arg10[%swap3A_351, %swap3A_352] {strides = array<i32>} : memref<32x1024xf32, #tpu.memory_space<vmem>>, vector<1x16xf32>,
    %swap3A_354 = vector.shape_cast %swap3A_353 : vector<1x16xf32> to vector<16xf32>
    %swap3A_355 = vector.shape_cast %get3A_79 : vector<16xf32> to vector<1x16xf32>
    tpu.vector_store %arg10[%swap3A_351, %swap3A_352], %swap3A_355 {add = true, strides = array<i32>} : memref<32x1024xf32, #tpu.memory_space<vmem>>, vector<1x16xf32>,
    %swap3A_356 = arith.constant 31 : i32
    %swap3A_357 = arith.index_cast %swap3A_356 : i32 to index
    %swap3A_358 = arith.constant 992 : index
    %swap3A_359 = tpu.vector_load %arg10[%swap3A_357, %swap3A_358] {strides = array<i32>} : memref<32x1024xf32, #tpu.memory_space<vmem>>, vector<1x16xf32>,
    %swap3A_360 = vector.shape_cast %swap3A_359 : vector<1x16xf32> to vector<16xf32>
    %swap3A_361 = vector.shape_cast %get3A_84 : vector<16xf32> to vector<1x16xf32>
    tpu.vector_store %arg10[%swap3A_357, %swap3A_358], %swap3A_361 {add = true, strides = array<i32>} : memref<32x1024xf32, #tpu.memory_space<vmem>>, vector<1x16xf32>,
    %swap3A_362 = arith.constant 31 : i32
    %swap3A_363 = arith.index_cast %swap3A_362 : i32 to index
    %swap3A_364 = arith.constant 1008 : index
    %swap3A_365 = tpu.vector_load %arg10[%swap3A_363, %swap3A_364] {strides = array<i32>} : memref<32x1024xf32, #tpu.memory_space<vmem>>, vector<1x16xf32>,
    %swap3A_366 = vector.shape_cast %swap3A_365 : vector<1x16xf32> to vector<16xf32>
    %swap3A_367 = vector.shape_cast %get3A_89 : vector<16xf32> to vector<1x16xf32>
    tpu.vector_store %arg10[%swap3A_363, %swap3A_364], %swap3A_367 {add = true, strides = array<i32>} : memref<32x1024xf32, #tpu.memory_space<vmem>>, vector<1x16xf32>,
    %mul3A_368 = arith.constant 32 : i32
    %mul3A_369 = arith.muli %add3A, %mul3A_368 : i32
    %dma_start3A_370 = arith.constant 1 : i32
    %dma_start3A_371 = arith.constant 0 : i32
    %dma_start3A_372 = tpu.memref_slice %arg6[%dma_start3A_370, %mul3A_369, %dma_start3A_371] : memref<128x1024x1024xf32, #tpu.memory_space<hbm>> -> memref<1x32x1024xf32, #tpu.memory_space<hbm>>
    %dma_start3A_373 = tpu.memref_squeeze %dma_start3A_372 : memref<1x32x1024xf32, #tpu.memory_space<hbm>> -> memref<32x1024xf32, #tpu.memory_space<hbm>>
    %dma_start3A_374 = arith.constant 0 : i32
    %dma_start3A_375 = tpu.memref_slice %arg6[%dma_start3A_370, %mul3A_369, %dma_start3A_374] : memref<128x1024x1024xf32, #tpu.memory_space<hbm>> -> memref<1x32x1024xf32, #tpu.memory_space<hbm>>
    %dma_start3A_376 = tpu.memref_squeeze %dma_start3A_375 : memref<1x32x1024xf32, #tpu.memory_space<hbm>> -> memref<32x1024xf32, #tpu.memory_space<hbm>>
    tpu.enqueue_dma source(%arg10 : memref<32x1024xf32, #tpu.memory_space<vmem>>) target(%dma_start3A_376 : memref<32x1024xf32, #tpu.memory_space<hbm>>) target_semaphore(%arg16 : memref<!tpu.dma_semaphore, #tpu.memory_space<semaphore_mem>>)
    %mul3A_377 = arith.constant 32 : i32
    %mul3A_378 = arith.muli %add3A, %mul3A_377 : i32
    %dma_wait3A_379 = arith.constant 0 : i32
    %dma_wait3A_380 = arith.constant 0 : i32
    %dma_wait3A_381 = tpu.memref_slice %arg6[%dma_wait3A_379, %mul3A_378, %dma_wait3A_380] : memref<128x1024x1024xf32, #tpu.memory_space<hbm>> -> memref<1x32x1024xf32, #tpu.memory_space<hbm>>
    %dma_wait3A_382 = tpu.memref_squeeze %dma_wait3A_381 : memref<1x32x1024xf32, #tpu.memory_space<hbm>> -> memref<32x1024xf32, #tpu.memory_space<hbm>>
    %dma_wait3A_383 = arith.constant 0 : i32
    %dma_wait3A_384 = tpu.memref_slice %arg6[%dma_wait3A_379, %mul3A_378, %dma_wait3A_383] : memref<128x1024x1024xf32, #tpu.memory_space<hbm>> -> memref<1x32x1024xf32, #tpu.memory_space<hbm>>
    %dma_wait3A_385 = tpu.memref_squeeze %dma_wait3A_384 : memref<1x32x1024xf32, #tpu.memory_space<hbm>> -> memref<32x1024xf32, #tpu.memory_space<hbm>>
    tpu.wait_dma2 semaphore(%arg15 : memref<!tpu.dma_semaphore, #tpu.memory_space<semaphore_mem>>) src(%arg9 : memref<32x1024xf32, #tpu.memory_space<vmem>>) dst(%dma_wait3A_385 : memref<32x1024xf32, #tpu.memory_space<hbm>>)
    %dma_start3A_386 = arith.constant 0 : i32
    %dma_start3A_387 = arith.constant 96 : i32
    %dma_start3A_388 = tpu.memref_slice %arg7[%dma_start3A_386, %dma_start3A_387] : memref<2x128xi32, #tpu.memory_space<vmem>> -> memref<1x32xi32, #tpu.memory_space<vmem>>
    %dma_start3A_389 = tpu.memref_squeeze %dma_start3A_388 : memref<1x32xi32, #tpu.memory_space<vmem>> -> memref<32xi32, #tpu.memory_space<vmem>>
    %dma_start3A_390 = arith.constant 0 : i32
    %dma_start3A_391 = arith.constant 0 : i32
    %dma_start3A_392 = tpu.memref_slice %arg3[%dma_start3A_390, %dma_start3A_391] : memref<65536x1024xf32, #tpu.memory_space<hbm>> -> memref<65536x1024xf32, #tpu.memory_space<hbm>>
    tpu.enqueue_indirect_dma source(%dma_start3A_392 : memref<65536x1024xf32, #tpu.memory_space<hbm>>) target(%arg9 : memref<32x1024xf32, #tpu.memory_space<vmem>>) offsets(%dma_start3A_389 : memref<32xi32, #tpu.memory_space<vmem>>) semaphore(%arg12 : memref<!tpu.dma_semaphore, #tpu.memory_space<semaphore_mem>>)
    %scan3A_393 = arith.constant 0 : i32
    %scan3A_394 = arith.constant 0 : i32
    %scan3A_395 = arith.constant 41 : i32
    %scan3A_396 = arith.addi %scan3A_394, %scan3A_395 : i32
    %scan3A_397 = arith.constant 1 : i32
    scf.for %scan3A_823 = %scan3A_394 to %scan3A_396 step %scan3A_397  : i32 {
      %mul3A_824 = arith.constant 3 : i32
      %mul3A_825 = arith.muli %mul3A_824, %scan3A_823 : i32
      %add3A_826 = arith.constant 2 : i32
      %add3A_827 = arith.addi %mul3A_825, %add3A_826 : i32
      %add3A_828 = arith.constant 0 : i32
      %add3A_829 = arith.addi %add3A_827, %add3A_828 : i32
      %dma_wait3A_830 = arith.constant 0 : i32
      %dma_wait3A_831 = arith.constant 0 : i32
      %dma_wait3A_832 = tpu.memref_slice %arg7[%dma_wait3A_830, %dma_wait3A_831] : memref<2x128xi32, #tpu.memory_space<vmem>> -> memref<1x32xi32, #tpu.memory_space<vmem>>
      %dma_wait3A_833 = tpu.memref_squeeze %dma_wait3A_832 : memref<1x32xi32, #tpu.memory_space<vmem>> -> memref<32xi32, #tpu.memory_space<vmem>>
      %dma_wait3A_834 = arith.constant 0 : i32
      %dma_wait3A_835 = arith.constant 0 : i32
      %dma_wait3A_836 = tpu.memref_slice %arg3[%dma_wait3A_834, %dma_wait3A_835] : memref<65536x1024xf32, #tpu.memory_space<hbm>> -> memref<65536x1024xf32, #tpu.memory_space<hbm>>
      tpu.wait_indirect_dma semaphore(%arg14 : memref<!tpu.dma_semaphore, #tpu.memory_space<semaphore_mem>>) src(%dma_wait3A_836 : memref<65536x1024xf32, #tpu.memory_space<hbm>>) dst(%arg11 : memref<32x1024xf32, #tpu.memory_space<vmem>>)
      %jit3A = arith.constant 4 : i32
      %eq3A = arith.constant 0 : i32
      %eq3A_837 = arith.cmpi eq, %jit3A, %eq3A : i32
      %jit3A_838 = arith.constant 1 : i32
      %select_n3A = arith.select %eq3A_837, %jit3A_838, %jit3A : i32
      %rem3A = arith.remsi %add3A_829, %select_n3A : i32
      %ne3A = arith.constant 0 : i32
      %ne3A_839 = arith.cmpi ne, %rem3A, %ne3A : i32
      %lt3A = arith.constant 0 : i32
      %lt3A_840 = arith.cmpi slt, %rem3A, %lt3A : i32
      %lt3A_841 = arith.constant 0 : i32
      %lt3A_842 = arith.cmpi slt, %select_n3A, %lt3A_841 : i32
      %ne3A_843 = arith.xori %lt3A_840, %lt3A_842 : i1
      %and3A = arith.andi %ne3A_843, %ne3A_839 : i1
      %add3A_844 = arith.addi %rem3A, %select_n3A : i32
      %select_n3A_845 = arith.select %and3A, %add3A_844, %rem3A : i32
      %eq3A_846 = arith.constant 0 : i32
      %eq3A_847 = arith.cmpi eq, %select_n3A_845, %eq3A_846 : i32
      %le3A = arith.constant 120 : i32
      %le3A_848 = arith.cmpi sle, %add3A_829, %le3A : i32
      %and3A_849 = arith.andi %eq3A_847, %le3A_848 : i1
      %convert_element_type3A = arith.extui %and3A_849 : i1 to i32
      %cond3A = arith.constant 0 : i32
      %cond3A_850 = arith.cmpi ne, %convert_element_type3A, %cond3A : i32
      scf.if %cond3A_850 {
        %jit3A_1574 = arith.constant 4 : i32
        %div3A_1575 = arith.divsi %add3A_829, %jit3A_1574 : i32
        %sign3A_1576 = arith.constant 0 : i32
        %sign3A_1577 = arith.cmpi sgt, %add3A_829, %sign3A_1576 : i32
        %sign3A_1578 = arith.extui %sign3A_1577 : i1 to i32
        %sign3A_1579 = arith.constant 0 : i32
        %sign3A_1580 = arith.cmpi slt, %add3A_829, %sign3A_1579 : i32
        %sign3A_1581 = arith.extui %sign3A_1580 : i1 to i32
        %sign3A_1582 = arith.subi %sign3A_1578, %sign3A_1581 : i32
        %sign3A_1583 = arith.constant 0 : i32
        %sign3A_1584 = arith.cmpi sgt, %jit3A_1574, %sign3A_1583 : i32
        %sign3A_1585 = arith.extui %sign3A_1584 : i1 to i32
        %sign3A_1586 = arith.constant 0 : i32
        %sign3A_1587 = arith.cmpi slt, %jit3A_1574, %sign3A_1586 : i32
        %sign3A_1588 = arith.extui %sign3A_1587 : i1 to i32
        %sign3A_1589 = arith.subi %sign3A_1585, %sign3A_1588 : i32
        %ne3A_1590 = arith.cmpi ne, %sign3A_1582, %sign3A_1589 : i32
        %rem3A_1591 = arith.remsi %add3A_829, %jit3A_1574 : i32
        %ne3A_1592 = arith.constant 0 : i32
        %ne3A_1593 = arith.cmpi ne, %rem3A_1591, %ne3A_1592 : i32
        %and3A_1594 = arith.andi %ne3A_1590, %ne3A_1593 : i1
        %sub3A_1595 = arith.constant 1 : i32
        %sub3A_1596 = arith.subi %div3A_1575, %sub3A_1595 : i32
        %select_n3A_1597 = arith.select %and3A_1594, %sub3A_1596, %div3A_1575 : i32
        %add3A_1598 = arith.constant 1 : i32
        %add3A_1599 = arith.addi %select_n3A_1597, %add3A_1598 : i32
        %mul3A_1600 = arith.constant 128 : i32
        %mul3A_1601 = arith.muli %add3A_1599, %mul3A_1600 : i32
        %jit3A_1602 = arith.constant 2 : i32
        %eq3A_1603 = arith.constant 0 : i32
        %eq3A_1604 = arith.cmpi eq, %jit3A_1602, %eq3A_1603 : i32
        %jit3A_1605 = arith.constant 1 : i32
        %select_n3A_1606 = arith.select %eq3A_1604, %jit3A_1605, %jit3A_1602 : i32
        %rem3A_1607 = arith.remsi %add3A_1599, %select_n3A_1606 : i32
        %ne3A_1608 = arith.constant 0 : i32
        %ne3A_1609 = arith.cmpi ne, %rem3A_1607, %ne3A_1608 : i32
        %lt3A_1610 = arith.constant 0 : i32
        %lt3A_1611 = arith.cmpi slt, %rem3A_1607, %lt3A_1610 : i32
        %lt3A_1612 = arith.constant 0 : i32
        %lt3A_1613 = arith.cmpi slt, %select_n3A_1606, %lt3A_1612 : i32
        %ne3A_1614 = arith.xori %lt3A_1611, %lt3A_1613 : i1
        %and3A_1615 = arith.andi %ne3A_1614, %ne3A_1609 : i1
        %add3A_1616 = arith.addi %rem3A_1607, %select_n3A_1606 : i32
        %select_n3A_1617 = arith.select %and3A_1615, %add3A_1616, %rem3A_1607 : i32
        %dma_start3A_1618 = arith.constant 0 : i32
        %dma_start3A_1619 = tpu.memref_slice %arg7[%select_n3A_1617, %dma_start3A_1618] : memref<2x128xi32, #tpu.memory_space<vmem>> -> memref<1x128xi32, #tpu.memory_space<vmem>>
        %dma_start3A_1620 = tpu.memref_squeeze %dma_start3A_1619 : memref<1x128xi32, #tpu.memory_space<vmem>> -> memref<128xi32, #tpu.memory_space<vmem>>
        %dma_start3A_1621 = tpu.memref_slice %arg2[%add3A, %mul3A_1601] : memref<32x4096xi32, #tpu.memory_space<hbm>> -> memref<1x128xi32, #tpu.memory_space<hbm>>
        %dma_start3A_1622 = tpu.memref_squeeze %dma_start3A_1621 : memref<1x128xi32, #tpu.memory_space<hbm>> -> memref<128xi32, #tpu.memory_space<hbm>>
        %dma_start3A_1623 = arith.constant 0 : i32
        %dma_start3A_1624 = tpu.memref_slice %arg7[%select_n3A_1617, %dma_start3A_1623] : memref<2x128xi32, #tpu.memory_space<vmem>> -> memref<1x128xi32, #tpu.memory_space<vmem>>
        %dma_start3A_1625 = tpu.memref_squeeze %dma_start3A_1624 : memref<1x128xi32, #tpu.memory_space<vmem>> -> memref<128xi32, #tpu.memory_space<vmem>>
        %dma_start3A_1626 = tpu.memref_slice %arg2[%add3A, %mul3A_1601] : memref<32x4096xi32, #tpu.memory_space<hbm>> -> memref<1x128xi32, #tpu.memory_space<hbm>>
        %dma_start3A_1627 = tpu.memref_squeeze %dma_start3A_1626 : memref<1x128xi32, #tpu.memory_space<hbm>> -> memref<128xi32, #tpu.memory_space<hbm>>
        tpu.enqueue_dma source(%dma_start3A_1627 : memref<128xi32, #tpu.memory_space<hbm>>) target(%dma_start3A_1625 : memref<128xi32, #tpu.memory_space<vmem>>) target_semaphore(%arg18 : memref<!tpu.dma_semaphore, #tpu.memory_space<semaphore_mem>>)
      } else {
      }
      %scan3A_851 = arith.constant 0 : i32
      %scan3A_852 = arith.constant 0 : i32
      %scan3A_853 = arith.constant 31 : i32
      %scan3A_854 = arith.addi %scan3A_852, %scan3A_853 : i32
      %scan3A_855 = arith.constant 1 : i32
      scf.for %scan3A_1574 = %scan3A_852 to %scan3A_854 step %scan3A_855  : i32 {
        %mul3A_1575 = arith.constant 1024 : i32
        %mul3A_1576 = arith.muli %scan3A_1574, %mul3A_1575 : i32
        %multiple_of3A = tpu.assume_multiple %mul3A_1576, 1024 : i32
        %parallel_loop3A_1577 = arith.constant 0 : i32
        %parallel_loop3A_1578 = arith.constant 64 : i32
        %parallel_loop3A_1579 = arith.constant 1 : i32
        scf.for %parallel_loop3A_1580 = %parallel_loop3A_1577 to %parallel_loop3A_1578 step %parallel_loop3A_1579  : i32 {
          %parallel_loop3A_1581 = arith.constant 16 : i32
          %parallel_loop3A_1582 = arith.muli %parallel_loop3A_1580, %parallel_loop3A_1581 : i32
          %parallel_loop3A_1583 = arith.constant 16 : i32
          %parallel_loop3A_1584 = arith.muli %parallel_loop3A_1580, %parallel_loop3A_1583 : i32
          %parallel_loop3A_1585 = arith.addi %multiple_of3A, %parallel_loop3A_1584 : i32
          %parallel_loop3A_1586 = arith.index_cast %parallel_loop3A_1585 : i32 to index
          %parallel_loop3A_1587 = tpu.vector_load %arg8[%parallel_loop3A_1586] {strides = array<i32>} : memref<32496xf32, #tpu.memory_space<vmem>>, vector<16xf32>,
          %parallel_loop3A_1588 = vector.shape_cast %parallel_loop3A_1587 : vector<16xf32> to vector<16xf32>
          %parallel_loop3A_1589 = arith.index_cast %scan3A_1574 : i32 to index
          %parallel_loop3A_1590 = arith.index_cast %parallel_loop3A_1582 : i32 to index
          %parallel_loop3A_1591 = tpu.vector_load %arg11[%parallel_loop3A_1589, %parallel_loop3A_1590] {strides = array<i32>} : memref<32x1024xf32, #tpu.memory_space<vmem>>, vector<1x16xf32>,
          %parallel_loop3A_1592 = vector.shape_cast %parallel_loop3A_1591 : vector<1x16xf32> to vector<16xf32>
          %parallel_loop3A_1593 = vector.shape_cast %parallel_loop3A_1588 : vector<16xf32> to vector<1x16xf32>
          tpu.vector_store %arg11[%parallel_loop3A_1589, %parallel_loop3A_1590], %parallel_loop3A_1593 {add = true, strides = array<i32>} : memref<32x1024xf32, #tpu.memory_space<vmem>>, vector<1x16xf32>,
        } {sc.loop_unroll_factor = 8 : i64, sc.parallel_access}
      }
      %scan3A_856 = arith.constant 31 : i32
      %parallel_loop3A_857 = arith.constant 0 : i32
      %parallel_loop3A_858 = arith.constant 47 : i32
      %parallel_loop3A_859 = arith.constant 1 : i32
      scf.for %parallel_loop3A_1574 = %parallel_loop3A_857 to %parallel_loop3A_858 step %parallel_loop3A_859  : i32 {
        %parallel_loop3A_1575 = arith.constant 16 : i32
        %parallel_loop3A_1576 = arith.muli %parallel_loop3A_1574, %parallel_loop3A_1575 : i32
        %parallel_loop3A_1577 = arith.constant 16 : i32
        %parallel_loop3A_1578 = arith.muli %parallel_loop3A_1574, %parallel_loop3A_1577 : i32
        %parallel_loop3A_1579 = arith.constant 31744 : i32
        %parallel_loop3A_1580 = arith.addi %parallel_loop3A_1579, %parallel_loop3A_1578 : i32
        %parallel_loop3A_1581 = arith.index_cast %parallel_loop3A_1580 : i32 to index
        %parallel_loop3A_1582 = tpu.vector_load %arg8[%parallel_loop3A_1581] {strides = array<i32>} : memref<32496xf32, #tpu.memory_space<vmem>>, vector<16xf32>,
        %parallel_loop3A_1583 = vector.shape_cast %parallel_loop3A_1582 : vector<16xf32> to vector<16xf32>
        %parallel_loop3A_1584 = arith.constant 31 : i32
        %parallel_loop3A_1585 = arith.index_cast %parallel_loop3A_1584 : i32 to index
        %parallel_loop3A_1586 = arith.index_cast %parallel_loop3A_1576 : i32 to index
        %parallel_loop3A_1587 = tpu.vector_load %arg11[%parallel_loop3A_1585, %parallel_loop3A_1586] {strides = array<i32>} : memref<32x1024xf32, #tpu.memory_space<vmem>>, vector<1x16xf32>,
        %parallel_loop3A_1588 = vector.shape_cast %parallel_loop3A_1587 : vector<1x16xf32> to vector<16xf32>
        %parallel_loop3A_1589 = vector.shape_cast %parallel_loop3A_1583 : vector<16xf32> to vector<1x16xf32>
        tpu.vector_store %arg11[%parallel_loop3A_1585, %parallel_loop3A_1586], %parallel_loop3A_1589 {add = true, strides = array<i32>} : memref<32x1024xf32, #tpu.memory_space<vmem>>, vector<1x16xf32>,
      } {sc.loop_unroll_factor = 1 : i64, sc.parallel_access}
      %swap3A_860 = arith.constant 31 : i32
      %swap3A_861 = arith.index_cast %swap3A_860 : i32 to index
      %swap3A_862 = arith.constant 752 : index
      %swap3A_863 = tpu.vector_load %arg11[%swap3A_861, %swap3A_862] {strides = array<i32>} : memref<32x1024xf32, #tpu.memory_space<vmem>>, vector<1x16xf32>,
      %swap3A_864 = vector.shape_cast %swap3A_863 : vector<1x16xf32> to vector<16xf32>
      %swap3A_865 = vector.shape_cast %get3A_9 : vector<16xf32> to vector<1x16xf32>
      tpu.vector_store %arg11[%swap3A_861, %swap3A_862], %swap3A_865 {add = true, strides = array<i32>} : memref<32x1024xf32, #tpu.memory_space<vmem>>, vector<1x16xf32>,
      %swap3A_866 = arith.constant 31 : i32
      %swap3A_867 = arith.index_cast %swap3A_866 : i32 to index
      %swap3A_868 = arith.constant 768 : index
      %swap3A_869 = tpu.vector_load %arg11[%swap3A_867, %swap3A_868] {strides = array<i32>} : memref<32x1024xf32, #tpu.memory_space<vmem>>, vector<1x16xf32>,
      %swap3A_870 = vector.shape_cast %swap3A_869 : vector<1x16xf32> to vector<16xf32>
      %swap3A_871 = vector.shape_cast %get3A_14 : vector<16xf32> to vector<1x16xf32>
      tpu.vector_store %arg11[%swap3A_867, %swap3A_868], %swap3A_871 {add = true, strides = array<i32>} : memref<32x1024xf32, #tpu.memory_space<vmem>>, vector<1x16xf32>,
      %swap3A_872 = arith.constant 31 : i32
      %swap3A_873 = arith.index_cast %swap3A_872 : i32 to index
      %swap3A_874 = arith.constant 784 : index
      %swap3A_875 = tpu.vector_load %arg11[%swap3A_873, %swap3A_874] {strides = array<i32>} : memref<32x1024xf32, #tpu.memory_space<vmem>>, vector<1x16xf32>,
      %swap3A_876 = vector.shape_cast %swap3A_875 : vector<1x16xf32> to vector<16xf32>
      %swap3A_877 = vector.shape_cast %get3A_19 : vector<16xf32> to vector<1x16xf32>
      tpu.vector_store %arg11[%swap3A_873, %swap3A_874], %swap3A_877 {add = true, strides = array<i32>} : memref<32x1024xf32, #tpu.memory_space<vmem>>, vector<1x16xf32>,
      %swap3A_878 = arith.constant 31 : i32
      %swap3A_879 = arith.index_cast %swap3A_878 : i32 to index
      %swap3A_880 = arith.constant 800 : index
      %swap3A_881 = tpu.vector_load %arg11[%swap3A_879, %swap3A_880] {strides = array<i32>} : memref<32x1024xf32, #tpu.memory_space<vmem>>, vector<1x16xf32>,
      %swap3A_882 = vector.shape_cast %swap3A_881 : vector<1x16xf32> to vector<16xf32>
      %swap3A_883 = vector.shape_cast %get3A_24 : vector<16xf32> to vector<1x16xf32>
      tpu.vector_store %arg11[%swap3A_879, %swap3A_880], %swap3A_883 {add = true, strides = array<i32>} : memref<32x1024xf32, #tpu.memory_space<vmem>>, vector<1x16xf32>,
      %swap3A_884 = arith.constant 31 : i32
      %swap3A_885 = arith.index_cast %swap3A_884 : i32 to index
      %swap3A_886 = arith.constant 816 : index
      %swap3A_887 = tpu.vector_load %arg11[%swap3A_885, %swap3A_886] {strides = array<i32>} : memref<32x1024xf32, #tpu.memory_space<vmem>>, vector<1x16xf32>,
      %swap3A_888 = vector.shape_cast %swap3A_887 : vector<1x16xf32> to vector<16xf32>
      %swap3A_889 = vector.shape_cast %get3A_29 : vector<16xf32> to vector<1x16xf32>
      tpu.vector_store %arg11[%swap3A_885, %swap3A_886], %swap3A_889 {add = true, strides = array<i32>} : memref<32x1024xf32, #tpu.memory_space<vmem>>, vector<1x16xf32>,
      %swap3A_890 = arith.constant 31 : i32
      %swap3A_891 = arith.index_cast %swap3A_890 : i32 to index
      %swap3A_892 = arith.constant 832 : index
      %swap3A_893 = tpu.vector_load %arg11[%swap3A_891, %swap3A_892] {strides = array<i32>} : memref<32x1024xf32, #tpu.memory_space<vmem>>, vector<1x16xf32>,
      %swap3A_894 = vector.shape_cast %swap3A_893 : vector<1x16xf32> to vector<16xf32>
      %swap3A_895 = vector.shape_cast %get3A_34 : vector<16xf32> to vector<1x16xf32>
      tpu.vector_store %arg11[%swap3A_891, %swap3A_892], %swap3A_895 {add = true, strides = array<i32>} : memref<32x1024xf32, #tpu.memory_space<vmem>>, vector<1x16xf32>,
      %swap3A_896 = arith.constant 31 : i32
      %swap3A_897 = arith.index_cast %swap3A_896 : i32 to index
      %swap3A_898 = arith.constant 848 : index
      %swap3A_899 = tpu.vector_load %arg11[%swap3A_897, %swap3A_898] {strides = array<i32>} : memref<32x1024xf32, #tpu.memory_space<vmem>>, vector<1x16xf32>,
      %swap3A_900 = vector.shape_cast %swap3A_899 : vector<1x16xf32> to vector<16xf32>
      %swap3A_901 = vector.shape_cast %get3A_39 : vector<16xf32> to vector<1x16xf32>
      tpu.vector_store %arg11[%swap3A_897, %swap3A_898], %swap3A_901 {add = true, strides = array<i32>} : memref<32x1024xf32, #tpu.memory_space<vmem>>, vector<1x16xf32>,
      %swap3A_902 = arith.constant 31 : i32
      %swap3A_903 = arith.index_cast %swap3A_902 : i32 to index
      %swap3A_904 = arith.constant 864 : index
      %swap3A_905 = tpu.vector_load %arg11[%swap3A_903, %swap3A_904] {strides = array<i32>} : memref<32x1024xf32, #tpu.memory_space<vmem>>, vector<1x16xf32>,
      %swap3A_906 = vector.shape_cast %swap3A_905 : vector<1x16xf32> to vector<16xf32>
      %swap3A_907 = vector.shape_cast %get3A_44 : vector<16xf32> to vector<1x16xf32>
      tpu.vector_store %arg11[%swap3A_903, %swap3A_904], %swap3A_907 {add = true, strides = array<i32>} : memref<32x1024xf32, #tpu.memory_space<vmem>>, vector<1x16xf32>,
      %swap3A_908 = arith.constant 31 : i32
      %swap3A_909 = arith.index_cast %swap3A_908 : i32 to index
      %swap3A_910 = arith.constant 880 : index
      %swap3A_911 = tpu.vector_load %arg11[%swap3A_909, %swap3A_910] {strides = array<i32>} : memref<32x1024xf32, #tpu.memory_space<vmem>>, vector<1x16xf32>,
      %swap3A_912 = vector.shape_cast %swap3A_911 : vector<1x16xf32> to vector<16xf32>
      %swap3A_913 = vector.shape_cast %get3A_49 : vector<16xf32> to vector<1x16xf32>
      tpu.vector_store %arg11[%swap3A_909, %swap3A_910], %swap3A_913 {add = true, strides = array<i32>} : memref<32x1024xf32, #tpu.memory_space<vmem>>, vector<1x16xf32>,
      %swap3A_914 = arith.constant 31 : i32
      %swap3A_915 = arith.index_cast %swap3A_914 : i32 to index
      %swap3A_916 = arith.constant 896 : index
      %swap3A_917 = tpu.vector_load %arg11[%swap3A_915, %swap3A_916] {strides = array<i32>} : memref<32x1024xf32, #tpu.memory_space<vmem>>, vector<1x16xf32>,
      %swap3A_918 = vector.shape_cast %swap3A_917 : vector<1x16xf32> to vector<16xf32>
      %swap3A_919 = vector.shape_cast %get3A_54 : vector<16xf32> to vector<1x16xf32>
      tpu.vector_store %arg11[%swap3A_915, %swap3A_916], %swap3A_919 {add = true, strides = array<i32>} : memref<32x1024xf32, #tpu.memory_space<vmem>>, vector<1x16xf32>,
      %swap3A_920 = arith.constant 31 : i32
      %swap3A_921 = arith.index_cast %swap3A_920 : i32 to index
      %swap3A_922 = arith.constant 912 : index
      %swap3A_923 = tpu.vector_load %arg11[%swap3A_921, %swap3A_922] {strides = array<i32>} : memref<32x1024xf32, #tpu.memory_space<vmem>>, vector<1x16xf32>,
      %swap3A_924 = vector.shape_cast %swap3A_923 : vector<1x16xf32> to vector<16xf32>
      %swap3A_925 = vector.shape_cast %get3A_59 : vector<16xf32> to vector<1x16xf32>
      tpu.vector_store %arg11[%swap3A_921, %swap3A_922], %swap3A_925 {add = true, strides = array<i32>} : memref<32x1024xf32, #tpu.memory_space<vmem>>, vector<1x16xf32>,
      %swap3A_926 = arith.constant 31 : i32
      %swap3A_927 = arith.index_cast %swap3A_926 : i32 to index
      %swap3A_928 = arith.constant 928 : index
      %swap3A_929 = tpu.vector_load %arg11[%swap3A_927, %swap3A_928] {strides = array<i32>} : memref<32x1024xf32, #tpu.memory_space<vmem>>, vector<1x16xf32>,
      %swap3A_930 = vector.shape_cast %swap3A_929 : vector<1x16xf32> to vector<16xf32>
      %swap3A_931 = vector.shape_cast %get3A_64 : vector<16xf32> to vector<1x16xf32>
      tpu.vector_store %arg11[%swap3A_927, %swap3A_928], %swap3A_931 {add = true, strides = array<i32>} : memref<32x1024xf32, #tpu.memory_space<vmem>>, vector<1x16xf32>,
      %swap3A_932 = arith.constant 31 : i32
      %swap3A_933 = arith.index_cast %swap3A_932 : i32 to index
      %swap3A_934 = arith.constant 944 : index
      %swap3A_935 = tpu.vector_load %arg11[%swap3A_933, %swap3A_934] {strides = array<i32>} : memref<32x1024xf32, #tpu.memory_space<vmem>>, vector<1x16xf32>,
      %swap3A_936 = vector.shape_cast %swap3A_935 : vector<1x16xf32> to vector<16xf32>
      %swap3A_937 = vector.shape_cast %get3A_69 : vector<16xf32> to vector<1x16xf32>
      tpu.vector_store %arg11[%swap3A_933, %swap3A_934], %swap3A_937 {add = true, strides = array<i32>} : memref<32x1024xf32, #tpu.memory_space<vmem>>, vector<1x16xf32>,
      %swap3A_938 = arith.constant 31 : i32
      %swap3A_939 = arith.index_cast %swap3A_938 : i32 to index
      %swap3A_940 = arith.constant 960 : index
      %swap3A_941 = tpu.vector_load %arg11[%swap3A_939, %swap3A_940] {strides = array<i32>} : memref<32x1024xf32, #tpu.memory_space<vmem>>, vector<1x16xf32>,
      %swap3A_942 = vector.shape_cast %swap3A_941 : vector<1x16xf32> to vector<16xf32>
      %swap3A_943 = vector.shape_cast %get3A_74 : vector<16xf32> to vector<1x16xf32>
      tpu.vector_store %arg11[%swap3A_939, %swap3A_940], %swap3A_943 {add = true, strides = array<i32>} : memref<32x1024xf32, #tpu.memory_space<vmem>>, vector<1x16xf32>,
      %swap3A_944 = arith.constant 31 : i32
      %swap3A_945 = arith.index_cast %swap3A_944 : i32 to index
      %swap3A_946 = arith.constant 976 : index
      %swap3A_947 = tpu.vector_load %arg11[%swap3A_945, %swap3A_946] {strides = array<i32>} : memref<32x1024xf32, #tpu.memory_space<vmem>>, vector<1x16xf32>,
      %swap3A_948 = vector.shape_cast %swap3A_947 : vector<1x16xf32> to vector<16xf32>
      %swap3A_949 = vector.shape_cast %get3A_79 : vector<16xf32> to vector<1x16xf32>
      tpu.vector_store %arg11[%swap3A_945, %swap3A_946], %swap3A_949 {add = true, strides = array<i32>} : memref<32x1024xf32, #tpu.memory_space<vmem>>, vector<1x16xf32>,
      %swap3A_950 = arith.constant 31 : i32
      %swap3A_951 = arith.index_cast %swap3A_950 : i32 to index
      %swap3A_952 = arith.constant 992 : index
      %swap3A_953 = tpu.vector_load %arg11[%swap3A_951, %swap3A_952] {strides = array<i32>} : memref<32x1024xf32, #tpu.memory_space<vmem>>, vector<1x16xf32>,
      %swap3A_954 = vector.shape_cast %swap3A_953 : vector<1x16xf32> to vector<16xf32>
      %swap3A_955 = vector.shape_cast %get3A_84 : vector<16xf32> to vector<1x16xf32>
      tpu.vector_store %arg11[%swap3A_951, %swap3A_952], %swap3A_955 {add = true, strides = array<i32>} : memref<32x1024xf32, #tpu.memory_space<vmem>>, vector<1x16xf32>,
      %swap3A_956 = arith.constant 31 : i32
      %swap3A_957 = arith.index_cast %swap3A_956 : i32 to index
      %swap3A_958 = arith.constant 1008 : index
      %swap3A_959 = tpu.vector_load %arg11[%swap3A_957, %swap3A_958] {strides = array<i32>} : memref<32x1024xf32, #tpu.memory_space<vmem>>, vector<1x16xf32>,
      %swap3A_960 = vector.shape_cast %swap3A_959 : vector<1x16xf32> to vector<16xf32>
      %swap3A_961 = vector.shape_cast %get3A_89 : vector<16xf32> to vector<1x16xf32>
      tpu.vector_store %arg11[%swap3A_957, %swap3A_958], %swap3A_961 {add = true, strides = array<i32>} : memref<32x1024xf32, #tpu.memory_space<vmem>>, vector<1x16xf32>,
      %mul3A_962 = arith.constant 32 : i32
      %mul3A_963 = arith.muli %add3A, %mul3A_962 : i32
      %dma_start3A_964 = arith.constant 0 : i32
      %dma_start3A_965 = tpu.memref_slice %arg6[%add3A_829, %mul3A_963, %dma_start3A_964] : memref<128x1024x1024xf32, #tpu.memory_space<hbm>> -> memref<1x32x1024xf32, #tpu.memory_space<hbm>>
      %dma_start3A_966 = tpu.memref_squeeze %dma_start3A_965 : memref<1x32x1024xf32, #tpu.memory_space<hbm>> -> memref<32x1024xf32, #tpu.memory_space<hbm>>
      %dma_start3A_967 = arith.constant 0 : i32
      %dma_start3A_968 = tpu.memref_slice %arg6[%add3A_829, %mul3A_963, %dma_start3A_967] : memref<128x1024x1024xf32, #tpu.memory_space<hbm>> -> memref<1x32x1024xf32, #tpu.memory_space<hbm>>
      %dma_start3A_969 = tpu.memref_squeeze %dma_start3A_968 : memref<1x32x1024xf32, #tpu.memory_space<hbm>> -> memref<32x1024xf32, #tpu.memory_space<hbm>>
      tpu.enqueue_dma source(%arg11 : memref<32x1024xf32, #tpu.memory_space<vmem>>) target(%dma_start3A_969 : memref<32x1024xf32, #tpu.memory_space<hbm>>) target_semaphore(%arg17 : memref<!tpu.dma_semaphore, #tpu.memory_space<semaphore_mem>>)
      %mul3A_970 = arith.constant 32 : i32
      %mul3A_971 = arith.muli %add3A, %mul3A_970 : i32
      %dma_wait3A_972 = arith.constant 0 : i32
      %dma_wait3A_973 = arith.constant 0 : i32
      %dma_wait3A_974 = tpu.memref_slice %arg6[%dma_wait3A_972, %mul3A_971, %dma_wait3A_973] : memref<128x1024x1024xf32, #tpu.memory_space<hbm>> -> memref<1x32x1024xf32, #tpu.memory_space<hbm>>
      %dma_wait3A_975 = tpu.memref_squeeze %dma_wait3A_974 : memref<1x32x1024xf32, #tpu.memory_space<hbm>> -> memref<32x1024xf32, #tpu.memory_space<hbm>>
      %dma_wait3A_976 = arith.constant 0 : i32
      %dma_wait3A_977 = tpu.memref_slice %arg6[%dma_wait3A_972, %mul3A_971, %dma_wait3A_976] : memref<128x1024x1024xf32, #tpu.memory_space<hbm>> -> memref<1x32x1024xf32, #tpu.memory_space<hbm>>
      %dma_wait3A_978 = tpu.memref_squeeze %dma_wait3A_977 : memref<1x32x1024xf32, #tpu.memory_space<hbm>> -> memref<32x1024xf32, #tpu.memory_space<hbm>>
      tpu.wait_dma2 semaphore(%arg16 : memref<!tpu.dma_semaphore, #tpu.memory_space<semaphore_mem>>) src(%arg10 : memref<32x1024xf32, #tpu.memory_space<vmem>>) dst(%dma_wait3A_978 : memref<32x1024xf32, #tpu.memory_space<hbm>>)
      %jit3A_979 = arith.constant 4 : i32
      %eq3A_980 = arith.constant 0 : i32
      %eq3A_981 = arith.cmpi eq, %jit3A_979, %eq3A_980 : i32
      %jit3A_982 = arith.constant 1 : i32
      %select_n3A_983 = arith.select %eq3A_981, %jit3A_982, %jit3A_979 : i32
      %rem3A_984 = arith.remsi %add3A_829, %select_n3A_983 : i32
      %ne3A_985 = arith.constant 0 : i32
      %ne3A_986 = arith.cmpi ne, %rem3A_984, %ne3A_985 : i32
      %lt3A_987 = arith.constant 0 : i32
      %lt3A_988 = arith.cmpi slt, %rem3A_984, %lt3A_987 : i32
      %lt3A_989 = arith.constant 0 : i32
      %lt3A_990 = arith.cmpi slt, %select_n3A_983, %lt3A_989 : i32
      %ne3A_991 = arith.xori %lt3A_988, %lt3A_990 : i1
      %and3A_992 = arith.andi %ne3A_991, %ne3A_986 : i1
      %add3A_993 = arith.addi %rem3A_984, %select_n3A_983 : i32
      %select_n3A_994 = arith.select %and3A_992, %add3A_993, %rem3A_984 : i32
      %eq3A_995 = arith.constant 2 : i32
      %eq3A_996 = arith.cmpi eq, %select_n3A_994, %eq3A_995 : i32
      %le3A_997 = arith.constant 122 : i32
      %le3A_998 = arith.cmpi sle, %add3A_829, %le3A_997 : i32
      %and3A_999 = arith.andi %eq3A_996, %le3A_998 : i1
      %convert_element_type3A_1000 = arith.extui %and3A_999 : i1 to i32
      %cond3A_1001 = arith.constant 0 : i32
      %cond3A_1002 = arith.cmpi ne, %convert_element_type3A_1000, %cond3A_1001 : i32
      scf.if %cond3A_1002 {
        %dma_wait3A_1574 = arith.constant 0 : i32
        %dma_wait3A_1575 = arith.constant 0 : i32
        %dma_wait3A_1576 = tpu.memref_slice %arg7[%dma_wait3A_1574, %dma_wait3A_1575] : memref<2x128xi32, #tpu.memory_space<vmem>> -> memref<1x128xi32, #tpu.memory_space<vmem>>
        %dma_wait3A_1577 = tpu.memref_squeeze %dma_wait3A_1576 : memref<1x128xi32, #tpu.memory_space<vmem>> -> memref<128xi32, #tpu.memory_space<vmem>>
        %dma_wait3A_1578 = arith.constant 0 : i32
        %dma_wait3A_1579 = tpu.memref_slice %arg2[%add3A, %dma_wait3A_1578] : memref<32x4096xi32, #tpu.memory_space<hbm>> -> memref<1x128xi32, #tpu.memory_space<hbm>>
        %dma_wait3A_1580 = tpu.memref_squeeze %dma_wait3A_1579 : memref<1x128xi32, #tpu.memory_space<hbm>> -> memref<128xi32, #tpu.memory_space<hbm>>
        %dma_wait3A_1581 = arith.constant 0 : i32
        %dma_wait3A_1582 = tpu.memref_slice %arg7[%dma_wait3A_1574, %dma_wait3A_1581] : memref<2x128xi32, #tpu.memory_space<vmem>> -> memref<1x128xi32, #tpu.memory_space<vmem>>
        %dma_wait3A_1583 = tpu.memref_squeeze %dma_wait3A_1582 : memref<1x128xi32, #tpu.memory_space<vmem>> -> memref<128xi32, #tpu.memory_space<vmem>>
        %dma_wait3A_1584 = arith.constant 0 : i32
        %dma_wait3A_1585 = tpu.memref_slice %arg2[%add3A, %dma_wait3A_1584] : memref<32x4096xi32, #tpu.memory_space<hbm>> -> memref<1x128xi32, #tpu.memory_space<hbm>>
        %dma_wait3A_1586 = tpu.memref_squeeze %dma_wait3A_1585 : memref<1x128xi32, #tpu.memory_space<hbm>> -> memref<128xi32, #tpu.memory_space<hbm>>
        tpu.wait_dma2 semaphore(%arg18 : memref<!tpu.dma_semaphore, #tpu.memory_space<semaphore_mem>>) src(%dma_wait3A_1586 : memref<128xi32, #tpu.memory_space<hbm>>) dst(%dma_wait3A_1583 : memref<128xi32, #tpu.memory_space<vmem>>)
      } else {
      }
      %add3A_1003 = arith.constant 2 : i32
      %add3A_1004 = arith.addi %add3A_829, %add3A_1003 : i32
      %jit3A_1005 = arith.constant 4 : i32
      %div3A = arith.divsi %add3A_1004, %jit3A_1005 : i32
      %sign3A = arith.constant 0 : i32
      %sign3A_1006 = arith.cmpi sgt, %add3A_1004, %sign3A : i32
      %sign3A_1007 = arith.extui %sign3A_1006 : i1 to i32
      %sign3A_1008 = arith.constant 0 : i32
      %sign3A_1009 = arith.cmpi slt, %add3A_1004, %sign3A_1008 : i32
      %sign3A_1010 = arith.extui %sign3A_1009 : i1 to i32
      %sign3A_1011 = arith.subi %sign3A_1007, %sign3A_1010 : i32
      %sign3A_1012 = arith.constant 0 : i32
      %sign3A_1013 = arith.cmpi sgt, %jit3A_1005, %sign3A_1012 : i32
      %sign3A_1014 = arith.extui %sign3A_1013 : i1 to i32
      %sign3A_1015 = arith.constant 0 : i32
      %sign3A_1016 = arith.cmpi slt, %jit3A_1005, %sign3A_1015 : i32
      %sign3A_1017 = arith.extui %sign3A_1016 : i1 to i32
      %sign3A_1018 = arith.subi %sign3A_1014, %sign3A_1017 : i32
      %ne3A_1019 = arith.cmpi ne, %sign3A_1011, %sign3A_1018 : i32
      %rem3A_1020 = arith.remsi %add3A_1004, %jit3A_1005 : i32
      %ne3A_1021 = arith.constant 0 : i32
      %ne3A_1022 = arith.cmpi ne, %rem3A_1020, %ne3A_1021 : i32
      %and3A_1023 = arith.andi %ne3A_1019, %ne3A_1022 : i1
      %sub3A_1024 = arith.constant 1 : i32
      %sub3A_1025 = arith.subi %div3A, %sub3A_1024 : i32
      %select_n3A_1026 = arith.select %and3A_1023, %sub3A_1025, %div3A : i32
      %jit3A_1027 = arith.constant 2 : i32
      %eq3A_1028 = arith.constant 0 : i32
      %eq3A_1029 = arith.cmpi eq, %jit3A_1027, %eq3A_1028 : i32
      %jit3A_1030 = arith.constant 1 : i32
      %select_n3A_1031 = arith.select %eq3A_1029, %jit3A_1030, %jit3A_1027 : i32
      %rem3A_1032 = arith.remsi %select_n3A_1026, %select_n3A_1031 : i32
      %ne3A_1033 = arith.constant 0 : i32
      %ne3A_1034 = arith.cmpi ne, %rem3A_1032, %ne3A_1033 : i32
      %lt3A_1035 = arith.constant 0 : i32
      %lt3A_1036 = arith.cmpi slt, %rem3A_1032, %lt3A_1035 : i32
      %lt3A_1037 = arith.constant 0 : i32
      %lt3A_1038 = arith.cmpi slt, %select_n3A_1031, %lt3A_1037 : i32
      %ne3A_1039 = arith.xori %lt3A_1036, %lt3A_1038 : i1
      %and3A_1040 = arith.andi %ne3A_1039, %ne3A_1034 : i1
      %add3A_1041 = arith.addi %rem3A_1032, %select_n3A_1031 : i32
      %select_n3A_1042 = arith.select %and3A_1040, %add3A_1041, %rem3A_1032 : i32
      %jit3A_1043 = arith.constant 4 : i32
      %eq3A_1044 = arith.constant 0 : i32
      %eq3A_1045 = arith.cmpi eq, %jit3A_1043, %eq3A_1044 : i32
      %jit3A_1046 = arith.constant 1 : i32
      %select_n3A_1047 = arith.select %eq3A_1045, %jit3A_1046, %jit3A_1043 : i32
      %rem3A_1048 = arith.remsi %add3A_1004, %select_n3A_1047 : i32
      %ne3A_1049 = arith.constant 0 : i32
      %ne3A_1050 = arith.cmpi ne, %rem3A_1048, %ne3A_1049 : i32
      %lt3A_1051 = arith.constant 0 : i32
      %lt3A_1052 = arith.cmpi slt, %rem3A_1048, %lt3A_1051 : i32
      %lt3A_1053 = arith.constant 0 : i32
      %lt3A_1054 = arith.cmpi slt, %select_n3A_1047, %lt3A_1053 : i32
      %ne3A_1055 = arith.xori %lt3A_1052, %lt3A_1054 : i1
      %and3A_1056 = arith.andi %ne3A_1055, %ne3A_1050 : i1
      %add3A_1057 = arith.addi %rem3A_1048, %select_n3A_1047 : i32
      %select_n3A_1058 = arith.select %and3A_1056, %add3A_1057, %rem3A_1048 : i32
      %mul3A_1059 = arith.constant 32 : i32
      %mul3A_1060 = arith.muli %select_n3A_1058, %mul3A_1059 : i32
      %dma_start3A_1061 = tpu.memref_slice %arg7[%select_n3A_1042, %mul3A_1060] : memref<2x128xi32, #tpu.memory_space<vmem>> -> memref<1x32xi32, #tpu.memory_space<vmem>>
      %dma_start3A_1062 = tpu.memref_squeeze %dma_start3A_1061 : memref<1x32xi32, #tpu.memory_space<vmem>> -> memref<32xi32, #tpu.memory_space<vmem>>
      %dma_start3A_1063 = arith.constant 0 : i32
      %dma_start3A_1064 = arith.constant 0 : i32
      %dma_start3A_1065 = tpu.memref_slice %arg3[%dma_start3A_1063, %dma_start3A_1064] : memref<65536x1024xf32, #tpu.memory_space<hbm>> -> memref<65536x1024xf32, #tpu.memory_space<hbm>>
      tpu.enqueue_indirect_dma source(%dma_start3A_1065 : memref<65536x1024xf32, #tpu.memory_space<hbm>>) target(%arg10 : memref<32x1024xf32, #tpu.memory_space<vmem>>) offsets(%dma_start3A_1062 : memref<32xi32, #tpu.memory_space<vmem>>) semaphore(%arg13 : memref<!tpu.dma_semaphore, #tpu.memory_space<semaphore_mem>>)
      %mul3A_1066 = arith.constant 3 : i32
      %mul3A_1067 = arith.muli %mul3A_1066, %scan3A_823 : i32
      %add3A_1068 = arith.constant 2 : i32
      %add3A_1069 = arith.addi %mul3A_1067, %add3A_1068 : i32
      %add3A_1070 = arith.constant 1 : i32
      %add3A_1071 = arith.addi %add3A_1069, %add3A_1070 : i32
      %dma_wait3A_1072 = arith.constant 0 : i32
      %dma_wait3A_1073 = arith.constant 0 : i32
      %dma_wait3A_1074 = tpu.memref_slice %arg7[%dma_wait3A_1072, %dma_wait3A_1073] : memref<2x128xi32, #tpu.memory_space<vmem>> -> memref<1x32xi32, #tpu.memory_space<vmem>>
      %dma_wait3A_1075 = tpu.memref_squeeze %dma_wait3A_1074 : memref<1x32xi32, #tpu.memory_space<vmem>> -> memref<32xi32, #tpu.memory_space<vmem>>
      %dma_wait3A_1076 = arith.constant 0 : i32
      %dma_wait3A_1077 = arith.constant 0 : i32
      %dma_wait3A_1078 = tpu.memref_slice %arg3[%dma_wait3A_1076, %dma_wait3A_1077] : memref<65536x1024xf32, #tpu.memory_space<hbm>> -> memref<65536x1024xf32, #tpu.memory_space<hbm>>
      tpu.wait_indirect_dma semaphore(%arg12 : memref<!tpu.dma_semaphore, #tpu.memory_space<semaphore_mem>>) src(%dma_wait3A_1078 : memref<65536x1024xf32, #tpu.memory_space<hbm>>) dst(%arg9 : memref<32x1024xf32, #tpu.memory_space<vmem>>)
      %jit3A_1079 = arith.constant 4 : i32
      %eq3A_1080 = arith.constant 0 : i32
      %eq3A_1081 = arith.cmpi eq, %jit3A_1079, %eq3A_1080 : i32
      %jit3A_1082 = arith.constant 1 : i32
      %select_n3A_1083 = arith.select %eq3A_1081, %jit3A_1082, %jit3A_1079 : i32
      %rem3A_1084 = arith.remsi %add3A_1071, %select_n3A_1083 : i32
      %ne3A_1085 = arith.constant 0 : i32
      %ne3A_1086 = arith.cmpi ne, %rem3A_1084, %ne3A_1085 : i32
      %lt3A_1087 = arith.constant 0 : i32
      %lt3A_1088 = arith.cmpi slt, %rem3A_1084, %lt3A_1087 : i32
      %lt3A_1089 = arith.constant 0 : i32
      %lt3A_1090 = arith.cmpi slt, %select_n3A_1083, %lt3A_1089 : i32
      %ne3A_1091 = arith.xori %lt3A_1088, %lt3A_1090 : i1
      %and3A_1092 = arith.andi %ne3A_1091, %ne3A_1086 : i1
      %add3A_1093 = arith.addi %rem3A_1084, %select_n3A_1083 : i32
      %select_n3A_1094 = arith.select %and3A_1092, %add3A_1093, %rem3A_1084 : i32
      %eq3A_1095 = arith.constant 0 : i32
      %eq3A_1096 = arith.cmpi eq, %select_n3A_1094, %eq3A_1095 : i32
      %le3A_1097 = arith.constant 120 : i32
      %le3A_1098 = arith.cmpi sle, %add3A_1071, %le3A_1097 : i32
      %and3A_1099 = arith.andi %eq3A_1096, %le3A_1098 : i1
      %convert_element_type3A_1100 = arith.extui %and3A_1099 : i1 to i32
      %cond3A_1101 = arith.constant 0 : i32
      %cond3A_1102 = arith.cmpi ne, %convert_element_type3A_1100, %cond3A_1101 : i32
      scf.if %cond3A_1102 {
        %jit3A_1574 = arith.constant 4 : i32
        %div3A_1575 = arith.divsi %add3A_1071, %jit3A_1574 : i32
        %sign3A_1576 = arith.constant 0 : i32
        %sign3A_1577 = arith.cmpi sgt, %add3A_1071, %sign3A_1576 : i32
        %sign3A_1578 = arith.extui %sign3A_1577 : i1 to i32
        %sign3A_1579 = arith.constant 0 : i32
        %sign3A_1580 = arith.cmpi slt, %add3A_1071, %sign3A_1579 : i32
        %sign3A_1581 = arith.extui %sign3A_1580 : i1 to i32
        %sign3A_1582 = arith.subi %sign3A_1578, %sign3A_1581 : i32
        %sign3A_1583 = arith.constant 0 : i32
        %sign3A_1584 = arith.cmpi sgt, %jit3A_1574, %sign3A_1583 : i32
        %sign3A_1585 = arith.extui %sign3A_1584 : i1 to i32
        %sign3A_1586 = arith.constant 0 : i32
        %sign3A_1587 = arith.cmpi slt, %jit3A_1574, %sign3A_1586 : i32
        %sign3A_1588 = arith.extui %sign3A_1587 : i1 to i32
        %sign3A_1589 = arith.subi %sign3A_1585, %sign3A_1588 : i32
        %ne3A_1590 = arith.cmpi ne, %sign3A_1582, %sign3A_1589 : i32
        %rem3A_1591 = arith.remsi %add3A_1071, %jit3A_1574 : i32
        %ne3A_1592 = arith.constant 0 : i32
        %ne3A_1593 = arith.cmpi ne, %rem3A_1591, %ne3A_1592 : i32
        %and3A_1594 = arith.andi %ne3A_1590, %ne3A_1593 : i1
        %sub3A_1595 = arith.constant 1 : i32
        %sub3A_1596 = arith.subi %div3A_1575, %sub3A_1595 : i32
        %select_n3A_1597 = arith.select %and3A_1594, %sub3A_1596, %div3A_1575 : i32
        %add3A_1598 = arith.constant 1 : i32
        %add3A_1599 = arith.addi %select_n3A_1597, %add3A_1598 : i32
        %mul3A_1600 = arith.constant 128 : i32
        %mul3A_1601 = arith.muli %add3A_1599, %mul3A_1600 : i32
        %jit3A_1602 = arith.constant 2 : i32
        %eq3A_1603 = arith.constant 0 : i32
        %eq3A_1604 = arith.cmpi eq, %jit3A_1602, %eq3A_1603 : i32
        %jit3A_1605 = arith.constant 1 : i32
        %select_n3A_1606 = arith.select %eq3A_1604, %jit3A_1605, %jit3A_1602 : i32
        %rem3A_1607 = arith.remsi %add3A_1599, %select_n3A_1606 : i32
        %ne3A_1608 = arith.constant 0 : i32
        %ne3A_1609 = arith.cmpi ne, %rem3A_1607, %ne3A_1608 : i32
        %lt3A_1610 = arith.constant 0 : i32
        %lt3A_1611 = arith.cmpi slt, %rem3A_1607, %lt3A_1610 : i32
        %lt3A_1612 = arith.constant 0 : i32
        %lt3A_1613 = arith.cmpi slt, %select_n3A_1606, %lt3A_1612 : i32
        %ne3A_1614 = arith.xori %lt3A_1611, %lt3A_1613 : i1
        %and3A_1615 = arith.andi %ne3A_1614, %ne3A_1609 : i1
        %add3A_1616 = arith.addi %rem3A_1607, %select_n3A_1606 : i32
        %select_n3A_1617 = arith.select %and3A_1615, %add3A_1616, %rem3A_1607 : i32
        %dma_start3A_1618 = arith.constant 0 : i32
        %dma_start3A_1619 = tpu.memref_slice %arg7[%select_n3A_1617, %dma_start3A_1618] : memref<2x128xi32, #tpu.memory_space<vmem>> -> memref<1x128xi32, #tpu.memory_space<vmem>>
        %dma_start3A_1620 = tpu.memref_squeeze %dma_start3A_1619 : memref<1x128xi32, #tpu.memory_space<vmem>> -> memref<128xi32, #tpu.memory_space<vmem>>
        %dma_start3A_1621 = tpu.memref_slice %arg2[%add3A, %mul3A_1601] : memref<32x4096xi32, #tpu.memory_space<hbm>> -> memref<1x128xi32, #tpu.memory_space<hbm>>
        %dma_start3A_1622 = tpu.memref_squeeze %dma_start3A_1621 : memref<1x128xi32, #tpu.memory_space<hbm>> -> memref<128xi32, #tpu.memory_space<hbm>>
        %dma_start3A_1623 = arith.constant 0 : i32
        %dma_start3A_1624 = tpu.memref_slice %arg7[%select_n3A_1617, %dma_start3A_1623] : memref<2x128xi32, #tpu.memory_space<vmem>> -> memref<1x128xi32, #tpu.memory_space<vmem>>
        %dma_start3A_1625 = tpu.memref_squeeze %dma_start3A_1624 : memref<1x128xi32, #tpu.memory_space<vmem>> -> memref<128xi32, #tpu.memory_space<vmem>>
        %dma_start3A_1626 = tpu.memref_slice %arg2[%add3A, %mul3A_1601] : memref<32x4096xi32, #tpu.memory_space<hbm>> -> memref<1x128xi32, #tpu.memory_space<hbm>>
        %dma_start3A_1627 = tpu.memref_squeeze %dma_start3A_1626 : memref<1x128xi32, #tpu.memory_space<hbm>> -> memref<128xi32, #tpu.memory_space<hbm>>
        tpu.enqueue_dma source(%dma_start3A_1627 : memref<128xi32, #tpu.memory_space<hbm>>) target(%dma_start3A_1625 : memref<128xi32, #tpu.memory_space<vmem>>) target_semaphore(%arg18 : memref<!tpu.dma_semaphore, #tpu.memory_space<semaphore_mem>>)
      } else {
      }
      %scan3A_1103 = arith.constant 0 : i32
      %scan3A_1104 = arith.constant 0 : i32
      %scan3A_1105 = arith.constant 31 : i32
      %scan3A_1106 = arith.addi %scan3A_1104, %scan3A_1105 : i32
      %scan3A_1107 = arith.constant 1 : i32
      scf.for %scan3A_1574 = %scan3A_1104 to %scan3A_1106 step %scan3A_1107  : i32 {
        %mul3A_1575 = arith.constant 1024 : i32
        %mul3A_1576 = arith.muli %scan3A_1574, %mul3A_1575 : i32
        %multiple_of3A = tpu.assume_multiple %mul3A_1576, 1024 : i32
        %parallel_loop3A_1577 = arith.constant 0 : i32
        %parallel_loop3A_1578 = arith.constant 64 : i32
        %parallel_loop3A_1579 = arith.constant 1 : i32
        scf.for %parallel_loop3A_1580 = %parallel_loop3A_1577 to %parallel_loop3A_1578 step %parallel_loop3A_1579  : i32 {
          %parallel_loop3A_1581 = arith.constant 16 : i32
          %parallel_loop3A_1582 = arith.muli %parallel_loop3A_1580, %parallel_loop3A_1581 : i32
          %parallel_loop3A_1583 = arith.constant 16 : i32
          %parallel_loop3A_1584 = arith.muli %parallel_loop3A_1580, %parallel_loop3A_1583 : i32
          %parallel_loop3A_1585 = arith.addi %multiple_of3A, %parallel_loop3A_1584 : i32
          %parallel_loop3A_1586 = arith.index_cast %parallel_loop3A_1585 : i32 to index
          %parallel_loop3A_1587 = tpu.vector_load %arg8[%parallel_loop3A_1586] {strides = array<i32>} : memref<32496xf32, #tpu.memory_space<vmem>>, vector<16xf32>,
          %parallel_loop3A_1588 = vector.shape_cast %parallel_loop3A_1587 : vector<16xf32> to vector<16xf32>
          %parallel_loop3A_1589 = arith.index_cast %scan3A_1574 : i32 to index
          %parallel_loop3A_1590 = arith.index_cast %parallel_loop3A_1582 : i32 to index
          %parallel_loop3A_1591 = tpu.vector_load %arg9[%parallel_loop3A_1589, %parallel_loop3A_1590] {strides = array<i32>} : memref<32x1024xf32, #tpu.memory_space<vmem>>, vector<1x16xf32>,
          %parallel_loop3A_1592 = vector.shape_cast %parallel_loop3A_1591 : vector<1x16xf32> to vector<16xf32>
          %parallel_loop3A_1593 = vector.shape_cast %parallel_loop3A_1588 : vector<16xf32> to vector<1x16xf32>
          tpu.vector_store %arg9[%parallel_loop3A_1589, %parallel_loop3A_1590], %parallel_loop3A_1593 {add = true, strides = array<i32>} : memref<32x1024xf32, #tpu.memory_space<vmem>>, vector<1x16xf32>,
        } {sc.loop_unroll_factor = 8 : i64, sc.parallel_access}
      }
      %scan3A_1108 = arith.constant 31 : i32
      %parallel_loop3A_1109 = arith.constant 0 : i32
      %parallel_loop3A_1110 = arith.constant 47 : i32
      %parallel_loop3A_1111 = arith.constant 1 : i32
      scf.for %parallel_loop3A_1574 = %parallel_loop3A_1109 to %parallel_loop3A_1110 step %parallel_loop3A_1111  : i32 {
        %parallel_loop3A_1575 = arith.constant 16 : i32
        %parallel_loop3A_1576 = arith.muli %parallel_loop3A_1574, %parallel_loop3A_1575 : i32
        %parallel_loop3A_1577 = arith.constant 16 : i32
        %parallel_loop3A_1578 = arith.muli %parallel_loop3A_1574, %parallel_loop3A_1577 : i32
        %parallel_loop3A_1579 = arith.constant 31744 : i32
        %parallel_loop3A_1580 = arith.addi %parallel_loop3A_1579, %parallel_loop3A_1578 : i32
        %parallel_loop3A_1581 = arith.index_cast %parallel_loop3A_1580 : i32 to index
        %parallel_loop3A_1582 = tpu.vector_load %arg8[%parallel_loop3A_1581] {strides = array<i32>} : memref<32496xf32, #tpu.memory_space<vmem>>, vector<16xf32>,
        %parallel_loop3A_1583 = vector.shape_cast %parallel_loop3A_1582 : vector<16xf32> to vector<16xf32>
        %parallel_loop3A_1584 = arith.constant 31 : i32
        %parallel_loop3A_1585 = arith.index_cast %parallel_loop3A_1584 : i32 to index
        %parallel_loop3A_1586 = arith.index_cast %parallel_loop3A_1576 : i32 to index
        %parallel_loop3A_1587 = tpu.vector_load %arg9[%parallel_loop3A_1585, %parallel_loop3A_1586] {strides = array<i32>} : memref<32x1024xf32, #tpu.memory_space<vmem>>, vector<1x16xf32>,
        %parallel_loop3A_1588 = vector.shape_cast %parallel_loop3A_1587 : vector<1x16xf32> to vector<16xf32>
        %parallel_loop3A_1589 = vector.shape_cast %parallel_loop3A_1583 : vector<16xf32> to vector<1x16xf32>
        tpu.vector_store %arg9[%parallel_loop3A_1585, %parallel_loop3A_1586], %parallel_loop3A_1589 {add = true, strides = array<i32>} : memref<32x1024xf32, #tpu.memory_space<vmem>>, vector<1x16xf32>,
      } {sc.loop_unroll_factor = 1 : i64, sc.parallel_access}
      %swap3A_1112 = arith.constant 31 : i32
      %swap3A_1113 = arith.index_cast %swap3A_1112 : i32 to index
      %swap3A_1114 = arith.constant 752 : index
      %swap3A_1115 = tpu.vector_load %arg9[%swap3A_1113, %swap3A_1114] {strides = array<i32>} : memref<32x1024xf32, #tpu.memory_space<vmem>>, vector<1x16xf32>,
      %swap3A_1116 = vector.shape_cast %swap3A_1115 : vector<1x16xf32> to vector<16xf32>
      %swap3A_1117 = vector.shape_cast %get3A_9 : vector<16xf32> to vector<1x16xf32>
      tpu.vector_store %arg9[%swap3A_1113, %swap3A_1114], %swap3A_1117 {add = true, strides = array<i32>} : memref<32x1024xf32, #tpu.memory_space<vmem>>, vector<1x16xf32>,
      %swap3A_1118 = arith.constant 31 : i32
      %swap3A_1119 = arith.index_cast %swap3A_1118 : i32 to index
      %swap3A_1120 = arith.constant 768 : index
      %swap3A_1121 = tpu.vector_load %arg9[%swap3A_1119, %swap3A_1120] {strides = array<i32>} : memref<32x1024xf32, #tpu.memory_space<vmem>>, vector<1x16xf32>,
      %swap3A_1122 = vector.shape_cast %swap3A_1121 : vector<1x16xf32> to vector<16xf32>
      %swap3A_1123 = vector.shape_cast %get3A_14 : vector<16xf32> to vector<1x16xf32>
      tpu.vector_store %arg9[%swap3A_1119, %swap3A_1120], %swap3A_1123 {add = true, strides = array<i32>} : memref<32x1024xf32, #tpu.memory_space<vmem>>, vector<1x16xf32>,
      %swap3A_1124 = arith.constant 31 : i32
      %swap3A_1125 = arith.index_cast %swap3A_1124 : i32 to index
      %swap3A_1126 = arith.constant 784 : index
      %swap3A_1127 = tpu.vector_load %arg9[%swap3A_1125, %swap3A_1126] {strides = array<i32>} : memref<32x1024xf32, #tpu.memory_space<vmem>>, vector<1x16xf32>,
      %swap3A_1128 = vector.shape_cast %swap3A_1127 : vector<1x16xf32> to vector<16xf32>
      %swap3A_1129 = vector.shape_cast %get3A_19 : vector<16xf32> to vector<1x16xf32>
      tpu.vector_store %arg9[%swap3A_1125, %swap3A_1126], %swap3A_1129 {add = true, strides = array<i32>} : memref<32x1024xf32, #tpu.memory_space<vmem>>, vector<1x16xf32>,
      %swap3A_1130 = arith.constant 31 : i32
      %swap3A_1131 = arith.index_cast %swap3A_1130 : i32 to index
      %swap3A_1132 = arith.constant 800 : index
      %swap3A_1133 = tpu.vector_load %arg9[%swap3A_1131, %swap3A_1132] {strides = array<i32>} : memref<32x1024xf32, #tpu.memory_space<vmem>>, vector<1x16xf32>,
      %swap3A_1134 = vector.shape_cast %swap3A_1133 : vector<1x16xf32> to vector<16xf32>
      %swap3A_1135 = vector.shape_cast %get3A_24 : vector<16xf32> to vector<1x16xf32>
      tpu.vector_store %arg9[%swap3A_1131, %swap3A_1132], %swap3A_1135 {add = true, strides = array<i32>} : memref<32x1024xf32, #tpu.memory_space<vmem>>, vector<1x16xf32>,
      %swap3A_1136 = arith.constant 31 : i32
      %swap3A_1137 = arith.index_cast %swap3A_1136 : i32 to index
      %swap3A_1138 = arith.constant 816 : index
      %swap3A_1139 = tpu.vector_load %arg9[%swap3A_1137, %swap3A_1138] {strides = array<i32>} : memref<32x1024xf32, #tpu.memory_space<vmem>>, vector<1x16xf32>,
      %swap3A_1140 = vector.shape_cast %swap3A_1139 : vector<1x16xf32> to vector<16xf32>
      %swap3A_1141 = vector.shape_cast %get3A_29 : vector<16xf32> to vector<1x16xf32>
      tpu.vector_store %arg9[%swap3A_1137, %swap3A_1138], %swap3A_1141 {add = true, strides = array<i32>} : memref<32x1024xf32, #tpu.memory_space<vmem>>, vector<1x16xf32>,
      %swap3A_1142 = arith.constant 31 : i32
      %swap3A_1143 = arith.index_cast %swap3A_1142 : i32 to index
      %swap3A_1144 = arith.constant 832 : index
      %swap3A_1145 = tpu.vector_load %arg9[%swap3A_1143, %swap3A_1144] {strides = array<i32>} : memref<32x1024xf32, #tpu.memory_space<vmem>>, vector<1x16xf32>,
      %swap3A_1146 = vector.shape_cast %swap3A_1145 : vector<1x16xf32> to vector<16xf32>
      %swap3A_1147 = vector.shape_cast %get3A_34 : vector<16xf32> to vector<1x16xf32>
      tpu.vector_store %arg9[%swap3A_1143, %swap3A_1144], %swap3A_1147 {add = true, strides = array<i32>} : memref<32x1024xf32, #tpu.memory_space<vmem>>, vector<1x16xf32>,
      %swap3A_1148 = arith.constant 31 : i32
      %swap3A_1149 = arith.index_cast %swap3A_1148 : i32 to index
      %swap3A_1150 = arith.constant 848 : index
      %swap3A_1151 = tpu.vector_load %arg9[%swap3A_1149, %swap3A_1150] {strides = array<i32>} : memref<32x1024xf32, #tpu.memory_space<vmem>>, vector<1x16xf32>,
      %swap3A_1152 = vector.shape_cast %swap3A_1151 : vector<1x16xf32> to vector<16xf32>
      %swap3A_1153 = vector.shape_cast %get3A_39 : vector<16xf32> to vector<1x16xf32>
      tpu.vector_store %arg9[%swap3A_1149, %swap3A_1150], %swap3A_1153 {add = true, strides = array<i32>} : memref<32x1024xf32, #tpu.memory_space<vmem>>, vector<1x16xf32>,
      %swap3A_1154 = arith.constant 31 : i32
      %swap3A_1155 = arith.index_cast %swap3A_1154 : i32 to index
      %swap3A_1156 = arith.constant 864 : index
      %swap3A_1157 = tpu.vector_load %arg9[%swap3A_1155, %swap3A_1156] {strides = array<i32>} : memref<32x1024xf32, #tpu.memory_space<vmem>>, vector<1x16xf32>,
      %swap3A_1158 = vector.shape_cast %swap3A_1157 : vector<1x16xf32> to vector<16xf32>
      %swap3A_1159 = vector.shape_cast %get3A_44 : vector<16xf32> to vector<1x16xf32>
      tpu.vector_store %arg9[%swap3A_1155, %swap3A_1156], %swap3A_1159 {add = true, strides = array<i32>} : memref<32x1024xf32, #tpu.memory_space<vmem>>, vector<1x16xf32>,
      %swap3A_1160 = arith.constant 31 : i32
      %swap3A_1161 = arith.index_cast %swap3A_1160 : i32 to index
      %swap3A_1162 = arith.constant 880 : index
      %swap3A_1163 = tpu.vector_load %arg9[%swap3A_1161, %swap3A_1162] {strides = array<i32>} : memref<32x1024xf32, #tpu.memory_space<vmem>>, vector<1x16xf32>,
      %swap3A_1164 = vector.shape_cast %swap3A_1163 : vector<1x16xf32> to vector<16xf32>
      %swap3A_1165 = vector.shape_cast %get3A_49 : vector<16xf32> to vector<1x16xf32>
      tpu.vector_store %arg9[%swap3A_1161, %swap3A_1162], %swap3A_1165 {add = true, strides = array<i32>} : memref<32x1024xf32, #tpu.memory_space<vmem>>, vector<1x16xf32>,
      %swap3A_1166 = arith.constant 31 : i32
      %swap3A_1167 = arith.index_cast %swap3A_1166 : i32 to index
      %swap3A_1168 = arith.constant 896 : index
      %swap3A_1169 = tpu.vector_load %arg9[%swap3A_1167, %swap3A_1168] {strides = array<i32>} : memref<32x1024xf32, #tpu.memory_space<vmem>>, vector<1x16xf32>,
      %swap3A_1170 = vector.shape_cast %swap3A_1169 : vector<1x16xf32> to vector<16xf32>
      %swap3A_1171 = vector.shape_cast %get3A_54 : vector<16xf32> to vector<1x16xf32>
      tpu.vector_store %arg9[%swap3A_1167, %swap3A_1168], %swap3A_1171 {add = true, strides = array<i32>} : memref<32x1024xf32, #tpu.memory_space<vmem>>, vector<1x16xf32>,
      %swap3A_1172 = arith.constant 31 : i32
      %swap3A_1173 = arith.index_cast %swap3A_1172 : i32 to index
      %swap3A_1174 = arith.constant 912 : index
      %swap3A_1175 = tpu.vector_load %arg9[%swap3A_1173, %swap3A_1174] {strides = array<i32>} : memref<32x1024xf32, #tpu.memory_space<vmem>>, vector<1x16xf32>,
      %swap3A_1176 = vector.shape_cast %swap3A_1175 : vector<1x16xf32> to vector<16xf32>
      %swap3A_1177 = vector.shape_cast %get3A_59 : vector<16xf32> to vector<1x16xf32>
      tpu.vector_store %arg9[%swap3A_1173, %swap3A_1174], %swap3A_1177 {add = true, strides = array<i32>} : memref<32x1024xf32, #tpu.memory_space<vmem>>, vector<1x16xf32>,
      %swap3A_1178 = arith.constant 31 : i32
      %swap3A_1179 = arith.index_cast %swap3A_1178 : i32 to index
      %swap3A_1180 = arith.constant 928 : index
      %swap3A_1181 = tpu.vector_load %arg9[%swap3A_1179, %swap3A_1180] {strides = array<i32>} : memref<32x1024xf32, #tpu.memory_space<vmem>>, vector<1x16xf32>,
      %swap3A_1182 = vector.shape_cast %swap3A_1181 : vector<1x16xf32> to vector<16xf32>
      %swap3A_1183 = vector.shape_cast %get3A_64 : vector<16xf32> to vector<1x16xf32>
      tpu.vector_store %arg9[%swap3A_1179, %swap3A_1180], %swap3A_1183 {add = true, strides = array<i32>} : memref<32x1024xf32, #tpu.memory_space<vmem>>, vector<1x16xf32>,
      %swap3A_1184 = arith.constant 31 : i32
      %swap3A_1185 = arith.index_cast %swap3A_1184 : i32 to index
      %swap3A_1186 = arith.constant 944 : index
      %swap3A_1187 = tpu.vector_load %arg9[%swap3A_1185, %swap3A_1186] {strides = array<i32>} : memref<32x1024xf32, #tpu.memory_space<vmem>>, vector<1x16xf32>,
      %swap3A_1188 = vector.shape_cast %swap3A_1187 : vector<1x16xf32> to vector<16xf32>
      %swap3A_1189 = vector.shape_cast %get3A_69 : vector<16xf32> to vector<1x16xf32>
      tpu.vector_store %arg9[%swap3A_1185, %swap3A_1186], %swap3A_1189 {add = true, strides = array<i32>} : memref<32x1024xf32, #tpu.memory_space<vmem>>, vector<1x16xf32>,
      %swap3A_1190 = arith.constant 31 : i32
      %swap3A_1191 = arith.index_cast %swap3A_1190 : i32 to index
      %swap3A_1192 = arith.constant 960 : index
      %swap3A_1193 = tpu.vector_load %arg9[%swap3A_1191, %swap3A_1192] {strides = array<i32>} : memref<32x1024xf32, #tpu.memory_space<vmem>>, vector<1x16xf32>,
      %swap3A_1194 = vector.shape_cast %swap3A_1193 : vector<1x16xf32> to vector<16xf32>
      %swap3A_1195 = vector.shape_cast %get3A_74 : vector<16xf32> to vector<1x16xf32>
      tpu.vector_store %arg9[%swap3A_1191, %swap3A_1192], %swap3A_1195 {add = true, strides = array<i32>} : memref<32x1024xf32, #tpu.memory_space<vmem>>, vector<1x16xf32>,
      %swap3A_1196 = arith.constant 31 : i32
      %swap3A_1197 = arith.index_cast %swap3A_1196 : i32 to index
      %swap3A_1198 = arith.constant 976 : index
      %swap3A_1199 = tpu.vector_load %arg9[%swap3A_1197, %swap3A_1198] {strides = array<i32>} : memref<32x1024xf32, #tpu.memory_space<vmem>>, vector<1x16xf32>,
      %swap3A_1200 = vector.shape_cast %swap3A_1199 : vector<1x16xf32> to vector<16xf32>
      %swap3A_1201 = vector.shape_cast %get3A_79 : vector<16xf32> to vector<1x16xf32>
      tpu.vector_store %arg9[%swap3A_1197, %swap3A_1198], %swap3A_1201 {add = true, strides = array<i32>} : memref<32x1024xf32, #tpu.memory_space<vmem>>, vector<1x16xf32>,
      %swap3A_1202 = arith.constant 31 : i32
      %swap3A_1203 = arith.index_cast %swap3A_1202 : i32 to index
      %swap3A_1204 = arith.constant 992 : index
      %swap3A_1205 = tpu.vector_load %arg9[%swap3A_1203, %swap3A_1204] {strides = array<i32>} : memref<32x1024xf32, #tpu.memory_space<vmem>>, vector<1x16xf32>,
      %swap3A_1206 = vector.shape_cast %swap3A_1205 : vector<1x16xf32> to vector<16xf32>
      %swap3A_1207 = vector.shape_cast %get3A_84 : vector<16xf32> to vector<1x16xf32>
      tpu.vector_store %arg9[%swap3A_1203, %swap3A_1204], %swap3A_1207 {add = true, strides = array<i32>} : memref<32x1024xf32, #tpu.memory_space<vmem>>, vector<1x16xf32>,
      %swap3A_1208 = arith.constant 31 : i32
      %swap3A_1209 = arith.index_cast %swap3A_1208 : i32 to index
      %swap3A_1210 = arith.constant 1008 : index
      %swap3A_1211 = tpu.vector_load %arg9[%swap3A_1209, %swap3A_1210] {strides = array<i32>} : memref<32x1024xf32, #tpu.memory_space<vmem>>, vector<1x16xf32>,
      %swap3A_1212 = vector.shape_cast %swap3A_1211 : vector<1x16xf32> to vector<16xf32>
      %swap3A_1213 = vector.shape_cast %get3A_89 : vector<16xf32> to vector<1x16xf32>
      tpu.vector_store %arg9[%swap3A_1209, %swap3A_1210], %swap3A_1213 {add = true, strides = array<i32>} : memref<32x1024xf32, #tpu.memory_space<vmem>>, vector<1x16xf32>,
      %mul3A_1214 = arith.constant 32 : i32
      %mul3A_1215 = arith.muli %add3A, %mul3A_1214 : i32
      %dma_start3A_1216 = arith.constant 0 : i32
      %dma_start3A_1217 = tpu.memref_slice %arg6[%add3A_1071, %mul3A_1215, %dma_start3A_1216] : memref<128x1024x1024xf32, #tpu.memory_space<hbm>> -> memref<1x32x1024xf32, #tpu.memory_space<hbm>>
      %dma_start3A_1218 = tpu.memref_squeeze %dma_start3A_1217 : memref<1x32x1024xf32, #tpu.memory_space<hbm>> -> memref<32x1024xf32, #tpu.memory_space<hbm>>
      %dma_start3A_1219 = arith.constant 0 : i32
      %dma_start3A_1220 = tpu.memref_slice %arg6[%add3A_1071, %mul3A_1215, %dma_start3A_1219] : memref<128x1024x1024xf32, #tpu.memory_space<hbm>> -> memref<1x32x1024xf32, #tpu.memory_space<hbm>>
      %dma_start3A_1221 = tpu.memref_squeeze %dma_start3A_1220 : memref<1x32x1024xf32, #tpu.memory_space<hbm>> -> memref<32x1024xf32, #tpu.memory_space<hbm>>
      tpu.enqueue_dma source(%arg9 : memref<32x1024xf32, #tpu.memory_space<vmem>>) target(%dma_start3A_1221 : memref<32x1024xf32, #tpu.memory_space<hbm>>) target_semaphore(%arg15 : memref<!tpu.dma_semaphore, #tpu.memory_space<semaphore_mem>>)
      %mul3A_1222 = arith.constant 32 : i32
      %mul3A_1223 = arith.muli %add3A, %mul3A_1222 : i32
      %dma_wait3A_1224 = arith.constant 0 : i32
      %dma_wait3A_1225 = arith.constant 0 : i32
      %dma_wait3A_1226 = tpu.memref_slice %arg6[%dma_wait3A_1224, %mul3A_1223, %dma_wait3A_1225] : memref<128x1024x1024xf32, #tpu.memory_space<hbm>> -> memref<1x32x1024xf32, #tpu.memory_space<hbm>>
      %dma_wait3A_1227 = tpu.memref_squeeze %dma_wait3A_1226 : memref<1x32x1024xf32, #tpu.memory_space<hbm>> -> memref<32x1024xf32, #tpu.memory_space<hbm>>
      %dma_wait3A_1228 = arith.constant 0 : i32
      %dma_wait3A_1229 = tpu.memref_slice %arg6[%dma_wait3A_1224, %mul3A_1223, %dma_wait3A_1228] : memref<128x1024x1024xf32, #tpu.memory_space<hbm>> -> memref<1x32x1024xf32, #tpu.memory_space<hbm>>
      %dma_wait3A_1230 = tpu.memref_squeeze %dma_wait3A_1229 : memref<1x32x1024xf32, #tpu.memory_space<hbm>> -> memref<32x1024xf32, #tpu.memory_space<hbm>>
      tpu.wait_dma2 semaphore(%arg17 : memref<!tpu.dma_semaphore, #tpu.memory_space<semaphore_mem>>) src(%arg11 : memref<32x1024xf32, #tpu.memory_space<vmem>>) dst(%dma_wait3A_1230 : memref<32x1024xf32, #tpu.memory_space<hbm>>)
      %jit3A_1231 = arith.constant 4 : i32
      %eq3A_1232 = arith.constant 0 : i32
      %eq3A_1233 = arith.cmpi eq, %jit3A_1231, %eq3A_1232 : i32
      %jit3A_1234 = arith.constant 1 : i32
      %select_n3A_1235 = arith.select %eq3A_1233, %jit3A_1234, %jit3A_1231 : i32
      %rem3A_1236 = arith.remsi %add3A_1071, %select_n3A_1235 : i32
      %ne3A_1237 = arith.constant 0 : i32
      %ne3A_1238 = arith.cmpi ne, %rem3A_1236, %ne3A_1237 : i32
      %lt3A_1239 = arith.constant 0 : i32
      %lt3A_1240 = arith.cmpi slt, %rem3A_1236, %lt3A_1239 : i32
      %lt3A_1241 = arith.constant 0 : i32
      %lt3A_1242 = arith.cmpi slt, %select_n3A_1235, %lt3A_1241 : i32
      %ne3A_1243 = arith.xori %lt3A_1240, %lt3A_1242 : i1
      %and3A_1244 = arith.andi %ne3A_1243, %ne3A_1238 : i1
      %add3A_1245 = arith.addi %rem3A_1236, %select_n3A_1235 : i32
      %select_n3A_1246 = arith.select %and3A_1244, %add3A_1245, %rem3A_1236 : i32
      %eq3A_1247 = arith.constant 2 : i32
      %eq3A_1248 = arith.cmpi eq, %select_n3A_1246, %eq3A_1247 : i32
      %le3A_1249 = arith.constant 122 : i32
      %le3A_1250 = arith.cmpi sle, %add3A_1071, %le3A_1249 : i32
      %and3A_1251 = arith.andi %eq3A_1248, %le3A_1250 : i1
      %convert_element_type3A_1252 = arith.extui %and3A_1251 : i1 to i32
      %cond3A_1253 = arith.constant 0 : i32
      %cond3A_1254 = arith.cmpi ne, %convert_element_type3A_1252, %cond3A_1253 : i32
      scf.if %cond3A_1254 {
        %dma_wait3A_1574 = arith.constant 0 : i32
        %dma_wait3A_1575 = arith.constant 0 : i32
        %dma_wait3A_1576 = tpu.memref_slice %arg7[%dma_wait3A_1574, %dma_wait3A_1575] : memref<2x128xi32, #tpu.memory_space<vmem>> -> memref<1x128xi32, #tpu.memory_space<vmem>>
        %dma_wait3A_1577 = tpu.memref_squeeze %dma_wait3A_1576 : memref<1x128xi32, #tpu.memory_space<vmem>> -> memref<128xi32, #tpu.memory_space<vmem>>
        %dma_wait3A_1578 = arith.constant 0 : i32
        %dma_wait3A_1579 = tpu.memref_slice %arg2[%add3A, %dma_wait3A_1578] : memref<32x4096xi32, #tpu.memory_space<hbm>> -> memref<1x128xi32, #tpu.memory_space<hbm>>
        %dma_wait3A_1580 = tpu.memref_squeeze %dma_wait3A_1579 : memref<1x128xi32, #tpu.memory_space<hbm>> -> memref<128xi32, #tpu.memory_space<hbm>>
        %dma_wait3A_1581 = arith.constant 0 : i32
        %dma_wait3A_1582 = tpu.memref_slice %arg7[%dma_wait3A_1574, %dma_wait3A_1581] : memref<2x128xi32, #tpu.memory_space<vmem>> -> memref<1x128xi32, #tpu.memory_space<vmem>>
        %dma_wait3A_1583 = tpu.memref_squeeze %dma_wait3A_1582 : memref<1x128xi32, #tpu.memory_space<vmem>> -> memref<128xi32, #tpu.memory_space<vmem>>
        %dma_wait3A_1584 = arith.constant 0 : i32
        %dma_wait3A_1585 = tpu.memref_slice %arg2[%add3A, %dma_wait3A_1584] : memref<32x4096xi32, #tpu.memory_space<hbm>> -> memref<1x128xi32, #tpu.memory_space<hbm>>
        %dma_wait3A_1586 = tpu.memref_squeeze %dma_wait3A_1585 : memref<1x128xi32, #tpu.memory_space<hbm>> -> memref<128xi32, #tpu.memory_space<hbm>>
        tpu.wait_dma2 semaphore(%arg18 : memref<!tpu.dma_semaphore, #tpu.memory_space<semaphore_mem>>) src(%dma_wait3A_1586 : memref<128xi32, #tpu.memory_space<hbm>>) dst(%dma_wait3A_1583 : memref<128xi32, #tpu.memory_space<vmem>>)
      } else {
      }
      %add3A_1255 = arith.constant 2 : i32
      %add3A_1256 = arith.addi %add3A_1071, %add3A_1255 : i32
      %jit3A_1257 = arith.constant 4 : i32
      %div3A_1258 = arith.divsi %add3A_1256, %jit3A_1257 : i32
      %sign3A_1259 = arith.constant 0 : i32
      %sign3A_1260 = arith.cmpi sgt, %add3A_1256, %sign3A_1259 : i32
      %sign3A_1261 = arith.extui %sign3A_1260 : i1 to i32
      %sign3A_1262 = arith.constant 0 : i32
      %sign3A_1263 = arith.cmpi slt, %add3A_1256, %sign3A_1262 : i32
      %sign3A_1264 = arith.extui %sign3A_1263 : i1 to i32
      %sign3A_1265 = arith.subi %sign3A_1261, %sign3A_1264 : i32
      %sign3A_1266 = arith.constant 0 : i32
      %sign3A_1267 = arith.cmpi sgt, %jit3A_1257, %sign3A_1266 : i32
      %sign3A_1268 = arith.extui %sign3A_1267 : i1 to i32
      %sign3A_1269 = arith.constant 0 : i32
      %sign3A_1270 = arith.cmpi slt, %jit3A_1257, %sign3A_1269 : i32
      %sign3A_1271 = arith.extui %sign3A_1270 : i1 to i32
      %sign3A_1272 = arith.subi %sign3A_1268, %sign3A_1271 : i32
      %ne3A_1273 = arith.cmpi ne, %sign3A_1265, %sign3A_1272 : i32
      %rem3A_1274 = arith.remsi %add3A_1256, %jit3A_1257 : i32
      %ne3A_1275 = arith.constant 0 : i32
      %ne3A_1276 = arith.cmpi ne, %rem3A_1274, %ne3A_1275 : i32
      %and3A_1277 = arith.andi %ne3A_1273, %ne3A_1276 : i1
      %sub3A_1278 = arith.constant 1 : i32
      %sub3A_1279 = arith.subi %div3A_1258, %sub3A_1278 : i32
      %select_n3A_1280 = arith.select %and3A_1277, %sub3A_1279, %div3A_1258 : i32
      %jit3A_1281 = arith.constant 2 : i32
      %eq3A_1282 = arith.constant 0 : i32
      %eq3A_1283 = arith.cmpi eq, %jit3A_1281, %eq3A_1282 : i32
      %jit3A_1284 = arith.constant 1 : i32
      %select_n3A_1285 = arith.select %eq3A_1283, %jit3A_1284, %jit3A_1281 : i32
      %rem3A_1286 = arith.remsi %select_n3A_1280, %select_n3A_1285 : i32
      %ne3A_1287 = arith.constant 0 : i32
      %ne3A_1288 = arith.cmpi ne, %rem3A_1286, %ne3A_1287 : i32
      %lt3A_1289 = arith.constant 0 : i32
      %lt3A_1290 = arith.cmpi slt, %rem3A_1286, %lt3A_1289 : i32
      %lt3A_1291 = arith.constant 0 : i32
      %lt3A_1292 = arith.cmpi slt, %select_n3A_1285, %lt3A_1291 : i32
      %ne3A_1293 = arith.xori %lt3A_1290, %lt3A_1292 : i1
      %and3A_1294 = arith.andi %ne3A_1293, %ne3A_1288 : i1
      %add3A_1295 = arith.addi %rem3A_1286, %select_n3A_1285 : i32
      %select_n3A_1296 = arith.select %and3A_1294, %add3A_1295, %rem3A_1286 : i32
      %jit3A_1297 = arith.constant 4 : i32
      %eq3A_1298 = arith.constant 0 : i32
      %eq3A_1299 = arith.cmpi eq, %jit3A_1297, %eq3A_1298 : i32
      %jit3A_1300 = arith.constant 1 : i32
      %select_n3A_1301 = arith.select %eq3A_1299, %jit3A_1300, %jit3A_1297 : i32
      %rem3A_1302 = arith.remsi %add3A_1256, %select_n3A_1301 : i32
      %ne3A_1303 = arith.constant 0 : i32
      %ne3A_1304 = arith.cmpi ne, %rem3A_1302, %ne3A_1303 : i32
      %lt3A_1305 = arith.constant 0 : i32
      %lt3A_1306 = arith.cmpi slt, %rem3A_1302, %lt3A_1305 : i32
      %lt3A_1307 = arith.constant 0 : i32
      %lt3A_1308 = arith.cmpi slt, %select_n3A_1301, %lt3A_1307 : i32
      %ne3A_1309 = arith.xori %lt3A_1306, %lt3A_1308 : i1
      %and3A_1310 = arith.andi %ne3A_1309, %ne3A_1304 : i1
      %add3A_1311 = arith.addi %rem3A_1302, %select_n3A_1301 : i32
      %select_n3A_1312 = arith.select %and3A_1310, %add3A_1311, %rem3A_1302 : i32
      %mul3A_1313 = arith.constant 32 : i32
      %mul3A_1314 = arith.muli %select_n3A_1312, %mul3A_1313 : i32
      %dma_start3A_1315 = tpu.memref_slice %arg7[%select_n3A_1296, %mul3A_1314] : memref<2x128xi32, #tpu.memory_space<vmem>> -> memref<1x32xi32, #tpu.memory_space<vmem>>
      %dma_start3A_1316 = tpu.memref_squeeze %dma_start3A_1315 : memref<1x32xi32, #tpu.memory_space<vmem>> -> memref<32xi32, #tpu.memory_space<vmem>>
      %dma_start3A_1317 = arith.constant 0 : i32
      %dma_start3A_1318 = arith.constant 0 : i32
      %dma_start3A_1319 = tpu.memref_slice %arg3[%dma_start3A_1317, %dma_start3A_1318] : memref<65536x1024xf32, #tpu.memory_space<hbm>> -> memref<65536x1024xf32, #tpu.memory_space<hbm>>
      tpu.enqueue_indirect_dma source(%dma_start3A_1319 : memref<65536x1024xf32, #tpu.memory_space<hbm>>) target(%arg11 : memref<32x1024xf32, #tpu.memory_space<vmem>>) offsets(%dma_start3A_1316 : memref<32xi32, #tpu.memory_space<vmem>>) semaphore(%arg14 : memref<!tpu.dma_semaphore, #tpu.memory_space<semaphore_mem>>)
      %mul3A_1320 = arith.constant 3 : i32
      %mul3A_1321 = arith.muli %mul3A_1320, %scan3A_823 : i32
      %add3A_1322 = arith.constant 2 : i32
      %add3A_1323 = arith.addi %mul3A_1321, %add3A_1322 : i32
      %add3A_1324 = arith.constant 2 : i32
      %add3A_1325 = arith.addi %add3A_1323, %add3A_1324 : i32
      %dma_wait3A_1326 = arith.constant 0 : i32
      %dma_wait3A_1327 = arith.constant 0 : i32
      %dma_wait3A_1328 = tpu.memref_slice %arg7[%dma_wait3A_1326, %dma_wait3A_1327] : memref<2x128xi32, #tpu.memory_space<vmem>> -> memref<1x32xi32, #tpu.memory_space<vmem>>
      %dma_wait3A_1329 = tpu.memref_squeeze %dma_wait3A_1328 : memref<1x32xi32, #tpu.memory_space<vmem>> -> memref<32xi32, #tpu.memory_space<vmem>>
      %dma_wait3A_1330 = arith.constant 0 : i32
      %dma_wait3A_1331 = arith.constant 0 : i32
      %dma_wait3A_1332 = tpu.memref_slice %arg3[%dma_wait3A_1330, %dma_wait3A_1331] : memref<65536x1024xf32, #tpu.memory_space<hbm>> -> memref<65536x1024xf32, #tpu.memory_space<hbm>>
      tpu.wait_indirect_dma semaphore(%arg13 : memref<!tpu.dma_semaphore, #tpu.memory_space<semaphore_mem>>) src(%dma_wait3A_1332 : memref<65536x1024xf32, #tpu.memory_space<hbm>>) dst(%arg10 : memref<32x1024xf32, #tpu.memory_space<vmem>>)
      %jit3A_1333 = arith.constant 4 : i32
      %eq3A_1334 = arith.constant 0 : i32
      %eq3A_1335 = arith.cmpi eq, %jit3A_1333, %eq3A_1334 : i32
      %jit3A_1336 = arith.constant 1 : i32
      %select_n3A_1337 = arith.select %eq3A_1335, %jit3A_1336, %jit3A_1333 : i32
      %rem3A_1338 = arith.remsi %add3A_1325, %select_n3A_1337 : i32
      %ne3A_1339 = arith.constant 0 : i32
      %ne3A_1340 = arith.cmpi ne, %rem3A_1338, %ne3A_1339 : i32
      %lt3A_1341 = arith.constant 0 : i32
      %lt3A_1342 = arith.cmpi slt, %rem3A_1338, %lt3A_1341 : i32
      %lt3A_1343 = arith.constant 0 : i32
      %lt3A_1344 = arith.cmpi slt, %select_n3A_1337, %lt3A_1343 : i32
      %ne3A_1345 = arith.xori %lt3A_1342, %lt3A_1344 : i1
      %and3A_1346 = arith.andi %ne3A_1345, %ne3A_1340 : i1
      %add3A_1347 = arith.addi %rem3A_1338, %select_n3A_1337 : i32
      %select_n3A_1348 = arith.select %and3A_1346, %add3A_1347, %rem3A_1338 : i32
      %eq3A_1349 = arith.constant 0 : i32
      %eq3A_1350 = arith.cmpi eq, %select_n3A_1348, %eq3A_1349 : i32
      %le3A_1351 = arith.constant 120 : i32
      %le3A_1352 = arith.cmpi sle, %add3A_1325, %le3A_1351 : i32
      %and3A_1353 = arith.andi %eq3A_1350, %le3A_1352 : i1
      %convert_element_type3A_1354 = arith.extui %and3A_1353 : i1 to i32
      %cond3A_1355 = arith.constant 0 : i32
      %cond3A_1356 = arith.cmpi ne, %convert_element_type3A_1354, %cond3A_1355 : i32
      scf.if %cond3A_1356 {
        %jit3A_1574 = arith.constant 4 : i32
        %div3A_1575 = arith.divsi %add3A_1325, %jit3A_1574 : i32
        %sign3A_1576 = arith.constant 0 : i32
        %sign3A_1577 = arith.cmpi sgt, %add3A_1325, %sign3A_1576 : i32
        %sign3A_1578 = arith.extui %sign3A_1577 : i1 to i32
        %sign3A_1579 = arith.constant 0 : i32
        %sign3A_1580 = arith.cmpi slt, %add3A_1325, %sign3A_1579 : i32
        %sign3A_1581 = arith.extui %sign3A_1580 : i1 to i32
        %sign3A_1582 = arith.subi %sign3A_1578, %sign3A_1581 : i32
        %sign3A_1583 = arith.constant 0 : i32
        %sign3A_1584 = arith.cmpi sgt, %jit3A_1574, %sign3A_1583 : i32
        %sign3A_1585 = arith.extui %sign3A_1584 : i1 to i32
        %sign3A_1586 = arith.constant 0 : i32
        %sign3A_1587 = arith.cmpi slt, %jit3A_1574, %sign3A_1586 : i32
        %sign3A_1588 = arith.extui %sign3A_1587 : i1 to i32
        %sign3A_1589 = arith.subi %sign3A_1585, %sign3A_1588 : i32
        %ne3A_1590 = arith.cmpi ne, %sign3A_1582, %sign3A_1589 : i32
        %rem3A_1591 = arith.remsi %add3A_1325, %jit3A_1574 : i32
        %ne3A_1592 = arith.constant 0 : i32
        %ne3A_1593 = arith.cmpi ne, %rem3A_1591, %ne3A_1592 : i32
        %and3A_1594 = arith.andi %ne3A_1590, %ne3A_1593 : i1
        %sub3A_1595 = arith.constant 1 : i32
        %sub3A_1596 = arith.subi %div3A_1575, %sub3A_1595 : i32
        %select_n3A_1597 = arith.select %and3A_1594, %sub3A_1596, %div3A_1575 : i32
        %add3A_1598 = arith.constant 1 : i32
        %add3A_1599 = arith.addi %select_n3A_1597, %add3A_1598 : i32
        %mul3A_1600 = arith.constant 128 : i32
        %mul3A_1601 = arith.muli %add3A_1599, %mul3A_1600 : i32
        %jit3A_1602 = arith.constant 2 : i32
        %eq3A_1603 = arith.constant 0 : i32
        %eq3A_1604 = arith.cmpi eq, %jit3A_1602, %eq3A_1603 : i32
        %jit3A_1605 = arith.constant 1 : i32
        %select_n3A_1606 = arith.select %eq3A_1604, %jit3A_1605, %jit3A_1602 : i32
        %rem3A_1607 = arith.remsi %add3A_1599, %select_n3A_1606 : i32
        %ne3A_1608 = arith.constant 0 : i32
        %ne3A_1609 = arith.cmpi ne, %rem3A_1607, %ne3A_1608 : i32
        %lt3A_1610 = arith.constant 0 : i32
        %lt3A_1611 = arith.cmpi slt, %rem3A_1607, %lt3A_1610 : i32
        %lt3A_1612 = arith.constant 0 : i32
        %lt3A_1613 = arith.cmpi slt, %select_n3A_1606, %lt3A_1612 : i32
        %ne3A_1614 = arith.xori %lt3A_1611, %lt3A_1613 : i1
        %and3A_1615 = arith.andi %ne3A_1614, %ne3A_1609 : i1
        %add3A_1616 = arith.addi %rem3A_1607, %select_n3A_1606 : i32
        %select_n3A_1617 = arith.select %and3A_1615, %add3A_1616, %rem3A_1607 : i32
        %dma_start3A_1618 = arith.constant 0 : i32
        %dma_start3A_1619 = tpu.memref_slice %arg7[%select_n3A_1617, %dma_start3A_1618] : memref<2x128xi32, #tpu.memory_space<vmem>> -> memref<1x128xi32, #tpu.memory_space<vmem>>
        %dma_start3A_1620 = tpu.memref_squeeze %dma_start3A_1619 : memref<1x128xi32, #tpu.memory_space<vmem>> -> memref<128xi32, #tpu.memory_space<vmem>>
        %dma_start3A_1621 = tpu.memref_slice %arg2[%add3A, %mul3A_1601] : memref<32x4096xi32, #tpu.memory_space<hbm>> -> memref<1x128xi32, #tpu.memory_space<hbm>>
        %dma_start3A_1622 = tpu.memref_squeeze %dma_start3A_1621 : memref<1x128xi32, #tpu.memory_space<hbm>> -> memref<128xi32, #tpu.memory_space<hbm>>
        %dma_start3A_1623 = arith.constant 0 : i32
        %dma_start3A_1624 = tpu.memref_slice %arg7[%select_n3A_1617, %dma_start3A_1623] : memref<2x128xi32, #tpu.memory_space<vmem>> -> memref<1x128xi32, #tpu.memory_space<vmem>>
        %dma_start3A_1625 = tpu.memref_squeeze %dma_start3A_1624 : memref<1x128xi32, #tpu.memory_space<vmem>> -> memref<128xi32, #tpu.memory_space<vmem>>
        %dma_start3A_1626 = tpu.memref_slice %arg2[%add3A, %mul3A_1601] : memref<32x4096xi32, #tpu.memory_space<hbm>> -> memref<1x128xi32, #tpu.memory_space<hbm>>
        %dma_start3A_1627 = tpu.memref_squeeze %dma_start3A_1626 : memref<1x128xi32, #tpu.memory_space<hbm>> -> memref<128xi32, #tpu.memory_space<hbm>>
        tpu.enqueue_dma source(%dma_start3A_1627 : memref<128xi32, #tpu.memory_space<hbm>>) target(%dma_start3A_1625 : memref<128xi32, #tpu.memory_space<vmem>>) target_semaphore(%arg18 : memref<!tpu.dma_semaphore, #tpu.memory_space<semaphore_mem>>)
      } else {
      }
      %scan3A_1357 = arith.constant 0 : i32
      %scan3A_1358 = arith.constant 0 : i32
      %scan3A_1359 = arith.constant 31 : i32
      %scan3A_1360 = arith.addi %scan3A_1358, %scan3A_1359 : i32
      %scan3A_1361 = arith.constant 1 : i32
      scf.for %scan3A_1574 = %scan3A_1358 to %scan3A_1360 step %scan3A_1361  : i32 {
        %mul3A_1575 = arith.constant 1024 : i32
        %mul3A_1576 = arith.muli %scan3A_1574, %mul3A_1575 : i32
        %multiple_of3A = tpu.assume_multiple %mul3A_1576, 1024 : i32
        %parallel_loop3A_1577 = arith.constant 0 : i32
        %parallel_loop3A_1578 = arith.constant 64 : i32
        %parallel_loop3A_1579 = arith.constant 1 : i32
        scf.for %parallel_loop3A_1580 = %parallel_loop3A_1577 to %parallel_loop3A_1578 step %parallel_loop3A_1579  : i32 {
          %parallel_loop3A_1581 = arith.constant 16 : i32
          %parallel_loop3A_1582 = arith.muli %parallel_loop3A_1580, %parallel_loop3A_1581 : i32
          %parallel_loop3A_1583 = arith.constant 16 : i32
          %parallel_loop3A_1584 = arith.muli %parallel_loop3A_1580, %parallel_loop3A_1583 : i32
          %parallel_loop3A_1585 = arith.addi %multiple_of3A, %parallel_loop3A_1584 : i32
          %parallel_loop3A_1586 = arith.index_cast %parallel_loop3A_1585 : i32 to index
          %parallel_loop3A_1587 = tpu.vector_load %arg8[%parallel_loop3A_1586] {strides = array<i32>} : memref<32496xf32, #tpu.memory_space<vmem>>, vector<16xf32>,
          %parallel_loop3A_1588 = vector.shape_cast %parallel_loop3A_1587 : vector<16xf32> to vector<16xf32>
          %parallel_loop3A_1589 = arith.index_cast %scan3A_1574 : i32 to index
          %parallel_loop3A_1590 = arith.index_cast %parallel_loop3A_1582 : i32 to index
          %parallel_loop3A_1591 = tpu.vector_load %arg10[%parallel_loop3A_1589, %parallel_loop3A_1590] {strides = array<i32>} : memref<32x1024xf32, #tpu.memory_space<vmem>>, vector<1x16xf32>,
          %parallel_loop3A_1592 = vector.shape_cast %parallel_loop3A_1591 : vector<1x16xf32> to vector<16xf32>
          %parallel_loop3A_1593 = vector.shape_cast %parallel_loop3A_1588 : vector<16xf32> to vector<1x16xf32>
          tpu.vector_store %arg10[%parallel_loop3A_1589, %parallel_loop3A_1590], %parallel_loop3A_1593 {add = true, strides = array<i32>} : memref<32x1024xf32, #tpu.memory_space<vmem>>, vector<1x16xf32>,
        } {sc.loop_unroll_factor = 8 : i64, sc.parallel_access}
      }
      %scan3A_1362 = arith.constant 31 : i32
      %parallel_loop3A_1363 = arith.constant 0 : i32
      %parallel_loop3A_1364 = arith.constant 47 : i32
      %parallel_loop3A_1365 = arith.constant 1 : i32
      scf.for %parallel_loop3A_1574 = %parallel_loop3A_1363 to %parallel_loop3A_1364 step %parallel_loop3A_1365  : i32 {
        %parallel_loop3A_1575 = arith.constant 16 : i32
        %parallel_loop3A_1576 = arith.muli %parallel_loop3A_1574, %parallel_loop3A_1575 : i32
        %parallel_loop3A_1577 = arith.constant 16 : i32
        %parallel_loop3A_1578 = arith.muli %parallel_loop3A_1574, %parallel_loop3A_1577 : i32
        %parallel_loop3A_1579 = arith.constant 31744 : i32
        %parallel_loop3A_1580 = arith.addi %parallel_loop3A_1579, %parallel_loop3A_1578 : i32
        %parallel_loop3A_1581 = arith.index_cast %parallel_loop3A_1580 : i32 to index
        %parallel_loop3A_1582 = tpu.vector_load %arg8[%parallel_loop3A_1581] {strides = array<i32>} : memref<32496xf32, #tpu.memory_space<vmem>>, vector<16xf32>,
        %parallel_loop3A_1583 = vector.shape_cast %parallel_loop3A_1582 : vector<16xf32> to vector<16xf32>
        %parallel_loop3A_1584 = arith.constant 31 : i32
        %parallel_loop3A_1585 = arith.index_cast %parallel_loop3A_1584 : i32 to index
        %parallel_loop3A_1586 = arith.index_cast %parallel_loop3A_1576 : i32 to index
        %parallel_loop3A_1587 = tpu.vector_load %arg10[%parallel_loop3A_1585, %parallel_loop3A_1586] {strides = array<i32>} : memref<32x1024xf32, #tpu.memory_space<vmem>>, vector<1x16xf32>,
        %parallel_loop3A_1588 = vector.shape_cast %parallel_loop3A_1587 : vector<1x16xf32> to vector<16xf32>
        %parallel_loop3A_1589 = vector.shape_cast %parallel_loop3A_1583 : vector<16xf32> to vector<1x16xf32>
        tpu.vector_store %arg10[%parallel_loop3A_1585, %parallel_loop3A_1586], %parallel_loop3A_1589 {add = true, strides = array<i32>} : memref<32x1024xf32, #tpu.memory_space<vmem>>, vector<1x16xf32>,
      } {sc.loop_unroll_factor = 1 : i64, sc.parallel_access}
      %swap3A_1366 = arith.constant 31 : i32
      %swap3A_1367 = arith.index_cast %swap3A_1366 : i32 to index
      %swap3A_1368 = arith.constant 752 : index
      %swap3A_1369 = tpu.vector_load %arg10[%swap3A_1367, %swap3A_1368] {strides = array<i32>} : memref<32x1024xf32, #tpu.memory_space<vmem>>, vector<1x16xf32>,
      %swap3A_1370 = vector.shape_cast %swap3A_1369 : vector<1x16xf32> to vector<16xf32>
      %swap3A_1371 = vector.shape_cast %get3A_9 : vector<16xf32> to vector<1x16xf32>
      tpu.vector_store %arg10[%swap3A_1367, %swap3A_1368], %swap3A_1371 {add = true, strides = array<i32>} : memref<32x1024xf32, #tpu.memory_space<vmem>>, vector<1x16xf32>,
      %swap3A_1372 = arith.constant 31 : i32
      %swap3A_1373 = arith.index_cast %swap3A_1372 : i32 to index
      %swap3A_1374 = arith.constant 768 : index
      %swap3A_1375 = tpu.vector_load %arg10[%swap3A_1373, %swap3A_1374] {strides = array<i32>} : memref<32x1024xf32, #tpu.memory_space<vmem>>, vector<1x16xf32>,
      %swap3A_1376 = vector.shape_cast %swap3A_1375 : vector<1x16xf32> to vector<16xf32>
      %swap3A_1377 = vector.shape_cast %get3A_14 : vector<16xf32> to vector<1x16xf32>
      tpu.vector_store %arg10[%swap3A_1373, %swap3A_1374], %swap3A_1377 {add = true, strides = array<i32>} : memref<32x1024xf32, #tpu.memory_space<vmem>>, vector<1x16xf32>,
      %swap3A_1378 = arith.constant 31 : i32
      %swap3A_1379 = arith.index_cast %swap3A_1378 : i32 to index
      %swap3A_1380 = arith.constant 784 : index
      %swap3A_1381 = tpu.vector_load %arg10[%swap3A_1379, %swap3A_1380] {strides = array<i32>} : memref<32x1024xf32, #tpu.memory_space<vmem>>, vector<1x16xf32>,
      %swap3A_1382 = vector.shape_cast %swap3A_1381 : vector<1x16xf32> to vector<16xf32>
      %swap3A_1383 = vector.shape_cast %get3A_19 : vector<16xf32> to vector<1x16xf32>
      tpu.vector_store %arg10[%swap3A_1379, %swap3A_1380], %swap3A_1383 {add = true, strides = array<i32>} : memref<32x1024xf32, #tpu.memory_space<vmem>>, vector<1x16xf32>,
      %swap3A_1384 = arith.constant 31 : i32
      %swap3A_1385 = arith.index_cast %swap3A_1384 : i32 to index
      %swap3A_1386 = arith.constant 800 : index
      %swap3A_1387 = tpu.vector_load %arg10[%swap3A_1385, %swap3A_1386] {strides = array<i32>} : memref<32x1024xf32, #tpu.memory_space<vmem>>, vector<1x16xf32>,
      %swap3A_1388 = vector.shape_cast %swap3A_1387 : vector<1x16xf32> to vector<16xf32>
      %swap3A_1389 = vector.shape_cast %get3A_24 : vector<16xf32> to vector<1x16xf32>
      tpu.vector_store %arg10[%swap3A_1385, %swap3A_1386], %swap3A_1389 {add = true, strides = array<i32>} : memref<32x1024xf32, #tpu.memory_space<vmem>>, vector<1x16xf32>,
      %swap3A_1390 = arith.constant 31 : i32
      %swap3A_1391 = arith.index_cast %swap3A_1390 : i32 to index
      %swap3A_1392 = arith.constant 816 : index
      %swap3A_1393 = tpu.vector_load %arg10[%swap3A_1391, %swap3A_1392] {strides = array<i32>} : memref<32x1024xf32, #tpu.memory_space<vmem>>, vector<1x16xf32>,
      %swap3A_1394 = vector.shape_cast %swap3A_1393 : vector<1x16xf32> to vector<16xf32>
      %swap3A_1395 = vector.shape_cast %get3A_29 : vector<16xf32> to vector<1x16xf32>
      tpu.vector_store %arg10[%swap3A_1391, %swap3A_1392], %swap3A_1395 {add = true, strides = array<i32>} : memref<32x1024xf32, #tpu.memory_space<vmem>>, vector<1x16xf32>,
      %swap3A_1396 = arith.constant 31 : i32
      %swap3A_1397 = arith.index_cast %swap3A_1396 : i32 to index
      %swap3A_1398 = arith.constant 832 : index
      %swap3A_1399 = tpu.vector_load %arg10[%swap3A_1397, %swap3A_1398] {strides = array<i32>} : memref<32x1024xf32, #tpu.memory_space<vmem>>, vector<1x16xf32>,
      %swap3A_1400 = vector.shape_cast %swap3A_1399 : vector<1x16xf32> to vector<16xf32>
      %swap3A_1401 = vector.shape_cast %get3A_34 : vector<16xf32> to vector<1x16xf32>
      tpu.vector_store %arg10[%swap3A_1397, %swap3A_1398], %swap3A_1401 {add = true, strides = array<i32>} : memref<32x1024xf32, #tpu.memory_space<vmem>>, vector<1x16xf32>,
      %swap3A_1402 = arith.constant 31 : i32
      %swap3A_1403 = arith.index_cast %swap3A_1402 : i32 to index
      %swap3A_1404 = arith.constant 848 : index
      %swap3A_1405 = tpu.vector_load %arg10[%swap3A_1403, %swap3A_1404] {strides = array<i32>} : memref<32x1024xf32, #tpu.memory_space<vmem>>, vector<1x16xf32>,
      %swap3A_1406 = vector.shape_cast %swap3A_1405 : vector<1x16xf32> to vector<16xf32>
      %swap3A_1407 = vector.shape_cast %get3A_39 : vector<16xf32> to vector<1x16xf32>
      tpu.vector_store %arg10[%swap3A_1403, %swap3A_1404], %swap3A_1407 {add = true, strides = array<i32>} : memref<32x1024xf32, #tpu.memory_space<vmem>>, vector<1x16xf32>,
      %swap3A_1408 = arith.constant 31 : i32
      %swap3A_1409 = arith.index_cast %swap3A_1408 : i32 to index
      %swap3A_1410 = arith.constant 864 : index
      %swap3A_1411 = tpu.vector_load %arg10[%swap3A_1409, %swap3A_1410] {strides = array<i32>} : memref<32x1024xf32, #tpu.memory_space<vmem>>, vector<1x16xf32>,
      %swap3A_1412 = vector.shape_cast %swap3A_1411 : vector<1x16xf32> to vector<16xf32>
      %swap3A_1413 = vector.shape_cast %get3A_44 : vector<16xf32> to vector<1x16xf32>
      tpu.vector_store %arg10[%swap3A_1409, %swap3A_1410], %swap3A_1413 {add = true, strides = array<i32>} : memref<32x1024xf32, #tpu.memory_space<vmem>>, vector<1x16xf32>,
      %swap3A_1414 = arith.constant 31 : i32
      %swap3A_1415 = arith.index_cast %swap3A_1414 : i32 to index
      %swap3A_1416 = arith.constant 880 : index
      %swap3A_1417 = tpu.vector_load %arg10[%swap3A_1415, %swap3A_1416] {strides = array<i32>} : memref<32x1024xf32, #tpu.memory_space<vmem>>, vector<1x16xf32>,
      %swap3A_1418 = vector.shape_cast %swap3A_1417 : vector<1x16xf32> to vector<16xf32>
      %swap3A_1419 = vector.shape_cast %get3A_49 : vector<16xf32> to vector<1x16xf32>
      tpu.vector_store %arg10[%swap3A_1415, %swap3A_1416], %swap3A_1419 {add = true, strides = array<i32>} : memref<32x1024xf32, #tpu.memory_space<vmem>>, vector<1x16xf32>,
      %swap3A_1420 = arith.constant 31 : i32
      %swap3A_1421 = arith.index_cast %swap3A_1420 : i32 to index
      %swap3A_1422 = arith.constant 896 : index
      %swap3A_1423 = tpu.vector_load %arg10[%swap3A_1421, %swap3A_1422] {strides = array<i32>} : memref<32x1024xf32, #tpu.memory_space<vmem>>, vector<1x16xf32>,
      %swap3A_1424 = vector.shape_cast %swap3A_1423 : vector<1x16xf32> to vector<16xf32>
      %swap3A_1425 = vector.shape_cast %get3A_54 : vector<16xf32> to vector<1x16xf32>
      tpu.vector_store %arg10[%swap3A_1421, %swap3A_1422], %swap3A_1425 {add = true, strides = array<i32>} : memref<32x1024xf32, #tpu.memory_space<vmem>>, vector<1x16xf32>,
      %swap3A_1426 = arith.constant 31 : i32
      %swap3A_1427 = arith.index_cast %swap3A_1426 : i32 to index
      %swap3A_1428 = arith.constant 912 : index
      %swap3A_1429 = tpu.vector_load %arg10[%swap3A_1427, %swap3A_1428] {strides = array<i32>} : memref<32x1024xf32, #tpu.memory_space<vmem>>, vector<1x16xf32>,
      %swap3A_1430 = vector.shape_cast %swap3A_1429 : vector<1x16xf32> to vector<16xf32>
      %swap3A_1431 = vector.shape_cast %get3A_59 : vector<16xf32> to vector<1x16xf32>
      tpu.vector_store %arg10[%swap3A_1427, %swap3A_1428], %swap3A_1431 {add = true, strides = array<i32>} : memref<32x1024xf32, #tpu.memory_space<vmem>>, vector<1x16xf32>,
      %swap3A_1432 = arith.constant 31 : i32
      %swap3A_1433 = arith.index_cast %swap3A_1432 : i32 to index
      %swap3A_1434 = arith.constant 928 : index
      %swap3A_1435 = tpu.vector_load %arg10[%swap3A_1433, %swap3A_1434] {strides = array<i32>} : memref<32x1024xf32, #tpu.memory_space<vmem>>, vector<1x16xf32>,
      %swap3A_1436 = vector.shape_cast %swap3A_1435 : vector<1x16xf32> to vector<16xf32>
      %swap3A_1437 = vector.shape_cast %get3A_64 : vector<16xf32> to vector<1x16xf32>
      tpu.vector_store %arg10[%swap3A_1433, %swap3A_1434], %swap3A_1437 {add = true, strides = array<i32>} : memref<32x1024xf32, #tpu.memory_space<vmem>>, vector<1x16xf32>,
      %swap3A_1438 = arith.constant 31 : i32
      %swap3A_1439 = arith.index_cast %swap3A_1438 : i32 to index
      %swap3A_1440 = arith.constant 944 : index
      %swap3A_1441 = tpu.vector_load %arg10[%swap3A_1439, %swap3A_1440] {strides = array<i32>} : memref<32x1024xf32, #tpu.memory_space<vmem>>, vector<1x16xf32>,
      %swap3A_1442 = vector.shape_cast %swap3A_1441 : vector<1x16xf32> to vector<16xf32>
      %swap3A_1443 = vector.shape_cast %get3A_69 : vector<16xf32> to vector<1x16xf32>
      tpu.vector_store %arg10[%swap3A_1439, %swap3A_1440], %swap3A_1443 {add = true, strides = array<i32>} : memref<32x1024xf32, #tpu.memory_space<vmem>>, vector<1x16xf32>,
      %swap3A_1444 = arith.constant 31 : i32
      %swap3A_1445 = arith.index_cast %swap3A_1444 : i32 to index
      %swap3A_1446 = arith.constant 960 : index
      %swap3A_1447 = tpu.vector_load %arg10[%swap3A_1445, %swap3A_1446] {strides = array<i32>} : memref<32x1024xf32, #tpu.memory_space<vmem>>, vector<1x16xf32>,
      %swap3A_1448 = vector.shape_cast %swap3A_1447 : vector<1x16xf32> to vector<16xf32>
      %swap3A_1449 = vector.shape_cast %get3A_74 : vector<16xf32> to vector<1x16xf32>
      tpu.vector_store %arg10[%swap3A_1445, %swap3A_1446], %swap3A_1449 {add = true, strides = array<i32>} : memref<32x1024xf32, #tpu.memory_space<vmem>>, vector<1x16xf32>,
      %swap3A_1450 = arith.constant 31 : i32
      %swap3A_1451 = arith.index_cast %swap3A_1450 : i32 to index
      %swap3A_1452 = arith.constant 976 : index
      %swap3A_1453 = tpu.vector_load %arg10[%swap3A_1451, %swap3A_1452] {strides = array<i32>} : memref<32x1024xf32, #tpu.memory_space<vmem>>, vector<1x16xf32>,
      %swap3A_1454 = vector.shape_cast %swap3A_1453 : vector<1x16xf32> to vector<16xf32>
      %swap3A_1455 = vector.shape_cast %get3A_79 : vector<16xf32> to vector<1x16xf32>
      tpu.vector_store %arg10[%swap3A_1451, %swap3A_1452], %swap3A_1455 {add = true, strides = array<i32>} : memref<32x1024xf32, #tpu.memory_space<vmem>>, vector<1x16xf32>,
      %swap3A_1456 = arith.constant 31 : i32
      %swap3A_1457 = arith.index_cast %swap3A_1456 : i32 to index
      %swap3A_1458 = arith.constant 992 : index
      %swap3A_1459 = tpu.vector_load %arg10[%swap3A_1457, %swap3A_1458] {strides = array<i32>} : memref<32x1024xf32, #tpu.memory_space<vmem>>, vector<1x16xf32>,
      %swap3A_1460 = vector.shape_cast %swap3A_1459 : vector<1x16xf32> to vector<16xf32>
      %swap3A_1461 = vector.shape_cast %get3A_84 : vector<16xf32> to vector<1x16xf32>
      tpu.vector_store %arg10[%swap3A_1457, %swap3A_1458], %swap3A_1461 {add = true, strides = array<i32>} : memref<32x1024xf32, #tpu.memory_space<vmem>>, vector<1x16xf32>,
      %swap3A_1462 = arith.constant 31 : i32
      %swap3A_1463 = arith.index_cast %swap3A_1462 : i32 to index
      %swap3A_1464 = arith.constant 1008 : index
      %swap3A_1465 = tpu.vector_load %arg10[%swap3A_1463, %swap3A_1464] {strides = array<i32>} : memref<32x1024xf32, #tpu.memory_space<vmem>>, vector<1x16xf32>,
      %swap3A_1466 = vector.shape_cast %swap3A_1465 : vector<1x16xf32> to vector<16xf32>
      %swap3A_1467 = vector.shape_cast %get3A_89 : vector<16xf32> to vector<1x16xf32>
      tpu.vector_store %arg10[%swap3A_1463, %swap3A_1464], %swap3A_1467 {add = true, strides = array<i32>} : memref<32x1024xf32, #tpu.memory_space<vmem>>, vector<1x16xf32>,
      %mul3A_1468 = arith.constant 32 : i32
      %mul3A_1469 = arith.muli %add3A, %mul3A_1468 : i32
      %dma_start3A_1470 = arith.constant 0 : i32
      %dma_start3A_1471 = tpu.memref_slice %arg6[%add3A_1325, %mul3A_1469, %dma_start3A_1470] : memref<128x1024x1024xf32, #tpu.memory_space<hbm>> -> memref<1x32x1024xf32, #tpu.memory_space<hbm>>
      %dma_start3A_1472 = tpu.memref_squeeze %dma_start3A_1471 : memref<1x32x1024xf32, #tpu.memory_space<hbm>> -> memref<32x1024xf32, #tpu.memory_space<hbm>>
      %dma_start3A_1473 = arith.constant 0 : i32
      %dma_start3A_1474 = tpu.memref_slice %arg6[%add3A_1325, %mul3A_1469, %dma_start3A_1473] : memref<128x1024x1024xf32, #tpu.memory_space<hbm>> -> memref<1x32x1024xf32, #tpu.memory_space<hbm>>
      %dma_start3A_1475 = tpu.memref_squeeze %dma_start3A_1474 : memref<1x32x1024xf32, #tpu.memory_space<hbm>> -> memref<32x1024xf32, #tpu.memory_space<hbm>>
      tpu.enqueue_dma source(%arg10 : memref<32x1024xf32, #tpu.memory_space<vmem>>) target(%dma_start3A_1475 : memref<32x1024xf32, #tpu.memory_space<hbm>>) target_semaphore(%arg16 : memref<!tpu.dma_semaphore, #tpu.memory_space<semaphore_mem>>)
      %mul3A_1476 = arith.constant 32 : i32
      %mul3A_1477 = arith.muli %add3A, %mul3A_1476 : i32
      %dma_wait3A_1478 = arith.constant 0 : i32
      %dma_wait3A_1479 = arith.constant 0 : i32
      %dma_wait3A_1480 = tpu.memref_slice %arg6[%dma_wait3A_1478, %mul3A_1477, %dma_wait3A_1479] : memref<128x1024x1024xf32, #tpu.memory_space<hbm>> -> memref<1x32x1024xf32, #tpu.memory_space<hbm>>
      %dma_wait3A_1481 = tpu.memref_squeeze %dma_wait3A_1480 : memref<1x32x1024xf32, #tpu.memory_space<hbm>> -> memref<32x1024xf32, #tpu.memory_space<hbm>>
      %dma_wait3A_1482 = arith.constant 0 : i32
      %dma_wait3A_1483 = tpu.memref_slice %arg6[%dma_wait3A_1478, %mul3A_1477, %dma_wait3A_1482] : memref<128x1024x1024xf32, #tpu.memory_space<hbm>> -> memref<1x32x1024xf32, #tpu.memory_space<hbm>>
      %dma_wait3A_1484 = tpu.memref_squeeze %dma_wait3A_1483 : memref<1x32x1024xf32, #tpu.memory_space<hbm>> -> memref<32x1024xf32, #tpu.memory_space<hbm>>
      tpu.wait_dma2 semaphore(%arg15 : memref<!tpu.dma_semaphore, #tpu.memory_space<semaphore_mem>>) src(%arg9 : memref<32x1024xf32, #tpu.memory_space<vmem>>) dst(%dma_wait3A_1484 : memref<32x1024xf32, #tpu.memory_space<hbm>>)
      %jit3A_1485 = arith.constant 4 : i32
      %eq3A_1486 = arith.constant 0 : i32
      %eq3A_1487 = arith.cmpi eq, %jit3A_1485, %eq3A_1486 : i32
      %jit3A_1488 = arith.constant 1 : i32
      %select_n3A_1489 = arith.select %eq3A_1487, %jit3A_1488, %jit3A_1485 : i32
      %rem3A_1490 = arith.remsi %add3A_1325, %select_n3A_1489 : i32
      %ne3A_1491 = arith.constant 0 : i32
      %ne3A_1492 = arith.cmpi ne, %rem3A_1490, %ne3A_1491 : i32
      %lt3A_1493 = arith.constant 0 : i32
      %lt3A_1494 = arith.cmpi slt, %rem3A_1490, %lt3A_1493 : i32
      %lt3A_1495 = arith.constant 0 : i32
      %lt3A_1496 = arith.cmpi slt, %select_n3A_1489, %lt3A_1495 : i32
      %ne3A_1497 = arith.xori %lt3A_1494, %lt3A_1496 : i1
      %and3A_1498 = arith.andi %ne3A_1497, %ne3A_1492 : i1
      %add3A_1499 = arith.addi %rem3A_1490, %select_n3A_1489 : i32
      %select_n3A_1500 = arith.select %and3A_1498, %add3A_1499, %rem3A_1490 : i32
      %eq3A_1501 = arith.constant 2 : i32
      %eq3A_1502 = arith.cmpi eq, %select_n3A_1500, %eq3A_1501 : i32
      %le3A_1503 = arith.constant 122 : i32
      %le3A_1504 = arith.cmpi sle, %add3A_1325, %le3A_1503 : i32
      %and3A_1505 = arith.andi %eq3A_1502, %le3A_1504 : i1
      %convert_element_type3A_1506 = arith.extui %and3A_1505 : i1 to i32
      %cond3A_1507 = arith.constant 0 : i32
      %cond3A_1508 = arith.cmpi ne, %convert_element_type3A_1506, %cond3A_1507 : i32
      scf.if %cond3A_1508 {
        %dma_wait3A_1574 = arith.constant 0 : i32
        %dma_wait3A_1575 = arith.constant 0 : i32
        %dma_wait3A_1576 = tpu.memref_slice %arg7[%dma_wait3A_1574, %dma_wait3A_1575] : memref<2x128xi32, #tpu.memory_space<vmem>> -> memref<1x128xi32, #tpu.memory_space<vmem>>
        %dma_wait3A_1577 = tpu.memref_squeeze %dma_wait3A_1576 : memref<1x128xi32, #tpu.memory_space<vmem>> -> memref<128xi32, #tpu.memory_space<vmem>>
        %dma_wait3A_1578 = arith.constant 0 : i32
        %dma_wait3A_1579 = tpu.memref_slice %arg2[%add3A, %dma_wait3A_1578] : memref<32x4096xi32, #tpu.memory_space<hbm>> -> memref<1x128xi32, #tpu.memory_space<hbm>>
        %dma_wait3A_1580 = tpu.memref_squeeze %dma_wait3A_1579 : memref<1x128xi32, #tpu.memory_space<hbm>> -> memref<128xi32, #tpu.memory_space<hbm>>
        %dma_wait3A_1581 = arith.constant 0 : i32
        %dma_wait3A_1582 = tpu.memref_slice %arg7[%dma_wait3A_1574, %dma_wait3A_1581] : memref<2x128xi32, #tpu.memory_space<vmem>> -> memref<1x128xi32, #tpu.memory_space<vmem>>
        %dma_wait3A_1583 = tpu.memref_squeeze %dma_wait3A_1582 : memref<1x128xi32, #tpu.memory_space<vmem>> -> memref<128xi32, #tpu.memory_space<vmem>>
        %dma_wait3A_1584 = arith.constant 0 : i32
        %dma_wait3A_1585 = tpu.memref_slice %arg2[%add3A, %dma_wait3A_1584] : memref<32x4096xi32, #tpu.memory_space<hbm>> -> memref<1x128xi32, #tpu.memory_space<hbm>>
        %dma_wait3A_1586 = tpu.memref_squeeze %dma_wait3A_1585 : memref<1x128xi32, #tpu.memory_space<hbm>> -> memref<128xi32, #tpu.memory_space<hbm>>
        tpu.wait_dma2 semaphore(%arg18 : memref<!tpu.dma_semaphore, #tpu.memory_space<semaphore_mem>>) src(%dma_wait3A_1586 : memref<128xi32, #tpu.memory_space<hbm>>) dst(%dma_wait3A_1583 : memref<128xi32, #tpu.memory_space<vmem>>)
      } else {
      }
      %add3A_1509 = arith.constant 2 : i32
      %add3A_1510 = arith.addi %add3A_1325, %add3A_1509 : i32
      %jit3A_1511 = arith.constant 4 : i32
      %div3A_1512 = arith.divsi %add3A_1510, %jit3A_1511 : i32
      %sign3A_1513 = arith.constant 0 : i32
      %sign3A_1514 = arith.cmpi sgt, %add3A_1510, %sign3A_1513 : i32
      %sign3A_1515 = arith.extui %sign3A_1514 : i1 to i32
      %sign3A_1516 = arith.constant 0 : i32
      %sign3A_1517 = arith.cmpi slt, %add3A_1510, %sign3A_1516 : i32
      %sign3A_1518 = arith.extui %sign3A_1517 : i1 to i32
      %sign3A_1519 = arith.subi %sign3A_1515, %sign3A_1518 : i32
      %sign3A_1520 = arith.constant 0 : i32
      %sign3A_1521 = arith.cmpi sgt, %jit3A_1511, %sign3A_1520 : i32
      %sign3A_1522 = arith.extui %sign3A_1521 : i1 to i32
      %sign3A_1523 = arith.constant 0 : i32
      %sign3A_1524 = arith.cmpi slt, %jit3A_1511, %sign3A_1523 : i32
      %sign3A_1525 = arith.extui %sign3A_1524 : i1 to i32
      %sign3A_1526 = arith.subi %sign3A_1522, %sign3A_1525 : i32
      %ne3A_1527 = arith.cmpi ne, %sign3A_1519, %sign3A_1526 : i32
      %rem3A_1528 = arith.remsi %add3A_1510, %jit3A_1511 : i32
      %ne3A_1529 = arith.constant 0 : i32
      %ne3A_1530 = arith.cmpi ne, %rem3A_1528, %ne3A_1529 : i32
      %and3A_1531 = arith.andi %ne3A_1527, %ne3A_1530 : i1
      %sub3A_1532 = arith.constant 1 : i32
      %sub3A_1533 = arith.subi %div3A_1512, %sub3A_1532 : i32
      %select_n3A_1534 = arith.select %and3A_1531, %sub3A_1533, %div3A_1512 : i32
      %jit3A_1535 = arith.constant 2 : i32
      %eq3A_1536 = arith.constant 0 : i32
      %eq3A_1537 = arith.cmpi eq, %jit3A_1535, %eq3A_1536 : i32
      %jit3A_1538 = arith.constant 1 : i32
      %select_n3A_1539 = arith.select %eq3A_1537, %jit3A_1538, %jit3A_1535 : i32
      %rem3A_1540 = arith.remsi %select_n3A_1534, %select_n3A_1539 : i32
      %ne3A_1541 = arith.constant 0 : i32
      %ne3A_1542 = arith.cmpi ne, %rem3A_1540, %ne3A_1541 : i32
      %lt3A_1543 = arith.constant 0 : i32
      %lt3A_1544 = arith.cmpi slt, %rem3A_1540, %lt3A_1543 : i32
      %lt3A_1545 = arith.constant 0 : i32
      %lt3A_1546 = arith.cmpi slt, %select_n3A_1539, %lt3A_1545 : i32
      %ne3A_1547 = arith.xori %lt3A_1544, %lt3A_1546 : i1
      %and3A_1548 = arith.andi %ne3A_1547, %ne3A_1542 : i1
      %add3A_1549 = arith.addi %rem3A_1540, %select_n3A_1539 : i32
      %select_n3A_1550 = arith.select %and3A_1548, %add3A_1549, %rem3A_1540 : i32
      %jit3A_1551 = arith.constant 4 : i32
      %eq3A_1552 = arith.constant 0 : i32
      %eq3A_1553 = arith.cmpi eq, %jit3A_1551, %eq3A_1552 : i32
      %jit3A_1554 = arith.constant 1 : i32
      %select_n3A_1555 = arith.select %eq3A_1553, %jit3A_1554, %jit3A_1551 : i32
      %rem3A_1556 = arith.remsi %add3A_1510, %select_n3A_1555 : i32
      %ne3A_1557 = arith.constant 0 : i32
      %ne3A_1558 = arith.cmpi ne, %rem3A_1556, %ne3A_1557 : i32
      %lt3A_1559 = arith.constant 0 : i32
      %lt3A_1560 = arith.cmpi slt, %rem3A_1556, %lt3A_1559 : i32
      %lt3A_1561 = arith.constant 0 : i32
      %lt3A_1562 = arith.cmpi slt, %select_n3A_1555, %lt3A_1561 : i32
      %ne3A_1563 = arith.xori %lt3A_1560, %lt3A_1562 : i1
      %and3A_1564 = arith.andi %ne3A_1563, %ne3A_1558 : i1
      %add3A_1565 = arith.addi %rem3A_1556, %select_n3A_1555 : i32
      %select_n3A_1566 = arith.select %and3A_1564, %add3A_1565, %rem3A_1556 : i32
      %mul3A_1567 = arith.constant 32 : i32
      %mul3A_1568 = arith.muli %select_n3A_1566, %mul3A_1567 : i32
      %dma_start3A_1569 = tpu.memref_slice %arg7[%select_n3A_1550, %mul3A_1568] : memref<2x128xi32, #tpu.memory_space<vmem>> -> memref<1x32xi32, #tpu.memory_space<vmem>>
      %dma_start3A_1570 = tpu.memref_squeeze %dma_start3A_1569 : memref<1x32xi32, #tpu.memory_space<vmem>> -> memref<32xi32, #tpu.memory_space<vmem>>
      %dma_start3A_1571 = arith.constant 0 : i32
      %dma_start3A_1572 = arith.constant 0 : i32
      %dma_start3A_1573 = tpu.memref_slice %arg3[%dma_start3A_1571, %dma_start3A_1572] : memref<65536x1024xf32, #tpu.memory_space<hbm>> -> memref<65536x1024xf32, #tpu.memory_space<hbm>>
      tpu.enqueue_indirect_dma source(%dma_start3A_1573 : memref<65536x1024xf32, #tpu.memory_space<hbm>>) target(%arg9 : memref<32x1024xf32, #tpu.memory_space<vmem>>) offsets(%dma_start3A_1570 : memref<32xi32, #tpu.memory_space<vmem>>) semaphore(%arg12 : memref<!tpu.dma_semaphore, #tpu.memory_space<semaphore_mem>>)
    }
    %scan3A_398 = arith.constant 41 : i32
    %dma_wait3A_399 = arith.constant 0 : i32
    %dma_wait3A_400 = arith.constant 0 : i32
    %dma_wait3A_401 = tpu.memref_slice %arg7[%dma_wait3A_399, %dma_wait3A_400] : memref<2x128xi32, #tpu.memory_space<vmem>> -> memref<1x32xi32, #tpu.memory_space<vmem>>
    %dma_wait3A_402 = tpu.memref_squeeze %dma_wait3A_401 : memref<1x32xi32, #tpu.memory_space<vmem>> -> memref<32xi32, #tpu.memory_space<vmem>>
    %dma_wait3A_403 = arith.constant 0 : i32
    %dma_wait3A_404 = arith.constant 0 : i32
    %dma_wait3A_405 = tpu.memref_slice %arg3[%dma_wait3A_403, %dma_wait3A_404] : memref<65536x1024xf32, #tpu.memory_space<hbm>> -> memref<65536x1024xf32, #tpu.memory_space<hbm>>
    tpu.wait_indirect_dma semaphore(%arg14 : memref<!tpu.dma_semaphore, #tpu.memory_space<semaphore_mem>>) src(%dma_wait3A_405 : memref<65536x1024xf32, #tpu.memory_space<hbm>>) dst(%arg11 : memref<32x1024xf32, #tpu.memory_space<vmem>>)
    %scan3A_406 = arith.constant 0 : i32
    %scan3A_407 = arith.constant 0 : i32
    %scan3A_408 = arith.constant 31 : i32
    %scan3A_409 = arith.addi %scan3A_407, %scan3A_408 : i32
    %scan3A_410 = arith.constant 1 : i32
    scf.for %scan3A_823 = %scan3A_407 to %scan3A_409 step %scan3A_410  : i32 {
      %mul3A_824 = arith.constant 1024 : i32
      %mul3A_825 = arith.muli %scan3A_823, %mul3A_824 : i32
      %multiple_of3A = tpu.assume_multiple %mul3A_825, 1024 : i32
      %parallel_loop3A_826 = arith.constant 0 : i32
      %parallel_loop3A_827 = arith.constant 64 : i32
      %parallel_loop3A_828 = arith.constant 1 : i32
      scf.for %parallel_loop3A_829 = %parallel_loop3A_826 to %parallel_loop3A_827 step %parallel_loop3A_828  : i32 {
        %parallel_loop3A_830 = arith.constant 16 : i32
        %parallel_loop3A_831 = arith.muli %parallel_loop3A_829, %parallel_loop3A_830 : i32
        %parallel_loop3A_832 = arith.constant 16 : i32
        %parallel_loop3A_833 = arith.muli %parallel_loop3A_829, %parallel_loop3A_832 : i32
        %parallel_loop3A_834 = arith.addi %multiple_of3A, %parallel_loop3A_833 : i32
        %parallel_loop3A_835 = arith.index_cast %parallel_loop3A_834 : i32 to index
        %parallel_loop3A_836 = tpu.vector_load %arg8[%parallel_loop3A_835] {strides = array<i32>} : memref<32496xf32, #tpu.memory_space<vmem>>, vector<16xf32>,
        %parallel_loop3A_837 = vector.shape_cast %parallel_loop3A_836 : vector<16xf32> to vector<16xf32>
        %parallel_loop3A_838 = arith.index_cast %scan3A_823 : i32 to index
        %parallel_loop3A_839 = arith.index_cast %parallel_loop3A_831 : i32 to index
        %parallel_loop3A_840 = tpu.vector_load %arg11[%parallel_loop3A_838, %parallel_loop3A_839] {strides = array<i32>} : memref<32x1024xf32, #tpu.memory_space<vmem>>, vector<1x16xf32>,
        %parallel_loop3A_841 = vector.shape_cast %parallel_loop3A_840 : vector<1x16xf32> to vector<16xf32>
        %parallel_loop3A_842 = vector.shape_cast %parallel_loop3A_837 : vector<16xf32> to vector<1x16xf32>
        tpu.vector_store %arg11[%parallel_loop3A_838, %parallel_loop3A_839], %parallel_loop3A_842 {add = true, strides = array<i32>} : memref<32x1024xf32, #tpu.memory_space<vmem>>, vector<1x16xf32>,
      } {sc.loop_unroll_factor = 8 : i64, sc.parallel_access}
    }
    %scan3A_411 = arith.constant 31 : i32
    %parallel_loop3A_412 = arith.constant 0 : i32
    %parallel_loop3A_413 = arith.constant 47 : i32
    %parallel_loop3A_414 = arith.constant 1 : i32
    scf.for %parallel_loop3A_823 = %parallel_loop3A_412 to %parallel_loop3A_413 step %parallel_loop3A_414  : i32 {
      %parallel_loop3A_824 = arith.constant 16 : i32
      %parallel_loop3A_825 = arith.muli %parallel_loop3A_823, %parallel_loop3A_824 : i32
      %parallel_loop3A_826 = arith.constant 16 : i32
      %parallel_loop3A_827 = arith.muli %parallel_loop3A_823, %parallel_loop3A_826 : i32
      %parallel_loop3A_828 = arith.constant 31744 : i32
      %parallel_loop3A_829 = arith.addi %parallel_loop3A_828, %parallel_loop3A_827 : i32
      %parallel_loop3A_830 = arith.index_cast %parallel_loop3A_829 : i32 to index
      %parallel_loop3A_831 = tpu.vector_load %arg8[%parallel_loop3A_830] {strides = array<i32>} : memref<32496xf32, #tpu.memory_space<vmem>>, vector<16xf32>,
      %parallel_loop3A_832 = vector.shape_cast %parallel_loop3A_831 : vector<16xf32> to vector<16xf32>
      %parallel_loop3A_833 = arith.constant 31 : i32
      %parallel_loop3A_834 = arith.index_cast %parallel_loop3A_833 : i32 to index
      %parallel_loop3A_835 = arith.index_cast %parallel_loop3A_825 : i32 to index
      %parallel_loop3A_836 = tpu.vector_load %arg11[%parallel_loop3A_834, %parallel_loop3A_835] {strides = array<i32>} : memref<32x1024xf32, #tpu.memory_space<vmem>>, vector<1x16xf32>,
      %parallel_loop3A_837 = vector.shape_cast %parallel_loop3A_836 : vector<1x16xf32> to vector<16xf32>
      %parallel_loop3A_838 = vector.shape_cast %parallel_loop3A_832 : vector<16xf32> to vector<1x16xf32>
      tpu.vector_store %arg11[%parallel_loop3A_834, %parallel_loop3A_835], %parallel_loop3A_838 {add = true, strides = array<i32>} : memref<32x1024xf32, #tpu.memory_space<vmem>>, vector<1x16xf32>,
    } {sc.loop_unroll_factor = 1 : i64, sc.parallel_access}
    %swap3A_415 = arith.constant 31 : i32
    %swap3A_416 = arith.index_cast %swap3A_415 : i32 to index
    %swap3A_417 = arith.constant 752 : index
    %swap3A_418 = tpu.vector_load %arg11[%swap3A_416, %swap3A_417] {strides = array<i32>} : memref<32x1024xf32, #tpu.memory_space<vmem>>, vector<1x16xf32>,
    %swap3A_419 = vector.shape_cast %swap3A_418 : vector<1x16xf32> to vector<16xf32>
    %swap3A_420 = vector.shape_cast %get3A_9 : vector<16xf32> to vector<1x16xf32>
    tpu.vector_store %arg11[%swap3A_416, %swap3A_417], %swap3A_420 {add = true, strides = array<i32>} : memref<32x1024xf32, #tpu.memory_space<vmem>>, vector<1x16xf32>,
    %swap3A_421 = arith.constant 31 : i32
    %swap3A_422 = arith.index_cast %swap3A_421 : i32 to index
    %swap3A_423 = arith.constant 768 : index
    %swap3A_424 = tpu.vector_load %arg11[%swap3A_422, %swap3A_423] {strides = array<i32>} : memref<32x1024xf32, #tpu.memory_space<vmem>>, vector<1x16xf32>,
    %swap3A_425 = vector.shape_cast %swap3A_424 : vector<1x16xf32> to vector<16xf32>
    %swap3A_426 = vector.shape_cast %get3A_14 : vector<16xf32> to vector<1x16xf32>
    tpu.vector_store %arg11[%swap3A_422, %swap3A_423], %swap3A_426 {add = true, strides = array<i32>} : memref<32x1024xf32, #tpu.memory_space<vmem>>, vector<1x16xf32>,
    %swap3A_427 = arith.constant 31 : i32
    %swap3A_428 = arith.index_cast %swap3A_427 : i32 to index
    %swap3A_429 = arith.constant 784 : index
    %swap3A_430 = tpu.vector_load %arg11[%swap3A_428, %swap3A_429] {strides = array<i32>} : memref<32x1024xf32, #tpu.memory_space<vmem>>, vector<1x16xf32>,
    %swap3A_431 = vector.shape_cast %swap3A_430 : vector<1x16xf32> to vector<16xf32>
    %swap3A_432 = vector.shape_cast %get3A_19 : vector<16xf32> to vector<1x16xf32>
    tpu.vector_store %arg11[%swap3A_428, %swap3A_429], %swap3A_432 {add = true, strides = array<i32>} : memref<32x1024xf32, #tpu.memory_space<vmem>>, vector<1x16xf32>,
    %swap3A_433 = arith.constant 31 : i32
    %swap3A_434 = arith.index_cast %swap3A_433 : i32 to index
    %swap3A_435 = arith.constant 800 : index
    %swap3A_436 = tpu.vector_load %arg11[%swap3A_434, %swap3A_435] {strides = array<i32>} : memref<32x1024xf32, #tpu.memory_space<vmem>>, vector<1x16xf32>,
    %swap3A_437 = vector.shape_cast %swap3A_436 : vector<1x16xf32> to vector<16xf32>
    %swap3A_438 = vector.shape_cast %get3A_24 : vector<16xf32> to vector<1x16xf32>
    tpu.vector_store %arg11[%swap3A_434, %swap3A_435], %swap3A_438 {add = true, strides = array<i32>} : memref<32x1024xf32, #tpu.memory_space<vmem>>, vector<1x16xf32>,
    %swap3A_439 = arith.constant 31 : i32
    %swap3A_440 = arith.index_cast %swap3A_439 : i32 to index
    %swap3A_441 = arith.constant 816 : index
    %swap3A_442 = tpu.vector_load %arg11[%swap3A_440, %swap3A_441] {strides = array<i32>} : memref<32x1024xf32, #tpu.memory_space<vmem>>, vector<1x16xf32>,
    %swap3A_443 = vector.shape_cast %swap3A_442 : vector<1x16xf32> to vector<16xf32>
    %swap3A_444 = vector.shape_cast %get3A_29 : vector<16xf32> to vector<1x16xf32>
    tpu.vector_store %arg11[%swap3A_440, %swap3A_441], %swap3A_444 {add = true, strides = array<i32>} : memref<32x1024xf32, #tpu.memory_space<vmem>>, vector<1x16xf32>,
    %swap3A_445 = arith.constant 31 : i32
    %swap3A_446 = arith.index_cast %swap3A_445 : i32 to index
    %swap3A_447 = arith.constant 832 : index
    %swap3A_448 = tpu.vector_load %arg11[%swap3A_446, %swap3A_447] {strides = array<i32>} : memref<32x1024xf32, #tpu.memory_space<vmem>>, vector<1x16xf32>,
    %swap3A_449 = vector.shape_cast %swap3A_448 : vector<1x16xf32> to vector<16xf32>
    %swap3A_450 = vector.shape_cast %get3A_34 : vector<16xf32> to vector<1x16xf32>
    tpu.vector_store %arg11[%swap3A_446, %swap3A_447], %swap3A_450 {add = true, strides = array<i32>} : memref<32x1024xf32, #tpu.memory_space<vmem>>, vector<1x16xf32>,
    %swap3A_451 = arith.constant 31 : i32
    %swap3A_452 = arith.index_cast %swap3A_451 : i32 to index
    %swap3A_453 = arith.constant 848 : index
    %swap3A_454 = tpu.vector_load %arg11[%swap3A_452, %swap3A_453] {strides = array<i32>} : memref<32x1024xf32, #tpu.memory_space<vmem>>, vector<1x16xf32>,
    %swap3A_455 = vector.shape_cast %swap3A_454 : vector<1x16xf32> to vector<16xf32>
    %swap3A_456 = vector.shape_cast %get3A_39 : vector<16xf32> to vector<1x16xf32>
    tpu.vector_store %arg11[%swap3A_452, %swap3A_453], %swap3A_456 {add = true, strides = array<i32>} : memref<32x1024xf32, #tpu.memory_space<vmem>>, vector<1x16xf32>,
    %swap3A_457 = arith.constant 31 : i32
    %swap3A_458 = arith.index_cast %swap3A_457 : i32 to index
    %swap3A_459 = arith.constant 864 : index
    %swap3A_460 = tpu.vector_load %arg11[%swap3A_458, %swap3A_459] {strides = array<i32>} : memref<32x1024xf32, #tpu.memory_space<vmem>>, vector<1x16xf32>,
    %swap3A_461 = vector.shape_cast %swap3A_460 : vector<1x16xf32> to vector<16xf32>
    %swap3A_462 = vector.shape_cast %get3A_44 : vector<16xf32> to vector<1x16xf32>
    tpu.vector_store %arg11[%swap3A_458, %swap3A_459], %swap3A_462 {add = true, strides = array<i32>} : memref<32x1024xf32, #tpu.memory_space<vmem>>, vector<1x16xf32>,
    %swap3A_463 = arith.constant 31 : i32
    %swap3A_464 = arith.index_cast %swap3A_463 : i32 to index
    %swap3A_465 = arith.constant 880 : index
    %swap3A_466 = tpu.vector_load %arg11[%swap3A_464, %swap3A_465] {strides = array<i32>} : memref<32x1024xf32, #tpu.memory_space<vmem>>, vector<1x16xf32>,
    %swap3A_467 = vector.shape_cast %swap3A_466 : vector<1x16xf32> to vector<16xf32>
    %swap3A_468 = vector.shape_cast %get3A_49 : vector<16xf32> to vector<1x16xf32>
    tpu.vector_store %arg11[%swap3A_464, %swap3A_465], %swap3A_468 {add = true, strides = array<i32>} : memref<32x1024xf32, #tpu.memory_space<vmem>>, vector<1x16xf32>,
    %swap3A_469 = arith.constant 31 : i32
    %swap3A_470 = arith.index_cast %swap3A_469 : i32 to index
    %swap3A_471 = arith.constant 896 : index
    %swap3A_472 = tpu.vector_load %arg11[%swap3A_470, %swap3A_471] {strides = array<i32>} : memref<32x1024xf32, #tpu.memory_space<vmem>>, vector<1x16xf32>,
    %swap3A_473 = vector.shape_cast %swap3A_472 : vector<1x16xf32> to vector<16xf32>
    %swap3A_474 = vector.shape_cast %get3A_54 : vector<16xf32> to vector<1x16xf32>
    tpu.vector_store %arg11[%swap3A_470, %swap3A_471], %swap3A_474 {add = true, strides = array<i32>} : memref<32x1024xf32, #tpu.memory_space<vmem>>, vector<1x16xf32>,
    %swap3A_475 = arith.constant 31 : i32
    %swap3A_476 = arith.index_cast %swap3A_475 : i32 to index
    %swap3A_477 = arith.constant 912 : index
    %swap3A_478 = tpu.vector_load %arg11[%swap3A_476, %swap3A_477] {strides = array<i32>} : memref<32x1024xf32, #tpu.memory_space<vmem>>, vector<1x16xf32>,
    %swap3A_479 = vector.shape_cast %swap3A_478 : vector<1x16xf32> to vector<16xf32>
    %swap3A_480 = vector.shape_cast %get3A_59 : vector<16xf32> to vector<1x16xf32>
    tpu.vector_store %arg11[%swap3A_476, %swap3A_477], %swap3A_480 {add = true, strides = array<i32>} : memref<32x1024xf32, #tpu.memory_space<vmem>>, vector<1x16xf32>,
    %swap3A_481 = arith.constant 31 : i32
    %swap3A_482 = arith.index_cast %swap3A_481 : i32 to index
    %swap3A_483 = arith.constant 928 : index
    %swap3A_484 = tpu.vector_load %arg11[%swap3A_482, %swap3A_483] {strides = array<i32>} : memref<32x1024xf32, #tpu.memory_space<vmem>>, vector<1x16xf32>,
    %swap3A_485 = vector.shape_cast %swap3A_484 : vector<1x16xf32> to vector<16xf32>
    %swap3A_486 = vector.shape_cast %get3A_64 : vector<16xf32> to vector<1x16xf32>
    tpu.vector_store %arg11[%swap3A_482, %swap3A_483], %swap3A_486 {add = true, strides = array<i32>} : memref<32x1024xf32, #tpu.memory_space<vmem>>, vector<1x16xf32>,
    %swap3A_487 = arith.constant 31 : i32
    %swap3A_488 = arith.index_cast %swap3A_487 : i32 to index
    %swap3A_489 = arith.constant 944 : index
    %swap3A_490 = tpu.vector_load %arg11[%swap3A_488, %swap3A_489] {strides = array<i32>} : memref<32x1024xf32, #tpu.memory_space<vmem>>, vector<1x16xf32>,
    %swap3A_491 = vector.shape_cast %swap3A_490 : vector<1x16xf32> to vector<16xf32>
    %swap3A_492 = vector.shape_cast %get3A_69 : vector<16xf32> to vector<1x16xf32>
    tpu.vector_store %arg11[%swap3A_488, %swap3A_489], %swap3A_492 {add = true, strides = array<i32>} : memref<32x1024xf32, #tpu.memory_space<vmem>>, vector<1x16xf32>,
    %swap3A_493 = arith.constant 31 : i32
    %swap3A_494 = arith.index_cast %swap3A_493 : i32 to index
    %swap3A_495 = arith.constant 960 : index
    %swap3A_496 = tpu.vector_load %arg11[%swap3A_494, %swap3A_495] {strides = array<i32>} : memref<32x1024xf32, #tpu.memory_space<vmem>>, vector<1x16xf32>,
    %swap3A_497 = vector.shape_cast %swap3A_496 : vector<1x16xf32> to vector<16xf32>
    %swap3A_498 = vector.shape_cast %get3A_74 : vector<16xf32> to vector<1x16xf32>
    tpu.vector_store %arg11[%swap3A_494, %swap3A_495], %swap3A_498 {add = true, strides = array<i32>} : memref<32x1024xf32, #tpu.memory_space<vmem>>, vector<1x16xf32>,
    %swap3A_499 = arith.constant 31 : i32
    %swap3A_500 = arith.index_cast %swap3A_499 : i32 to index
    %swap3A_501 = arith.constant 976 : index
    %swap3A_502 = tpu.vector_load %arg11[%swap3A_500, %swap3A_501] {strides = array<i32>} : memref<32x1024xf32, #tpu.memory_space<vmem>>, vector<1x16xf32>,
    %swap3A_503 = vector.shape_cast %swap3A_502 : vector<1x16xf32> to vector<16xf32>
    %swap3A_504 = vector.shape_cast %get3A_79 : vector<16xf32> to vector<1x16xf32>
    tpu.vector_store %arg11[%swap3A_500, %swap3A_501], %swap3A_504 {add = true, strides = array<i32>} : memref<32x1024xf32, #tpu.memory_space<vmem>>, vector<1x16xf32>,
    %swap3A_505 = arith.constant 31 : i32
    %swap3A_506 = arith.index_cast %swap3A_505 : i32 to index
    %swap3A_507 = arith.constant 992 : index
    %swap3A_508 = tpu.vector_load %arg11[%swap3A_506, %swap3A_507] {strides = array<i32>} : memref<32x1024xf32, #tpu.memory_space<vmem>>, vector<1x16xf32>,
    %swap3A_509 = vector.shape_cast %swap3A_508 : vector<1x16xf32> to vector<16xf32>
    %swap3A_510 = vector.shape_cast %get3A_84 : vector<16xf32> to vector<1x16xf32>
    tpu.vector_store %arg11[%swap3A_506, %swap3A_507], %swap3A_510 {add = true, strides = array<i32>} : memref<32x1024xf32, #tpu.memory_space<vmem>>, vector<1x16xf32>,
    %swap3A_511 = arith.constant 31 : i32
    %swap3A_512 = arith.index_cast %swap3A_511 : i32 to index
    %swap3A_513 = arith.constant 1008 : index
    %swap3A_514 = tpu.vector_load %arg11[%swap3A_512, %swap3A_513] {strides = array<i32>} : memref<32x1024xf32, #tpu.memory_space<vmem>>, vector<1x16xf32>,
    %swap3A_515 = vector.shape_cast %swap3A_514 : vector<1x16xf32> to vector<16xf32>
    %swap3A_516 = vector.shape_cast %get3A_89 : vector<16xf32> to vector<1x16xf32>
    tpu.vector_store %arg11[%swap3A_512, %swap3A_513], %swap3A_516 {add = true, strides = array<i32>} : memref<32x1024xf32, #tpu.memory_space<vmem>>, vector<1x16xf32>,
    %mul3A_517 = arith.constant 32 : i32
    %mul3A_518 = arith.muli %add3A, %mul3A_517 : i32
    %dma_start3A_519 = arith.constant 125 : i32
    %dma_start3A_520 = arith.constant 0 : i32
    %dma_start3A_521 = tpu.memref_slice %arg6[%dma_start3A_519, %mul3A_518, %dma_start3A_520] : memref<128x1024x1024xf32, #tpu.memory_space<hbm>> -> memref<1x32x1024xf32, #tpu.memory_space<hbm>>
    %dma_start3A_522 = tpu.memref_squeeze %dma_start3A_521 : memref<1x32x1024xf32, #tpu.memory_space<hbm>> -> memref<32x1024xf32, #tpu.memory_space<hbm>>
    %dma_start3A_523 = arith.constant 0 : i32
    %dma_start3A_524 = tpu.memref_slice %arg6[%dma_start3A_519, %mul3A_518, %dma_start3A_523] : memref<128x1024x1024xf32, #tpu.memory_space<hbm>> -> memref<1x32x1024xf32, #tpu.memory_space<hbm>>
    %dma_start3A_525 = tpu.memref_squeeze %dma_start3A_524 : memref<1x32x1024xf32, #tpu.memory_space<hbm>> -> memref<32x1024xf32, #tpu.memory_space<hbm>>
    tpu.enqueue_dma source(%arg11 : memref<32x1024xf32, #tpu.memory_space<vmem>>) target(%dma_start3A_525 : memref<32x1024xf32, #tpu.memory_space<hbm>>) target_semaphore(%arg17 : memref<!tpu.dma_semaphore, #tpu.memory_space<semaphore_mem>>)
    %mul3A_526 = arith.constant 32 : i32
    %mul3A_527 = arith.muli %add3A, %mul3A_526 : i32
    %dma_wait3A_528 = arith.constant 0 : i32
    %dma_wait3A_529 = arith.constant 0 : i32
    %dma_wait3A_530 = tpu.memref_slice %arg6[%dma_wait3A_528, %mul3A_527, %dma_wait3A_529] : memref<128x1024x1024xf32, #tpu.memory_space<hbm>> -> memref<1x32x1024xf32, #tpu.memory_space<hbm>>
    %dma_wait3A_531 = tpu.memref_squeeze %dma_wait3A_530 : memref<1x32x1024xf32, #tpu.memory_space<hbm>> -> memref<32x1024xf32, #tpu.memory_space<hbm>>
    %dma_wait3A_532 = arith.constant 0 : i32
    %dma_wait3A_533 = tpu.memref_slice %arg6[%dma_wait3A_528, %mul3A_527, %dma_wait3A_532] : memref<128x1024x1024xf32, #tpu.memory_space<hbm>> -> memref<1x32x1024xf32, #tpu.memory_space<hbm>>
    %dma_wait3A_534 = tpu.memref_squeeze %dma_wait3A_533 : memref<1x32x1024xf32, #tpu.memory_space<hbm>> -> memref<32x1024xf32, #tpu.memory_space<hbm>>
    tpu.wait_dma2 semaphore(%arg16 : memref<!tpu.dma_semaphore, #tpu.memory_space<semaphore_mem>>) src(%arg10 : memref<32x1024xf32, #tpu.memory_space<vmem>>) dst(%dma_wait3A_534 : memref<32x1024xf32, #tpu.memory_space<hbm>>)
    %dma_start3A_535 = arith.constant 1 : i32
    %dma_start3A_536 = arith.constant 96 : i32
    %dma_start3A_537 = tpu.memref_slice %arg7[%dma_start3A_535, %dma_start3A_536] : memref<2x128xi32, #tpu.memory_space<vmem>> -> memref<1x32xi32, #tpu.memory_space<vmem>>
    %dma_start3A_538 = tpu.memref_squeeze %dma_start3A_537 : memref<1x32xi32, #tpu.memory_space<vmem>> -> memref<32xi32, #tpu.memory_space<vmem>>
    %dma_start3A_539 = arith.constant 0 : i32
    %dma_start3A_540 = arith.constant 0 : i32
    %dma_start3A_541 = tpu.memref_slice %arg3[%dma_start3A_539, %dma_start3A_540] : memref<65536x1024xf32, #tpu.memory_space<hbm>> -> memref<65536x1024xf32, #tpu.memory_space<hbm>>
    tpu.enqueue_indirect_dma source(%dma_start3A_541 : memref<65536x1024xf32, #tpu.memory_space<hbm>>) target(%arg10 : memref<32x1024xf32, #tpu.memory_space<vmem>>) offsets(%dma_start3A_538 : memref<32xi32, #tpu.memory_space<vmem>>) semaphore(%arg13 : memref<!tpu.dma_semaphore, #tpu.memory_space<semaphore_mem>>)
    %dma_wait3A_542 = arith.constant 0 : i32
    %dma_wait3A_543 = arith.constant 0 : i32
    %dma_wait3A_544 = tpu.memref_slice %arg7[%dma_wait3A_542, %dma_wait3A_543] : memref<2x128xi32, #tpu.memory_space<vmem>> -> memref<1x32xi32, #tpu.memory_space<vmem>>
    %dma_wait3A_545 = tpu.memref_squeeze %dma_wait3A_544 : memref<1x32xi32, #tpu.memory_space<vmem>> -> memref<32xi32, #tpu.memory_space<vmem>>
    %dma_wait3A_546 = arith.constant 0 : i32
    %dma_wait3A_547 = arith.constant 0 : i32
    %dma_wait3A_548 = tpu.memref_slice %arg3[%dma_wait3A_546, %dma_wait3A_547] : memref<65536x1024xf32, #tpu.memory_space<hbm>> -> memref<65536x1024xf32, #tpu.memory_space<hbm>>
    tpu.wait_indirect_dma semaphore(%arg12 : memref<!tpu.dma_semaphore, #tpu.memory_space<semaphore_mem>>) src(%dma_wait3A_548 : memref<65536x1024xf32, #tpu.memory_space<hbm>>) dst(%arg9 : memref<32x1024xf32, #tpu.memory_space<vmem>>)
    %scan3A_549 = arith.constant 0 : i32
    %scan3A_550 = arith.constant 0 : i32
    %scan3A_551 = arith.constant 31 : i32
    %scan3A_552 = arith.addi %scan3A_550, %scan3A_551 : i32
    %scan3A_553 = arith.constant 1 : i32
    scf.for %scan3A_823 = %scan3A_550 to %scan3A_552 step %scan3A_553  : i32 {
      %mul3A_824 = arith.constant 1024 : i32
      %mul3A_825 = arith.muli %scan3A_823, %mul3A_824 : i32
      %multiple_of3A = tpu.assume_multiple %mul3A_825, 1024 : i32
      %parallel_loop3A_826 = arith.constant 0 : i32
      %parallel_loop3A_827 = arith.constant 64 : i32
      %parallel_loop3A_828 = arith.constant 1 : i32
      scf.for %parallel_loop3A_829 = %parallel_loop3A_826 to %parallel_loop3A_827 step %parallel_loop3A_828  : i32 {
        %parallel_loop3A_830 = arith.constant 16 : i32
        %parallel_loop3A_831 = arith.muli %parallel_loop3A_829, %parallel_loop3A_830 : i32
        %parallel_loop3A_832 = arith.constant 16 : i32
        %parallel_loop3A_833 = arith.muli %parallel_loop3A_829, %parallel_loop3A_832 : i32
        %parallel_loop3A_834 = arith.addi %multiple_of3A, %parallel_loop3A_833 : i32
        %parallel_loop3A_835 = arith.index_cast %parallel_loop3A_834 : i32 to index
        %parallel_loop3A_836 = tpu.vector_load %arg8[%parallel_loop3A_835] {strides = array<i32>} : memref<32496xf32, #tpu.memory_space<vmem>>, vector<16xf32>,
        %parallel_loop3A_837 = vector.shape_cast %parallel_loop3A_836 : vector<16xf32> to vector<16xf32>
        %parallel_loop3A_838 = arith.index_cast %scan3A_823 : i32 to index
        %parallel_loop3A_839 = arith.index_cast %parallel_loop3A_831 : i32 to index
        %parallel_loop3A_840 = tpu.vector_load %arg9[%parallel_loop3A_838, %parallel_loop3A_839] {strides = array<i32>} : memref<32x1024xf32, #tpu.memory_space<vmem>>, vector<1x16xf32>,
        %parallel_loop3A_841 = vector.shape_cast %parallel_loop3A_840 : vector<1x16xf32> to vector<16xf32>
        %parallel_loop3A_842 = vector.shape_cast %parallel_loop3A_837 : vector<16xf32> to vector<1x16xf32>
        tpu.vector_store %arg9[%parallel_loop3A_838, %parallel_loop3A_839], %parallel_loop3A_842 {add = true, strides = array<i32>} : memref<32x1024xf32, #tpu.memory_space<vmem>>, vector<1x16xf32>,
      } {sc.loop_unroll_factor = 8 : i64, sc.parallel_access}
    }
    %scan3A_554 = arith.constant 31 : i32
    %parallel_loop3A_555 = arith.constant 0 : i32
    %parallel_loop3A_556 = arith.constant 47 : i32
    %parallel_loop3A_557 = arith.constant 1 : i32
    scf.for %parallel_loop3A_823 = %parallel_loop3A_555 to %parallel_loop3A_556 step %parallel_loop3A_557  : i32 {
      %parallel_loop3A_824 = arith.constant 16 : i32
      %parallel_loop3A_825 = arith.muli %parallel_loop3A_823, %parallel_loop3A_824 : i32
      %parallel_loop3A_826 = arith.constant 16 : i32
      %parallel_loop3A_827 = arith.muli %parallel_loop3A_823, %parallel_loop3A_826 : i32
      %parallel_loop3A_828 = arith.constant 31744 : i32
      %parallel_loop3A_829 = arith.addi %parallel_loop3A_828, %parallel_loop3A_827 : i32
      %parallel_loop3A_830 = arith.index_cast %parallel_loop3A_829 : i32 to index
      %parallel_loop3A_831 = tpu.vector_load %arg8[%parallel_loop3A_830] {strides = array<i32>} : memref<32496xf32, #tpu.memory_space<vmem>>, vector<16xf32>,
      %parallel_loop3A_832 = vector.shape_cast %parallel_loop3A_831 : vector<16xf32> to vector<16xf32>
      %parallel_loop3A_833 = arith.constant 31 : i32
      %parallel_loop3A_834 = arith.index_cast %parallel_loop3A_833 : i32 to index
      %parallel_loop3A_835 = arith.index_cast %parallel_loop3A_825 : i32 to index
      %parallel_loop3A_836 = tpu.vector_load %arg9[%parallel_loop3A_834, %parallel_loop3A_835] {strides = array<i32>} : memref<32x1024xf32, #tpu.memory_space<vmem>>, vector<1x16xf32>,
      %parallel_loop3A_837 = vector.shape_cast %parallel_loop3A_836 : vector<1x16xf32> to vector<16xf32>
      %parallel_loop3A_838 = vector.shape_cast %parallel_loop3A_832 : vector<16xf32> to vector<1x16xf32>
      tpu.vector_store %arg9[%parallel_loop3A_834, %parallel_loop3A_835], %parallel_loop3A_838 {add = true, strides = array<i32>} : memref<32x1024xf32, #tpu.memory_space<vmem>>, vector<1x16xf32>,
    } {sc.loop_unroll_factor = 1 : i64, sc.parallel_access}
    %swap3A_558 = arith.constant 31 : i32
    %swap3A_559 = arith.index_cast %swap3A_558 : i32 to index
    %swap3A_560 = arith.constant 752 : index
    %swap3A_561 = tpu.vector_load %arg9[%swap3A_559, %swap3A_560] {strides = array<i32>} : memref<32x1024xf32, #tpu.memory_space<vmem>>, vector<1x16xf32>,
    %swap3A_562 = vector.shape_cast %swap3A_561 : vector<1x16xf32> to vector<16xf32>
    %swap3A_563 = vector.shape_cast %get3A_9 : vector<16xf32> to vector<1x16xf32>
    tpu.vector_store %arg9[%swap3A_559, %swap3A_560], %swap3A_563 {add = true, strides = array<i32>} : memref<32x1024xf32, #tpu.memory_space<vmem>>, vector<1x16xf32>,
    %swap3A_564 = arith.constant 31 : i32
    %swap3A_565 = arith.index_cast %swap3A_564 : i32 to index
    %swap3A_566 = arith.constant 768 : index
    %swap3A_567 = tpu.vector_load %arg9[%swap3A_565, %swap3A_566] {strides = array<i32>} : memref<32x1024xf32, #tpu.memory_space<vmem>>, vector<1x16xf32>,
    %swap3A_568 = vector.shape_cast %swap3A_567 : vector<1x16xf32> to vector<16xf32>
    %swap3A_569 = vector.shape_cast %get3A_14 : vector<16xf32> to vector<1x16xf32>
    tpu.vector_store %arg9[%swap3A_565, %swap3A_566], %swap3A_569 {add = true, strides = array<i32>} : memref<32x1024xf32, #tpu.memory_space<vmem>>, vector<1x16xf32>,
    %swap3A_570 = arith.constant 31 : i32
    %swap3A_571 = arith.index_cast %swap3A_570 : i32 to index
    %swap3A_572 = arith.constant 784 : index
    %swap3A_573 = tpu.vector_load %arg9[%swap3A_571, %swap3A_572] {strides = array<i32>} : memref<32x1024xf32, #tpu.memory_space<vmem>>, vector<1x16xf32>,
    %swap3A_574 = vector.shape_cast %swap3A_573 : vector<1x16xf32> to vector<16xf32>
    %swap3A_575 = vector.shape_cast %get3A_19 : vector<16xf32> to vector<1x16xf32>
    tpu.vector_store %arg9[%swap3A_571, %swap3A_572], %swap3A_575 {add = true, strides = array<i32>} : memref<32x1024xf32, #tpu.memory_space<vmem>>, vector<1x16xf32>,
    %swap3A_576 = arith.constant 31 : i32
    %swap3A_577 = arith.index_cast %swap3A_576 : i32 to index
    %swap3A_578 = arith.constant 800 : index
    %swap3A_579 = tpu.vector_load %arg9[%swap3A_577, %swap3A_578] {strides = array<i32>} : memref<32x1024xf32, #tpu.memory_space<vmem>>, vector<1x16xf32>,
    %swap3A_580 = vector.shape_cast %swap3A_579 : vector<1x16xf32> to vector<16xf32>
    %swap3A_581 = vector.shape_cast %get3A_24 : vector<16xf32> to vector<1x16xf32>
    tpu.vector_store %arg9[%swap3A_577, %swap3A_578], %swap3A_581 {add = true, strides = array<i32>} : memref<32x1024xf32, #tpu.memory_space<vmem>>, vector<1x16xf32>,
    %swap3A_582 = arith.constant 31 : i32
    %swap3A_583 = arith.index_cast %swap3A_582 : i32 to index
    %swap3A_584 = arith.constant 816 : index
    %swap3A_585 = tpu.vector_load %arg9[%swap3A_583, %swap3A_584] {strides = array<i32>} : memref<32x1024xf32, #tpu.memory_space<vmem>>, vector<1x16xf32>,
    %swap3A_586 = vector.shape_cast %swap3A_585 : vector<1x16xf32> to vector<16xf32>
    %swap3A_587 = vector.shape_cast %get3A_29 : vector<16xf32> to vector<1x16xf32>
    tpu.vector_store %arg9[%swap3A_583, %swap3A_584], %swap3A_587 {add = true, strides = array<i32>} : memref<32x1024xf32, #tpu.memory_space<vmem>>, vector<1x16xf32>,
    %swap3A_588 = arith.constant 31 : i32
    %swap3A_589 = arith.index_cast %swap3A_588 : i32 to index
    %swap3A_590 = arith.constant 832 : index
    %swap3A_591 = tpu.vector_load %arg9[%swap3A_589, %swap3A_590] {strides = array<i32>} : memref<32x1024xf32, #tpu.memory_space<vmem>>, vector<1x16xf32>,
    %swap3A_592 = vector.shape_cast %swap3A_591 : vector<1x16xf32> to vector<16xf32>
    %swap3A_593 = vector.shape_cast %get3A_34 : vector<16xf32> to vector<1x16xf32>
    tpu.vector_store %arg9[%swap3A_589, %swap3A_590], %swap3A_593 {add = true, strides = array<i32>} : memref<32x1024xf32, #tpu.memory_space<vmem>>, vector<1x16xf32>,
    %swap3A_594 = arith.constant 31 : i32
    %swap3A_595 = arith.index_cast %swap3A_594 : i32 to index
    %swap3A_596 = arith.constant 848 : index
    %swap3A_597 = tpu.vector_load %arg9[%swap3A_595, %swap3A_596] {strides = array<i32>} : memref<32x1024xf32, #tpu.memory_space<vmem>>, vector<1x16xf32>,
    %swap3A_598 = vector.shape_cast %swap3A_597 : vector<1x16xf32> to vector<16xf32>
    %swap3A_599 = vector.shape_cast %get3A_39 : vector<16xf32> to vector<1x16xf32>
    tpu.vector_store %arg9[%swap3A_595, %swap3A_596], %swap3A_599 {add = true, strides = array<i32>} : memref<32x1024xf32, #tpu.memory_space<vmem>>, vector<1x16xf32>,
    %swap3A_600 = arith.constant 31 : i32
    %swap3A_601 = arith.index_cast %swap3A_600 : i32 to index
    %swap3A_602 = arith.constant 864 : index
    %swap3A_603 = tpu.vector_load %arg9[%swap3A_601, %swap3A_602] {strides = array<i32>} : memref<32x1024xf32, #tpu.memory_space<vmem>>, vector<1x16xf32>,
    %swap3A_604 = vector.shape_cast %swap3A_603 : vector<1x16xf32> to vector<16xf32>
    %swap3A_605 = vector.shape_cast %get3A_44 : vector<16xf32> to vector<1x16xf32>
    tpu.vector_store %arg9[%swap3A_601, %swap3A_602], %swap3A_605 {add = true, strides = array<i32>} : memref<32x1024xf32, #tpu.memory_space<vmem>>, vector<1x16xf32>,
    %swap3A_606 = arith.constant 31 : i32
    %swap3A_607 = arith.index_cast %swap3A_606 : i32 to index
    %swap3A_608 = arith.constant 880 : index
    %swap3A_609 = tpu.vector_load %arg9[%swap3A_607, %swap3A_608] {strides = array<i32>} : memref<32x1024xf32, #tpu.memory_space<vmem>>, vector<1x16xf32>,
    %swap3A_610 = vector.shape_cast %swap3A_609 : vector<1x16xf32> to vector<16xf32>
    %swap3A_611 = vector.shape_cast %get3A_49 : vector<16xf32> to vector<1x16xf32>
    tpu.vector_store %arg9[%swap3A_607, %swap3A_608], %swap3A_611 {add = true, strides = array<i32>} : memref<32x1024xf32, #tpu.memory_space<vmem>>, vector<1x16xf32>,
    %swap3A_612 = arith.constant 31 : i32
    %swap3A_613 = arith.index_cast %swap3A_612 : i32 to index
    %swap3A_614 = arith.constant 896 : index
    %swap3A_615 = tpu.vector_load %arg9[%swap3A_613, %swap3A_614] {strides = array<i32>} : memref<32x1024xf32, #tpu.memory_space<vmem>>, vector<1x16xf32>,
    %swap3A_616 = vector.shape_cast %swap3A_615 : vector<1x16xf32> to vector<16xf32>
    %swap3A_617 = vector.shape_cast %get3A_54 : vector<16xf32> to vector<1x16xf32>
    tpu.vector_store %arg9[%swap3A_613, %swap3A_614], %swap3A_617 {add = true, strides = array<i32>} : memref<32x1024xf32, #tpu.memory_space<vmem>>, vector<1x16xf32>,
    %swap3A_618 = arith.constant 31 : i32
    %swap3A_619 = arith.index_cast %swap3A_618 : i32 to index
    %swap3A_620 = arith.constant 912 : index
    %swap3A_621 = tpu.vector_load %arg9[%swap3A_619, %swap3A_620] {strides = array<i32>} : memref<32x1024xf32, #tpu.memory_space<vmem>>, vector<1x16xf32>,
    %swap3A_622 = vector.shape_cast %swap3A_621 : vector<1x16xf32> to vector<16xf32>
    %swap3A_623 = vector.shape_cast %get3A_59 : vector<16xf32> to vector<1x16xf32>
    tpu.vector_store %arg9[%swap3A_619, %swap3A_620], %swap3A_623 {add = true, strides = array<i32>} : memref<32x1024xf32, #tpu.memory_space<vmem>>, vector<1x16xf32>,
    %swap3A_624 = arith.constant 31 : i32
    %swap3A_625 = arith.index_cast %swap3A_624 : i32 to index
    %swap3A_626 = arith.constant 928 : index
    %swap3A_627 = tpu.vector_load %arg9[%swap3A_625, %swap3A_626] {strides = array<i32>} : memref<32x1024xf32, #tpu.memory_space<vmem>>, vector<1x16xf32>,
    %swap3A_628 = vector.shape_cast %swap3A_627 : vector<1x16xf32> to vector<16xf32>
    %swap3A_629 = vector.shape_cast %get3A_64 : vector<16xf32> to vector<1x16xf32>
    tpu.vector_store %arg9[%swap3A_625, %swap3A_626], %swap3A_629 {add = true, strides = array<i32>} : memref<32x1024xf32, #tpu.memory_space<vmem>>, vector<1x16xf32>,
    %swap3A_630 = arith.constant 31 : i32
    %swap3A_631 = arith.index_cast %swap3A_630 : i32 to index
    %swap3A_632 = arith.constant 944 : index
    %swap3A_633 = tpu.vector_load %arg9[%swap3A_631, %swap3A_632] {strides = array<i32>} : memref<32x1024xf32, #tpu.memory_space<vmem>>, vector<1x16xf32>,
    %swap3A_634 = vector.shape_cast %swap3A_633 : vector<1x16xf32> to vector<16xf32>
    %swap3A_635 = vector.shape_cast %get3A_69 : vector<16xf32> to vector<1x16xf32>
    tpu.vector_store %arg9[%swap3A_631, %swap3A_632], %swap3A_635 {add = true, strides = array<i32>} : memref<32x1024xf32, #tpu.memory_space<vmem>>, vector<1x16xf32>,
    %swap3A_636 = arith.constant 31 : i32
    %swap3A_637 = arith.index_cast %swap3A_636 : i32 to index
    %swap3A_638 = arith.constant 960 : index
    %swap3A_639 = tpu.vector_load %arg9[%swap3A_637, %swap3A_638] {strides = array<i32>} : memref<32x1024xf32, #tpu.memory_space<vmem>>, vector<1x16xf32>,
    %swap3A_640 = vector.shape_cast %swap3A_639 : vector<1x16xf32> to vector<16xf32>
    %swap3A_641 = vector.shape_cast %get3A_74 : vector<16xf32> to vector<1x16xf32>
    tpu.vector_store %arg9[%swap3A_637, %swap3A_638], %swap3A_641 {add = true, strides = array<i32>} : memref<32x1024xf32, #tpu.memory_space<vmem>>, vector<1x16xf32>,
    %swap3A_642 = arith.constant 31 : i32
    %swap3A_643 = arith.index_cast %swap3A_642 : i32 to index
    %swap3A_644 = arith.constant 976 : index
    %swap3A_645 = tpu.vector_load %arg9[%swap3A_643, %swap3A_644] {strides = array<i32>} : memref<32x1024xf32, #tpu.memory_space<vmem>>, vector<1x16xf32>,
    %swap3A_646 = vector.shape_cast %swap3A_645 : vector<1x16xf32> to vector<16xf32>
    %swap3A_647 = vector.shape_cast %get3A_79 : vector<16xf32> to vector<1x16xf32>
    tpu.vector_store %arg9[%swap3A_643, %swap3A_644], %swap3A_647 {add = true, strides = array<i32>} : memref<32x1024xf32, #tpu.memory_space<vmem>>, vector<1x16xf32>,
    %swap3A_648 = arith.constant 31 : i32
    %swap3A_649 = arith.index_cast %swap3A_648 : i32 to index
    %swap3A_650 = arith.constant 992 : index
    %swap3A_651 = tpu.vector_load %arg9[%swap3A_649, %swap3A_650] {strides = array<i32>} : memref<32x1024xf32, #tpu.memory_space<vmem>>, vector<1x16xf32>,
    %swap3A_652 = vector.shape_cast %swap3A_651 : vector<1x16xf32> to vector<16xf32>
    %swap3A_653 = vector.shape_cast %get3A_84 : vector<16xf32> to vector<1x16xf32>
    tpu.vector_store %arg9[%swap3A_649, %swap3A_650], %swap3A_653 {add = true, strides = array<i32>} : memref<32x1024xf32, #tpu.memory_space<vmem>>, vector<1x16xf32>,
    %swap3A_654 = arith.constant 31 : i32
    %swap3A_655 = arith.index_cast %swap3A_654 : i32 to index
    %swap3A_656 = arith.constant 1008 : index
    %swap3A_657 = tpu.vector_load %arg9[%swap3A_655, %swap3A_656] {strides = array<i32>} : memref<32x1024xf32, #tpu.memory_space<vmem>>, vector<1x16xf32>,
    %swap3A_658 = vector.shape_cast %swap3A_657 : vector<1x16xf32> to vector<16xf32>
    %swap3A_659 = vector.shape_cast %get3A_89 : vector<16xf32> to vector<1x16xf32>
    tpu.vector_store %arg9[%swap3A_655, %swap3A_656], %swap3A_659 {add = true, strides = array<i32>} : memref<32x1024xf32, #tpu.memory_space<vmem>>, vector<1x16xf32>,
    %mul3A_660 = arith.constant 32 : i32
    %mul3A_661 = arith.muli %add3A, %mul3A_660 : i32
    %dma_start3A_662 = arith.constant 126 : i32
    %dma_start3A_663 = arith.constant 0 : i32
    %dma_start3A_664 = tpu.memref_slice %arg6[%dma_start3A_662, %mul3A_661, %dma_start3A_663] : memref<128x1024x1024xf32, #tpu.memory_space<hbm>> -> memref<1x32x1024xf32, #tpu.memory_space<hbm>>
    %dma_start3A_665 = tpu.memref_squeeze %dma_start3A_664 : memref<1x32x1024xf32, #tpu.memory_space<hbm>> -> memref<32x1024xf32, #tpu.memory_space<hbm>>
    %dma_start3A_666 = arith.constant 0 : i32
    %dma_start3A_667 = tpu.memref_slice %arg6[%dma_start3A_662, %mul3A_661, %dma_start3A_666] : memref<128x1024x1024xf32, #tpu.memory_space<hbm>> -> memref<1x32x1024xf32, #tpu.memory_space<hbm>>
    %dma_start3A_668 = tpu.memref_squeeze %dma_start3A_667 : memref<1x32x1024xf32, #tpu.memory_space<hbm>> -> memref<32x1024xf32, #tpu.memory_space<hbm>>
    tpu.enqueue_dma source(%arg9 : memref<32x1024xf32, #tpu.memory_space<vmem>>) target(%dma_start3A_668 : memref<32x1024xf32, #tpu.memory_space<hbm>>) target_semaphore(%arg15 : memref<!tpu.dma_semaphore, #tpu.memory_space<semaphore_mem>>)
    %dma_wait3A_669 = arith.constant 0 : i32
    %dma_wait3A_670 = arith.constant 0 : i32
    %dma_wait3A_671 = tpu.memref_slice %arg7[%dma_wait3A_669, %dma_wait3A_670] : memref<2x128xi32, #tpu.memory_space<vmem>> -> memref<1x32xi32, #tpu.memory_space<vmem>>
    %dma_wait3A_672 = tpu.memref_squeeze %dma_wait3A_671 : memref<1x32xi32, #tpu.memory_space<vmem>> -> memref<32xi32, #tpu.memory_space<vmem>>
    %dma_wait3A_673 = arith.constant 0 : i32
    %dma_wait3A_674 = arith.constant 0 : i32
    %dma_wait3A_675 = tpu.memref_slice %arg3[%dma_wait3A_673, %dma_wait3A_674] : memref<65536x1024xf32, #tpu.memory_space<hbm>> -> memref<65536x1024xf32, #tpu.memory_space<hbm>>
    tpu.wait_indirect_dma semaphore(%arg13 : memref<!tpu.dma_semaphore, #tpu.memory_space<semaphore_mem>>) src(%dma_wait3A_675 : memref<65536x1024xf32, #tpu.memory_space<hbm>>) dst(%arg10 : memref<32x1024xf32, #tpu.memory_space<vmem>>)
    %scan3A_676 = arith.constant 0 : i32
    %scan3A_677 = arith.constant 0 : i32
    %scan3A_678 = arith.constant 31 : i32
    %scan3A_679 = arith.addi %scan3A_677, %scan3A_678 : i32
    %scan3A_680 = arith.constant 1 : i32
    scf.for %scan3A_823 = %scan3A_677 to %scan3A_679 step %scan3A_680  : i32 {
      %mul3A_824 = arith.constant 1024 : i32
      %mul3A_825 = arith.muli %scan3A_823, %mul3A_824 : i32
      %multiple_of3A = tpu.assume_multiple %mul3A_825, 1024 : i32
      %parallel_loop3A_826 = arith.constant 0 : i32
      %parallel_loop3A_827 = arith.constant 64 : i32
      %parallel_loop3A_828 = arith.constant 1 : i32
      scf.for %parallel_loop3A_829 = %parallel_loop3A_826 to %parallel_loop3A_827 step %parallel_loop3A_828  : i32 {
        %parallel_loop3A_830 = arith.constant 16 : i32
        %parallel_loop3A_831 = arith.muli %parallel_loop3A_829, %parallel_loop3A_830 : i32
        %parallel_loop3A_832 = arith.constant 16 : i32
        %parallel_loop3A_833 = arith.muli %parallel_loop3A_829, %parallel_loop3A_832 : i32
        %parallel_loop3A_834 = arith.addi %multiple_of3A, %parallel_loop3A_833 : i32
        %parallel_loop3A_835 = arith.index_cast %parallel_loop3A_834 : i32 to index
        %parallel_loop3A_836 = tpu.vector_load %arg8[%parallel_loop3A_835] {strides = array<i32>} : memref<32496xf32, #tpu.memory_space<vmem>>, vector<16xf32>,
        %parallel_loop3A_837 = vector.shape_cast %parallel_loop3A_836 : vector<16xf32> to vector<16xf32>
        %parallel_loop3A_838 = arith.index_cast %scan3A_823 : i32 to index
        %parallel_loop3A_839 = arith.index_cast %parallel_loop3A_831 : i32 to index
        %parallel_loop3A_840 = tpu.vector_load %arg10[%parallel_loop3A_838, %parallel_loop3A_839] {strides = array<i32>} : memref<32x1024xf32, #tpu.memory_space<vmem>>, vector<1x16xf32>,
        %parallel_loop3A_841 = vector.shape_cast %parallel_loop3A_840 : vector<1x16xf32> to vector<16xf32>
        %parallel_loop3A_842 = vector.shape_cast %parallel_loop3A_837 : vector<16xf32> to vector<1x16xf32>
        tpu.vector_store %arg10[%parallel_loop3A_838, %parallel_loop3A_839], %parallel_loop3A_842 {add = true, strides = array<i32>} : memref<32x1024xf32, #tpu.memory_space<vmem>>, vector<1x16xf32>,
      } {sc.loop_unroll_factor = 8 : i64, sc.parallel_access}
    }
    %scan3A_681 = arith.constant 31 : i32
    %parallel_loop3A_682 = arith.constant 0 : i32
    %parallel_loop3A_683 = arith.constant 47 : i32
    %parallel_loop3A_684 = arith.constant 1 : i32
    scf.for %parallel_loop3A_823 = %parallel_loop3A_682 to %parallel_loop3A_683 step %parallel_loop3A_684  : i32 {
      %parallel_loop3A_824 = arith.constant 16 : i32
      %parallel_loop3A_825 = arith.muli %parallel_loop3A_823, %parallel_loop3A_824 : i32
      %parallel_loop3A_826 = arith.constant 16 : i32
      %parallel_loop3A_827 = arith.muli %parallel_loop3A_823, %parallel_loop3A_826 : i32
      %parallel_loop3A_828 = arith.constant 31744 : i32
      %parallel_loop3A_829 = arith.addi %parallel_loop3A_828, %parallel_loop3A_827 : i32
      %parallel_loop3A_830 = arith.index_cast %parallel_loop3A_829 : i32 to index
      %parallel_loop3A_831 = tpu.vector_load %arg8[%parallel_loop3A_830] {strides = array<i32>} : memref<32496xf32, #tpu.memory_space<vmem>>, vector<16xf32>,
      %parallel_loop3A_832 = vector.shape_cast %parallel_loop3A_831 : vector<16xf32> to vector<16xf32>
      %parallel_loop3A_833 = arith.constant 31 : i32
      %parallel_loop3A_834 = arith.index_cast %parallel_loop3A_833 : i32 to index
      %parallel_loop3A_835 = arith.index_cast %parallel_loop3A_825 : i32 to index
      %parallel_loop3A_836 = tpu.vector_load %arg10[%parallel_loop3A_834, %parallel_loop3A_835] {strides = array<i32>} : memref<32x1024xf32, #tpu.memory_space<vmem>>, vector<1x16xf32>,
      %parallel_loop3A_837 = vector.shape_cast %parallel_loop3A_836 : vector<1x16xf32> to vector<16xf32>
      %parallel_loop3A_838 = vector.shape_cast %parallel_loop3A_832 : vector<16xf32> to vector<1x16xf32>
      tpu.vector_store %arg10[%parallel_loop3A_834, %parallel_loop3A_835], %parallel_loop3A_838 {add = true, strides = array<i32>} : memref<32x1024xf32, #tpu.memory_space<vmem>>, vector<1x16xf32>,
    } {sc.loop_unroll_factor = 1 : i64, sc.parallel_access}
    %swap3A_685 = arith.constant 31 : i32
    %swap3A_686 = arith.index_cast %swap3A_685 : i32 to index
    %swap3A_687 = arith.constant 752 : index
    %swap3A_688 = tpu.vector_load %arg10[%swap3A_686, %swap3A_687] {strides = array<i32>} : memref<32x1024xf32, #tpu.memory_space<vmem>>, vector<1x16xf32>,
    %swap3A_689 = vector.shape_cast %swap3A_688 : vector<1x16xf32> to vector<16xf32>
    %swap3A_690 = vector.shape_cast %get3A_9 : vector<16xf32> to vector<1x16xf32>
    tpu.vector_store %arg10[%swap3A_686, %swap3A_687], %swap3A_690 {add = true, strides = array<i32>} : memref<32x1024xf32, #tpu.memory_space<vmem>>, vector<1x16xf32>,
    %swap3A_691 = arith.constant 31 : i32
    %swap3A_692 = arith.index_cast %swap3A_691 : i32 to index
    %swap3A_693 = arith.constant 768 : index
    %swap3A_694 = tpu.vector_load %arg10[%swap3A_692, %swap3A_693] {strides = array<i32>} : memref<32x1024xf32, #tpu.memory_space<vmem>>, vector<1x16xf32>,
    %swap3A_695 = vector.shape_cast %swap3A_694 : vector<1x16xf32> to vector<16xf32>
    %swap3A_696 = vector.shape_cast %get3A_14 : vector<16xf32> to vector<1x16xf32>
    tpu.vector_store %arg10[%swap3A_692, %swap3A_693], %swap3A_696 {add = true, strides = array<i32>} : memref<32x1024xf32, #tpu.memory_space<vmem>>, vector<1x16xf32>,
    %swap3A_697 = arith.constant 31 : i32
    %swap3A_698 = arith.index_cast %swap3A_697 : i32 to index
    %swap3A_699 = arith.constant 784 : index
    %swap3A_700 = tpu.vector_load %arg10[%swap3A_698, %swap3A_699] {strides = array<i32>} : memref<32x1024xf32, #tpu.memory_space<vmem>>, vector<1x16xf32>,
    %swap3A_701 = vector.shape_cast %swap3A_700 : vector<1x16xf32> to vector<16xf32>
    %swap3A_702 = vector.shape_cast %get3A_19 : vector<16xf32> to vector<1x16xf32>
    tpu.vector_store %arg10[%swap3A_698, %swap3A_699], %swap3A_702 {add = true, strides = array<i32>} : memref<32x1024xf32, #tpu.memory_space<vmem>>, vector<1x16xf32>,
    %swap3A_703 = arith.constant 31 : i32
    %swap3A_704 = arith.index_cast %swap3A_703 : i32 to index
    %swap3A_705 = arith.constant 800 : index
    %swap3A_706 = tpu.vector_load %arg10[%swap3A_704, %swap3A_705] {strides = array<i32>} : memref<32x1024xf32, #tpu.memory_space<vmem>>, vector<1x16xf32>,
    %swap3A_707 = vector.shape_cast %swap3A_706 : vector<1x16xf32> to vector<16xf32>
    %swap3A_708 = vector.shape_cast %get3A_24 : vector<16xf32> to vector<1x16xf32>
    tpu.vector_store %arg10[%swap3A_704, %swap3A_705], %swap3A_708 {add = true, strides = array<i32>} : memref<32x1024xf32, #tpu.memory_space<vmem>>, vector<1x16xf32>,
    %swap3A_709 = arith.constant 31 : i32
    %swap3A_710 = arith.index_cast %swap3A_709 : i32 to index
    %swap3A_711 = arith.constant 816 : index
    %swap3A_712 = tpu.vector_load %arg10[%swap3A_710, %swap3A_711] {strides = array<i32>} : memref<32x1024xf32, #tpu.memory_space<vmem>>, vector<1x16xf32>,
    %swap3A_713 = vector.shape_cast %swap3A_712 : vector<1x16xf32> to vector<16xf32>
    %swap3A_714 = vector.shape_cast %get3A_29 : vector<16xf32> to vector<1x16xf32>
    tpu.vector_store %arg10[%swap3A_710, %swap3A_711], %swap3A_714 {add = true, strides = array<i32>} : memref<32x1024xf32, #tpu.memory_space<vmem>>, vector<1x16xf32>,
    %swap3A_715 = arith.constant 31 : i32
    %swap3A_716 = arith.index_cast %swap3A_715 : i32 to index
    %swap3A_717 = arith.constant 832 : index
    %swap3A_718 = tpu.vector_load %arg10[%swap3A_716, %swap3A_717] {strides = array<i32>} : memref<32x1024xf32, #tpu.memory_space<vmem>>, vector<1x16xf32>,
    %swap3A_719 = vector.shape_cast %swap3A_718 : vector<1x16xf32> to vector<16xf32>
    %swap3A_720 = vector.shape_cast %get3A_34 : vector<16xf32> to vector<1x16xf32>
    tpu.vector_store %arg10[%swap3A_716, %swap3A_717], %swap3A_720 {add = true, strides = array<i32>} : memref<32x1024xf32, #tpu.memory_space<vmem>>, vector<1x16xf32>,
    %swap3A_721 = arith.constant 31 : i32
    %swap3A_722 = arith.index_cast %swap3A_721 : i32 to index
    %swap3A_723 = arith.constant 848 : index
    %swap3A_724 = tpu.vector_load %arg10[%swap3A_722, %swap3A_723] {strides = array<i32>} : memref<32x1024xf32, #tpu.memory_space<vmem>>, vector<1x16xf32>,
    %swap3A_725 = vector.shape_cast %swap3A_724 : vector<1x16xf32> to vector<16xf32>
    %swap3A_726 = vector.shape_cast %get3A_39 : vector<16xf32> to vector<1x16xf32>
    tpu.vector_store %arg10[%swap3A_722, %swap3A_723], %swap3A_726 {add = true, strides = array<i32>} : memref<32x1024xf32, #tpu.memory_space<vmem>>, vector<1x16xf32>,
    %swap3A_727 = arith.constant 31 : i32
    %swap3A_728 = arith.index_cast %swap3A_727 : i32 to index
    %swap3A_729 = arith.constant 864 : index
    %swap3A_730 = tpu.vector_load %arg10[%swap3A_728, %swap3A_729] {strides = array<i32>} : memref<32x1024xf32, #tpu.memory_space<vmem>>, vector<1x16xf32>,
    %swap3A_731 = vector.shape_cast %swap3A_730 : vector<1x16xf32> to vector<16xf32>
    %swap3A_732 = vector.shape_cast %get3A_44 : vector<16xf32> to vector<1x16xf32>
    tpu.vector_store %arg10[%swap3A_728, %swap3A_729], %swap3A_732 {add = true, strides = array<i32>} : memref<32x1024xf32, #tpu.memory_space<vmem>>, vector<1x16xf32>,
    %swap3A_733 = arith.constant 31 : i32
    %swap3A_734 = arith.index_cast %swap3A_733 : i32 to index
    %swap3A_735 = arith.constant 880 : index
    %swap3A_736 = tpu.vector_load %arg10[%swap3A_734, %swap3A_735] {strides = array<i32>} : memref<32x1024xf32, #tpu.memory_space<vmem>>, vector<1x16xf32>,
    %swap3A_737 = vector.shape_cast %swap3A_736 : vector<1x16xf32> to vector<16xf32>
    %swap3A_738 = vector.shape_cast %get3A_49 : vector<16xf32> to vector<1x16xf32>
    tpu.vector_store %arg10[%swap3A_734, %swap3A_735], %swap3A_738 {add = true, strides = array<i32>} : memref<32x1024xf32, #tpu.memory_space<vmem>>, vector<1x16xf32>,
    %swap3A_739 = arith.constant 31 : i32
    %swap3A_740 = arith.index_cast %swap3A_739 : i32 to index
    %swap3A_741 = arith.constant 896 : index
    %swap3A_742 = tpu.vector_load %arg10[%swap3A_740, %swap3A_741] {strides = array<i32>} : memref<32x1024xf32, #tpu.memory_space<vmem>>, vector<1x16xf32>,
    %swap3A_743 = vector.shape_cast %swap3A_742 : vector<1x16xf32> to vector<16xf32>
    %swap3A_744 = vector.shape_cast %get3A_54 : vector<16xf32> to vector<1x16xf32>
    tpu.vector_store %arg10[%swap3A_740, %swap3A_741], %swap3A_744 {add = true, strides = array<i32>} : memref<32x1024xf32, #tpu.memory_space<vmem>>, vector<1x16xf32>,
    %swap3A_745 = arith.constant 31 : i32
    %swap3A_746 = arith.index_cast %swap3A_745 : i32 to index
    %swap3A_747 = arith.constant 912 : index
    %swap3A_748 = tpu.vector_load %arg10[%swap3A_746, %swap3A_747] {strides = array<i32>} : memref<32x1024xf32, #tpu.memory_space<vmem>>, vector<1x16xf32>,
    %swap3A_749 = vector.shape_cast %swap3A_748 : vector<1x16xf32> to vector<16xf32>
    %swap3A_750 = vector.shape_cast %get3A_59 : vector<16xf32> to vector<1x16xf32>
    tpu.vector_store %arg10[%swap3A_746, %swap3A_747], %swap3A_750 {add = true, strides = array<i32>} : memref<32x1024xf32, #tpu.memory_space<vmem>>, vector<1x16xf32>,
    %swap3A_751 = arith.constant 31 : i32
    %swap3A_752 = arith.index_cast %swap3A_751 : i32 to index
    %swap3A_753 = arith.constant 928 : index
    %swap3A_754 = tpu.vector_load %arg10[%swap3A_752, %swap3A_753] {strides = array<i32>} : memref<32x1024xf32, #tpu.memory_space<vmem>>, vector<1x16xf32>,
    %swap3A_755 = vector.shape_cast %swap3A_754 : vector<1x16xf32> to vector<16xf32>
    %swap3A_756 = vector.shape_cast %get3A_64 : vector<16xf32> to vector<1x16xf32>
    tpu.vector_store %arg10[%swap3A_752, %swap3A_753], %swap3A_756 {add = true, strides = array<i32>} : memref<32x1024xf32, #tpu.memory_space<vmem>>, vector<1x16xf32>,
    %swap3A_757 = arith.constant 31 : i32
    %swap3A_758 = arith.index_cast %swap3A_757 : i32 to index
    %swap3A_759 = arith.constant 944 : index
    %swap3A_760 = tpu.vector_load %arg10[%swap3A_758, %swap3A_759] {strides = array<i32>} : memref<32x1024xf32, #tpu.memory_space<vmem>>, vector<1x16xf32>,
    %swap3A_761 = vector.shape_cast %swap3A_760 : vector<1x16xf32> to vector<16xf32>
    %swap3A_762 = vector.shape_cast %get3A_69 : vector<16xf32> to vector<1x16xf32>
    tpu.vector_store %arg10[%swap3A_758, %swap3A_759], %swap3A_762 {add = true, strides = array<i32>} : memref<32x1024xf32, #tpu.memory_space<vmem>>, vector<1x16xf32>,
    %swap3A_763 = arith.constant 31 : i32
    %swap3A_764 = arith.index_cast %swap3A_763 : i32 to index
    %swap3A_765 = arith.constant 960 : index
    %swap3A_766 = tpu.vector_load %arg10[%swap3A_764, %swap3A_765] {strides = array<i32>} : memref<32x1024xf32, #tpu.memory_space<vmem>>, vector<1x16xf32>,
    %swap3A_767 = vector.shape_cast %swap3A_766 : vector<1x16xf32> to vector<16xf32>
    %swap3A_768 = vector.shape_cast %get3A_74 : vector<16xf32> to vector<1x16xf32>
    tpu.vector_store %arg10[%swap3A_764, %swap3A_765], %swap3A_768 {add = true, strides = array<i32>} : memref<32x1024xf32, #tpu.memory_space<vmem>>, vector<1x16xf32>,
    %swap3A_769 = arith.constant 31 : i32
    %swap3A_770 = arith.index_cast %swap3A_769 : i32 to index
    %swap3A_771 = arith.constant 976 : index
    %swap3A_772 = tpu.vector_load %arg10[%swap3A_770, %swap3A_771] {strides = array<i32>} : memref<32x1024xf32, #tpu.memory_space<vmem>>, vector<1x16xf32>,
    %swap3A_773 = vector.shape_cast %swap3A_772 : vector<1x16xf32> to vector<16xf32>
    %swap3A_774 = vector.shape_cast %get3A_79 : vector<16xf32> to vector<1x16xf32>
    tpu.vector_store %arg10[%swap3A_770, %swap3A_771], %swap3A_774 {add = true, strides = array<i32>} : memref<32x1024xf32, #tpu.memory_space<vmem>>, vector<1x16xf32>,
    %swap3A_775 = arith.constant 31 : i32
    %swap3A_776 = arith.index_cast %swap3A_775 : i32 to index
    %swap3A_777 = arith.constant 992 : index
    %swap3A_778 = tpu.vector_load %arg10[%swap3A_776, %swap3A_777] {strides = array<i32>} : memref<32x1024xf32, #tpu.memory_space<vmem>>, vector<1x16xf32>,
    %swap3A_779 = vector.shape_cast %swap3A_778 : vector<1x16xf32> to vector<16xf32>
    %swap3A_780 = vector.shape_cast %get3A_84 : vector<16xf32> to vector<1x16xf32>
    tpu.vector_store %arg10[%swap3A_776, %swap3A_777], %swap3A_780 {add = true, strides = array<i32>} : memref<32x1024xf32, #tpu.memory_space<vmem>>, vector<1x16xf32>,
    %swap3A_781 = arith.constant 31 : i32
    %swap3A_782 = arith.index_cast %swap3A_781 : i32 to index
    %swap3A_783 = arith.constant 1008 : index
    %swap3A_784 = tpu.vector_load %arg10[%swap3A_782, %swap3A_783] {strides = array<i32>} : memref<32x1024xf32, #tpu.memory_space<vmem>>, vector<1x16xf32>,
    %swap3A_785 = vector.shape_cast %swap3A_784 : vector<1x16xf32> to vector<16xf32>
    %swap3A_786 = vector.shape_cast %get3A_89 : vector<16xf32> to vector<1x16xf32>
    tpu.vector_store %arg10[%swap3A_782, %swap3A_783], %swap3A_786 {add = true, strides = array<i32>} : memref<32x1024xf32, #tpu.memory_space<vmem>>, vector<1x16xf32>,
    %mul3A_787 = arith.constant 32 : i32
    %mul3A_788 = arith.muli %add3A, %mul3A_787 : i32
    %dma_start3A_789 = arith.constant 127 : i32
    %dma_start3A_790 = arith.constant 0 : i32
    %dma_start3A_791 = tpu.memref_slice %arg6[%dma_start3A_789, %mul3A_788, %dma_start3A_790] : memref<128x1024x1024xf32, #tpu.memory_space<hbm>> -> memref<1x32x1024xf32, #tpu.memory_space<hbm>>
    %dma_start3A_792 = tpu.memref_squeeze %dma_start3A_791 : memref<1x32x1024xf32, #tpu.memory_space<hbm>> -> memref<32x1024xf32, #tpu.memory_space<hbm>>
    %dma_start3A_793 = arith.constant 0 : i32
    %dma_start3A_794 = tpu.memref_slice %arg6[%dma_start3A_789, %mul3A_788, %dma_start3A_793] : memref<128x1024x1024xf32, #tpu.memory_space<hbm>> -> memref<1x32x1024xf32, #tpu.memory_space<hbm>>
    %dma_start3A_795 = tpu.memref_squeeze %dma_start3A_794 : memref<1x32x1024xf32, #tpu.memory_space<hbm>> -> memref<32x1024xf32, #tpu.memory_space<hbm>>
    tpu.enqueue_dma source(%arg10 : memref<32x1024xf32, #tpu.memory_space<vmem>>) target(%dma_start3A_795 : memref<32x1024xf32, #tpu.memory_space<hbm>>) target_semaphore(%arg16 : memref<!tpu.dma_semaphore, #tpu.memory_space<semaphore_mem>>)
    %mul3A_796 = arith.constant 32 : i32
    %mul3A_797 = arith.muli %add3A, %mul3A_796 : i32
    %dma_wait3A_798 = arith.constant 0 : i32
    %dma_wait3A_799 = arith.constant 0 : i32
    %dma_wait3A_800 = tpu.memref_slice %arg6[%dma_wait3A_798, %mul3A_797, %dma_wait3A_799] : memref<128x1024x1024xf32, #tpu.memory_space<hbm>> -> memref<1x32x1024xf32, #tpu.memory_space<hbm>>
    %dma_wait3A_801 = tpu.memref_squeeze %dma_wait3A_800 : memref<1x32x1024xf32, #tpu.memory_space<hbm>> -> memref<32x1024xf32, #tpu.memory_space<hbm>>
    %dma_wait3A_802 = arith.constant 0 : i32
    %dma_wait3A_803 = tpu.memref_slice %arg6[%dma_wait3A_798, %mul3A_797, %dma_wait3A_802] : memref<128x1024x1024xf32, #tpu.memory_space<hbm>> -> memref<1x32x1024xf32, #tpu.memory_space<hbm>>
    %dma_wait3A_804 = tpu.memref_squeeze %dma_wait3A_803 : memref<1x32x1024xf32, #tpu.memory_space<hbm>> -> memref<32x1024xf32, #tpu.memory_space<hbm>>
    tpu.wait_dma2 semaphore(%arg17 : memref<!tpu.dma_semaphore, #tpu.memory_space<semaphore_mem>>) src(%arg11 : memref<32x1024xf32, #tpu.memory_space<vmem>>) dst(%dma_wait3A_804 : memref<32x1024xf32, #tpu.memory_space<hbm>>)
    %mul3A_805 = arith.constant 32 : i32
    %mul3A_806 = arith.muli %add3A, %mul3A_805 : i32
    %dma_wait3A_807 = arith.constant 0 : i32
    %dma_wait3A_808 = arith.constant 0 : i32
    %dma_wait3A_809 = tpu.memref_slice %arg6[%dma_wait3A_807, %mul3A_806, %dma_wait3A_808] : memref<128x1024x1024xf32, #tpu.memory_space<hbm>> -> memref<1x32x1024xf32, #tpu.memory_space<hbm>>
    %dma_wait3A_810 = tpu.memref_squeeze %dma_wait3A_809 : memref<1x32x1024xf32, #tpu.memory_space<hbm>> -> memref<32x1024xf32, #tpu.memory_space<hbm>>
    %dma_wait3A_811 = arith.constant 0 : i32
    %dma_wait3A_812 = tpu.memref_slice %arg6[%dma_wait3A_807, %mul3A_806, %dma_wait3A_811] : memref<128x1024x1024xf32, #tpu.memory_space<hbm>> -> memref<1x32x1024xf32, #tpu.memory_space<hbm>>
    %dma_wait3A_813 = tpu.memref_squeeze %dma_wait3A_812 : memref<1x32x1024xf32, #tpu.memory_space<hbm>> -> memref<32x1024xf32, #tpu.memory_space<hbm>>
    tpu.wait_dma2 semaphore(%arg15 : memref<!tpu.dma_semaphore, #tpu.memory_space<semaphore_mem>>) src(%arg9 : memref<32x1024xf32, #tpu.memory_space<vmem>>) dst(%dma_wait3A_813 : memref<32x1024xf32, #tpu.memory_space<hbm>>)
    %mul3A_814 = arith.constant 32 : i32
    %mul3A_815 = arith.muli %add3A, %mul3A_814 : i32
    %dma_wait3A_816 = arith.constant 0 : i32
    %dma_wait3A_817 = arith.constant 0 : i32
    %dma_wait3A_818 = tpu.memref_slice %arg6[%dma_wait3A_816, %mul3A_815, %dma_wait3A_817] : memref<128x1024x1024xf32, #tpu.memory_space<hbm>> -> memref<1x32x1024xf32, #tpu.memory_space<hbm>>
    %dma_wait3A_819 = tpu.memref_squeeze %dma_wait3A_818 : memref<1x32x1024xf32, #tpu.memory_space<hbm>> -> memref<32x1024xf32, #tpu.memory_space<hbm>>
    %dma_wait3A_820 = arith.constant 0 : i32
    %dma_wait3A_821 = tpu.memref_slice %arg6[%dma_wait3A_816, %mul3A_815, %dma_wait3A_820] : memref<128x1024x1024xf32, #tpu.memory_space<hbm>> -> memref<1x32x1024xf32, #tpu.memory_space<hbm>>
    %dma_wait3A_822 = tpu.memref_squeeze %dma_wait3A_821 : memref<1x32x1024xf32, #tpu.memory_space<hbm>> -> memref<32x1024xf32, #tpu.memory_space<hbm>>
    tpu.wait_dma2 semaphore(%arg16 : memref<!tpu.dma_semaphore, #tpu.memory_space<semaphore_mem>>) src(%arg10 : memref<32x1024xf32, #tpu.memory_space<vmem>>) dst(%dma_wait3A_822 : memref<32x1024xf32, #tpu.memory_space<hbm>>)
    return
  }
}

</mosaic_0001>

<sc_bundles>
// kernel: kernel.3.cloned.1.call-start
scs
__scs_entry_jumppad:
0x0: {  	(pc) =	sbr.rel $0x88, $3  }
0x1: {  	(tag) =	ssettag $0x0;
	lr =	simm.s32 $0x1  }
0x2: {  	[smem:$0x3F9E] =	sst lr;
	_ =	strace $0xD0000000  }
0x3: {  	_ = 	snop  }
0x4: {  	_ = 	snop  }
0x5: {  	_ = 	snop  }
0x6: {  	_ = 	snop  }
0x7: {  	_ = 	snop  }
__scs_overlays_trampoline_lowered:
0x8: {  	[smem:$0x3FAD] =	sst s0  }
0x9: {  	[smem:$0x3FAE] =	sst s1  }
0xa: {  	[smem:$0x3FAF] =	sst s2  }
0xb: {  	[smem:$0x3FB0] =	sst s3  }
0xc: {  	[smem:$0x3FB1] =	sst s4  }
0xd: {  	[smem:$0x3FB2] =	sst s5  }
0xe: {  	[smem:$0x3FB3] =	sst s6  }
0xf: {  	[smem:$0x3FB4] =	sst s7  }
0x10: {  	[smem:$0x3FB5] =	sst s8  }
0x11: {  	[smem:$0x3FB6] =	sst s9;
	s0 =	simm.s32 @!p0 $0x0  }
0x12: {  	s1 =	sld [smem:$0x3F9C];
	s0 =	simm.s32 @p0 $0x1  }
0x13: {  	[smem:$0x3FB7] =	sst s0;
	s0 =	simm.s32 @!p1 $0x0  }
0x14: {  	s2 =	sld [smem:$0x3F9B];
	s0 =	simm.s32 @p1 $0x1  }
0x15: {  	[smem:$0x3FB8] =	sst s0;
	s0 =	simm.s32 @!p2 $0x0  }
0x16: {  	s3 =	sld [smem:$0x3FDB];
	s0 =	simm.s32 @p2 $0x1  }
0x17: {  	s4 =	simm.s32 $0x1BF5;
	[smem:$0x3FBA] =	sst s0  }
0x18: {  	s0 =	sld [smem:$0x3F9D];
	_ =	swait.ge [sflag:s4], $0x0  }
0x19: {  	s7 =	sld [smem:$0x3F9E]  }
0x1a: {  	s8 =	sadd.s32 $0xFFFFE003, lr  }
0x1b: {  	s9 =	sadd.s32 $0xFFFFFEF7, lr;
	s5 =	simm.s32 $0xFFFFFFFF;
	p2 =	slt.u32 s8, $0xFFFFF086  }
0x1c: {  	p1 =	slt.u32 s9, $0xF7A;
	s5 =	simm.s32 @!p2 $0x0  }
0x1d: {  	s5 =	simm.s32 @p1 $0x1;
	p0 =	seq.s32 s7, s2  }
0x1e: {  	s7 =	smul.u32 @!p0 $0xF7A, s2;
	p2 =	seq.s32 @!p0 s5, $0x0  }
0x1f: {  	s9 =	smul.u32 $0xF7A, s1;
	s8 =	simm.s32 @!p0 $0x1BF5;
	p2 =	por !p2, p0  }
0x20: {  	[sflag:s8] =	ssyncset.s32 @!p0 $0xFFFFF086;
	s6 =	sadd.s32 @!p0 s3, s7;
	s7 =	simm.s32 @!p0 $0x108  }
0x21: {  	s3 =	sadd.s32 s3, s9;
	s6 =	sadd.s32 @!p0 $0x88, s6;
	s7 =	simm.s32 @p2 $0x1082  }
0x22: {  	[simem:s7], [sflag:s8] =	dma.local @!p0 [hbm:s6], $0xF7A  }
0x23: {  	s9 =	sor.u32 $0xD0000000, s2;
	s6 =	simm.s32 $0x108;
	_ =	swait.ge @!p0 [sflag:s8], $0x0  }
0x24: {  	s3 =	sadd.s32 $0x88, s3;
	s6 =	simm.s32 @!p1 $0x1082;
	[sflag:s4] =	ssyncset.s32 $0xFFFFF086  }
0x25: {  	[simem:s6], [sflag:s4] =	dma.local [hbm:s3], $0xF7A  }
0x26: {  	[smem:$0x3F9E] =	sst s1;
	(tag) =	ssettag s2;
	_ =	strace s9  }
0x27: {  	s1 =	sld [smem:$0x3FAE]  }
0x28: {  	s2 =	sld [smem:$0x3FAF]  }
0x29: {  	s4 =	sld [smem:$0x3FB1]  }
0x2a: {  	p0 =	seq.s32 s5, $0x0;
	s5 =	sld [smem:$0x3FB2]  }
0x2b: {  	s6 =	sld [smem:$0x3FB3]  }
0x2c: {  	s7 =	sld [smem:$0x3FB4]  }
0x2d: {  	s3 =	simm.s32 $0x108;
	s8 =	sld [smem:$0x3FB5]  }
0x2e: {  	s3 =	simm.s32 @!p0 $0x1082;
	s9 =	sld [smem:$0x3FB6]  }
0x2f: {  	lr =	sadd.s32 s0, s3;
	s0 =	sld [smem:$0x3FAD]  }
0x30: {  	s3 =	sld [smem:$0x3FB0]  }
0x31: {  	[smem:$0x3FB9] =	sst s10  }
0x32: {  	s10 =	sld [smem:$0x3FB7];
	_ =	sdelay $0x3  }
0x33: {  	p0 =	seq.s32 s10, $0x1;
	s10 =	sld [smem:$0x3FB9];
	_ =	sdelay $0x3  }
0x34: {  	[smem:$0x3FB9] =	sst s10  }
0x35: {  	s10 =	sld [smem:$0x3FB8];
	_ =	sdelay $0x3  }
0x36: {  	p1 =	seq.s32 s10, $0x1;
	s10 =	sld [smem:$0x3FB9];
	_ =	sdelay $0x3  }
0x37: {  	[smem:$0x3FB9] =	sst s10  }
0x38: {  	s10 =	sld [smem:$0x3FBA]  }
0x39: {  	_ = 	snop;
	(pc) =	sbr.ind lr, $3  }
0x3a: {  	_ = 	snop  }
0x3b: {  	_ = 	snop  }
0x3c: {  	p2 =	seq.s32 s10, $0x1;
	s10 =	sld [smem:$0x3FB9]  }
0x3d: {  	_ =	shalt  }
0x3e: {  	_ =	shalt  }
0x3f: {  	_ =	shalt  }
0x40: {  	_ =	shalt  }
0x41: {  	_ =	shalt  }
0x42: {  	_ =	shalt  }
0x43: {  	_ =	shalt  }
0x44: {  	_ =	shalt  }
0x45: {  	_ =	shalt  }
0x46: {  	_ =	shalt  }
0x47: {  	_ =	shalt  }
0x48: {  	_ =	shalt  }
0x49: {  	_ =	shalt  }
0x4a: {  	_ =	shalt  }
0x4b: {  	_ =	shalt  }
0x4c: {  	_ =	shalt  }
0x4d: {  	_ =	shalt  }
0x4e: {  	_ =	shalt  }
0x4f: {  	_ =	shalt  }
0x50: {  	_ =	shalt  }
0x51: {  	_ =	shalt  }
0x52: {  	_ =	shalt  }
0x53: {  	_ =	shalt  }
0x54: {  	_ =	shalt  }
0x55: {  	_ =	shalt  }
0x56: {  	_ =	shalt  }
0x57: {  	_ =	shalt  }
0x58: {  	_ =	shalt  }
0x59: {  	_ =	shalt  }
0x5a: {  	_ =	shalt  }
0x5b: {  	_ =	shalt  }
0x5c: {  	_ =	shalt  }
0x5d: {  	_ =	shalt  }
0x5e: {  	_ =	shalt  }
0x5f: {  	_ =	shalt  }
0x60: {  	_ =	shalt  }
0x61: {  	_ =	shalt  }
0x62: {  	_ =	shalt  }
0x63: {  	_ =	shalt  }
0x64: {  	_ =	shalt  }
0x65: {  	_ =	shalt  }
0x66: {  	_ =	shalt  }
0x67: {  	_ =	shalt  }
0x68: {  	_ =	shalt  }
0x69: {  	_ =	shalt  }
0x6a: {  	_ =	shalt  }
0x6b: {  	_ =	shalt  }
0x6c: {  	_ =	shalt  }
0x6d: {  	_ =	shalt  }
0x6e: {  	_ =	shalt  }
0x6f: {  	_ =	shalt  }
0x70: {  	_ =	shalt  }
0x71: {  	_ =	shalt  }
0x72: {  	_ =	shalt  }
0x73: {  	_ =	shalt  }
0x74: {  	_ =	shalt  }
0x75: {  	_ =	shalt  }
0x76: {  	_ =	shalt  }
0x77: {  	_ =	shalt  }
0x78: {  	_ =	shalt  }
0x79: {  	_ =	shalt  }
0x7a: {  	_ =	shalt  }
0x7b: {  	_ =	shalt  }
0x7c: {  	_ =	shalt  }
0x7d: {  	_ =	shalt  }
0x7e: {  	_ =	shalt  }
0x7f: {  	_ =	shalt  }
0x80: {  	_ =	shalt  }
0x81: {  	_ =	shalt  }
0x82: {  	_ =	shalt  }
0x83: {  	_ =	shalt  }
0x84: {  	_ =	shalt  }
0x85: {  	_ =	shalt  }
0x86: {  	_ =	shalt  }
0x87: {  	_ =	shalt  }
.Lfunc_end0:
.L_simem_size_0:
called_computation_lowered:
.L_overlay_start_0:
0x88: {  	s2 =	sld [smem:$0x3FD9]  }
0x89: {  	s3 =	sld [smem:$0x3FFE];
	_ =	sdelay $0x1  }
0x8a: {  	s1 =	srdreg.scid  }
0x8b: {  	s0 =	sand.u32 $0x1, s1  }
0x8c: {  	s17 =	sshll.u32 s0, $0xA;
	s2 =	sadd.s32 s3, s2  }
0x8d: {  	s2 =	sadd.s32 s2, s17  }
0x8e: {  	[smem:$0x3FC5] =	sst s2  }
0x8f: {  	_ = 	snop  }
0x90: {  	s2 =	sld [smem:$0x3FC8]  }
0x91: {  	s18 =	sld [smem:$0x3FC7]  }
0x92: {  	s4 =	sld [smem:$0x3FD0];
	(tm) =	ssettm $0x1  }
0x93: {  	s5 =	sld [smem:$0x3FFB];
	_ =	sdelay $0x3  }
0x94: {  	_ =	strace s5  }
0x95: {  	s5 =	sld [smem:$0x3FFC];
	_ =	sdelay $0x3  }
0x96: {  	_ =	strace s5  }
0x97: {  	s5 =	sld [smem:$0x3FFD];
	_ =	sdelay $0x3  }
0x98: {  	_ =	strace s5  }
0x99: {  	_ =	strace $0x8FFFFFFF  }
0x9a: {  	s19 =	sld [smem:$0x3FDB];
	_ =	sdelay $0x1  }
0x9b: {  	s6 =	simm.s32 $_scs_section_size  }
0x9c: {  	s7 =	simm.s32 $_size__tile_overlayer_lowered;
	s8 =	simm.s32 $_tile_overlayer_lowered  }
0x9d: {  	s22 =	simm.s32 $0x1BFF;
	s21 =	sshll.u32 s8, $0x1;
	s5 =	sadd.s32 s6, s19  }
0x9e: {  	s9 =	simm.s32 $0x0;
	s20 =	sshll.u32 s7, $0x1;
	s7 =	sadd.s32 s21, s5  }
0x9f: {  	[timem:s9], [sflag:s22] =	dma.local [hbm:s7], s20  }
0xa0: {  	_ =	swait.ge [sflag:s22], s20  }
0xa1: {  	s6 =	ssub.s32 $0x0, s20;
	[sflag:s22] =	ssyncset.done $0x0  }
0xa2: {  	[sflag:s22] =	ssyncadd.s32 s6;
	_ =	sdelay $0x1  }
0xa3: {  	s23 =	simm.s32 $0x1B8B  }
0xa4: {  	_ =	swait.ge [sflag:s23], $0x1  }
0xa5: {  	[sflag:s23] =	ssyncset.done $0x0  }
0xa6: {  	s25 =	simm.s32 $0x1B8E;
	s24 =	sld [smem:$0x3FFE];
	[sflag:s23] =	ssyncadd.s32 $0xFFFFFFFF  }
0xa7: {  	s26 =	simm.s32 $execute0_lowered;
	[smem:$0x3FD2] =	sst s25  }
0xa8: {  	s7 =	sshll.u32 s26, $0x1;
	_ =	strace $0x80000046;
	[dreg:$0x1] =	wrdreg $0xFFFFFFFF  }
0xa9: {  	s28 =	simm.s32 $_size_execute0_lowered;
	s5 =	sadd.s32 s5, s7;
	[dreg:$0x0] =	wrdreg $0x0  }
0xaa: {  	s7 =	sshll.u32 s28, $0x1;
	[dreg:$0x2] =	wrdreg s5  }
0xab: {  	[dreg:$0x3] =	wrdreg s7  }
0xac: {  	[dreg:$0x4] =	wrdreg $0xC0  }
0xad: {  	_ =	task [dreg:s9], $0x5FFFF  }
0xae: {  	[dreg:$0x1] =	wrdreg $0xFFFFFFFF  }
0xaf: {  	[dreg:$0x0] =	wrdreg $0x60  }
0xb0: {  	[dreg:$0x2] =	wrdreg s24  }
0xb1: {  	[dreg:$0x3] =	wrdreg s2  }
0xb2: {  	[dreg:$0x4] =	wrdreg s18  }
0xb3: {  	[dreg:$0x5] =	wrdreg s4  }
0xb4: {  	[dreg:$0x6] =	wrdreg $0x9  }
0xb5: {  	_ =	task.clear_ibuf [dreg:s9], $0x7FFFF;
	_ =	strace $0x90000046  }
0xb6: {  	s29 =	simm.s32 $0x9;
	_ =	strace $0x80000048  }
0xb7: {  	_ =	swait.ge [sflag:s29], $0x1  }
0xb8: {  	[sflag:s29] =	ssyncadd.s32 $0xFFFFFFFF  }
0xb9: {  	_ =	strace $0x90000048  }
0xba: {  	_ =	sfence  }
0xbb: {  	s30 =	sld [smem:$0x0];
	_ =	sdelay $0x2  }
0xbc: {  	s31 =	sshll.u32 s1, $0xD;
	s1 =	sshrl.u32 s1, $0x2  }
0xbd: {  	s3 =	sand.u32 $0x4000, s31;
	s1 =	sadd.s32 s1, s30  }
0xbe: {  	s0 =	sor.u32 s3, s0;
	s1 =	sshll.u32 s1, $0x11  }
0xbf: {  	s0 =	sor.u32 s1, s0  }
0xc0: {  	s0 =	sadd.s32 $0x8F2B, s0  }
0xc1: {  	[sflag:s0] =	ssyncadd.remote.s32 $0x1  }
0xc2: {  	_ =	sfence.sel $0xFFFF  }
0xc3: {  	[dreg:$0x0] =	wrdreg $0xFFFFFFFF;
	(pc) =	sbr.abs _section_cstart, $3  }
0xc4: {  	[dreg:$0x1] =	wrdreg $0xFFFFFFFF  }
0xc5: {  	_ =	task.clear_ibuf [dreg:s9], $0x2FFFF;
	_ =	strace $0x9FFFFFFF  }
0xc6: {  	(tm) =	ssettm $0x7FFFFFFF  }
0xc7: {  	_ =	shalt  }
tec
execute0_lowered:
.L_overlay_start_1:
0x0: {  	(tag) =	ssettag $0x1  }
0x1: {  	s0 =	rddreg [dreg:$0x0]  }
0x2: {  	s1 =	rddreg [dreg:$0x1]  }
0x3: {  	s2 =	rddreg [dreg:$0x2]  }
0x4: {  	s3 =	rddreg [dreg:$0x3]  }
0x5: {  	s4 =	simm.s32 $0x0;
	s5 =	srdreg.scid;
	s8 =	stileid.u32  }
0x6: {  	s18 =	simm.s32 $0x10000;
	s16 =	simm.s32 $0x5;
	s17 =	simm.s32 $0x6  }
0x7: {  	[smem:$0x7FF] =	sst s4;
	s6 =	sand.u32 $0x1, s5;
	s21 =	sshll.u32 s8, $0x1  }
0x8: {  	s5 =	sadd.s32 $0x600, s0;
	s8 =	sshll.u32 s8, $0xD;
	s11 =	sadd.s32 $0x200, s1  }
0x9: {  	s12 =	sadd.s32 $0x300, s1;
	_ =	strace $0x80000047;
	s7 =	sor.u32 s6, s21  }
0xa: {  	s10 =	ssub.s32 $0x2, s6;
	s21 =	simm.s32 $0x8000;
	s9 =	sshll.u32 s7, $0x7  }
0xb: {  	s13 =	sshll.u32 s7, $0xC;
	s23 =	sshrl.u32 s10, $0x1;
	s14 =	sshll.u32 s7, $0xF  }
0xc: {  	s7 =	simm.s32 $0x1;
	s2 =	sadd.s32 s13, s2;
	s26 =	sadd.s32 s3, s13  }
0xd: {  	s0 =	sadd.s32 s13, s0;
	s2 =	sadd.s32 $0xC00, s2;
	[dreg:$0x9] =	wrdreg s26  }
0xe: {  	s22 =	sor.u32 s8, s9;
	s0 =	sadd.s32 $0x4600, s0;
	[dreg:$0x5] =	wrdreg s2  }
0xf: {  	s8 =	ssub.s32 s10, s23;
	s28 =	sadd.s32 $0x20000, s26;
	[dreg:$0x6] =	wrdreg s0  }
0x10: {  	s10 =	sadd.s32 $0x100, s1;
	s29 =	sadd.s32 $0xFA0000, s26;
	[dreg:$0xa] =	wrdreg s28  }
0x11: {  	s6 =	sand.u32 $0x18380, s22;
	s30 =	sadd.s32 $0xFC0000, s26;
	[dreg:$0xb] =	wrdreg s29  }
0x12: {  	s31 =	smax.u32 s8, $0x1;
	s24 =	sshrl.u32 s6, $0x3;
	[dreg:$0xc] =	wrdreg s30  }
0x13: {  	s23 =	simm.s32 $0x2;
	[dreg:$0xe] =	wrdreg s31;
	s25 =	sadd.s32 s5, s24  }
0x14: {  	v2 =	vlaneseq.u32;
	s13 =	simm.s32 $0x3;
	[dreg:$0x7] =	wrdreg s25;
	s0 =	sadd.s32 $0x80, s25  }
0x15: {  	vm0 =	vmmov $0xffff;
	v1 =	vshrl.u32 v2, $0x3;
	s9 =	simm.s32 $0x0;
	[dreg:$0x8] =	wrdreg s0;
	s0 =	sadd.s32 $0xFE0000, s26  }
0x16: {  	v0 =	vand.u32 $0x7, v2;
	v2 =	vor.u32 $0x8, v2;
	v1 =	vmul.u32 $0x8, v1;
	s8 =	simm.s32 $0x4;
	s2 =	simm.s32 $0x18000;
	[dreg:$0xd] =	wrdreg s0  }
.LBB2_1:
0x17: {  	[dreg:$0xf] =	wrdreg s9  }
0x18: {  	s0 =	rddreg [dreg:$0x5];
	s31 =	simm.s32 $0x8  }
0x19: {  	[tilespmem:s21], [sflag:$0x8] =	stream.linear.gather [hbm4b:s0+s4], $0x2000, $0x38;
	v63 =	vld [tilespmem:$0x0]  }
0x1a: {  	_ =	swait.ge [sflag:s31], $0x2000  }
0x1b: {  	[sflag:s31] =	ssyncset.done $0x0  }
0x1c: {  	[sflag:s31] =	ssyncadd.s32 $0xFFFFE000  }
0x1d: {  	v3 =	vld [tilespmem:$0x97F0]  }
0x1e: {  	v4 =	vld [tilespmem:$0x9B80]  }
0x1f: {  	v5 =	vld [tilespmem:$0x9B90]  }
0x20: {  	v6 =	vld [tilespmem:$0x9BA0]  }
0x21: {  	v7 =	vld [tilespmem:$0x9BB0]  }
0x22: {  	v8 =	vld [tilespmem:$0x9BC0]  }
0x23: {  	v9 =	vld [tilespmem:$0x9BD0]  }
0x24: {  	v10 =	vld [tilespmem:$0x9BE0]  }
0x25: {  	v11 =	vld [tilespmem:$0x9BF0]  }
0x26: {  	v12 =	vld [tilespmem:$0x9F80]  }
0x27: {  	v13 =	vld [tilespmem:$0x9F90]  }
0x28: {  	v14 =	vld [tilespmem:$0x9FA0]  }
0x29: {  	v15 =	vld [tilespmem:$0x9FB0]  }
0x2a: {  	v16 =	vld [tilespmem:$0x9FC0]  }
0x2b: {  	v17 =	vld [tilespmem:$0x9FD0]  }
0x2c: {  	s15 =	simm.s32 $0x100;
	s19 =	rddreg [dreg:$0x6];
	v18 =	vld [tilespmem:$0x9FE0]  }
0x2d: {  	v19 =	vld [tilespmem:$0x9FF0];
	[tilespmem:s15], [sflag:$0x8] =	stream.linear.gather [hbm4b:s19+s4], $0x7EF0, $0x38  }
0x2e: {  	_ =	swait.ge [sflag:s31], $0x7EF0  }
0x2f: {  	[sflag:s31] =	ssyncset.done $0x0  }
0x30: {  	s20 =	rddreg [dreg:$0x7];
	[sflag:s31] =	ssyncadd.s32 $0xFFFF8110  }
0x31: {  	[tilespmem:s4], [sflag:$0x8] =	stream.linear.gather [hbm4b:s20+s4], $0x80, $0x38;
	v63 =	vld [tilespmem:$0x0]  }
0x32: {  	_ =	swait.ge [sflag:s31], $0x80  }
0x33: {  	[sflag:s31] =	ssyncset.done $0x0  }
0x34: {  	[sflag:s31] =	ssyncadd.s32 $0xFFFFFF80  }
0x35: {  	v20 =	vld [tilespmem:$0x0];
	_ =	sdelay $0x4  }
0x36: {  	v21 =	vshll.u32 v20, $0x3  }
0x37: {  	v20 =	vand.u32 $0x7, v20;
	v21 =	vand.u32 $0xFFFFFFC0, v21  }
0x38: {  	v20 =	vor.u32 v20, v21  }
0x39: {  	v21 =	vperm.xlane v20, v0;
	_ =	sdelay $0x1  }
0x3a: {  	v21 =	vadd.s32 v1, v21;
	_ =	sdelay $0x4  }
0x3b: {  	[tilespmem:s21], [sflag:$0x1] =	stream.indirect_vreg.gather [hbm4b:s1+s4], $0x80, v21, vm0, $0xb8;
	v63 =	vld [tilespmem:$0x0]  }
0x3c: {  	s22 =	simm.s32 $0x8800;
	v20 =	vperm.xlane v20, v2  }
0x3d: {  	[tilespmem:s22], [sflag:$0x1] =	stream.indirect_vreg.gather [hbm4b:s10+s4], $0x80, v21, vm0, $0xb8;
	v63 =	vld [tilespmem:$0x0]  }
0x3e: {  	s24 =	simm.s32 $0x9000;
	v20 =	vadd.s32 v1, v20  }
0x3f: {  	[tilespmem:s24], [sflag:$0x1] =	stream.indirect_vreg.gather [hbm4b:s11+s4], $0x80, v21, vm0, $0xb8;
	v63 =	vld [tilespmem:$0x0]  }
0x40: {  	s25 =	simm.s32 $0x9800  }
0x41: {  	[tilespmem:s25], [sflag:$0x1] =	stream.indirect_vreg.gather [hbm4b:s12+s4], $0x80, v21, vm0, $0xb8;
	v63 =	vld [tilespmem:$0x0]  }
0x42: {  	s26 =	simm.s32 $0xA000  }
0x43: {  	[tilespmem:s26], [sflag:$0x1] =	stream.indirect_vreg.gather [hbm4b:s1+s4], $0x80, v20, vm0, $0xb8;
	v63 =	vld [tilespmem:$0x0]  }
0x44: {  	s28 =	simm.s32 $0xA800  }
0x45: {  	[tilespmem:s28], [sflag:$0x1] =	stream.indirect_vreg.gather [hbm4b:s10+s4], $0x80, v20, vm0, $0xb8;
	v63 =	vld [tilespmem:$0x0]  }
0x46: {  	s29 =	simm.s32 $0xB000  }
0x47: {  	[tilespmem:s29], [sflag:$0x1] =	stream.indirect_vreg.gather [hbm4b:s11+s4], $0x80, v20, vm0, $0xb8;
	v63 =	vld [tilespmem:$0x0]  }
0x48: {  	s30 =	simm.s32 $0xB800  }
0x49: {  	[tilespmem:s30], [sflag:$0x1] =	stream.indirect_vreg.gather [hbm4b:s12+s4], $0x80, v20, vm0, $0xb8;
	v63 =	vld [tilespmem:$0x0]  }
0x4a: {  	v20 =	vld [tilespmem:$0x10];
	_ =	sdelay $0x4  }
0x4b: {  	v60 =	vshll.u32 v20, $0x3  }
0x4c: {  	v20 =	vand.u32 $0x7, v20;
	v21 =	vand.u32 $0xFFFFFFC0, v60  }
0x4d: {  	v20 =	vor.u32 v20, v21  }
0x4e: {  	v21 =	vperm.xlane v20, v0;
	_ =	sdelay $0x1  }
0x4f: {  	v21 =	vadd.s32 v1, v21;
	_ =	sdelay $0x3  }
0x50: {  	s31 =	simm.s32 $0xC000  }
0x51: {  	[tilespmem:s31], [sflag:$0x1] =	stream.indirect_vreg.gather [hbm4b:s1+s4], $0x80, v21, vm0, $0xb8;
	v63 =	vld [tilespmem:$0x0]  }
0x52: {  	s9 =	simm.s32 $0xC800;
	v20 =	vperm.xlane v20, v2  }
0x53: {  	[tilespmem:s9], [sflag:$0x1] =	stream.indirect_vreg.gather [hbm4b:s10+s4], $0x80, v21, vm0, $0xb8;
	v63 =	vld [tilespmem:$0x0]  }
0x54: {  	s15 =	simm.s32 $0xD000;
	v20 =	vadd.s32 v1, v20  }
0x55: {  	[tilespmem:s15], [sflag:$0x1] =	stream.indirect_vreg.gather [hbm4b:s11+s4], $0x80, v21, vm0, $0xb8;
	v63 =	vld [tilespmem:$0x0]  }
0x56: {  	s19 =	simm.s32 $0xD800  }
0x57: {  	[tilespmem:s19], [sflag:$0x1] =	stream.indirect_vreg.gather [hbm4b:s12+s4], $0x80, v21, vm0, $0xb8;
	v63 =	vld [tilespmem:$0x0]  }
0x58: {  	s20 =	simm.s32 $0xE000  }
0x59: {  	[tilespmem:s20], [sflag:$0x1] =	stream.indirect_vreg.gather [hbm4b:s1+s4], $0x80, v20, vm0, $0xb8;
	v63 =	vld [tilespmem:$0x0]  }
0x5a: {  	s22 =	simm.s32 $0xE800  }
0x5b: {  	[tilespmem:s22], [sflag:$0x1] =	stream.indirect_vreg.gather [hbm4b:s10+s4], $0x80, v20, vm0, $0xb8;
	v63 =	vld [tilespmem:$0x0]  }
0x5c: {  	s24 =	simm.s32 $0xF000  }
0x5d: {  	[tilespmem:s24], [sflag:$0x1] =	stream.indirect_vreg.gather [hbm4b:s11+s4], $0x80, v20, vm0, $0xb8;
	v63 =	vld [tilespmem:$0x0]  }
0x5e: {  	s25 =	simm.s32 $0xF800  }
0x5f: {  	[tilespmem:s25], [sflag:$0x1] =	stream.indirect_vreg.gather [hbm4b:s12+s4], $0x80, v20, vm0, $0xb8;
	v63 =	vld [tilespmem:$0x0]  }
0x60: {  	v20 =	vld [tilespmem:$0x20];
	_ =	sdelay $0x4  }
0x61: {  	v61 =	vshll.u32 v20, $0x3  }
0x62: {  	v20 =	vand.u32 $0x7, v20;
	v21 =	vand.u32 $0xFFFFFFC0, v61  }
0x63: {  	v20 =	vor.u32 v20, v21  }
0x64: {  	v21 =	vperm.xlane v20, v0;
	_ =	sdelay $0x1  }
0x65: {  	v21 =	vadd.s32 v1, v21;
	_ =	sdelay $0x4  }
0x66: {  	[tilespmem:s18], [sflag:$0x2] =	stream.indirect_vreg.gather [hbm4b:s1+s4], $0x80, v21, vm0, $0xb8;
	v63 =	vld [tilespmem:$0x0]  }
0x67: {  	s26 =	simm.s32 $0x10800;
	v20 =	vperm.xlane v20, v2  }
0x68: {  	[tilespmem:s26], [sflag:$0x2] =	stream.indirect_vreg.gather [hbm4b:s10+s4], $0x80, v21, vm0, $0xb8;
	v63 =	vld [tilespmem:$0x0]  }
0x69: {  	s28 =	simm.s32 $0x11000;
	v20 =	vadd.s32 v1, v20  }
0x6a: {  	[tilespmem:s28], [sflag:$0x2] =	stream.indirect_vreg.gather [hbm4b:s11+s4], $0x80, v21, vm0, $0xb8;
	v63 =	vld [tilespmem:$0x0]  }
0x6b: {  	s29 =	simm.s32 $0x11800  }
0x6c: {  	[tilespmem:s29], [sflag:$0x2] =	stream.indirect_vreg.gather [hbm4b:s12+s4], $0x80, v21, vm0, $0xb8;
	v63 =	vld [tilespmem:$0x0]  }
0x6d: {  	s30 =	simm.s32 $0x12000  }
0x6e: {  	[tilespmem:s30], [sflag:$0x2] =	stream.indirect_vreg.gather [hbm4b:s1+s4], $0x80, v20, vm0, $0xb8;
	v63 =	vld [tilespmem:$0x0]  }
0x6f: {  	s31 =	simm.s32 $0x12800  }
0x70: {  	[tilespmem:s31], [sflag:$0x2] =	stream.indirect_vreg.gather [hbm4b:s10+s4], $0x80, v20, vm0, $0xb8;
	v63 =	vld [tilespmem:$0x0]  }
0x71: {  	s9 =	simm.s32 $0x13000  }
0x72: {  	[tilespmem:s9], [sflag:$0x2] =	stream.indirect_vreg.gather [hbm4b:s11+s4], $0x80, v20, vm0, $0xb8;
	v63 =	vld [tilespmem:$0x0]  }
0x73: {  	s15 =	simm.s32 $0x13800  }
0x74: {  	[tilespmem:s15], [sflag:$0x2] =	stream.indirect_vreg.gather [hbm4b:s12+s4], $0x80, v20, vm0, $0xb8;
	v63 =	vld [tilespmem:$0x0]  }
0x75: {  	v20 =	vld [tilespmem:$0x30];
	_ =	sdelay $0x4  }
0x76: {  	v62 =	vshll.u32 v20, $0x3  }
0x77: {  	v20 =	vand.u32 $0x7, v20;
	v21 =	vand.u32 $0xFFFFFFC0, v62  }
0x78: {  	v20 =	vor.u32 v20, v21  }
0x79: {  	v21 =	vperm.xlane v20, v0;
	_ =	sdelay $0x1  }
0x7a: {  	v21 =	vadd.s32 v1, v21;
	_ =	sdelay $0x3  }
0x7b: {  	s19 =	simm.s32 $0x14000  }
0x7c: {  	[tilespmem:s19], [sflag:$0x2] =	stream.indirect_vreg.gather [hbm4b:s1+s4], $0x80, v21, vm0, $0xb8;
	v63 =	vld [tilespmem:$0x0]  }
0x7d: {  	s20 =	simm.s32 $0x14800;
	v20 =	vperm.xlane v20, v2  }
0x7e: {  	[tilespmem:s20], [sflag:$0x2] =	stream.indirect_vreg.gather [hbm4b:s10+s4], $0x80, v21, vm0, $0xb8;
	v63 =	vld [tilespmem:$0x0]  }
0x7f: {  	s22 =	simm.s32 $0x15000;
	v20 =	vadd.s32 v1, v20  }
0x80: {  	[tilespmem:s22], [sflag:$0x2] =	stream.indirect_vreg.gather [hbm4b:s11+s4], $0x80, v21, vm0, $0xb8;
	v63 =	vld [tilespmem:$0x0]  }
0x81: {  	s24 =	simm.s32 $0x15800  }
0x82: {  	[tilespmem:s24], [sflag:$0x2] =	stream.indirect_vreg.gather [hbm4b:s12+s4], $0x80, v21, vm0, $0xb8;
	v63 =	vld [tilespmem:$0x0]  }
0x83: {  	s25 =	simm.s32 $0x16000  }
0x84: {  	[tilespmem:s25], [sflag:$0x2] =	stream.indirect_vreg.gather [hbm4b:s1+s4], $0x80, v20, vm0, $0xb8;
	v63 =	vld [tilespmem:$0x0]  }
0x85: {  	s26 =	simm.s32 $0x16800  }
0x86: {  	[tilespmem:s26], [sflag:$0x2] =	stream.indirect_vreg.gather [hbm4b:s10+s4], $0x80, v20, vm0, $0xb8;
	v63 =	vld [tilespmem:$0x0]  }
0x87: {  	s28 =	simm.s32 $0x17000  }
0x88: {  	[tilespmem:s28], [sflag:$0x2] =	stream.indirect_vreg.gather [hbm4b:s11+s4], $0x80, v20, vm0, $0xb8;
	v63 =	vld [tilespmem:$0x0]  }
0x89: {  	s29 =	simm.s32 $0x17800  }
0x8a: {  	[tilespmem:s29], [sflag:$0x2] =	stream.indirect_vreg.gather [hbm4b:s12+s4], $0x80, v20, vm0, $0xb8;
	v63 =	vld [tilespmem:$0x0]  }
0x8b: {  	s30 =	rddreg [dreg:$0x8];
	s31 =	simm.s32 $0x80  }
0x8c: {  	[tilespmem:s31], [sflag:$0x7] =	stream.linear.gather [hbm4b:s30+s4], $0x80, $0x38;
	v63 =	vld [tilespmem:$0x0]  }
0x8d: {  	_ =	swait.ge [sflag:s7], $0x8000  }
0x8e: {  	s9 =	simm.s32 $0x140;
	s15 =	simm.s32 $0x0;
	[sflag:s7] =	ssyncset.done $0x0  }
0x8f: {  	s19 =	simm.s32 $0x0;
	s20 =	simm.s32 $0x0;
	[sflag:s7] =	ssyncadd.s32 $0xFFFF8000  }
.LBB2_2:
0x90: {  	v20 =	vld [tilespmem:s9+$0x30]  }
0x91: {  	v21 =	vld [tilespmem:s9+$0xFFFFFFD0]  }
0x92: {  	s0 =	sshll.u32 s19, $0x2;
	s22 =	sand.u32 $0x7, s15;
	v22 =	vld [tilespmem:s9+$0xFFFFFFE0]  }
0x93: {  	v23 =	vld [tilespmem:s9+$0xFFFFFFF0];
	s0 =	sand.u32 $0xFFFF8000, s0;
	s22 =	sshll.u32 s22, $0x9  }
0x94: {  	v24 =	vld [tilespmem:s9+$0x0];
	s0 =	sor.u32 s22, s0  }
0x95: {  	v25 =	vld [tilespmem:s9+$0x20];
	s0 =	sshrl.u32 s0, $0x2  }
0x96: {  	v26 =	vld [tilespmem:s9+$0xFFFFFFC0];
	s22 =	sadd.s32 $0x8000, s0  }
0x97: {  	[tilespmem:s22+$0x70] =	vst.add.f32.msk $0xffff, v20  }
0x98: {  	v20 =	vld [tilespmem:s9+$0x10]  }
0x99: {  	[tilespmem:s22+$0x10] =	vst.add.f32.msk $0xffff, v21  }
0x9a: {  	[tilespmem:s22+$0x20] =	vst.add.f32.msk $0xffff, v22  }
0x9b: {  	[tilespmem:s22+$0x30] =	vst.add.f32.msk $0xffff, v23  }
0x9c: {  	[tilespmem:s22+$0x40] =	vst.add.f32.msk $0xffff, v24  }
0x9d: {  	[tilespmem:s22+$0x0] =	vst.add.f32.msk $0xffff, v26  }
0x9e: {  	[tilespmem:s22+$0x60] =	vst.add.f32.msk $0xffff, v25  }
0x9f: {  	s24 =	simm.s32 $0x0;
	s25 =	sadd.s32 $0x80, s9;
	[tilespmem:s22+$0x50] =	vst.add.f32.msk $0xffff, v20  }
.LBB2_3:
0xa0: {  	v20 =	vld [tilespmem:s25+$0x30];
	s24 =	sadd.s32 $0x8, s24  }
0xa1: {  	v21 =	vld [tilespmem:s25+$0xFFFFFFD0];
	p0 =	slt.u32 s24, $0x38  }
0xa2: {  	v22 =	vld [tilespmem:s25+$0xFFFFFFE0]  }
0xa3: {  	v23 =	vld [tilespmem:s25+$0xFFFFFFF0]  }
0xa4: {  	s22 =	sadd.s32 $0x400, s22;
	v24 =	vld [tilespmem:s25+$0x0]  }
0xa5: {  	[tilespmem:s22+$0x70] =	vst.add.f32.msk $0xffff, v20  }
0xa6: {  	v20 =	vld [tilespmem:s25+$0x10]  }
0xa7: {  	v25 =	vld [tilespmem:s25+$0x20]  }
0xa8: {  	v26 =	vld [tilespmem:s25+$0xFFFFFFC0]  }
0xa9: {  	[tilespmem:s22+$0x10] =	vst.add.f32.msk $0xffff, v21  }
0xaa: {  	[tilespmem:s22+$0x20] =	vst.add.f32.msk $0xffff, v22  }
.Ltmp0:
0xab: {  	[tilespmem:s22+$0x30] =	vst.add.f32.msk $0xffff, v23;
	(pc) =	sbr.rel @p0 .LBB2_3-.Ltmp0, $4  }
0xac: {  	[tilespmem:s22+$0x40] =	vst.add.f32.msk $0xffff, v24  }
0xad: {  	[tilespmem:s22+$0x0] =	vst.add.f32.msk $0xffff, v26  }
0xae: {  	[tilespmem:s22+$0x50] =	vst.add.f32.msk $0xffff, v20  }
0xaf: {  	s25 =	sadd.s32 $0x80, s25;
	[tilespmem:s22+$0x60] =	vst.add.f32.msk $0xffff, v25  }
0xb0: {  	s20 =	sadd.s32 $0x1, s20  }
0xb1: {  	p0 =	sne.s32 s20, $0x1F  }
.Ltmp1:
0xb2: {  	_ = 	snop;
	(pc) =	sbr.rel @p0 .LBB2_2-.Ltmp1, $2  }
0xb3: {  	_ =	sdelay $0x2  }
0xb4: {  	s19 =	sadd.s32 $0x400, s19;
	s15 =	sadd.s32 $0x1, s15;
	s9 =	sadd.s32 $0x400, s9  }
0xb5: {  	s0 =	simm.s32 $0x0  }
0xb6: {  	s19 =	sand.u32 $0x3F0, s0  }
0xb7: {  	v20 =	vld [tilespmem:s19+$0x7D00]  }
0xb8: {  	s9 =	sand.u32 $0x70, s0;
	s15 =	sand.u32 $0x1C00, s0  }
0xb9: {  	s15 =	sor.u32 s9, s15  }
0xba: {  	s9 =	simm.s32 $0x10;
	s15 =	sor.u32 $0xE380, s15  }
.LBB2_6:
0xbb: {  	s19 =	sand.u32 $0x3F0, s9  }
0xbc: {  	p0 =	sne.s32 s9, $0x2E0;
	[tilespmem:s15+$0x0] =	vst.add.f32.msk $0xffff, v20;
	s15 =	smov.u32 s9;
	s9 =	sadd.s32 $0x10, s9  }
.Ltmp2:
0xbd: {  	v20 =	vld [tilespmem:s19+$0x7D00];
	(pc) =	sbr.rel @p0 .LBB2_6-.Ltmp2, $4  }
0xbe: {  	s0 =	sadd.s32 $0x80, s0  }
0xbf: {  	s15 =	sand.u32 $0x70, s15;
	s19 =	sand.u32 $0x1C00, s0  }
0xc0: {  	s15 =	sor.u32 s15, s19  }
0xc1: {  	s15 =	sor.u32 $0xE380, s15  }
0xc2: {  	[tilespmem:s15+$0x0] =	vst.add.f32.msk $0xffff, v20;
	s0 =	simm.s32 $0xF7F0  }
0xc3: {  	s20 =	simm.s32 $0xFB80;
	[tilespmem:s0+$0x0] =	vst.add.f32.msk $0xffff, v3  }
0xc4: {  	s22 =	simm.s32 $0xFB90;
	[tilespmem:s20+$0x0] =	vst.add.f32.msk $0xffff, v4  }
0xc5: {  	s24 =	simm.s32 $0xFBA0;
	[tilespmem:s22+$0x0] =	vst.add.f32.msk $0xffff, v5  }
0xc6: {  	s25 =	simm.s32 $0xFBB0;
	[tilespmem:s24+$0x0] =	vst.add.f32.msk $0xffff, v6  }
0xc7: {  	s26 =	simm.s32 $0xFBC0;
	[tilespmem:s25+$0x0] =	vst.add.f32.msk $0xffff, v7  }
0xc8: {  	s28 =	simm.s32 $0xFBD0;
	[tilespmem:s26+$0x0] =	vst.add.f32.msk $0xffff, v8  }
0xc9: {  	s29 =	simm.s32 $0xFBE0;
	[tilespmem:s28+$0x0] =	vst.add.f32.msk $0xffff, v9  }
0xca: {  	s30 =	simm.s32 $0xFBF0;
	[tilespmem:s29+$0x0] =	vst.add.f32.msk $0xffff, v10  }
0xcb: {  	s31 =	simm.s32 $0xFF80;
	[tilespmem:s30+$0x0] =	vst.add.f32.msk $0xffff, v11  }
0xcc: {  	s9 =	simm.s32 $0xFF90;
	[tilespmem:s31+$0x0] =	vst.add.f32.msk $0xffff, v12  }
0xcd: {  	s15 =	simm.s32 $0xFFA0;
	[tilespmem:s9+$0x0] =	vst.add.f32.msk $0xffff, v13  }
0xce: {  	s19 =	simm.s32 $0xFFB0;
	[tilespmem:s15+$0x0] =	vst.add.f32.msk $0xffff, v14  }
0xcf: {  	s20 =	simm.s32 $0xFFC0;
	[tilespmem:s19+$0x0] =	vst.add.f32.msk $0xffff, v15  }
0xd0: {  	s22 =	simm.s32 $0xFFD0;
	[tilespmem:s20+$0x0] =	vst.add.f32.msk $0xffff, v16  }
0xd1: {  	s24 =	simm.s32 $0xFFE0;
	[tilespmem:s22+$0x0] =	vst.add.f32.msk $0xffff, v17  }
0xd2: {  	s25 =	simm.s32 $0xFFF0;
	[tilespmem:s24+$0x0] =	vst.add.f32.msk $0xffff, v18  }
0xd3: {  	s26 =	rddreg [dreg:$0x9];
	s9 =	simm.s32 $0x0;
	[tilespmem:s25+$0x0] =	vst.add.f32.msk $0xffff, v19  }
0xd4: {  	[hbm4b:s26+s9] =	stream.linear.scatter [tilespmem:s21], [sflag:$0x4], $0x8000, $0x38;
	v63 =	vld [tilespmem:$0x0]  }
0xd5: {  	v20 =	vld [tilespmem:$0x40];
	_ =	sdelay $0x4  }
0xd6: {  	v21 =	vshll.u32 v20, $0x3  }
0xd7: {  	v20 =	vand.u32 $0x7, v20;
	v21 =	vand.u32 $0xFFFFFFC0, v21  }
0xd8: {  	v20 =	vor.u32 v20, v21  }
0xd9: {  	v21 =	vperm.xlane v20, v0;
	_ =	sdelay $0x1  }
0xda: {  	v21 =	vadd.s32 v1, v21;
	_ =	sdelay $0x4  }
0xdb: {  	[tilespmem:s2], [sflag:$0x3] =	stream.indirect_vreg.gather [hbm4b:s1+s9], $0x80, v21, vm0, $0xb8;
	v63 =	vld [tilespmem:$0x0]  }
0xdc: {  	s28 =	simm.s32 $0x18800;
	v20 =	vperm.xlane v20, v2  }
0xdd: {  	[tilespmem:s28], [sflag:$0x3] =	stream.indirect_vreg.gather [hbm4b:s10+s9], $0x80, v21, vm0, $0xb8;
	v63 =	vld [tilespmem:$0x0]  }
0xde: {  	s29 =	simm.s32 $0x19000;
	v20 =	vadd.s32 v1, v20  }
0xdf: {  	[tilespmem:s29], [sflag:$0x3] =	stream.indirect_vreg.gather [hbm4b:s11+s9], $0x80, v21, vm0, $0xb8;
	v63 =	vld [tilespmem:$0x0]  }
0xe0: {  	s30 =	simm.s32 $0x19800  }
0xe1: {  	[tilespmem:s30], [sflag:$0x3] =	stream.indirect_vreg.gather [hbm4b:s12+s9], $0x80, v21, vm0, $0xb8;
	v63 =	vld [tilespmem:$0x0]  }
0xe2: {  	s31 =	simm.s32 $0x1A000  }
0xe3: {  	[tilespmem:s31], [sflag:$0x3] =	stream.indirect_vreg.gather [hbm4b:s1+s9], $0x80, v20, vm0, $0xb8;
	v63 =	vld [tilespmem:$0x0]  }
0xe4: {  	s15 =	simm.s32 $0x1A800  }
0xe5: {  	[tilespmem:s15], [sflag:$0x3] =	stream.indirect_vreg.gather [hbm4b:s10+s9], $0x80, v20, vm0, $0xb8;
	v63 =	vld [tilespmem:$0x0]  }
0xe6: {  	s19 =	simm.s32 $0x1B000  }
0xe7: {  	[tilespmem:s19], [sflag:$0x3] =	stream.indirect_vreg.gather [hbm4b:s11+s9], $0x80, v20, vm0, $0xb8;
	v63 =	vld [tilespmem:$0x0]  }
0xe8: {  	s20 =	simm.s32 $0x1B800  }
0xe9: {  	[tilespmem:s20], [sflag:$0x3] =	stream.indirect_vreg.gather [hbm4b:s12+s9], $0x80, v20, vm0, $0xb8;
	v63 =	vld [tilespmem:$0x0]  }
0xea: {  	v20 =	vld [tilespmem:$0x50];
	_ =	sdelay $0x4  }
0xeb: {  	v62 =	vshll.u32 v20, $0x3  }
0xec: {  	v20 =	vand.u32 $0x7, v20;
	v21 =	vand.u32 $0xFFFFFFC0, v62  }
0xed: {  	v20 =	vor.u32 v20, v21  }
0xee: {  	v21 =	vperm.xlane v20, v0;
	_ =	sdelay $0x1  }
0xef: {  	v21 =	vadd.s32 v1, v21;
	_ =	sdelay $0x3  }
0xf0: {  	s22 =	simm.s32 $0x1C000  }
0xf1: {  	[tilespmem:s22], [sflag:$0x3] =	stream.indirect_vreg.gather [hbm4b:s1+s9], $0x80, v21, vm0, $0xb8;
	v63 =	vld [tilespmem:$0x0]  }
0xf2: {  	s24 =	simm.s32 $0x1C800;
	v20 =	vperm.xlane v20, v2  }
0xf3: {  	[tilespmem:s24], [sflag:$0x3] =	stream.indirect_vreg.gather [hbm4b:s10+s9], $0x80, v21, vm0, $0xb8;
	v63 =	vld [tilespmem:$0x0]  }
0xf4: {  	s25 =	simm.s32 $0x1D000;
	v20 =	vadd.s32 v1, v20  }
0xf5: {  	[tilespmem:s25], [sflag:$0x3] =	stream.indirect_vreg.gather [hbm4b:s11+s9], $0x80, v21, vm0, $0xb8;
	v63 =	vld [tilespmem:$0x0]  }
0xf6: {  	s26 =	simm.s32 $0x1D800  }
0xf7: {  	[tilespmem:s26], [sflag:$0x3] =	stream.indirect_vreg.gather [hbm4b:s12+s9], $0x80, v21, vm0, $0xb8;
	v63 =	vld [tilespmem:$0x0]  }
0xf8: {  	s28 =	simm.s32 $0x1E000  }
0xf9: {  	[tilespmem:s28], [sflag:$0x3] =	stream.indirect_vreg.gather [hbm4b:s1+s9], $0x80, v20, vm0, $0xb8;
	v63 =	vld [tilespmem:$0x0]  }
0xfa: {  	s29 =	simm.s32 $0x1E800  }
0xfb: {  	[tilespmem:s29], [sflag:$0x3] =	stream.indirect_vreg.gather [hbm4b:s10+s9], $0x80, v20, vm0, $0xb8;
	v63 =	vld [tilespmem:$0x0]  }
0xfc: {  	s30 =	simm.s32 $0x1F000  }
0xfd: {  	[tilespmem:s30], [sflag:$0x3] =	stream.indirect_vreg.gather [hbm4b:s11+s9], $0x80, v20, vm0, $0xb8;
	v63 =	vld [tilespmem:$0x0]  }
0xfe: {  	s31 =	simm.s32 $0x1F800  }
0xff: {  	[tilespmem:s31], [sflag:$0x3] =	stream.indirect_vreg.gather [hbm4b:s12+s9], $0x80, v20, vm0, $0xb8;
	v63 =	vld [tilespmem:$0x0]  }
0x100: {  	_ =	swait.ge [sflag:s23], $0x8000  }
0x101: {  	s15 =	simm.s32 $0x140;
	[sflag:s23] =	ssyncset.done $0x0  }
0x102: {  	s19 =	simm.s32 $0x0;
	s20 =	simm.s32 $0x0;
	[sflag:s23] =	ssyncadd.s32 $0xFFFF8000  }
.LBB2_8:
0x103: {  	v20 =	vld [tilespmem:s15+$0x30]  }
0x104: {  	v21 =	vld [tilespmem:s15+$0xFFFFFFD0]  }
0x105: {  	s0 =	sshll.u32 s19, $0x2;
	s22 =	sand.u32 $0x7, s9;
	v22 =	vld [tilespmem:s15+$0xFFFFFFE0]  }
0x106: {  	v23 =	vld [tilespmem:s15+$0xFFFFFFF0];
	s0 =	sand.u32 $0xFFFF8000, s0;
	s22 =	sshll.u32 s22, $0x9  }
0x107: {  	v24 =	vld [tilespmem:s15+$0x0];
	s0 =	sor.u32 s22, s0  }
0x108: {  	v25 =	vld [tilespmem:s15+$0x20];
	s0 =	sshrl.u32 s0, $0x2  }
0x109: {  	v26 =	vld [tilespmem:s15+$0xFFFFFFC0];
	s22 =	sadd.s32 $0x10000, s0  }
0x10a: {  	[tilespmem:s22+$0x70] =	vst.add.f32.msk $0xffff, v20  }
0x10b: {  	v20 =	vld [tilespmem:s15+$0x10]  }
0x10c: {  	[tilespmem:s22+$0x10] =	vst.add.f32.msk $0xffff, v21  }
0x10d: {  	[tilespmem:s22+$0x20] =	vst.add.f32.msk $0xffff, v22  }
0x10e: {  	[tilespmem:s22+$0x30] =	vst.add.f32.msk $0xffff, v23  }
0x10f: {  	[tilespmem:s22+$0x40] =	vst.add.f32.msk $0xffff, v24  }
0x110: {  	[tilespmem:s22+$0x0] =	vst.add.f32.msk $0xffff, v26  }
0x111: {  	[tilespmem:s22+$0x60] =	vst.add.f32.msk $0xffff, v25  }
0x112: {  	s24 =	simm.s32 $0x0;
	s25 =	sadd.s32 $0x80, s15;
	[tilespmem:s22+$0x50] =	vst.add.f32.msk $0xffff, v20  }
.LBB2_9:
0x113: {  	v20 =	vld [tilespmem:s25+$0x30];
	s24 =	sadd.s32 $0x8, s24  }
0x114: {  	v21 =	vld [tilespmem:s25+$0xFFFFFFD0];
	p0 =	slt.u32 s24, $0x38  }
0x115: {  	v22 =	vld [tilespmem:s25+$0xFFFFFFE0]  }
0x116: {  	v23 =	vld [tilespmem:s25+$0xFFFFFFF0]  }
0x117: {  	s22 =	sadd.s32 $0x400, s22;
	v24 =	vld [tilespmem:s25+$0x0]  }
0x118: {  	[tilespmem:s22+$0x70] =	vst.add.f32.msk $0xffff, v20  }
0x119: {  	v20 =	vld [tilespmem:s25+$0x10]  }
0x11a: {  	v25 =	vld [tilespmem:s25+$0x20]  }
0x11b: {  	v26 =	vld [tilespmem:s25+$0xFFFFFFC0]  }
0x11c: {  	[tilespmem:s22+$0x10] =	vst.add.f32.msk $0xffff, v21  }
0x11d: {  	[tilespmem:s22+$0x20] =	vst.add.f32.msk $0xffff, v22  }
.Ltmp3:
0x11e: {  	[tilespmem:s22+$0x30] =	vst.add.f32.msk $0xffff, v23;
	(pc) =	sbr.rel @p0 .LBB2_9-.Ltmp3, $4  }
0x11f: {  	[tilespmem:s22+$0x40] =	vst.add.f32.msk $0xffff, v24  }
0x120: {  	[tilespmem:s22+$0x0] =	vst.add.f32.msk $0xffff, v26  }
0x121: {  	[tilespmem:s22+$0x50] =	vst.add.f32.msk $0xffff, v20  }
0x122: {  	s25 =	sadd.s32 $0x80, s25;
	[tilespmem:s22+$0x60] =	vst.add.f32.msk $0xffff, v25  }
0x123: {  	s20 =	sadd.s32 $0x1, s20  }
0x124: {  	p0 =	sne.s32 s20, $0x1F  }
.Ltmp4:
0x125: {  	_ = 	snop;
	(pc) =	sbr.rel @p0 .LBB2_8-.Ltmp4, $2  }
0x126: {  	_ =	sdelay $0x2  }
0x127: {  	s19 =	sadd.s32 $0x400, s19;
	s9 =	sadd.s32 $0x1, s9;
	s15 =	sadd.s32 $0x400, s15  }
0x128: {  	s0 =	simm.s32 $0x0  }
0x129: {  	s19 =	sand.u32 $0x3F0, s0  }
0x12a: {  	v20 =	vld [tilespmem:s19+$0x7D00]  }
0x12b: {  	s9 =	sand.u32 $0x70, s0;
	s15 =	sand.u32 $0x1C00, s0  }
0x12c: {  	s15 =	sor.u32 s9, s15  }
0x12d: {  	s9 =	simm.s32 $0x10;
	s15 =	sor.u32 $0x16380, s15  }
.LBB2_12:
0x12e: {  	s19 =	sand.u32 $0x3F0, s9  }
0x12f: {  	p0 =	sne.s32 s9, $0x2E0;
	[tilespmem:s15+$0x0] =	vst.add.f32.msk $0xffff, v20;
	s15 =	smov.u32 s9;
	s9 =	sadd.s32 $0x10, s9  }
.Ltmp5:
0x130: {  	v20 =	vld [tilespmem:s19+$0x7D00];
	(pc) =	sbr.rel @p0 .LBB2_12-.Ltmp5, $4  }
0x131: {  	s0 =	sadd.s32 $0x80, s0  }
0x132: {  	s15 =	sand.u32 $0x70, s15;
	s19 =	sand.u32 $0x1C00, s0  }
0x133: {  	s15 =	sor.u32 s15, s19  }
0x134: {  	s15 =	sor.u32 $0x16380, s15  }
0x135: {  	[tilespmem:s15+$0x0] =	vst.add.f32.msk $0xffff, v20;
	s0 =	simm.s32 $0x177F0  }
0x136: {  	s20 =	simm.s32 $0x17B80;
	[tilespmem:s0+$0x0] =	vst.add.f32.msk $0xffff, v3  }
0x137: {  	s22 =	simm.s32 $0x17B90;
	[tilespmem:s20+$0x0] =	vst.add.f32.msk $0xffff, v4  }
0x138: {  	s24 =	simm.s32 $0x17BA0;
	[tilespmem:s22+$0x0] =	vst.add.f32.msk $0xffff, v5  }
0x139: {  	s25 =	simm.s32 $0x17BB0;
	[tilespmem:s24+$0x0] =	vst.add.f32.msk $0xffff, v6  }
0x13a: {  	s26 =	simm.s32 $0x17BC0;
	[tilespmem:s25+$0x0] =	vst.add.f32.msk $0xffff, v7  }
0x13b: {  	s28 =	simm.s32 $0x17BD0;
	[tilespmem:s26+$0x0] =	vst.add.f32.msk $0xffff, v8  }
0x13c: {  	s29 =	simm.s32 $0x17BE0;
	[tilespmem:s28+$0x0] =	vst.add.f32.msk $0xffff, v9  }
0x13d: {  	s30 =	simm.s32 $0x17BF0;
	[tilespmem:s29+$0x0] =	vst.add.f32.msk $0xffff, v10  }
0x13e: {  	s31 =	simm.s32 $0x17F80;
	[tilespmem:s30+$0x0] =	vst.add.f32.msk $0xffff, v11  }
0x13f: {  	s9 =	simm.s32 $0x17F90;
	[tilespmem:s31+$0x0] =	vst.add.f32.msk $0xffff, v12  }
0x140: {  	s15 =	simm.s32 $0x17FA0;
	[tilespmem:s9+$0x0] =	vst.add.f32.msk $0xffff, v13  }
0x141: {  	s19 =	simm.s32 $0x17FB0;
	[tilespmem:s15+$0x0] =	vst.add.f32.msk $0xffff, v14  }
0x142: {  	s20 =	simm.s32 $0x17FC0;
	[tilespmem:s19+$0x0] =	vst.add.f32.msk $0xffff, v15  }
0x143: {  	s22 =	simm.s32 $0x17FD0;
	[tilespmem:s20+$0x0] =	vst.add.f32.msk $0xffff, v16  }
0x144: {  	s24 =	simm.s32 $0x17FE0;
	[tilespmem:s22+$0x0] =	vst.add.f32.msk $0xffff, v17  }
0x145: {  	s25 =	simm.s32 $0x17FF0;
	[tilespmem:s24+$0x0] =	vst.add.f32.msk $0xffff, v18  }
0x146: {  	s26 =	rddreg [dreg:$0xa];
	s19 =	simm.s32 $0x0;
	[tilespmem:s25+$0x0] =	vst.add.f32.msk $0xffff, v19  }
0x147: {  	[hbm4b:s26+s19] =	stream.linear.scatter [tilespmem:s18], [sflag:$0x5], $0x8000, $0x38;
	v63 =	vld [tilespmem:$0x0]  }
0x148: {  	_ =	swait.ge [sflag:s8], $0x8000  }
0x149: {  	[sflag:s8] =	ssyncset.done $0x0  }
0x14a: {  	[sflag:s8] =	ssyncadd.s32 $0xFFFF8000  }
0x14b: {  	v20 =	vld [tilespmem:$0x60];
	_ =	sdelay $0x4  }
0x14c: {  	v21 =	vshll.u32 v20, $0x3  }
0x14d: {  	v20 =	vand.u32 $0x7, v20;
	v21 =	vand.u32 $0xFFFFFFC0, v21  }
0x14e: {  	v20 =	vor.u32 v20, v21  }
0x14f: {  	v21 =	vperm.xlane v20, v0;
	_ =	sdelay $0x1  }
0x150: {  	v21 =	vadd.s32 v1, v21;
	_ =	sdelay $0x4  }
0x151: {  	[tilespmem:s21], [sflag:$0x1] =	stream.indirect_vreg.gather [hbm4b:s1+s19], $0x80, v21, vm0, $0xb8;
	v63 =	vld [tilespmem:$0x0]  }
0x152: {  	s28 =	simm.s32 $0x8800;
	v20 =	vperm.xlane v20, v2  }
0x153: {  	[tilespmem:s28], [sflag:$0x1] =	stream.indirect_vreg.gather [hbm4b:s10+s19], $0x80, v21, vm0, $0xb8;
	v63 =	vld [tilespmem:$0x0]  }
0x154: {  	s29 =	simm.s32 $0x9000;
	v20 =	vadd.s32 v1, v20  }
0x155: {  	[tilespmem:s29], [sflag:$0x1] =	stream.indirect_vreg.gather [hbm4b:s11+s19], $0x80, v21, vm0, $0xb8;
	v63 =	vld [tilespmem:$0x0]  }
0x156: {  	s30 =	simm.s32 $0x9800  }
0x157: {  	[tilespmem:s30], [sflag:$0x1] =	stream.indirect_vreg.gather [hbm4b:s12+s19], $0x80, v21, vm0, $0xb8;
	v63 =	vld [tilespmem:$0x0]  }
0x158: {  	s31 =	simm.s32 $0xA000  }
0x159: {  	[tilespmem:s31], [sflag:$0x1] =	stream.indirect_vreg.gather [hbm4b:s1+s19], $0x80, v20, vm0, $0xb8;
	v63 =	vld [tilespmem:$0x0]  }
0x15a: {  	s9 =	simm.s32 $0xA800  }
0x15b: {  	[tilespmem:s9], [sflag:$0x1] =	stream.indirect_vreg.gather [hbm4b:s10+s19], $0x80, v20, vm0, $0xb8;
	v63 =	vld [tilespmem:$0x0]  }
0x15c: {  	s15 =	simm.s32 $0xB000  }
0x15d: {  	[tilespmem:s15], [sflag:$0x1] =	stream.indirect_vreg.gather [hbm4b:s11+s19], $0x80, v20, vm0, $0xb8;
	v63 =	vld [tilespmem:$0x0]  }
0x15e: {  	s20 =	simm.s32 $0xB800  }
0x15f: {  	[tilespmem:s20], [sflag:$0x1] =	stream.indirect_vreg.gather [hbm4b:s12+s19], $0x80, v20, vm0, $0xb8;
	v63 =	vld [tilespmem:$0x0]  }
0x160: {  	v20 =	vld [tilespmem:$0x70];
	_ =	sdelay $0x4  }
0x161: {  	v62 =	vshll.u32 v20, $0x3  }
0x162: {  	v20 =	vand.u32 $0x7, v20;
	v21 =	vand.u32 $0xFFFFFFC0, v62  }
0x163: {  	v20 =	vor.u32 v20, v21  }
0x164: {  	v21 =	vperm.xlane v20, v0;
	_ =	sdelay $0x1  }
0x165: {  	v21 =	vadd.s32 v1, v21;
	_ =	sdelay $0x3  }
0x166: {  	s22 =	simm.s32 $0xC000  }
0x167: {  	[tilespmem:s22], [sflag:$0x1] =	stream.indirect_vreg.gather [hbm4b:s1+s19], $0x80, v21, vm0, $0xb8;
	v63 =	vld [tilespmem:$0x0]  }
0x168: {  	s24 =	simm.s32 $0xC800;
	v20 =	vperm.xlane v20, v2  }
0x169: {  	[tilespmem:s24], [sflag:$0x1] =	stream.indirect_vreg.gather [hbm4b:s10+s19], $0x80, v21, vm0, $0xb8;
	v63 =	vld [tilespmem:$0x0]  }
0x16a: {  	s25 =	simm.s32 $0xD000;
	v20 =	vadd.s32 v1, v20  }
0x16b: {  	[tilespmem:s25], [sflag:$0x1] =	stream.indirect_vreg.gather [hbm4b:s11+s19], $0x80, v21, vm0, $0xb8;
	v63 =	vld [tilespmem:$0x0]  }
0x16c: {  	s26 =	simm.s32 $0xD800  }
0x16d: {  	[tilespmem:s26], [sflag:$0x1] =	stream.indirect_vreg.gather [hbm4b:s12+s19], $0x80, v21, vm0, $0xb8;
	v63 =	vld [tilespmem:$0x0]  }
0x16e: {  	s28 =	simm.s32 $0xE000  }
0x16f: {  	[tilespmem:s28], [sflag:$0x1] =	stream.indirect_vreg.gather [hbm4b:s1+s19], $0x80, v20, vm0, $0xb8;
	v63 =	vld [tilespmem:$0x0]  }
0x170: {  	s29 =	simm.s32 $0xE800  }
0x171: {  	[tilespmem:s29], [sflag:$0x1] =	stream.indirect_vreg.gather [hbm4b:s10+s19], $0x80, v20, vm0, $0xb8;
	v63 =	vld [tilespmem:$0x0]  }
0x172: {  	s30 =	simm.s32 $0xF000  }
0x173: {  	[tilespmem:s30], [sflag:$0x1] =	stream.indirect_vreg.gather [hbm4b:s11+s19], $0x80, v20, vm0, $0xb8;
	v63 =	vld [tilespmem:$0x0]  }
0x174: {  	s31 =	simm.s32 $0xF800  }
0x175: {  	[tilespmem:s31], [sflag:$0x1] =	stream.indirect_vreg.gather [hbm4b:s12+s19], $0x80, v20, vm0, $0xb8;
	v63 =	vld [tilespmem:$0x0]  }
.LBB2_14:
0x176: {  	s15 =	smul.u32 $0x3, s19;
	_ =	sdelay $0x1  }
0x177: {  	s20 =	sadd.s32 $0x2, s15  }
0x178: {  	p0 =	seq.s32 s19, $0x28;
	s9 =	sand.u32 $0x3, s20  }
0x179: {  	p1 =	sne.s32 @!p0 s9, $0x0  }
0x17a: {  	p1 =	por p1, p0  }
0x17b: {  	s0 =	sshrl.u32 @!p1 s20, $0x2  }
0x17c: {  	s0 =	sadd.s32 @!p1 $0x1, s0  }
0x17d: {  	_ =	swait.ge [sflag:s13], $0x8000;
	s22 =	sshll.u32 @!p1 s0, $0xA  }
0x17e: {  	s25 =	simm.s32 $0x0;
	[sflag:s13] =	ssyncset.done $0x0;
	s22 =	sadd.s32 @!p1 s6, s22  }
0x17f: {  	[sflag:s13] =	ssyncadd.s32 $0xFFFF8000;
	s0 =	sshll.u32 @!p1 s0, $0x7;
	s22 =	sshrl.u32 @!p1 s22, $0x3  }
0x180: {  	s24 =	simm.s32 @!p1 $0x0;
	s0 =	sand.u32 @!p1 $0x80, s0;
	s22 =	sadd.s32 @!p1 s5, s22  }
0x181: {  	[tilespmem:s0], [sflag:$0x7] =	stream.linear.gather @!p1 [hbm4b:s22+s24], $0x80, $0x38;
	v63 =	vld [tilespmem:$0x0]  }
0x182: {  	s26 =	simm.s32 $0x0;
	s22 =	simm.s32 $0x140;
	s24 =	simm.s32 $0x0  }
.LBB2_15:
0x183: {  	v20 =	vld [tilespmem:s22+$0x30]  }
0x184: {  	v21 =	vld [tilespmem:s22+$0xFFFFFFD0]  }
0x185: {  	s0 =	sshll.u32 s25, $0x2;
	s28 =	sand.u32 $0x7, s24;
	v22 =	vld [tilespmem:s22+$0xFFFFFFE0]  }
0x186: {  	v23 =	vld [tilespmem:s22+$0xFFFFFFF0];
	s0 =	sand.u32 $0xFFFF8000, s0;
	s28 =	sshll.u32 s28, $0x9  }
0x187: {  	v24 =	vld [tilespmem:s22+$0x0];
	s0 =	sor.u32 s28, s0  }
0x188: {  	v25 =	vld [tilespmem:s22+$0x20];
	s0 =	sshrl.u32 s0, $0x2  }
0x189: {  	v26 =	vld [tilespmem:s22+$0xFFFFFFC0];
	s28 =	sadd.s32 $0x18000, s0  }
0x18a: {  	[tilespmem:s28+$0x70] =	vst.add.f32.msk $0xffff, v20  }
0x18b: {  	v20 =	vld [tilespmem:s22+$0x10]  }
0x18c: {  	[tilespmem:s28+$0x10] =	vst.add.f32.msk $0xffff, v21  }
0x18d: {  	[tilespmem:s28+$0x20] =	vst.add.f32.msk $0xffff, v22  }
0x18e: {  	[tilespmem:s28+$0x30] =	vst.add.f32.msk $0xffff, v23  }
0x18f: {  	[tilespmem:s28+$0x40] =	vst.add.f32.msk $0xffff, v24  }
0x190: {  	[tilespmem:s28+$0x0] =	vst.add.f32.msk $0xffff, v26  }
0x191: {  	[tilespmem:s28+$0x60] =	vst.add.f32.msk $0xffff, v25  }
0x192: {  	s29 =	simm.s32 $0x0;
	s30 =	sadd.s32 $0x80, s22;
	[tilespmem:s28+$0x50] =	vst.add.f32.msk $0xffff, v20  }
.LBB2_16:
0x193: {  	v20 =	vld [tilespmem:s30+$0x30];
	s29 =	sadd.s32 $0x8, s29  }
0x194: {  	v21 =	vld [tilespmem:s30+$0xFFFFFFD0];
	p1 =	slt.u32 s29, $0x38  }
0x195: {  	v22 =	vld [tilespmem:s30+$0xFFFFFFE0]  }
0x196: {  	v23 =	vld [tilespmem:s30+$0xFFFFFFF0]  }
0x197: {  	s28 =	sadd.s32 $0x400, s28;
	v24 =	vld [tilespmem:s30+$0x0]  }
0x198: {  	[tilespmem:s28+$0x70] =	vst.add.f32.msk $0xffff, v20  }
0x199: {  	v20 =	vld [tilespmem:s30+$0x10]  }
0x19a: {  	v25 =	vld [tilespmem:s30+$0x20]  }
0x19b: {  	v26 =	vld [tilespmem:s30+$0xFFFFFFC0]  }
0x19c: {  	[tilespmem:s28+$0x10] =	vst.add.f32.msk $0xffff, v21  }
0x19d: {  	[tilespmem:s28+$0x20] =	vst.add.f32.msk $0xffff, v22  }
.Ltmp6:
0x19e: {  	[tilespmem:s28+$0x30] =	vst.add.f32.msk $0xffff, v23;
	(pc) =	sbr.rel @p1 .LBB2_16-.Ltmp6, $4  }
0x19f: {  	[tilespmem:s28+$0x40] =	vst.add.f32.msk $0xffff, v24  }
0x1a0: {  	[tilespmem:s28+$0x0] =	vst.add.f32.msk $0xffff, v26  }
0x1a1: {  	[tilespmem:s28+$0x50] =	vst.add.f32.msk $0xffff, v20  }
0x1a2: {  	s30 =	sadd.s32 $0x80, s30;
	[tilespmem:s28+$0x60] =	vst.add.f32.msk $0xffff, v25  }
0x1a3: {  	s26 =	sadd.s32 $0x1, s26  }
0x1a4: {  	p1 =	sne.s32 s26, $0x1F  }
.Ltmp7:
0x1a5: {  	_ = 	snop;
	(pc) =	sbr.rel @p1 .LBB2_15-.Ltmp7, $2  }
0x1a6: {  	_ =	sdelay $0x2  }
0x1a7: {  	s25 =	sadd.s32 $0x400, s25;
	s24 =	sadd.s32 $0x1, s24;
	s22 =	sadd.s32 $0x400, s22  }
0x1a8: {  	s0 =	simm.s32 $0x0  }
0x1a9: {  	s25 =	sand.u32 $0x3F0, s0  }
0x1aa: {  	v20 =	vld [tilespmem:s25+$0x7D00]  }
0x1ab: {  	s22 =	sand.u32 $0x70, s0;
	s24 =	sand.u32 $0x1C00, s0  }
0x1ac: {  	s24 =	sor.u32 s22, s24  }
0x1ad: {  	s22 =	simm.s32 $0x10;
	s24 =	sor.u32 $0x1E380, s24  }
.LBB2_19:
0x1ae: {  	s25 =	sand.u32 $0x3F0, s22  }
0x1af: {  	p1 =	sne.s32 s22, $0x2E0;
	[tilespmem:s24+$0x0] =	vst.add.f32.msk $0xffff, v20;
	s24 =	smov.u32 s22;
	s22 =	sadd.s32 $0x10, s22  }
.Ltmp8:
0x1b0: {  	v20 =	vld [tilespmem:s25+$0x7D00];
	(pc) =	sbr.rel @p1 .LBB2_19-.Ltmp8, $4  }
0x1b1: {  	s0 =	sadd.s32 $0x80, s0  }
0x1b2: {  	s24 =	sand.u32 $0x70, s24;
	s25 =	sand.u32 $0x1C00, s0  }
0x1b3: {  	s24 =	sor.u32 s24, s25  }
0x1b4: {  	s24 =	sor.u32 $0x1E380, s24  }
0x1b5: {  	[tilespmem:s24+$0x0] =	vst.add.f32.msk $0xffff, v20;
	s0 =	simm.s32 $0x1F7F0  }
0x1b6: {  	s22 =	simm.s32 $0x1FB80;
	[tilespmem:s0+$0x0] =	vst.add.f32.msk $0xffff, v3  }
0x1b7: {  	s24 =	simm.s32 $0x1FB90;
	[tilespmem:s22+$0x0] =	vst.add.f32.msk $0xffff, v4  }
0x1b8: {  	s25 =	simm.s32 $0x1FBA0;
	[tilespmem:s24+$0x0] =	vst.add.f32.msk $0xffff, v5  }
0x1b9: {  	s26 =	simm.s32 $0x1FBB0;
	[tilespmem:s25+$0x0] =	vst.add.f32.msk $0xffff, v6  }
0x1ba: {  	s30 =	simm.s32 $0x1FBC0;
	[tilespmem:s26+$0x0] =	vst.add.f32.msk $0xffff, v7  }
0x1bb: {  	s31 =	simm.s32 $0x1FBD0;
	[tilespmem:s30+$0x0] =	vst.add.f32.msk $0xffff, v8  }
0x1bc: {  	s22 =	simm.s32 $0x1FBE0;
	[tilespmem:s31+$0x0] =	vst.add.f32.msk $0xffff, v9  }
0x1bd: {  	s24 =	simm.s32 $0x1FBF0;
	[tilespmem:s22+$0x0] =	vst.add.f32.msk $0xffff, v10  }
0x1be: {  	s25 =	simm.s32 $0x1FF80;
	[tilespmem:s24+$0x0] =	vst.add.f32.msk $0xffff, v11  }
0x1bf: {  	s26 =	simm.s32 $0x1FF90;
	[tilespmem:s25+$0x0] =	vst.add.f32.msk $0xffff, v12  }
0x1c0: {  	s30 =	simm.s32 $0x1FFA0;
	[tilespmem:s26+$0x0] =	vst.add.f32.msk $0xffff, v13  }
0x1c1: {  	s31 =	simm.s32 $0x1FFB0;
	[tilespmem:s30+$0x0] =	vst.add.f32.msk $0xffff, v14  }
0x1c2: {  	s22 =	simm.s32 $0x1FFC0;
	[tilespmem:s31+$0x0] =	vst.add.f32.msk $0xffff, v15  }
0x1c3: {  	s24 =	sshll.u32 s20, $0x14;
	s25 =	simm.s32 $0x1FFD0;
	[tilespmem:s22+$0x0] =	vst.add.f32.msk $0xffff, v16  }
0x1c4: {  	s0 =	sor.u32 s14, s24;
	s26 =	simm.s32 $0x1FFE0;
	[tilespmem:s25+$0x0] =	vst.add.f32.msk $0xffff, v17  }
0x1c5: {  	s0 =	sshrl.u32 s0, $0x3;
	s30 =	simm.s32 $0x1FFF0;
	[tilespmem:s26+$0x0] =	vst.add.f32.msk $0xffff, v18  }
0x1c6: {  	s0 =	sadd.s32 s3, s0;
	[tilespmem:s30+$0x0] =	vst.add.f32.msk $0xffff, v19  }
0x1c7: {  	[hbm4b:s0+s4] =	stream.linear.scatter [tilespmem:s2], [sflag:$0x6], $0x8000, $0x38;
	v63 =	vld [tilespmem:$0x0]  }
0x1c8: {  	_ =	swait.ge [sflag:s16], $0x8000  }
0x1c9: {  	p1 =	sne.s32 s9, $0x2;
	[sflag:s16] =	ssyncset.done $0x0  }
0x1ca: {  	s9 =	sadd.s32 $0x4, s15;
	s0 =	simm.s32 @!p1 $0x7;
	[sflag:s16] =	ssyncadd.s32 $0xFFFF8000  }
0x1cb: {  	s20 =	sand.u32 $0x3, s15;
	s22 =	sshll.u32 s9, $0x5;
	_ =	swait.ge @!p1 [sflag:s0], $0x80  }
0x1cc: {  	s31 =	sshll.u32 s20, $0x5;
	s22 =	sand.u32 $0x80, s22;
	[sflag:s0] =	ssyncset.done @!p1 $0x0  }
0x1cd: {  	[sflag:s0] =	ssyncadd.s32 @!p1 $0xFFFFFF80;
	s0 =	sor.u32 s31, s22  }
0x1ce: {  	v20 =	vld [tilespmem:s0+$0x0];
	_ =	sdelay $0x4  }
0x1cf: {  	v21 =	vshll.u32 v20, $0x3  }
0x1d0: {  	v20 =	vand.u32 $0x7, v20;
	v21 =	vand.u32 $0xFFFFFFC0, v21  }
0x1d1: {  	v20 =	vor.u32 v20, v21  }
0x1d2: {  	v21 =	vperm.xlane v20, v0;
	_ =	sdelay $0x1  }
0x1d3: {  	v21 =	vadd.s32 v1, v21;
	_ =	sdelay $0x4  }
0x1d4: {  	[tilespmem:s18], [sflag:$0x2] =	stream.indirect_vreg.gather [hbm4b:s1+s4], $0x80, v21, vm0, $0xb8;
	v63 =	vld [tilespmem:$0x0]  }
0x1d5: {  	s25 =	simm.s32 $0x10800;
	v20 =	vperm.xlane v20, v2  }
0x1d6: {  	[tilespmem:s25], [sflag:$0x2] =	stream.indirect_vreg.gather [hbm4b:s10+s4], $0x80, v21, vm0, $0xb8;
	v63 =	vld [tilespmem:$0x0]  }
0x1d7: {  	s26 =	simm.s32 $0x11000;
	v20 =	vadd.s32 v1, v20  }
0x1d8: {  	[tilespmem:s26], [sflag:$0x2] =	stream.indirect_vreg.gather [hbm4b:s11+s4], $0x80, v21, vm0, $0xb8;
	v63 =	vld [tilespmem:$0x0]  }
0x1d9: {  	s30 =	simm.s32 $0x11800  }
0x1da: {  	[tilespmem:s30], [sflag:$0x2] =	stream.indirect_vreg.gather [hbm4b:s12+s4], $0x80, v21, vm0, $0xb8;
	v63 =	vld [tilespmem:$0x0]  }
0x1db: {  	s31 =	simm.s32 $0x12000  }
0x1dc: {  	[tilespmem:s31], [sflag:$0x2] =	stream.indirect_vreg.gather [hbm4b:s1+s4], $0x80, v20, vm0, $0xb8;
	v63 =	vld [tilespmem:$0x0]  }
0x1dd: {  	s24 =	simm.s32 $0x12800  }
0x1de: {  	[tilespmem:s24], [sflag:$0x2] =	stream.indirect_vreg.gather [hbm4b:s10+s4], $0x80, v20, vm0, $0xb8;
	v63 =	vld [tilespmem:$0x0]  }
0x1df: {  	s25 =	simm.s32 $0x13000  }
0x1e0: {  	[tilespmem:s25], [sflag:$0x2] =	stream.indirect_vreg.gather [hbm4b:s11+s4], $0x80, v20, vm0, $0xb8;
	v63 =	vld [tilespmem:$0x0]  }
0x1e1: {  	s26 =	simm.s32 $0x13800  }
0x1e2: {  	[tilespmem:s26], [sflag:$0x2] =	stream.indirect_vreg.gather [hbm4b:s12+s4], $0x80, v20, vm0, $0xb8;
	v63 =	vld [tilespmem:$0x0]  }
0x1e3: {  	v20 =	vld [tilespmem:s0+$0x10];
	_ =	sdelay $0x4  }
0x1e4: {  	v62 =	vshll.u32 v20, $0x3  }
0x1e5: {  	v20 =	vand.u32 $0x7, v20;
	v21 =	vand.u32 $0xFFFFFFC0, v62  }
0x1e6: {  	v20 =	vor.u32 v20, v21  }
0x1e7: {  	v21 =	vperm.xlane v20, v0;
	_ =	sdelay $0x1  }
0x1e8: {  	v21 =	vadd.s32 v1, v21;
	_ =	sdelay $0x3  }
0x1e9: {  	s30 =	simm.s32 $0x14000  }
0x1ea: {  	[tilespmem:s30], [sflag:$0x2] =	stream.indirect_vreg.gather [hbm4b:s1+s4], $0x80, v21, vm0, $0xb8;
	v63 =	vld [tilespmem:$0x0]  }
0x1eb: {  	s31 =	simm.s32 $0x14800  }
0x1ec: {  	v20 =	vperm.xlane v20, v2;
	[tilespmem:s31], [sflag:$0x2] =	stream.indirect_vreg.gather [hbm4b:s10+s4], $0x80, v21, vm0, $0xb8;
	v63 =	vld [tilespmem:$0x0]  }
0x1ed: {  	s22 =	simm.s32 $0x15000  }
0x1ee: {  	v20 =	vadd.s32 v1, v20;
	[tilespmem:s22], [sflag:$0x2] =	stream.indirect_vreg.gather [hbm4b:s11+s4], $0x80, v21, vm0, $0xb8;
	v63 =	vld [tilespmem:$0x0]  }
0x1ef: {  	s24 =	simm.s32 $0x15800  }
0x1f0: {  	[tilespmem:s24], [sflag:$0x2] =	stream.indirect_vreg.gather [hbm4b:s12+s4], $0x80, v21, vm0, $0xb8;
	v63 =	vld [tilespmem:$0x0]  }
0x1f1: {  	s24 =	sadd.s32 $0x3, s15  }
0x1f2: {  	s25 =	simm.s32 $0x16000;
	s15 =	sand.u32 $0x3, s24  }
0x1f3: {  	[tilespmem:s25], [sflag:$0x2] =	stream.indirect_vreg.gather [hbm4b:s1+s4], $0x80, v20, vm0, $0xb8;
	v63 =	vld [tilespmem:$0x0]  }
0x1f4: {  	p1 =	sne.s32 @!p0 s15, $0x0  }
0x1f5: {  	s26 =	simm.s32 $0x16800;
	p1 =	por p1, p0  }
0x1f6: {  	[tilespmem:s26], [sflag:$0x2] =	stream.indirect_vreg.gather [hbm4b:s10+s4], $0x80, v20, vm0, $0xb8;
	v63 =	vld [tilespmem:$0x0]  }
0x1f7: {  	s0 =	sshrl.u32 @!p1 s24, $0x2  }
0x1f8: {  	s28 =	simm.s32 $0x0;
	s30 =	simm.s32 $0x17000;
	s0 =	sadd.s32 @!p1 $0x1, s0  }
0x1f9: {  	[tilespmem:s30], [sflag:$0x2] =	stream.indirect_vreg.gather [hbm4b:s11+s4], $0x80, v20, vm0, $0xb8;
	v63 =	vld [tilespmem:$0x0]  }
0x1fa: {  	s29 =	simm.s32 $0x0;
	s31 =	simm.s32 $0x17800;
	s22 =	sshll.u32 @!p1 s0, $0xA  }
0x1fb: {  	[tilespmem:s31], [sflag:$0x2] =	stream.indirect_vreg.gather [hbm4b:s12+s4], $0x80, v20, vm0, $0xb8;
	v63 =	vld [tilespmem:$0x0]  }
0x1fc: {  	s25 =	simm.s32 @!p1 $0x0;
	s22 =	sadd.s32 @!p1 s6, s22;
	_ =	swait.ge [sflag:s7], $0x8000  }
0x1fd: {  	s0 =	sshll.u32 @!p1 s0, $0x7;
	s22 =	sshrl.u32 @!p1 s22, $0x3;
	[sflag:s7] =	ssyncset.done $0x0  }
0x1fe: {  	s0 =	sand.u32 @!p1 $0x80, s0;
	s22 =	sadd.s32 @!p1 s5, s22;
	[sflag:s7] =	ssyncadd.s32 $0xFFFF8000  }
0x1ff: {  	[tilespmem:s0], [sflag:$0x7] =	stream.linear.gather @!p1 [hbm4b:s22+s25], $0x80, $0x38;
	v63 =	vld [tilespmem:$0x0]  }
0x200: {  	s26 =	simm.s32 $0x140;
	s22 =	sshrl.u32 s9, $0x2;
	s25 =	simm.s32 $0x0  }
.LBB2_21:
0x201: {  	v20 =	vld [tilespmem:s26+$0x30]  }
0x202: {  	v21 =	vld [tilespmem:s26+$0xFFFFFFD0]  }
0x203: {  	s0 =	sshll.u32 s28, $0x2;
	s30 =	sand.u32 $0x7, s25;
	v22 =	vld [tilespmem:s26+$0xFFFFFFE0]  }
0x204: {  	v23 =	vld [tilespmem:s26+$0xFFFFFFF0];
	s0 =	sand.u32 $0xFFFF8000, s0;
	s30 =	sshll.u32 s30, $0x9  }
0x205: {  	v24 =	vld [tilespmem:s26+$0x0];
	s0 =	sor.u32 s30, s0  }
0x206: {  	v25 =	vld [tilespmem:s26+$0x20];
	s0 =	sshrl.u32 s0, $0x2  }
0x207: {  	v26 =	vld [tilespmem:s26+$0xFFFFFFC0];
	s30 =	sadd.s32 $0x8000, s0  }
0x208: {  	[tilespmem:s30+$0x70] =	vst.add.f32.msk $0xffff, v20  }
0x209: {  	v20 =	vld [tilespmem:s26+$0x10]  }
0x20a: {  	[tilespmem:s30+$0x10] =	vst.add.f32.msk $0xffff, v21  }
0x20b: {  	[tilespmem:s30+$0x20] =	vst.add.f32.msk $0xffff, v22  }
0x20c: {  	[tilespmem:s30+$0x30] =	vst.add.f32.msk $0xffff, v23  }
0x20d: {  	[tilespmem:s30+$0x40] =	vst.add.f32.msk $0xffff, v24  }
0x20e: {  	[tilespmem:s30+$0x0] =	vst.add.f32.msk $0xffff, v26  }
0x20f: {  	[tilespmem:s30+$0x60] =	vst.add.f32.msk $0xffff, v25  }
0x210: {  	s31 =	simm.s32 $0x0;
	s0 =	sadd.s32 $0x80, s26;
	[tilespmem:s30+$0x50] =	vst.add.f32.msk $0xffff, v20  }
.LBB2_22:
0x211: {  	v20 =	vld [tilespmem:s0+$0x30];
	s31 =	sadd.s32 $0x8, s31  }
0x212: {  	v21 =	vld [tilespmem:s0+$0xFFFFFFD0];
	p1 =	slt.u32 s31, $0x38  }
0x213: {  	v22 =	vld [tilespmem:s0+$0xFFFFFFE0]  }
0x214: {  	v23 =	vld [tilespmem:s0+$0xFFFFFFF0]  }
0x215: {  	s30 =	sadd.s32 $0x400, s30;
	v24 =	vld [tilespmem:s0+$0x0]  }
0x216: {  	[tilespmem:s30+$0x70] =	vst.add.f32.msk $0xffff, v20  }
0x217: {  	v20 =	vld [tilespmem:s0+$0x10]  }
0x218: {  	v25 =	vld [tilespmem:s0+$0x20]  }
0x219: {  	v26 =	vld [tilespmem:s0+$0xFFFFFFC0]  }
0x21a: {  	[tilespmem:s30+$0x10] =	vst.add.f32.msk $0xffff, v21  }
0x21b: {  	[tilespmem:s30+$0x20] =	vst.add.f32.msk $0xffff, v22  }
.Ltmp9:
0x21c: {  	[tilespmem:s30+$0x30] =	vst.add.f32.msk $0xffff, v23;
	(pc) =	sbr.rel @p1 .LBB2_22-.Ltmp9, $4  }
0x21d: {  	[tilespmem:s30+$0x40] =	vst.add.f32.msk $0xffff, v24  }
0x21e: {  	[tilespmem:s30+$0x0] =	vst.add.f32.msk $0xffff, v26  }
0x21f: {  	[tilespmem:s30+$0x50] =	vst.add.f32.msk $0xffff, v20  }
0x220: {  	s0 =	sadd.s32 $0x80, s0;
	[tilespmem:s30+$0x60] =	vst.add.f32.msk $0xffff, v25  }
0x221: {  	s29 =	sadd.s32 $0x1, s29  }
0x222: {  	p1 =	sne.s32 s29, $0x1F  }
.Ltmp10:
0x223: {  	_ = 	snop;
	(pc) =	sbr.rel @p1 .LBB2_21-.Ltmp10, $2  }
0x224: {  	_ =	sdelay $0x2  }
0x225: {  	s28 =	sadd.s32 $0x400, s28;
	s25 =	sadd.s32 $0x1, s25;
	s26 =	sadd.s32 $0x400, s26  }
0x226: {  	s0 =	simm.s32 $0x0  }
0x227: {  	s28 =	sand.u32 $0x3F0, s0  }
0x228: {  	v20 =	vld [tilespmem:s28+$0x7D00]  }
0x229: {  	s25 =	sand.u32 $0x70, s0;
	s26 =	sand.u32 $0x1C00, s0  }
0x22a: {  	s26 =	sor.u32 s25, s26  }
0x22b: {  	s25 =	simm.s32 $0x10;
	s26 =	sor.u32 $0xE380, s26  }
.LBB2_25:
0x22c: {  	s28 =	sand.u32 $0x3F0, s25  }
0x22d: {  	p1 =	sne.s32 s25, $0x2E0;
	[tilespmem:s26+$0x0] =	vst.add.f32.msk $0xffff, v20;
	s26 =	smov.u32 s25;
	s25 =	sadd.s32 $0x10, s25  }
.Ltmp11:
0x22e: {  	v20 =	vld [tilespmem:s28+$0x7D00];
	(pc) =	sbr.rel @p1 .LBB2_25-.Ltmp11, $4  }
0x22f: {  	s0 =	sadd.s32 $0x80, s0  }
0x230: {  	s26 =	sand.u32 $0x70, s26;
	s28 =	sand.u32 $0x1C00, s0  }
0x231: {  	s26 =	sor.u32 s26, s28  }
0x232: {  	s26 =	sor.u32 $0xE380, s26  }
0x233: {  	[tilespmem:s26+$0x0] =	vst.add.f32.msk $0xffff, v20;
	s0 =	simm.s32 $0xF7F0  }
0x234: {  	s30 =	simm.s32 $0xFB80;
	[tilespmem:s0+$0x0] =	vst.add.f32.msk $0xffff, v3  }
0x235: {  	s31 =	simm.s32 $0xFB90;
	[tilespmem:s30+$0x0] =	vst.add.f32.msk $0xffff, v4  }
0x236: {  	s25 =	simm.s32 $0xFBA0;
	[tilespmem:s31+$0x0] =	vst.add.f32.msk $0xffff, v5  }
0x237: {  	s26 =	simm.s32 $0xFBB0;
	[tilespmem:s25+$0x0] =	vst.add.f32.msk $0xffff, v6  }
0x238: {  	s28 =	simm.s32 $0xFBC0;
	[tilespmem:s26+$0x0] =	vst.add.f32.msk $0xffff, v7  }
0x239: {  	s29 =	simm.s32 $0xFBD0;
	[tilespmem:s28+$0x0] =	vst.add.f32.msk $0xffff, v8  }
0x23a: {  	s30 =	simm.s32 $0xFBE0;
	[tilespmem:s29+$0x0] =	vst.add.f32.msk $0xffff, v9  }
0x23b: {  	s31 =	simm.s32 $0xFBF0;
	[tilespmem:s30+$0x0] =	vst.add.f32.msk $0xffff, v10  }
0x23c: {  	s25 =	simm.s32 $0xFF80;
	[tilespmem:s31+$0x0] =	vst.add.f32.msk $0xffff, v11  }
0x23d: {  	s26 =	simm.s32 $0xFF90;
	[tilespmem:s25+$0x0] =	vst.add.f32.msk $0xffff, v12  }
0x23e: {  	s28 =	simm.s32 $0xFFA0;
	[tilespmem:s26+$0x0] =	vst.add.f32.msk $0xffff, v13  }
0x23f: {  	s29 =	simm.s32 $0xFFB0;
	[tilespmem:s28+$0x0] =	vst.add.f32.msk $0xffff, v14  }
0x240: {  	s30 =	simm.s32 $0xFFC0;
	[tilespmem:s29+$0x0] =	vst.add.f32.msk $0xffff, v15  }
0x241: {  	s31 =	sshll.u32 s24, $0x14;
	s25 =	simm.s32 $0xFFD0;
	[tilespmem:s30+$0x0] =	vst.add.f32.msk $0xffff, v16  }
0x242: {  	s0 =	sor.u32 s14, s31;
	s26 =	simm.s32 $0xFFE0;
	[tilespmem:s25+$0x0] =	vst.add.f32.msk $0xffff, v17  }
0x243: {  	s0 =	sshrl.u32 s0, $0x3;
	s28 =	simm.s32 $0xFFF0;
	[tilespmem:s26+$0x0] =	vst.add.f32.msk $0xffff, v18  }
0x244: {  	s0 =	sadd.s32 s3, s0;
	[tilespmem:s28+$0x0] =	vst.add.f32.msk $0xffff, v19  }
0x245: {  	[hbm4b:s0+s4] =	stream.linear.scatter [tilespmem:s21], [sflag:$0x4], $0x8000, $0x38;
	v63 =	vld [tilespmem:$0x0]  }
0x246: {  	p1 =	sne.s32 @!p0 s15, $0x2;
	_ =	swait.ge [sflag:s17], $0x8000  }
0x247: {  	p0 =	por p1, p0;
	[sflag:s17] =	ssyncset.done $0x0  }
0x248: {  	s15 =	smul.u32 $0x60, s19;
	s0 =	simm.s32 @!p0 $0x7;
	[sflag:s17] =	ssyncadd.s32 $0xFFFF8000  }
0x249: {  	_ =	swait.ge @!p0 [sflag:s0], $0x80  }
0x24a: {  	s29 =	sadd.s32 $0xA0, s15;
	[sflag:s0] =	ssyncset.done @!p0 $0x0  }
0x24b: {  	[sflag:s0] =	ssyncadd.s32 @!p0 $0xFFFFFF80;
	s0 =	sand.u32 $0xE0, s29  }
0x24c: {  	v20 =	vld [tilespmem:s0+$0x0];
	_ =	sdelay $0x4  }
0x24d: {  	v21 =	vshll.u32 v20, $0x3  }
0x24e: {  	v20 =	vand.u32 $0x7, v20;
	v21 =	vand.u32 $0xFFFFFFC0, v21  }
0x24f: {  	v20 =	vor.u32 v20, v21  }
0x250: {  	v21 =	vperm.xlane v20, v0;
	_ =	sdelay $0x1  }
0x251: {  	v21 =	vadd.s32 v1, v21;
	_ =	sdelay $0x4  }
0x252: {  	[tilespmem:s2], [sflag:$0x3] =	stream.indirect_vreg.gather [hbm4b:s1+s4], $0x80, v21, vm0, $0xb8;
	v63 =	vld [tilespmem:$0x0]  }
0x253: {  	s30 =	simm.s32 $0x18800;
	v20 =	vperm.xlane v20, v2  }
0x254: {  	[tilespmem:s30], [sflag:$0x3] =	stream.indirect_vreg.gather [hbm4b:s10+s4], $0x80, v21, vm0, $0xb8;
	v63 =	vld [tilespmem:$0x0]  }
0x255: {  	s31 =	simm.s32 $0x19000;
	v20 =	vadd.s32 v1, v20  }
0x256: {  	[tilespmem:s31], [sflag:$0x3] =	stream.indirect_vreg.gather [hbm4b:s11+s4], $0x80, v21, vm0, $0xb8;
	v63 =	vld [tilespmem:$0x0]  }
0x257: {  	s25 =	simm.s32 $0x19800  }
0x258: {  	[tilespmem:s25], [sflag:$0x3] =	stream.indirect_vreg.gather [hbm4b:s12+s4], $0x80, v21, vm0, $0xb8;
	v63 =	vld [tilespmem:$0x0]  }
0x259: {  	s26 =	simm.s32 $0x1A000  }
0x25a: {  	[tilespmem:s26], [sflag:$0x3] =	stream.indirect_vreg.gather [hbm4b:s1+s4], $0x80, v20, vm0, $0xb8;
	v63 =	vld [tilespmem:$0x0]  }
0x25b: {  	s28 =	simm.s32 $0x1A800  }
0x25c: {  	[tilespmem:s28], [sflag:$0x3] =	stream.indirect_vreg.gather [hbm4b:s10+s4], $0x80, v20, vm0, $0xb8;
	v63 =	vld [tilespmem:$0x0]  }
0x25d: {  	s29 =	simm.s32 $0x1B000  }
0x25e: {  	[tilespmem:s29], [sflag:$0x3] =	stream.indirect_vreg.gather [hbm4b:s11+s4], $0x80, v20, vm0, $0xb8;
	v63 =	vld [tilespmem:$0x0]  }
0x25f: {  	s30 =	simm.s32 $0x1B800  }
0x260: {  	[tilespmem:s30], [sflag:$0x3] =	stream.indirect_vreg.gather [hbm4b:s12+s4], $0x80, v20, vm0, $0xb8;
	v63 =	vld [tilespmem:$0x0]  }
0x261: {  	v20 =	vld [tilespmem:s0+$0x10];
	_ =	sdelay $0x4  }
0x262: {  	v62 =	vshll.u32 v20, $0x3  }
0x263: {  	v20 =	vand.u32 $0x7, v20;
	v21 =	vand.u32 $0xFFFFFFC0, v62  }
0x264: {  	v20 =	vor.u32 v20, v21  }
0x265: {  	v21 =	vperm.xlane v20, v0;
	_ =	sdelay $0x1  }
0x266: {  	v21 =	vadd.s32 v1, v21;
	_ =	sdelay $0x3  }
0x267: {  	s31 =	simm.s32 $0x1C000  }
0x268: {  	[tilespmem:s31], [sflag:$0x3] =	stream.indirect_vreg.gather [hbm4b:s1+s4], $0x80, v21, vm0, $0xb8;
	v63 =	vld [tilespmem:$0x0]  }
0x269: {  	s24 =	simm.s32 $0x1C800;
	v20 =	vperm.xlane v20, v2  }
0x26a: {  	[tilespmem:s24], [sflag:$0x3] =	stream.indirect_vreg.gather [hbm4b:s10+s4], $0x80, v21, vm0, $0xb8;
	v63 =	vld [tilespmem:$0x0]  }
0x26b: {  	p0 =	sgt.u32 s19, $0x26;
	s25 =	simm.s32 $0x1D000;
	v20 =	vadd.s32 v1, v20  }
0x26c: {  	[tilespmem:s25], [sflag:$0x3] =	stream.indirect_vreg.gather [hbm4b:s11+s4], $0x80, v21, vm0, $0xb8;
	v63 =	vld [tilespmem:$0x0]  }
0x26d: {  	p1 =	sne.s32 @!p0 s20, $0x0;
	s26 =	simm.s32 $0x1D800  }
0x26e: {  	[tilespmem:s26], [sflag:$0x3] =	stream.indirect_vreg.gather [hbm4b:s12+s4], $0x80, v21, vm0, $0xb8;
	v63 =	vld [tilespmem:$0x0]  }
0x26f: {  	p0 =	por p1, p0;
	s28 =	simm.s32 $0x1E000  }
0x270: {  	[tilespmem:s28], [sflag:$0x3] =	stream.indirect_vreg.gather [hbm4b:s1+s4], $0x80, v20, vm0, $0xb8;
	v63 =	vld [tilespmem:$0x0]  }
0x271: {  	s29 =	simm.s32 $0x1E800;
	s0 =	sadd.s32 @!p0 $0x1, s22  }
0x272: {  	[tilespmem:s29], [sflag:$0x3] =	stream.indirect_vreg.gather [hbm4b:s10+s4], $0x80, v20, vm0, $0xb8;
	v63 =	vld [tilespmem:$0x0]  }
0x273: {  	s30 =	simm.s32 $0x1F000;
	s22 =	sshll.u32 @!p0 s0, $0xA  }
0x274: {  	[tilespmem:s30], [sflag:$0x3] =	stream.indirect_vreg.gather [hbm4b:s11+s4], $0x80, v20, vm0, $0xb8;
	v63 =	vld [tilespmem:$0x0]  }
0x275: {  	s22 =	sadd.s32 @!p0 s6, s22;
	s31 =	simm.s32 $0x1F800  }
0x276: {  	[tilespmem:s31], [sflag:$0x3] =	stream.indirect_vreg.gather [hbm4b:s12+s4], $0x80, v20, vm0, $0xb8;
	v63 =	vld [tilespmem:$0x0]  }
0x277: {  	s0 =	sshll.u32 @!p0 s0, $0x7;
	s22 =	sshrl.u32 @!p0 s22, $0x3;
	_ =	swait.ge [sflag:s23], $0x8000  }
0x278: {  	s0 =	sand.u32 @!p0 $0x80, s0;
	s22 =	sadd.s32 @!p0 s5, s22;
	[sflag:s23] =	ssyncset.done $0x0  }
0x279: {  	s24 =	simm.s32 @!p0 $0x0;
	s25 =	simm.s32 $0x0;
	[sflag:s23] =	ssyncadd.s32 $0xFFFF8000  }
0x27a: {  	[tilespmem:s0], [sflag:$0x7] =	stream.linear.gather @!p0 [hbm4b:s22+s24], $0x80, $0x38;
	v63 =	vld [tilespmem:$0x0]  }
0x27b: {  	s26 =	simm.s32 $0x0;
	s22 =	simm.s32 $0x0;
	s24 =	simm.s32 $0x140  }
.LBB2_27:
0x27c: {  	v20 =	vld [tilespmem:s24+$0x30]  }
0x27d: {  	v21 =	vld [tilespmem:s24+$0xFFFFFFD0]  }
0x27e: {  	s0 =	sshll.u32 s25, $0x2;
	s28 =	sand.u32 $0x7, s22;
	v22 =	vld [tilespmem:s24+$0xFFFFFFE0]  }
0x27f: {  	v23 =	vld [tilespmem:s24+$0xFFFFFFF0];
	s0 =	sand.u32 $0xFFFF8000, s0;
	s28 =	sshll.u32 s28, $0x9  }
0x280: {  	v24 =	vld [tilespmem:s24+$0x0];
	s0 =	sor.u32 s28, s0  }
0x281: {  	v25 =	vld [tilespmem:s24+$0x20];
	s0 =	sshrl.u32 s0, $0x2  }
0x282: {  	v26 =	vld [tilespmem:s24+$0xFFFFFFC0];
	s28 =	sadd.s32 $0x10000, s0  }
0x283: {  	[tilespmem:s28+$0x70] =	vst.add.f32.msk $0xffff, v20  }
0x284: {  	v20 =	vld [tilespmem:s24+$0x10]  }
0x285: {  	[tilespmem:s28+$0x10] =	vst.add.f32.msk $0xffff, v21  }
0x286: {  	[tilespmem:s28+$0x20] =	vst.add.f32.msk $0xffff, v22  }
0x287: {  	[tilespmem:s28+$0x30] =	vst.add.f32.msk $0xffff, v23  }
0x288: {  	[tilespmem:s28+$0x40] =	vst.add.f32.msk $0xffff, v24  }
0x289: {  	[tilespmem:s28+$0x0] =	vst.add.f32.msk $0xffff, v26  }
0x28a: {  	[tilespmem:s28+$0x60] =	vst.add.f32.msk $0xffff, v25  }
0x28b: {  	s29 =	simm.s32 $0x0;
	s0 =	sadd.s32 $0x80, s24;
	[tilespmem:s28+$0x50] =	vst.add.f32.msk $0xffff, v20  }
.LBB2_28:
0x28c: {  	v20 =	vld [tilespmem:s0+$0x30];
	s29 =	sadd.s32 $0x8, s29  }
0x28d: {  	v21 =	vld [tilespmem:s0+$0xFFFFFFD0];
	p0 =	slt.u32 s29, $0x38  }
0x28e: {  	v22 =	vld [tilespmem:s0+$0xFFFFFFE0]  }
0x28f: {  	v23 =	vld [tilespmem:s0+$0xFFFFFFF0]  }
0x290: {  	s28 =	sadd.s32 $0x400, s28;
	v24 =	vld [tilespmem:s0+$0x0]  }
0x291: {  	[tilespmem:s28+$0x70] =	vst.add.f32.msk $0xffff, v20  }
0x292: {  	v20 =	vld [tilespmem:s0+$0x10]  }
0x293: {  	v25 =	vld [tilespmem:s0+$0x20]  }
0x294: {  	v26 =	vld [tilespmem:s0+$0xFFFFFFC0]  }
0x295: {  	[tilespmem:s28+$0x10] =	vst.add.f32.msk $0xffff, v21  }
0x296: {  	[tilespmem:s28+$0x20] =	vst.add.f32.msk $0xffff, v22  }
.Ltmp12:
0x297: {  	[tilespmem:s28+$0x30] =	vst.add.f32.msk $0xffff, v23;
	(pc) =	sbr.rel @p0 .LBB2_28-.Ltmp12, $4  }
0x298: {  	[tilespmem:s28+$0x40] =	vst.add.f32.msk $0xffff, v24  }
0x299: {  	[tilespmem:s28+$0x0] =	vst.add.f32.msk $0xffff, v26  }
0x29a: {  	[tilespmem:s28+$0x50] =	vst.add.f32.msk $0xffff, v20  }
0x29b: {  	s0 =	sadd.s32 $0x80, s0;
	[tilespmem:s28+$0x60] =	vst.add.f32.msk $0xffff, v25  }
0x29c: {  	s26 =	sadd.s32 $0x1, s26  }
0x29d: {  	p0 =	sne.s32 s26, $0x1F  }
.Ltmp13:
0x29e: {  	_ = 	snop;
	(pc) =	sbr.rel @p0 .LBB2_27-.Ltmp13, $2  }
0x29f: {  	_ =	sdelay $0x2  }
0x2a0: {  	s25 =	sadd.s32 $0x400, s25;
	s22 =	sadd.s32 $0x1, s22;
	s24 =	sadd.s32 $0x400, s24  }
0x2a1: {  	s0 =	simm.s32 $0x0  }
0x2a2: {  	s25 =	sand.u32 $0x3F0, s0  }
0x2a3: {  	v20 =	vld [tilespmem:s25+$0x7D00]  }
0x2a4: {  	s22 =	sand.u32 $0x70, s0;
	s24 =	sand.u32 $0x1C00, s0  }
0x2a5: {  	s24 =	sor.u32 s22, s24  }
0x2a6: {  	s22 =	simm.s32 $0x10;
	s24 =	sor.u32 $0x16380, s24  }
.LBB2_31:
0x2a7: {  	s25 =	sand.u32 $0x3F0, s22  }
0x2a8: {  	p0 =	sne.s32 s22, $0x2E0;
	[tilespmem:s24+$0x0] =	vst.add.f32.msk $0xffff, v20;
	s24 =	smov.u32 s22;
	s22 =	sadd.s32 $0x10, s22  }
.Ltmp14:
0x2a9: {  	v20 =	vld [tilespmem:s25+$0x7D00];
	(pc) =	sbr.rel @p0 .LBB2_31-.Ltmp14, $4  }
0x2aa: {  	s0 =	sadd.s32 $0x80, s0  }
0x2ab: {  	s24 =	sand.u32 $0x70, s24;
	s25 =	sand.u32 $0x1C00, s0  }
0x2ac: {  	s24 =	sor.u32 s24, s25  }
0x2ad: {  	s24 =	sor.u32 $0x16380, s24  }
0x2ae: {  	[tilespmem:s24+$0x0] =	vst.add.f32.msk $0xffff, v20;
	s0 =	simm.s32 $0x177F0  }
0x2af: {  	s22 =	simm.s32 $0x17B80;
	[tilespmem:s0+$0x0] =	vst.add.f32.msk $0xffff, v3  }
0x2b0: {  	s24 =	simm.s32 $0x17B90;
	[tilespmem:s22+$0x0] =	vst.add.f32.msk $0xffff, v4  }
0x2b1: {  	s25 =	simm.s32 $0x17BA0;
	[tilespmem:s24+$0x0] =	vst.add.f32.msk $0xffff, v5  }
0x2b2: {  	s26 =	simm.s32 $0x17BB0;
	[tilespmem:s25+$0x0] =	vst.add.f32.msk $0xffff, v6  }
0x2b3: {  	s28 =	simm.s32 $0x17BC0;
	[tilespmem:s26+$0x0] =	vst.add.f32.msk $0xffff, v7  }
0x2b4: {  	s29 =	simm.s32 $0x17BD0;
	[tilespmem:s28+$0x0] =	vst.add.f32.msk $0xffff, v8  }
0x2b5: {  	s30 =	simm.s32 $0x17BE0;
	[tilespmem:s29+$0x0] =	vst.add.f32.msk $0xffff, v9  }
0x2b6: {  	s31 =	simm.s32 $0x17BF0;
	[tilespmem:s30+$0x0] =	vst.add.f32.msk $0xffff, v10  }
0x2b7: {  	s22 =	simm.s32 $0x17F80;
	[tilespmem:s31+$0x0] =	vst.add.f32.msk $0xffff, v11  }
0x2b8: {  	s24 =	simm.s32 $0x17F90;
	[tilespmem:s22+$0x0] =	vst.add.f32.msk $0xffff, v12  }
0x2b9: {  	s25 =	simm.s32 $0x17FA0;
	[tilespmem:s24+$0x0] =	vst.add.f32.msk $0xffff, v13  }
0x2ba: {  	s26 =	simm.s32 $0x17FB0;
	[tilespmem:s25+$0x0] =	vst.add.f32.msk $0xffff, v14  }
0x2bb: {  	s28 =	simm.s32 $0x17FC0;
	[tilespmem:s26+$0x0] =	vst.add.f32.msk $0xffff, v15  }
0x2bc: {  	s29 =	sshll.u32 s9, $0x14;
	s30 =	simm.s32 $0x17FD0;
	[tilespmem:s28+$0x0] =	vst.add.f32.msk $0xffff, v16  }
0x2bd: {  	s0 =	sor.u32 s14, s29;
	s31 =	simm.s32 $0x17FE0;
	[tilespmem:s30+$0x0] =	vst.add.f32.msk $0xffff, v17  }
0x2be: {  	s0 =	sshrl.u32 s0, $0x3;
	s22 =	simm.s32 $0x17FF0;
	[tilespmem:s31+$0x0] =	vst.add.f32.msk $0xffff, v18  }
0x2bf: {  	s0 =	sadd.s32 s3, s0;
	[tilespmem:s22+$0x0] =	vst.add.f32.msk $0xffff, v19  }
0x2c0: {  	[hbm4b:s0+s4] =	stream.linear.scatter [tilespmem:s18], [sflag:$0x5], $0x8000, $0x38;
	v63 =	vld [tilespmem:$0x0]  }
0x2c1: {  	_ =	swait.ge [sflag:s8], $0x8000  }
0x2c2: {  	p0 =	sne.s32 s20, $0x2;
	[sflag:s8] =	ssyncset.done $0x0  }
0x2c3: {  	s0 =	simm.s32 @!p0 $0x7;
	[sflag:s8] =	ssyncadd.s32 $0xFFFF8000  }
0x2c4: {  	_ =	swait.ge @!p0 [sflag:s0], $0x80  }
0x2c5: {  	s24 =	sadd.s32 $0xC0, s15;
	[sflag:s0] =	ssyncset.done @!p0 $0x0  }
0x2c6: {  	s25 =	sand.u32 $0xE0, s24;
	[sflag:s0] =	ssyncadd.s32 @!p0 $0xFFFFFF80  }
0x2c7: {  	v20 =	vld [tilespmem:s25+$0x0];
	_ =	sdelay $0x4  }
0x2c8: {  	v21 =	vshll.u32 v20, $0x3  }
0x2c9: {  	v20 =	vand.u32 $0x7, v20;
	v21 =	vand.u32 $0xFFFFFFC0, v21  }
0x2ca: {  	v20 =	vor.u32 v20, v21  }
0x2cb: {  	v21 =	vperm.xlane v20, v0;
	_ =	sdelay $0x1  }
0x2cc: {  	v21 =	vadd.s32 v1, v21;
	_ =	sdelay $0x4  }
0x2cd: {  	[tilespmem:s21], [sflag:$0x1] =	stream.indirect_vreg.gather [hbm4b:s1+s4], $0x80, v21, vm0, $0xb8;
	v63 =	vld [tilespmem:$0x0]  }
0x2ce: {  	s26 =	simm.s32 $0x8800;
	v20 =	vperm.xlane v20, v2  }
0x2cf: {  	[tilespmem:s26], [sflag:$0x1] =	stream.indirect_vreg.gather [hbm4b:s10+s4], $0x80, v21, vm0, $0xb8;
	v63 =	vld [tilespmem:$0x0]  }
0x2d0: {  	s28 =	simm.s32 $0x9000;
	v20 =	vadd.s32 v1, v20  }
0x2d1: {  	[tilespmem:s28], [sflag:$0x1] =	stream.indirect_vreg.gather [hbm4b:s11+s4], $0x80, v21, vm0, $0xb8;
	v63 =	vld [tilespmem:$0x0]  }
0x2d2: {  	s29 =	simm.s32 $0x9800  }
0x2d3: {  	[tilespmem:s29], [sflag:$0x1] =	stream.indirect_vreg.gather [hbm4b:s12+s4], $0x80, v21, vm0, $0xb8;
	v63 =	vld [tilespmem:$0x0]  }
0x2d4: {  	s30 =	simm.s32 $0xA000  }
0x2d5: {  	[tilespmem:s30], [sflag:$0x1] =	stream.indirect_vreg.gather [hbm4b:s1+s4], $0x80, v20, vm0, $0xb8;
	v63 =	vld [tilespmem:$0x0]  }
0x2d6: {  	s31 =	simm.s32 $0xA800  }
0x2d7: {  	[tilespmem:s31], [sflag:$0x1] =	stream.indirect_vreg.gather [hbm4b:s10+s4], $0x80, v20, vm0, $0xb8;
	v63 =	vld [tilespmem:$0x0]  }
0x2d8: {  	s15 =	simm.s32 $0xB000  }
0x2d9: {  	[tilespmem:s15], [sflag:$0x1] =	stream.indirect_vreg.gather [hbm4b:s11+s4], $0x80, v20, vm0, $0xb8;
	v63 =	vld [tilespmem:$0x0]  }
0x2da: {  	s20 =	simm.s32 $0xB800  }
0x2db: {  	[tilespmem:s20], [sflag:$0x1] =	stream.indirect_vreg.gather [hbm4b:s12+s4], $0x80, v20, vm0, $0xb8;
	v63 =	vld [tilespmem:$0x0]  }
0x2dc: {  	v20 =	vld [tilespmem:s25+$0x10];
	_ =	sdelay $0x4  }
0x2dd: {  	v62 =	vshll.u32 v20, $0x3  }
0x2de: {  	v20 =	vand.u32 $0x7, v20;
	v21 =	vand.u32 $0xFFFFFFC0, v62  }
0x2df: {  	v20 =	vor.u32 v20, v21  }
0x2e0: {  	v21 =	vperm.xlane v20, v0;
	_ =	sdelay $0x1  }
0x2e1: {  	v21 =	vadd.s32 v1, v21;
	_ =	sdelay $0x3  }
0x2e2: {  	s22 =	simm.s32 $0xC000  }
0x2e3: {  	[tilespmem:s22], [sflag:$0x1] =	stream.indirect_vreg.gather [hbm4b:s1+s4], $0x80, v21, vm0, $0xb8;
	v63 =	vld [tilespmem:$0x0]  }
0x2e4: {  	s24 =	simm.s32 $0xC800;
	v20 =	vperm.xlane v20, v2  }
0x2e5: {  	[tilespmem:s24], [sflag:$0x1] =	stream.indirect_vreg.gather [hbm4b:s10+s4], $0x80, v21, vm0, $0xb8;
	v63 =	vld [tilespmem:$0x0]  }
0x2e6: {  	s25 =	simm.s32 $0xD000;
	v20 =	vadd.s32 v1, v20  }
0x2e7: {  	[tilespmem:s25], [sflag:$0x1] =	stream.indirect_vreg.gather [hbm4b:s11+s4], $0x80, v21, vm0, $0xb8;
	v63 =	vld [tilespmem:$0x0]  }
0x2e8: {  	s26 =	simm.s32 $0xD800  }
0x2e9: {  	[tilespmem:s26], [sflag:$0x1] =	stream.indirect_vreg.gather [hbm4b:s12+s4], $0x80, v21, vm0, $0xb8;
	v63 =	vld [tilespmem:$0x0]  }
0x2ea: {  	s19 =	sadd.s32 $0x1, s19;
	s28 =	simm.s32 $0xE000  }
0x2eb: {  	[tilespmem:s28], [sflag:$0x1] =	stream.indirect_vreg.gather [hbm4b:s1+s4], $0x80, v20, vm0, $0xb8;
	v63 =	vld [tilespmem:$0x0]  }
0x2ec: {  	p0 =	sne.s32 s19, $0x29;
	s29 =	simm.s32 $0xE800  }
0x2ed: {  	[tilespmem:s29], [sflag:$0x1] =	stream.indirect_vreg.gather [hbm4b:s10+s4], $0x80, v20, vm0, $0xb8;
	v63 =	vld [tilespmem:$0x0]  }
.Ltmp15:
0x2ee: {  	_ = 	snop;
	(pc) =	sbr.rel @p0 .LBB2_14-.Ltmp15, $4  }
0x2ef: {  	s30 =	simm.s32 $0xF000  }
0x2f0: {  	[tilespmem:s30], [sflag:$0x1] =	stream.indirect_vreg.gather [hbm4b:s11+s4], $0x80, v20, vm0, $0xb8;
	v63 =	vld [tilespmem:$0x0]  }
0x2f1: {  	s31 =	simm.s32 $0xF800  }
0x2f2: {  	[tilespmem:s31], [sflag:$0x1] =	stream.indirect_vreg.gather [hbm4b:s12+s4], $0x80, v20, vm0, $0xb8;
	v63 =	vld [tilespmem:$0x0]  }
0x2f3: {  	_ =	swait.ge [sflag:s13], $0x8000  }
0x2f4: {  	s9 =	simm.s32 $0x0;
	s15 =	simm.s32 $0x140;
	[sflag:s13] =	ssyncset.done $0x0  }
0x2f5: {  	s19 =	simm.s32 $0x0;
	s20 =	simm.s32 $0x0;
	[sflag:s13] =	ssyncadd.s32 $0xFFFF8000  }
.LBB2_34:
0x2f6: {  	v20 =	vld [tilespmem:s15+$0x30]  }
0x2f7: {  	v21 =	vld [tilespmem:s15+$0xFFFFFFD0]  }
0x2f8: {  	s0 =	sshll.u32 s19, $0x2;
	s22 =	sand.u32 $0x7, s9;
	v22 =	vld [tilespmem:s15+$0xFFFFFFE0]  }
0x2f9: {  	v23 =	vld [tilespmem:s15+$0xFFFFFFF0];
	s0 =	sand.u32 $0xFFFF8000, s0;
	s22 =	sshll.u32 s22, $0x9  }
0x2fa: {  	v24 =	vld [tilespmem:s15+$0x0];
	s0 =	sor.u32 s22, s0  }
0x2fb: {  	v25 =	vld [tilespmem:s15+$0x20];
	s0 =	sshrl.u32 s0, $0x2  }
0x2fc: {  	v26 =	vld [tilespmem:s15+$0xFFFFFFC0];
	s22 =	sadd.s32 $0x18000, s0  }
0x2fd: {  	[tilespmem:s22+$0x70] =	vst.add.f32.msk $0xffff, v20  }
0x2fe: {  	v20 =	vld [tilespmem:s15+$0x10]  }
0x2ff: {  	[tilespmem:s22+$0x10] =	vst.add.f32.msk $0xffff, v21  }
0x300: {  	[tilespmem:s22+$0x20] =	vst.add.f32.msk $0xffff, v22  }
0x301: {  	[tilespmem:s22+$0x30] =	vst.add.f32.msk $0xffff, v23  }
0x302: {  	[tilespmem:s22+$0x40] =	vst.add.f32.msk $0xffff, v24  }
0x303: {  	[tilespmem:s22+$0x0] =	vst.add.f32.msk $0xffff, v26  }
0x304: {  	[tilespmem:s22+$0x60] =	vst.add.f32.msk $0xffff, v25  }
0x305: {  	s24 =	simm.s32 $0x0;
	s0 =	sadd.s32 $0x80, s15;
	[tilespmem:s22+$0x50] =	vst.add.f32.msk $0xffff, v20  }
.LBB2_35:
0x306: {  	v20 =	vld [tilespmem:s0+$0x30];
	s24 =	sadd.s32 $0x8, s24  }
0x307: {  	v21 =	vld [tilespmem:s0+$0xFFFFFFD0];
	p0 =	slt.u32 s24, $0x38  }
0x308: {  	v22 =	vld [tilespmem:s0+$0xFFFFFFE0]  }
0x309: {  	v23 =	vld [tilespmem:s0+$0xFFFFFFF0]  }
0x30a: {  	s22 =	sadd.s32 $0x400, s22;
	v24 =	vld [tilespmem:s0+$0x0]  }
0x30b: {  	[tilespmem:s22+$0x70] =	vst.add.f32.msk $0xffff, v20  }
0x30c: {  	v20 =	vld [tilespmem:s0+$0x10]  }
0x30d: {  	v25 =	vld [tilespmem:s0+$0x20]  }
0x30e: {  	v26 =	vld [tilespmem:s0+$0xFFFFFFC0]  }
0x30f: {  	[tilespmem:s22+$0x10] =	vst.add.f32.msk $0xffff, v21  }
0x310: {  	[tilespmem:s22+$0x20] =	vst.add.f32.msk $0xffff, v22  }
.Ltmp16:
0x311: {  	[tilespmem:s22+$0x30] =	vst.add.f32.msk $0xffff, v23;
	(pc) =	sbr.rel @p0 .LBB2_35-.Ltmp16, $4  }
0x312: {  	[tilespmem:s22+$0x40] =	vst.add.f32.msk $0xffff, v24  }
0x313: {  	[tilespmem:s22+$0x0] =	vst.add.f32.msk $0xffff, v26  }
0x314: {  	[tilespmem:s22+$0x50] =	vst.add.f32.msk $0xffff, v20  }
0x315: {  	s0 =	sadd.s32 $0x80, s0;
	[tilespmem:s22+$0x60] =	vst.add.f32.msk $0xffff, v25  }
0x316: {  	s20 =	sadd.s32 $0x1, s20  }
0x317: {  	p0 =	sne.s32 s20, $0x1F  }
.Ltmp17:
0x318: {  	_ = 	snop;
	(pc) =	sbr.rel @p0 .LBB2_34-.Ltmp17, $2  }
0x319: {  	_ =	sdelay $0x2  }
0x31a: {  	s19 =	sadd.s32 $0x400, s19;
	s9 =	sadd.s32 $0x1, s9;
	s15 =	sadd.s32 $0x400, s15  }
0x31b: {  	s0 =	simm.s32 $0x0  }
0x31c: {  	s19 =	sand.u32 $0x3F0, s0  }
0x31d: {  	v20 =	vld [tilespmem:s19+$0x7D00]  }
0x31e: {  	s9 =	sand.u32 $0x70, s0;
	s15 =	sand.u32 $0x1C00, s0  }
0x31f: {  	s15 =	sor.u32 s9, s15  }
0x320: {  	s9 =	simm.s32 $0x10;
	s15 =	sor.u32 $0x1E380, s15  }
.LBB2_38:
0x321: {  	s19 =	sand.u32 $0x3F0, s9  }
0x322: {  	p0 =	sne.s32 s9, $0x2E0;
	[tilespmem:s15+$0x0] =	vst.add.f32.msk $0xffff, v20;
	s15 =	smov.u32 s9;
	s9 =	sadd.s32 $0x10, s9  }
.Ltmp18:
0x323: {  	v20 =	vld [tilespmem:s19+$0x7D00];
	(pc) =	sbr.rel @p0 .LBB2_38-.Ltmp18, $4  }
0x324: {  	s0 =	sadd.s32 $0x80, s0  }
0x325: {  	s15 =	sand.u32 $0x70, s15;
	s19 =	sand.u32 $0x1C00, s0  }
0x326: {  	s15 =	sor.u32 s15, s19  }
0x327: {  	s15 =	sor.u32 $0x1E380, s15  }
0x328: {  	[tilespmem:s15+$0x0] =	vst.add.f32.msk $0xffff, v20;
	s0 =	simm.s32 $0x1F7F0  }
0x329: {  	s20 =	simm.s32 $0x1FB80;
	[tilespmem:s0+$0x0] =	vst.add.f32.msk $0xffff, v3  }
0x32a: {  	s22 =	simm.s32 $0x1FB90;
	[tilespmem:s20+$0x0] =	vst.add.f32.msk $0xffff, v4  }
0x32b: {  	s24 =	simm.s32 $0x1FBA0;
	[tilespmem:s22+$0x0] =	vst.add.f32.msk $0xffff, v5  }
0x32c: {  	s25 =	simm.s32 $0x1FBB0;
	[tilespmem:s24+$0x0] =	vst.add.f32.msk $0xffff, v6  }
0x32d: {  	s26 =	simm.s32 $0x1FBC0;
	[tilespmem:s25+$0x0] =	vst.add.f32.msk $0xffff, v7  }
0x32e: {  	s28 =	simm.s32 $0x1FBD0;
	[tilespmem:s26+$0x0] =	vst.add.f32.msk $0xffff, v8  }
0x32f: {  	s29 =	simm.s32 $0x1FBE0;
	[tilespmem:s28+$0x0] =	vst.add.f32.msk $0xffff, v9  }
0x330: {  	s30 =	simm.s32 $0x1FBF0;
	[tilespmem:s29+$0x0] =	vst.add.f32.msk $0xffff, v10  }
0x331: {  	s31 =	simm.s32 $0x1FF80;
	[tilespmem:s30+$0x0] =	vst.add.f32.msk $0xffff, v11  }
0x332: {  	s9 =	simm.s32 $0x1FF90;
	[tilespmem:s31+$0x0] =	vst.add.f32.msk $0xffff, v12  }
0x333: {  	s15 =	simm.s32 $0x1FFA0;
	[tilespmem:s9+$0x0] =	vst.add.f32.msk $0xffff, v13  }
0x334: {  	s19 =	simm.s32 $0x1FFB0;
	[tilespmem:s15+$0x0] =	vst.add.f32.msk $0xffff, v14  }
0x335: {  	s20 =	simm.s32 $0x1FFC0;
	[tilespmem:s19+$0x0] =	vst.add.f32.msk $0xffff, v15  }
0x336: {  	s22 =	simm.s32 $0x1FFD0;
	[tilespmem:s20+$0x0] =	vst.add.f32.msk $0xffff, v16  }
0x337: {  	s24 =	simm.s32 $0x1FFE0;
	[tilespmem:s22+$0x0] =	vst.add.f32.msk $0xffff, v17  }
0x338: {  	s25 =	simm.s32 $0x1FFF0;
	[tilespmem:s24+$0x0] =	vst.add.f32.msk $0xffff, v18  }
0x339: {  	s26 =	rddreg [dreg:$0xb];
	s9 =	simm.s32 $0x0;
	[tilespmem:s25+$0x0] =	vst.add.f32.msk $0xffff, v19  }
0x33a: {  	[hbm4b:s26+s9] =	stream.linear.scatter [tilespmem:s2], [sflag:$0x6], $0x8000, $0x38;
	v63 =	vld [tilespmem:$0x0]  }
0x33b: {  	_ =	swait.ge [sflag:s16], $0x8000  }
0x33c: {  	[sflag:s16] =	ssyncset.done $0x0  }
0x33d: {  	[sflag:s16] =	ssyncadd.s32 $0xFFFF8000  }
0x33e: {  	v20 =	vld [tilespmem:$0xE0];
	_ =	sdelay $0x4  }
0x33f: {  	v21 =	vshll.u32 v20, $0x3  }
0x340: {  	v20 =	vand.u32 $0x7, v20;
	v21 =	vand.u32 $0xFFFFFFC0, v21  }
0x341: {  	v20 =	vor.u32 v20, v21  }
0x342: {  	v21 =	vperm.xlane v20, v0;
	_ =	sdelay $0x1  }
0x343: {  	v21 =	vadd.s32 v1, v21;
	_ =	sdelay $0x4  }
0x344: {  	[tilespmem:s18], [sflag:$0x2] =	stream.indirect_vreg.gather [hbm4b:s1+s9], $0x80, v21, vm0, $0xb8;
	v63 =	vld [tilespmem:$0x0]  }
0x345: {  	s28 =	simm.s32 $0x10800;
	v20 =	vperm.xlane v20, v2  }
0x346: {  	[tilespmem:s28], [sflag:$0x2] =	stream.indirect_vreg.gather [hbm4b:s10+s9], $0x80, v21, vm0, $0xb8;
	v63 =	vld [tilespmem:$0x0]  }
0x347: {  	s29 =	simm.s32 $0x11000;
	v20 =	vadd.s32 v1, v20  }
0x348: {  	[tilespmem:s29], [sflag:$0x2] =	stream.indirect_vreg.gather [hbm4b:s11+s9], $0x80, v21, vm0, $0xb8;
	v63 =	vld [tilespmem:$0x0]  }
0x349: {  	s30 =	simm.s32 $0x11800  }
0x34a: {  	[tilespmem:s30], [sflag:$0x2] =	stream.indirect_vreg.gather [hbm4b:s12+s9], $0x80, v21, vm0, $0xb8;
	v63 =	vld [tilespmem:$0x0]  }
0x34b: {  	s31 =	simm.s32 $0x12000  }
0x34c: {  	[tilespmem:s31], [sflag:$0x2] =	stream.indirect_vreg.gather [hbm4b:s1+s9], $0x80, v20, vm0, $0xb8;
	v63 =	vld [tilespmem:$0x0]  }
0x34d: {  	s15 =	simm.s32 $0x12800  }
0x34e: {  	[tilespmem:s15], [sflag:$0x2] =	stream.indirect_vreg.gather [hbm4b:s10+s9], $0x80, v20, vm0, $0xb8;
	v63 =	vld [tilespmem:$0x0]  }
0x34f: {  	s19 =	simm.s32 $0x13000  }
0x350: {  	[tilespmem:s19], [sflag:$0x2] =	stream.indirect_vreg.gather [hbm4b:s11+s9], $0x80, v20, vm0, $0xb8;
	v63 =	vld [tilespmem:$0x0]  }
0x351: {  	s20 =	simm.s32 $0x13800  }
0x352: {  	[tilespmem:s20], [sflag:$0x2] =	stream.indirect_vreg.gather [hbm4b:s12+s9], $0x80, v20, vm0, $0xb8;
	v63 =	vld [tilespmem:$0x0]  }
0x353: {  	v20 =	vld [tilespmem:$0xF0];
	_ =	sdelay $0x4  }
0x354: {  	v62 =	vshll.u32 v20, $0x3  }
0x355: {  	v20 =	vand.u32 $0x7, v20;
	v21 =	vand.u32 $0xFFFFFFC0, v62  }
0x356: {  	v20 =	vor.u32 v20, v21  }
0x357: {  	v21 =	vperm.xlane v20, v0;
	_ =	sdelay $0x1  }
0x358: {  	v21 =	vadd.s32 v1, v21;
	_ =	sdelay $0x3  }
0x359: {  	s22 =	simm.s32 $0x14000  }
0x35a: {  	[tilespmem:s22], [sflag:$0x2] =	stream.indirect_vreg.gather [hbm4b:s1+s9], $0x80, v21, vm0, $0xb8;
	v63 =	vld [tilespmem:$0x0]  }
0x35b: {  	s24 =	simm.s32 $0x14800;
	v20 =	vperm.xlane v20, v2  }
0x35c: {  	[tilespmem:s24], [sflag:$0x2] =	stream.indirect_vreg.gather [hbm4b:s10+s9], $0x80, v21, vm0, $0xb8;
	v63 =	vld [tilespmem:$0x0]  }
0x35d: {  	s25 =	simm.s32 $0x15000;
	v20 =	vadd.s32 v1, v20  }
0x35e: {  	[tilespmem:s25], [sflag:$0x2] =	stream.indirect_vreg.gather [hbm4b:s11+s9], $0x80, v21, vm0, $0xb8;
	v63 =	vld [tilespmem:$0x0]  }
0x35f: {  	s26 =	simm.s32 $0x15800  }
0x360: {  	[tilespmem:s26], [sflag:$0x2] =	stream.indirect_vreg.gather [hbm4b:s12+s9], $0x80, v21, vm0, $0xb8;
	v63 =	vld [tilespmem:$0x0]  }
0x361: {  	s28 =	simm.s32 $0x16000  }
0x362: {  	[tilespmem:s28], [sflag:$0x2] =	stream.indirect_vreg.gather [hbm4b:s1+s9], $0x80, v20, vm0, $0xb8;
	v63 =	vld [tilespmem:$0x0]  }
0x363: {  	s29 =	simm.s32 $0x16800  }
0x364: {  	[tilespmem:s29], [sflag:$0x2] =	stream.indirect_vreg.gather [hbm4b:s10+s9], $0x80, v20, vm0, $0xb8;
	v63 =	vld [tilespmem:$0x0]  }
0x365: {  	s30 =	simm.s32 $0x17000  }
0x366: {  	[tilespmem:s30], [sflag:$0x2] =	stream.indirect_vreg.gather [hbm4b:s11+s9], $0x80, v20, vm0, $0xb8;
	v63 =	vld [tilespmem:$0x0]  }
0x367: {  	s31 =	simm.s32 $0x17800  }
0x368: {  	[tilespmem:s31], [sflag:$0x2] =	stream.indirect_vreg.gather [hbm4b:s12+s9], $0x80, v20, vm0, $0xb8;
	v63 =	vld [tilespmem:$0x0]  }
0x369: {  	_ =	swait.ge [sflag:s7], $0x8000  }
0x36a: {  	s15 =	simm.s32 $0x140;
	[sflag:s7] =	ssyncset.done $0x0  }
0x36b: {  	s19 =	simm.s32 $0x0;
	s20 =	simm.s32 $0x0;
	[sflag:s7] =	ssyncadd.s32 $0xFFFF8000  }
.LBB2_40:
0x36c: {  	v20 =	vld [tilespmem:s15+$0x30]  }
0x36d: {  	v21 =	vld [tilespmem:s15+$0xFFFFFFD0]  }
0x36e: {  	s0 =	sshll.u32 s19, $0x2;
	s22 =	sand.u32 $0x7, s9;
	v22 =	vld [tilespmem:s15+$0xFFFFFFE0]  }
0x36f: {  	v23 =	vld [tilespmem:s15+$0xFFFFFFF0];
	s0 =	sand.u32 $0xFFFF8000, s0;
	s22 =	sshll.u32 s22, $0x9  }
0x370: {  	v24 =	vld [tilespmem:s15+$0x0];
	s0 =	sor.u32 s22, s0  }
0x371: {  	v25 =	vld [tilespmem:s15+$0x20];
	s0 =	sshrl.u32 s0, $0x2  }
0x372: {  	v26 =	vld [tilespmem:s15+$0xFFFFFFC0];
	s22 =	sadd.s32 $0x8000, s0  }
0x373: {  	[tilespmem:s22+$0x70] =	vst.add.f32.msk $0xffff, v20  }
0x374: {  	v20 =	vld [tilespmem:s15+$0x10]  }
0x375: {  	[tilespmem:s22+$0x10] =	vst.add.f32.msk $0xffff, v21  }
0x376: {  	[tilespmem:s22+$0x20] =	vst.add.f32.msk $0xffff, v22  }
0x377: {  	[tilespmem:s22+$0x30] =	vst.add.f32.msk $0xffff, v23  }
0x378: {  	[tilespmem:s22+$0x40] =	vst.add.f32.msk $0xffff, v24  }
0x379: {  	[tilespmem:s22+$0x0] =	vst.add.f32.msk $0xffff, v26  }
0x37a: {  	[tilespmem:s22+$0x60] =	vst.add.f32.msk $0xffff, v25  }
0x37b: {  	s24 =	simm.s32 $0x0;
	s0 =	sadd.s32 $0x80, s15;
	[tilespmem:s22+$0x50] =	vst.add.f32.msk $0xffff, v20  }
.LBB2_41:
0x37c: {  	v20 =	vld [tilespmem:s0+$0x30];
	s24 =	sadd.s32 $0x8, s24  }
0x37d: {  	v21 =	vld [tilespmem:s0+$0xFFFFFFD0];
	p0 =	slt.u32 s24, $0x38  }
0x37e: {  	v22 =	vld [tilespmem:s0+$0xFFFFFFE0]  }
0x37f: {  	v23 =	vld [tilespmem:s0+$0xFFFFFFF0]  }
0x380: {  	s22 =	sadd.s32 $0x400, s22;
	v24 =	vld [tilespmem:s0+$0x0]  }
0x381: {  	[tilespmem:s22+$0x70] =	vst.add.f32.msk $0xffff, v20  }
0x382: {  	v20 =	vld [tilespmem:s0+$0x10]  }
0x383: {  	v25 =	vld [tilespmem:s0+$0x20]  }
0x384: {  	v26 =	vld [tilespmem:s0+$0xFFFFFFC0]  }
0x385: {  	[tilespmem:s22+$0x10] =	vst.add.f32.msk $0xffff, v21  }
0x386: {  	[tilespmem:s22+$0x20] =	vst.add.f32.msk $0xffff, v22  }
.Ltmp19:
0x387: {  	[tilespmem:s22+$0x30] =	vst.add.f32.msk $0xffff, v23;
	(pc) =	sbr.rel @p0 .LBB2_41-.Ltmp19, $4  }
0x388: {  	[tilespmem:s22+$0x40] =	vst.add.f32.msk $0xffff, v24  }
0x389: {  	[tilespmem:s22+$0x0] =	vst.add.f32.msk $0xffff, v26  }
0x38a: {  	[tilespmem:s22+$0x50] =	vst.add.f32.msk $0xffff, v20  }
0x38b: {  	s0 =	sadd.s32 $0x80, s0;
	[tilespmem:s22+$0x60] =	vst.add.f32.msk $0xffff, v25  }
0x38c: {  	s20 =	sadd.s32 $0x1, s20  }
0x38d: {  	p0 =	sne.s32 s20, $0x1F  }
.Ltmp20:
0x38e: {  	_ = 	snop;
	(pc) =	sbr.rel @p0 .LBB2_40-.Ltmp20, $2  }
0x38f: {  	_ =	sdelay $0x2  }
0x390: {  	s19 =	sadd.s32 $0x400, s19;
	s9 =	sadd.s32 $0x1, s9;
	s15 =	sadd.s32 $0x400, s15  }
0x391: {  	s0 =	simm.s32 $0x0  }
0x392: {  	s19 =	sand.u32 $0x3F0, s0  }
0x393: {  	v20 =	vld [tilespmem:s19+$0x7D00]  }
0x394: {  	s9 =	sand.u32 $0x70, s0;
	s15 =	sand.u32 $0x1C00, s0  }
0x395: {  	s15 =	sor.u32 s9, s15  }
0x396: {  	s9 =	simm.s32 $0x10;
	s15 =	sor.u32 $0xE380, s15  }
.LBB2_44:
0x397: {  	s19 =	sand.u32 $0x3F0, s9  }
0x398: {  	p0 =	sne.s32 s9, $0x2E0;
	[tilespmem:s15+$0x0] =	vst.add.f32.msk $0xffff, v20;
	s15 =	smov.u32 s9;
	s9 =	sadd.s32 $0x10, s9  }
.Ltmp21:
0x399: {  	v20 =	vld [tilespmem:s19+$0x7D00];
	(pc) =	sbr.rel @p0 .LBB2_44-.Ltmp21, $4  }
0x39a: {  	s0 =	sadd.s32 $0x80, s0  }
0x39b: {  	s15 =	sand.u32 $0x70, s15;
	s19 =	sand.u32 $0x1C00, s0  }
0x39c: {  	s15 =	sor.u32 s15, s19  }
0x39d: {  	s15 =	sor.u32 $0xE380, s15  }
0x39e: {  	[tilespmem:s15+$0x0] =	vst.add.f32.msk $0xffff, v20;
	s0 =	simm.s32 $0xF7F0  }
0x39f: {  	s26 =	simm.s32 $0xFB80;
	[tilespmem:s0+$0x0] =	vst.add.f32.msk $0xffff, v3  }
0x3a0: {  	s28 =	simm.s32 $0xFB90;
	[tilespmem:s26+$0x0] =	vst.add.f32.msk $0xffff, v4  }
0x3a1: {  	s29 =	simm.s32 $0xFBA0;
	[tilespmem:s28+$0x0] =	vst.add.f32.msk $0xffff, v5  }
0x3a2: {  	s30 =	simm.s32 $0xFBB0;
	[tilespmem:s29+$0x0] =	vst.add.f32.msk $0xffff, v6  }
0x3a3: {  	s31 =	simm.s32 $0xFBC0;
	[tilespmem:s30+$0x0] =	vst.add.f32.msk $0xffff, v7  }
0x3a4: {  	s9 =	simm.s32 $0xFBD0;
	[tilespmem:s31+$0x0] =	vst.add.f32.msk $0xffff, v8  }
0x3a5: {  	s15 =	simm.s32 $0xFBE0;
	[tilespmem:s9+$0x0] =	vst.add.f32.msk $0xffff, v9  }
0x3a6: {  	s19 =	simm.s32 $0xFBF0;
	[tilespmem:s15+$0x0] =	vst.add.f32.msk $0xffff, v10  }
0x3a7: {  	s20 =	simm.s32 $0xFF80;
	[tilespmem:s19+$0x0] =	vst.add.f32.msk $0xffff, v11  }
0x3a8: {  	s22 =	simm.s32 $0xFF90;
	[tilespmem:s20+$0x0] =	vst.add.f32.msk $0xffff, v12  }
0x3a9: {  	s24 =	simm.s32 $0xFFA0;
	[tilespmem:s22+$0x0] =	vst.add.f32.msk $0xffff, v13  }
0x3aa: {  	s25 =	simm.s32 $0xFFB0;
	[tilespmem:s24+$0x0] =	vst.add.f32.msk $0xffff, v14  }
0x3ab: {  	s26 =	simm.s32 $0xFFC0;
	[tilespmem:s25+$0x0] =	vst.add.f32.msk $0xffff, v15  }
0x3ac: {  	s28 =	simm.s32 $0xFFD0;
	[tilespmem:s26+$0x0] =	vst.add.f32.msk $0xffff, v16  }
0x3ad: {  	s29 =	simm.s32 $0xFFE0;
	[tilespmem:s28+$0x0] =	vst.add.f32.msk $0xffff, v17  }
0x3ae: {  	s30 =	simm.s32 $0xFFF0;
	[tilespmem:s29+$0x0] =	vst.add.f32.msk $0xffff, v18  }
0x3af: {  	s31 =	rddreg [dreg:$0xc];
	s9 =	simm.s32 $0x0;
	[tilespmem:s30+$0x0] =	vst.add.f32.msk $0xffff, v19  }
0x3b0: {  	[hbm4b:s31+s9] =	stream.linear.scatter [tilespmem:s21], [sflag:$0x4], $0x8000, $0x38;
	v63 =	vld [tilespmem:$0x0]  }
0x3b1: {  	_ =	swait.ge [sflag:s23], $0x8000  }
0x3b2: {  	s15 =	simm.s32 $0x140;
	[sflag:s23] =	ssyncset.done $0x0  }
0x3b3: {  	s19 =	simm.s32 $0x0;
	s20 =	simm.s32 $0x0;
	[sflag:s23] =	ssyncadd.s32 $0xFFFF8000  }
.LBB2_46:
0x3b4: {  	v20 =	vld [tilespmem:s15+$0x30]  }
0x3b5: {  	v21 =	vld [tilespmem:s15+$0xFFFFFFD0]  }
0x3b6: {  	s0 =	sshll.u32 s19, $0x2;
	s22 =	sand.u32 $0x7, s9;
	v22 =	vld [tilespmem:s15+$0xFFFFFFE0]  }
0x3b7: {  	v23 =	vld [tilespmem:s15+$0xFFFFFFF0];
	s0 =	sand.u32 $0xFFFF8000, s0;
	s22 =	sshll.u32 s22, $0x9  }
0x3b8: {  	v24 =	vld [tilespmem:s15+$0x0];
	s0 =	sor.u32 s22, s0  }
0x3b9: {  	v25 =	vld [tilespmem:s15+$0x20];
	s0 =	sshrl.u32 s0, $0x2  }
0x3ba: {  	v26 =	vld [tilespmem:s15+$0xFFFFFFC0];
	s22 =	sadd.s32 $0x10000, s0  }
0x3bb: {  	[tilespmem:s22+$0x70] =	vst.add.f32.msk $0xffff, v20  }
0x3bc: {  	v20 =	vld [tilespmem:s15+$0x10]  }
0x3bd: {  	[tilespmem:s22+$0x10] =	vst.add.f32.msk $0xffff, v21  }
0x3be: {  	[tilespmem:s22+$0x20] =	vst.add.f32.msk $0xffff, v22  }
0x3bf: {  	[tilespmem:s22+$0x30] =	vst.add.f32.msk $0xffff, v23  }
0x3c0: {  	[tilespmem:s22+$0x40] =	vst.add.f32.msk $0xffff, v24  }
0x3c1: {  	[tilespmem:s22+$0x0] =	vst.add.f32.msk $0xffff, v26  }
0x3c2: {  	[tilespmem:s22+$0x60] =	vst.add.f32.msk $0xffff, v25  }
0x3c3: {  	s24 =	simm.s32 $0x0;
	s0 =	sadd.s32 $0x80, s15;
	[tilespmem:s22+$0x50] =	vst.add.f32.msk $0xffff, v20  }
.LBB2_47:
0x3c4: {  	v20 =	vld [tilespmem:s0+$0x30];
	s24 =	sadd.s32 $0x8, s24  }
0x3c5: {  	v21 =	vld [tilespmem:s0+$0xFFFFFFD0];
	p0 =	slt.u32 s24, $0x38  }
0x3c6: {  	v22 =	vld [tilespmem:s0+$0xFFFFFFE0]  }
0x3c7: {  	v23 =	vld [tilespmem:s0+$0xFFFFFFF0]  }
0x3c8: {  	s22 =	sadd.s32 $0x400, s22;
	v24 =	vld [tilespmem:s0+$0x0]  }
0x3c9: {  	[tilespmem:s22+$0x70] =	vst.add.f32.msk $0xffff, v20  }
0x3ca: {  	v20 =	vld [tilespmem:s0+$0x10]  }
0x3cb: {  	v25 =	vld [tilespmem:s0+$0x20]  }
0x3cc: {  	v26 =	vld [tilespmem:s0+$0xFFFFFFC0]  }
0x3cd: {  	[tilespmem:s22+$0x10] =	vst.add.f32.msk $0xffff, v21  }
0x3ce: {  	[tilespmem:s22+$0x20] =	vst.add.f32.msk $0xffff, v22  }
.Ltmp22:
0x3cf: {  	[tilespmem:s22+$0x30] =	vst.add.f32.msk $0xffff, v23;
	(pc) =	sbr.rel @p0 .LBB2_47-.Ltmp22, $4  }
0x3d0: {  	[tilespmem:s22+$0x40] =	vst.add.f32.msk $0xffff, v24  }
0x3d1: {  	[tilespmem:s22+$0x0] =	vst.add.f32.msk $0xffff, v26  }
0x3d2: {  	[tilespmem:s22+$0x50] =	vst.add.f32.msk $0xffff, v20  }
0x3d3: {  	s0 =	sadd.s32 $0x80, s0;
	[tilespmem:s22+$0x60] =	vst.add.f32.msk $0xffff, v25  }
0x3d4: {  	s20 =	sadd.s32 $0x1, s20  }
0x3d5: {  	p0 =	sne.s32 s20, $0x1F  }
.Ltmp23:
0x3d6: {  	_ = 	snop;
	(pc) =	sbr.rel @p0 .LBB2_46-.Ltmp23, $2  }
0x3d7: {  	_ =	sdelay $0x2  }
0x3d8: {  	s19 =	sadd.s32 $0x400, s19;
	s9 =	sadd.s32 $0x1, s9;
	s15 =	sadd.s32 $0x400, s15  }
0x3d9: {  	s0 =	simm.s32 $0x0  }
0x3da: {  	s19 =	sand.u32 $0x3F0, s0  }
0x3db: {  	v20 =	vld [tilespmem:s19+$0x7D00]  }
0x3dc: {  	s9 =	sand.u32 $0x70, s0;
	s15 =	sand.u32 $0x1C00, s0  }
0x3dd: {  	s15 =	sor.u32 s9, s15  }
0x3de: {  	s9 =	simm.s32 $0x10;
	s15 =	sor.u32 $0x16380, s15  }
.LBB2_50:
0x3df: {  	s19 =	sand.u32 $0x3F0, s9  }
0x3e0: {  	p0 =	sne.s32 s9, $0x2E0;
	[tilespmem:s15+$0x0] =	vst.add.f32.msk $0xffff, v20;
	s15 =	smov.u32 s9;
	s9 =	sadd.s32 $0x10, s9  }
.Ltmp24:
0x3e1: {  	v20 =	vld [tilespmem:s19+$0x7D00];
	(pc) =	sbr.rel @p0 .LBB2_50-.Ltmp24, $4  }
0x3e2: {  	s0 =	sadd.s32 $0x80, s0  }
0x3e3: {  	s15 =	sand.u32 $0x70, s15;
	s19 =	sand.u32 $0x1C00, s0  }
0x3e4: {  	s15 =	sor.u32 s15, s19  }
0x3e5: {  	s15 =	sor.u32 $0x16380, s15  }
0x3e6: {  	[tilespmem:s15+$0x0] =	vst.add.f32.msk $0xffff, v20;
	s0 =	simm.s32 $0x177F0  }
0x3e7: {  	s25 =	simm.s32 $0x17B80;
	[tilespmem:s0+$0x0] =	vst.add.f32.msk $0xffff, v3  }
0x3e8: {  	s26 =	simm.s32 $0x17B90;
	[tilespmem:s25+$0x0] =	vst.add.f32.msk $0xffff, v4  }
0x3e9: {  	s28 =	simm.s32 $0x17BA0;
	[tilespmem:s26+$0x0] =	vst.add.f32.msk $0xffff, v5  }
0x3ea: {  	s29 =	simm.s32 $0x17BB0;
	[tilespmem:s28+$0x0] =	vst.add.f32.msk $0xffff, v6  }
0x3eb: {  	s30 =	simm.s32 $0x17BC0;
	[tilespmem:s29+$0x0] =	vst.add.f32.msk $0xffff, v7  }
0x3ec: {  	s31 =	simm.s32 $0x17BD0;
	[tilespmem:s30+$0x0] =	vst.add.f32.msk $0xffff, v8  }
0x3ed: {  	s9 =	simm.s32 $0x17BE0;
	[tilespmem:s31+$0x0] =	vst.add.f32.msk $0xffff, v9  }
0x3ee: {  	s15 =	simm.s32 $0x17BF0;
	[tilespmem:s9+$0x0] =	vst.add.f32.msk $0xffff, v10  }
0x3ef: {  	s19 =	simm.s32 $0x17F80;
	[tilespmem:s15+$0x0] =	vst.add.f32.msk $0xffff, v11  }
0x3f0: {  	s20 =	simm.s32 $0x17F90;
	[tilespmem:s19+$0x0] =	vst.add.f32.msk $0xffff, v12  }
0x3f1: {  	s22 =	simm.s32 $0x17FA0;
	[tilespmem:s20+$0x0] =	vst.add.f32.msk $0xffff, v13  }
0x3f2: {  	s24 =	simm.s32 $0x17FB0;
	[tilespmem:s22+$0x0] =	vst.add.f32.msk $0xffff, v14  }
0x3f3: {  	s25 =	simm.s32 $0x17FC0;
	[tilespmem:s24+$0x0] =	vst.add.f32.msk $0xffff, v15  }
0x3f4: {  	s26 =	simm.s32 $0x17FD0;
	[tilespmem:s25+$0x0] =	vst.add.f32.msk $0xffff, v16  }
0x3f5: {  	s28 =	simm.s32 $0x17FE0;
	[tilespmem:s26+$0x0] =	vst.add.f32.msk $0xffff, v17  }
0x3f6: {  	s29 =	simm.s32 $0x17FF0;
	[tilespmem:s28+$0x0] =	vst.add.f32.msk $0xffff, v18  }
0x3f7: {  	s30 =	rddreg [dreg:$0xd];
	[tilespmem:s29+$0x0] =	vst.add.f32.msk $0xffff, v19  }
0x3f8: {  	[hbm4b:s30+s4] =	stream.linear.scatter [tilespmem:s18], [sflag:$0x5], $0x8000, $0x38;
	v63 =	vld [tilespmem:$0x0]  }
0x3f9: {  	_ =	swait.ge [sflag:s17], $0x8000  }
0x3fa: {  	[sflag:s17] =	ssyncset.done $0x0  }
0x3fb: {  	[sflag:s17] =	ssyncadd.s32 $0xFFFF8000  }
0x3fc: {  	_ =	swait.ge [sflag:s8], $0x8000  }
0x3fd: {  	[sflag:s8] =	ssyncset.done $0x0  }
0x3fe: {  	[sflag:s8] =	ssyncadd.s32 $0xFFFF8000  }
0x3ff: {  	_ =	swait.ge [sflag:s16], $0x8000  }
0x400: {  	s9 =	rddreg [dreg:$0xf]  }
0x401: {  	s31 =	rddreg [dreg:$0xe];
	s9 =	sadd.s32 $0x1, s9  }
0x402: {  	p0 =	sne.s32 s9, s31  }
.Ltmp25:
0x403: {  	_ = 	snop;
	(pc) =	sbr.rel @p0 .LBB2_1-.Ltmp25, $3  }
0x404: {  	_ =	sdelay $0x1  }
0x405: {  	[sflag:s16] =	ssyncset.done $0x0  }
0x406: {  	[sflag:s16] =	ssyncadd.s32 $0xFFFF8000  }
0x407: {  	_ =	sfence.sel $0x180000  }
0x408: {  	[bflag:$0x0] =	sbarrier.arrive $0xFFFF  }
0x409: {  	_ =	strace $0x90000047  }
0x40a: {  	s0 =	stileid.u32;
	[bflag:$0x2] =	sbarrier.arrive $0xFFFF  }
0x40b: {  	p0 =	sne.s32 s0, $0x0;
	s0 =	rddreg [dreg:$0x4]  }
0x40c: {  	s0 =	sadd.s32 @!p0 $0x100000, s0  }
0x40d: {  	[sflag:s0] =	ssyncadd.tile.s32 @!p0 $0x1;
	_ =	shalt  }
.Lfunc_end2:
_tile_overlayer_lowered:
.L_overlay_start_2:
0x40e: {  	(tag) =	ssettag $0x2  }
0x40f: {  	s0 =	rddreg [dreg:$0x0];
	s2 =	stileid.u32  }
0x410: {  	s1 =	rddreg [dreg:$0x1];
	p0 =	sne.s32 s2, $0x0  }
0x411: {  	s3 =	rddreg [dreg:$0x2];
	[bflag:$0x3] =	sbarrier.arrive $0xFFFF;
	s2 =	simm.s32 @!p0 $0x1C08  }
0x412: {  	[timem:s3], [sflag:s2] =	dma.local @!p0 [hbm:s0], s1  }
0x413: {  	s0 =	simm.s32 @!p0 $0x8  }
0x414: {  	_ =	swait.ge @!p0 [sflag:s0], s1  }
0x415: {  	s1 =	ssub.s32 @!p0 $0x0, s1;
	[sflag:s0] =	ssyncset.done @!p0 $0x0  }
0x416: {  	[sflag:s0] =	ssyncadd.s32 @!p0 s1  }
0x417: {  	[bflag:$0x3] =	sbarrier.arrive $0xFFFF  }
0x418: {  	_ =	shalt  }

</sc_bundles>
